<compile_context>
chip_gen: v7x
topology: tpu7x:2x2x1
jax: 0.10.2.dev20260603
libtpu: 0.0.44.dev20260713+nightly
codegen_flags: <defaults>
</compile_context>

<pallas_src>
import functools

import jax
import jax.numpy as jnp
from jax import lax
from jax.experimental import pallas as pl
from jax.experimental.pallas import tpu as pltpu
from jax.experimental.pallas import tpu_sc as plsc

NC = 2
NS = 16
NW = NC * NS
L = 16

DMODEL = 512
SEQ = 128
POS_W = SEQ // NW
CHUNK = 32
NBUF = 6
LD = 4


def _make_kernel(total, batch):
    per_w = total // NW
    nchunk = per_w // CHUNK
    cpp = batch // CHUNK

    mesh = plsc.VectorSubcoreMesh(core_axis_name="c", subcore_axis_name="s")

    @functools.partial(
        pl.kernel,
        mesh=mesh,
        out_type=jax.ShapeDtypeStruct((total, DMODEL), jnp.float32),
        scratch_types=[
            pltpu.VMEM((nchunk, CHUNK), jnp.int32),
            pltpu.VMEM((POS_W * DMODEL,), jnp.float32),
        ]
        + [pltpu.VMEM((CHUNK, DMODEL), jnp.float32) for _ in range(NBUF)]
        + [pltpu.VMEM((CHUNK,), jnp.int32) for _ in range(NBUF)]
        + [pltpu.SemaphoreType.DMA for _ in range(2 * NBUF)],
    )
    def emb(idx_hbm, pe_hbm, table_hbm, out_hbm, idx_v, pe_v, *rest):
        bufs = rest[:NBUF]
        obufs = rest[NBUF:2 * NBUF]
        gsems = rest[2 * NBUF:3 * NBUF]
        wsems = rest[3 * NBUF:]
        wid = lax.axis_index("s") * NC + lax.axis_index("c")
        pltpu.sync_copy(idx_hbm.at[wid], idx_v)
        pltpu.sync_copy(pe_hbm.at[pl.ds(wid * POS_W * DMODEL, POS_W * DMODEL)],
                        pe_v)
        io16 = lax.iota(jnp.int32, L)

        def gather(c, p):
            return pltpu.make_async_copy(
                table_hbm.at[idx_v.at[c]], bufs[p], gsems[p])

        def write(c, p):
            return pltpu.make_async_copy(
                bufs[p], out_hbm.at[obufs[p]], wsems[p])

        for c0 in range(LD):
            gather(c0, c0).start()

        def chunk_body(c, p, first, last):
            pr = c // cpp
            ostart = ((c % cpp) * CHUNK) * SEQ + wid * POS_W + pr
            for g in range(CHUNK // L):
                obufs[p][pl.ds(g * L, L)] = ostart + (io16 + g * L) * SEQ
            pbase = pl.multiple_of(pr * DMODEL, L)

            gather(c, p).wait()

            for h in range(2):
                pevs = [
                    pe_v[pl.ds(pbase + (h * 16 + g) * L, L)]
                    for g in range(16)
                ]

                @plsc.parallel_loop(0, CHUNK)
                def _(r):
                    for g in range(16):
                        plsc.addupdate(
                            bufs[p].at[r, pl.ds((h * 16 + g) * L, L)],
                            pevs[g])

            write(c, p).start()
            q = (p + LD) % NBUF

            if first:
                @pl.when(c >= NBUF - LD)
                def _():
                    write(c - (NBUF - LD), q).wait()
            else:
                write(c - (NBUF - LD), q).wait()

            if last:
                @pl.when(c + LD < nchunk)
                def _():
                    gather(c + LD, q).start()
            else:
                gather(c + LD, q).start()

        nfull = nchunk // NBUF

        def step(i, carry):
            for p in range(NBUF):
                c = i * NBUF + p
                chunk_body(c, p, first=True, last=True)
            return carry

        lax.fori_loop(0, nfull, step, 0, unroll=False)
        for c in range(nfull * NBUF, nchunk):
            chunk_body(c, c % NBUF, first=False, last=True)
        for c in range(nchunk - (NBUF - LD), nchunk):
            write(c, c % NBUF).wait()

    return emb


def kernel(x, table, pe):
    batch, seq = x.shape
    total = batch * seq
    nchunk = total // NW // CHUNK
    idx = x.astype(jnp.int32).T.reshape(NW, nchunk, CHUNK)
    pe2d = pe.reshape(pe.shape[1] * pe.shape[2])
    emb = _make_kernel(total, batch)
    out = emb(idx, pe2d, table)
    return out.reshape(batch, seq, table.shape[1])

# --- scband reference (transcript-rebuilt; emitter-appended) ---
"""Pipeline reference for scband-embedding-15281493639357 (READ-ONLY COPY).

The authoritative reference and input builder live on the scoring server;
editing this copy changes nothing except your own understanding.
"""

import jax, jax.numpy as jnp
import numpy as np
import math

VOCAB = 100000
DMODEL = 512
MAX_LEN = 128
BATCH = 1024
SEQ = 128

def _make_pe():
    pe = np.zeros((MAX_LEN, DMODEL), dtype=np.float32)
    position = np.arange(0, MAX_LEN, dtype=np.float64)[:, None]
    div_term = np.exp(np.arange(0, DMODEL, 2, dtype=np.float64) * (-math.log(10000.0) / DMODEL))
    pe[:, 0::2] = np.sin(position * div_term).astype(np.float32)
    pe[:, 1::2] = np.cos(position * div_term).astype(np.float32)
    return jnp.asarray(pe[None, :, :])  # [1, MAX_LEN, DMODEL]

def setup_inputs(seed: int = 0) -> dict:
    key = jax.random.key(seed)
    k1, k2 = jax.random.split(key)
    x = jax.random.randint(k1, (BATCH, SEQ), 0, VOCAB, dtype=jnp.int64)
    table = jax.random.normal(k2, (VOCAB, DMODEL), dtype=jnp.float32)
    pe = _make_pe()
    return {"x": x, "table": table, "pe": pe}

def reference(x, table, pe):
    # token embedding: gather rows from table
    emb = jnp.take(table, x, axis=0)  # [B, S, D]
    # positional embedding: add sinusoidal buffer (sliced to seq len)
    out = emb + pe[:, : x.shape[1], :]
    return out

if __name__ == "__main__":
    import jax
    _d = setup_inputs()
    print(jax.jit(kernel)(*tuple(_d.values())))

</pallas_src>

<mosaic_0001>
#map = affine_map<(d0, d1) -> (0, 0, 0)>
#map1 = affine_map<(d0, d1) -> (0)>
#map2 = affine_map<(d0, d1) -> (0, 0)>
module attributes {stable_mosaic.version = 14 : i64} {
  func.func @emb(%arg0: i32, %arg1: i32, %arg2: memref<32x128x32xi32, #tpu.memory_space<hbm>>, %arg3: memref<65536xf32, #tpu.memory_space<hbm>>, %arg4: memref<100000x512xf32, #tpu.memory_space<hbm>>, %arg5: memref<131072x512xf32, #tpu.memory_space<hbm>>, %arg6: memref<128x32xi32, #tpu.memory_space<vmem>>, %arg7: memref<2048xf32, #tpu.memory_space<vmem>>, %arg8: memref<32x512xf32, #tpu.memory_space<vmem>>, %arg9: memref<32x512xf32, #tpu.memory_space<vmem>>, %arg10: memref<32x512xf32, #tpu.memory_space<vmem>>, %arg11: memref<32x512xf32, #tpu.memory_space<vmem>>, %arg12: memref<32x512xf32, #tpu.memory_space<vmem>>, %arg13: memref<32x512xf32, #tpu.memory_space<vmem>>, %arg14: memref<32xi32, #tpu.memory_space<vmem>>, %arg15: memref<32xi32, #tpu.memory_space<vmem>>, %arg16: memref<32xi32, #tpu.memory_space<vmem>>, %arg17: memref<32xi32, #tpu.memory_space<vmem>>, %arg18: memref<32xi32, #tpu.memory_space<vmem>>, %arg19: memref<32xi32, #tpu.memory_space<vmem>>, %arg20: memref<!tpu.dma_semaphore, #tpu.memory_space<semaphore_mem>>, %arg21: memref<!tpu.dma_semaphore, #tpu.memory_space<semaphore_mem>>, %arg22: memref<!tpu.dma_semaphore, #tpu.memory_space<semaphore_mem>>, %arg23: memref<!tpu.dma_semaphore, #tpu.memory_space<semaphore_mem>>, %arg24: memref<!tpu.dma_semaphore, #tpu.memory_space<semaphore_mem>>, %arg25: memref<!tpu.dma_semaphore, #tpu.memory_space<semaphore_mem>>, %arg26: memref<!tpu.dma_semaphore, #tpu.memory_space<semaphore_mem>>, %arg27: memref<!tpu.dma_semaphore, #tpu.memory_space<semaphore_mem>>, %arg28: memref<!tpu.dma_semaphore, #tpu.memory_space<semaphore_mem>>, %arg29: memref<!tpu.dma_semaphore, #tpu.memory_space<semaphore_mem>>, %arg30: memref<!tpu.dma_semaphore, #tpu.memory_space<semaphore_mem>>, %arg31: memref<!tpu.dma_semaphore, #tpu.memory_space<semaphore_mem>>) attributes {dimension_semantics = [#tpu.dimension_semantics<core_parallel>, #tpu.dimension_semantics<subcore_parallel>], iteration_bounds = array<i64: 2, 16>, scalar_prefetch = 0 : i64, scratch_operands = 26 : i64, tpu.core_type = #tpu.core_type<sc_vector_subcore>, window_params = [{transform_indices = #map}, {transform_indices = #map1}, {transform_indices = #map2}, {transform_indices = #map2}]} {
    %mul3A = arith.constant 2 : i32
    %mul3A_0 = arith.muli %arg1, %mul3A : i32
    %add3A = arith.addi %mul3A_0, %arg0 : i32
    "tpu.region"() ({
      %run_scoped3A = tpu.sem_alloc : memref<!tpu.dma_semaphore, #tpu.memory_space<semaphore_mem>>
      %dma_start3A_460 = arith.constant 0 : i32
      %dma_start3A_461 = arith.constant 0 : i32
      %dma_start3A_462 = tpu.memref_slice %arg2[%add3A, %dma_start3A_460, %dma_start3A_461] : memref<32x128x32xi32, #tpu.memory_space<hbm>> -> memref<1x128x32xi32, #tpu.memory_space<hbm>>
      %dma_start3A_463 = tpu.memref_squeeze %dma_start3A_462 : memref<1x128x32xi32, #tpu.memory_space<hbm>> -> memref<128x32xi32, #tpu.memory_space<hbm>>
      %dma_start3A_464 = arith.constant 0 : i32
      %dma_start3A_465 = arith.constant 0 : i32
      %dma_start3A_466 = tpu.memref_slice %arg2[%add3A, %dma_start3A_464, %dma_start3A_465] : memref<32x128x32xi32, #tpu.memory_space<hbm>> -> memref<1x128x32xi32, #tpu.memory_space<hbm>>
      %dma_start3A_467 = tpu.memref_squeeze %dma_start3A_466 : memref<1x128x32xi32, #tpu.memory_space<hbm>> -> memref<128x32xi32, #tpu.memory_space<hbm>>
      tpu.enqueue_dma source(%dma_start3A_467 : memref<128x32xi32, #tpu.memory_space<hbm>>) target(%arg6 : memref<128x32xi32, #tpu.memory_space<vmem>>) target_semaphore(%run_scoped3A : memref<!tpu.dma_semaphore, #tpu.memory_space<semaphore_mem>>)
      %dma_wait3A_468 = arith.constant 0 : i32
      %dma_wait3A_469 = arith.constant 0 : i32
      %dma_wait3A_470 = tpu.memref_slice %arg2[%add3A, %dma_wait3A_468, %dma_wait3A_469] : memref<32x128x32xi32, #tpu.memory_space<hbm>> -> memref<1x128x32xi32, #tpu.memory_space<hbm>>
      %dma_wait3A_471 = tpu.memref_squeeze %dma_wait3A_470 : memref<1x128x32xi32, #tpu.memory_space<hbm>> -> memref<128x32xi32, #tpu.memory_space<hbm>>
      %dma_wait3A_472 = arith.constant 0 : i32
      %dma_wait3A_473 = arith.constant 0 : i32
      %dma_wait3A_474 = tpu.memref_slice %arg2[%add3A, %dma_wait3A_472, %dma_wait3A_473] : memref<32x128x32xi32, #tpu.memory_space<hbm>> -> memref<1x128x32xi32, #tpu.memory_space<hbm>>
      %dma_wait3A_475 = tpu.memref_squeeze %dma_wait3A_474 : memref<1x128x32xi32, #tpu.memory_space<hbm>> -> memref<128x32xi32, #tpu.memory_space<hbm>>
      tpu.wait_dma2 semaphore(%run_scoped3A : memref<!tpu.dma_semaphore, #tpu.memory_space<semaphore_mem>>) src(%dma_wait3A_475 : memref<128x32xi32, #tpu.memory_space<hbm>>) dst(%arg6 : memref<128x32xi32, #tpu.memory_space<vmem>>)
      tpu.yield
    }) : () -> ()
    %mul3A_1 = arith.constant 4 : i32
    %mul3A_2 = arith.muli %add3A, %mul3A_1 : i32
    %mul3A_3 = arith.constant 512 : i32
    %mul3A_4 = arith.muli %mul3A_2, %mul3A_3 : i32
    "tpu.region"() ({
      %run_scoped3A = tpu.sem_alloc : memref<!tpu.dma_semaphore, #tpu.memory_space<semaphore_mem>>
      %dma_start3A_460 = tpu.memref_slice %arg3[%mul3A_4] : memref<65536xf32, #tpu.memory_space<hbm>> -> memref<2048xf32, #tpu.memory_space<hbm>>
      %dma_start3A_461 = tpu.memref_slice %arg3[%mul3A_4] : memref<65536xf32, #tpu.memory_space<hbm>> -> memref<2048xf32, #tpu.memory_space<hbm>>
      tpu.enqueue_dma source(%dma_start3A_461 : memref<2048xf32, #tpu.memory_space<hbm>>) target(%arg7 : memref<2048xf32, #tpu.memory_space<vmem>>) target_semaphore(%run_scoped3A : memref<!tpu.dma_semaphore, #tpu.memory_space<semaphore_mem>>)
      %dma_wait3A_462 = tpu.memref_slice %arg3[%mul3A_4] : memref<65536xf32, #tpu.memory_space<hbm>> -> memref<2048xf32, #tpu.memory_space<hbm>>
      %dma_wait3A_463 = tpu.memref_slice %arg3[%mul3A_4] : memref<65536xf32, #tpu.memory_space<hbm>> -> memref<2048xf32, #tpu.memory_space<hbm>>
      tpu.wait_dma2 semaphore(%run_scoped3A : memref<!tpu.dma_semaphore, #tpu.memory_space<semaphore_mem>>) src(%dma_wait3A_463 : memref<2048xf32, #tpu.memory_space<hbm>>) dst(%arg7 : memref<2048xf32, #tpu.memory_space<vmem>>)
      tpu.yield
    }) : () -> ()
    %iota3A = tpu.iota {dimensions = array<i32: 0>} : vector<16xi32>
    %dma_start3A = arith.constant 0 : i32
    %dma_start3A_5 = arith.constant 0 : i32
    %dma_start3A_6 = tpu.memref_slice %arg6[%dma_start3A, %dma_start3A_5] : memref<128x32xi32, #tpu.memory_space<vmem>> -> memref<1x32xi32, #tpu.memory_space<vmem>>
    %dma_start3A_7 = tpu.memref_squeeze %dma_start3A_6 : memref<1x32xi32, #tpu.memory_space<vmem>> -> memref<32xi32, #tpu.memory_space<vmem>>
    %dma_start3A_8 = arith.constant 0 : i32
    %dma_start3A_9 = arith.constant 0 : i32
    %dma_start3A_10 = tpu.memref_slice %arg4[%dma_start3A_8, %dma_start3A_9] : memref<100000x512xf32, #tpu.memory_space<hbm>> -> memref<100000x512xf32, #tpu.memory_space<hbm>>
    tpu.enqueue_indirect_dma source(%dma_start3A_10 : memref<100000x512xf32, #tpu.memory_space<hbm>>) target(%arg8 : memref<32x512xf32, #tpu.memory_space<vmem>>) offsets(%dma_start3A_7 : memref<32xi32, #tpu.memory_space<vmem>>) semaphore(%arg20 : memref<!tpu.dma_semaphore, #tpu.memory_space<semaphore_mem>>)
    %dma_start3A_11 = arith.constant 1 : i32
    %dma_start3A_12 = arith.constant 0 : i32
    %dma_start3A_13 = tpu.memref_slice %arg6[%dma_start3A_11, %dma_start3A_12] : memref<128x32xi32, #tpu.memory_space<vmem>> -> memref<1x32xi32, #tpu.memory_space<vmem>>
    %dma_start3A_14 = tpu.memref_squeeze %dma_start3A_13 : memref<1x32xi32, #tpu.memory_space<vmem>> -> memref<32xi32, #tpu.memory_space<vmem>>
    %dma_start3A_15 = arith.constant 0 : i32
    %dma_start3A_16 = arith.constant 0 : i32
    %dma_start3A_17 = tpu.memref_slice %arg4[%dma_start3A_15, %dma_start3A_16] : memref<100000x512xf32, #tpu.memory_space<hbm>> -> memref<100000x512xf32, #tpu.memory_space<hbm>>
    tpu.enqueue_indirect_dma source(%dma_start3A_17 : memref<100000x512xf32, #tpu.memory_space<hbm>>) target(%arg9 : memref<32x512xf32, #tpu.memory_space<vmem>>) offsets(%dma_start3A_14 : memref<32xi32, #tpu.memory_space<vmem>>) semaphore(%arg21 : memref<!tpu.dma_semaphore, #tpu.memory_space<semaphore_mem>>)
    %dma_start3A_18 = arith.constant 2 : i32
    %dma_start3A_19 = arith.constant 0 : i32
    %dma_start3A_20 = tpu.memref_slice %arg6[%dma_start3A_18, %dma_start3A_19] : memref<128x32xi32, #tpu.memory_space<vmem>> -> memref<1x32xi32, #tpu.memory_space<vmem>>
    %dma_start3A_21 = tpu.memref_squeeze %dma_start3A_20 : memref<1x32xi32, #tpu.memory_space<vmem>> -> memref<32xi32, #tpu.memory_space<vmem>>
    %dma_start3A_22 = arith.constant 0 : i32
    %dma_start3A_23 = arith.constant 0 : i32
    %dma_start3A_24 = tpu.memref_slice %arg4[%dma_start3A_22, %dma_start3A_23] : memref<100000x512xf32, #tpu.memory_space<hbm>> -> memref<100000x512xf32, #tpu.memory_space<hbm>>
    tpu.enqueue_indirect_dma source(%dma_start3A_24 : memref<100000x512xf32, #tpu.memory_space<hbm>>) target(%arg10 : memref<32x512xf32, #tpu.memory_space<vmem>>) offsets(%dma_start3A_21 : memref<32xi32, #tpu.memory_space<vmem>>) semaphore(%arg22 : memref<!tpu.dma_semaphore, #tpu.memory_space<semaphore_mem>>)
    %dma_start3A_25 = arith.constant 3 : i32
    %dma_start3A_26 = arith.constant 0 : i32
    %dma_start3A_27 = tpu.memref_slice %arg6[%dma_start3A_25, %dma_start3A_26] : memref<128x32xi32, #tpu.memory_space<vmem>> -> memref<1x32xi32, #tpu.memory_space<vmem>>
    %dma_start3A_28 = tpu.memref_squeeze %dma_start3A_27 : memref<1x32xi32, #tpu.memory_space<vmem>> -> memref<32xi32, #tpu.memory_space<vmem>>
    %dma_start3A_29 = arith.constant 0 : i32
    %dma_start3A_30 = arith.constant 0 : i32
    %dma_start3A_31 = tpu.memref_slice %arg4[%dma_start3A_29, %dma_start3A_30] : memref<100000x512xf32, #tpu.memory_space<hbm>> -> memref<100000x512xf32, #tpu.memory_space<hbm>>
    tpu.enqueue_indirect_dma source(%dma_start3A_31 : memref<100000x512xf32, #tpu.memory_space<hbm>>) target(%arg11 : memref<32x512xf32, #tpu.memory_space<vmem>>) offsets(%dma_start3A_28 : memref<32xi32, #tpu.memory_space<vmem>>) semaphore(%arg23 : memref<!tpu.dma_semaphore, #tpu.memory_space<semaphore_mem>>)
    %scan3A = arith.constant 0 : i32
    %scan3A_32 = arith.constant 0 : i32
    %scan3A_33 = arith.constant 21 : i32
    %scan3A_34 = arith.addi %scan3A_32, %scan3A_33 : i32
    %scan3A_35 = arith.constant 1 : i32
    scf.for %scan3A_460 = %scan3A_32 to %scan3A_34 step %scan3A_35  : i32 {
      %mul3A_461 = arith.constant 6 : i32
      %mul3A_462 = arith.muli %scan3A_460, %mul3A_461 : i32
      %add3A_463 = arith.constant 0 : i32
      %add3A_464 = arith.addi %mul3A_462, %add3A_463 : i32
      %jit3A = arith.constant 32 : i32
      %div3A = arith.divsi %add3A_464, %jit3A : i32
      %sign3A = arith.constant 0 : i32
      %sign3A_465 = arith.cmpi sgt, %add3A_464, %sign3A : i32
      %sign3A_466 = arith.extui %sign3A_465 : i1 to i32
      %sign3A_467 = arith.constant 0 : i32
      %sign3A_468 = arith.cmpi slt, %add3A_464, %sign3A_467 : i32
      %sign3A_469 = arith.extui %sign3A_468 : i1 to i32
      %sign3A_470 = arith.subi %sign3A_466, %sign3A_469 : i32
      %sign3A_471 = arith.constant 0 : i32
      %sign3A_472 = arith.cmpi sgt, %jit3A, %sign3A_471 : i32
      %sign3A_473 = arith.extui %sign3A_472 : i1 to i32
      %sign3A_474 = arith.constant 0 : i32
      %sign3A_475 = arith.cmpi slt, %jit3A, %sign3A_474 : i32
      %sign3A_476 = arith.extui %sign3A_475 : i1 to i32
      %sign3A_477 = arith.subi %sign3A_473, %sign3A_476 : i32
      %ne3A = arith.cmpi ne, %sign3A_470, %sign3A_477 : i32
      %rem3A = arith.remsi %add3A_464, %jit3A : i32
      %ne3A_478 = arith.constant 0 : i32
      %ne3A_479 = arith.cmpi ne, %rem3A, %ne3A_478 : i32
      %and3A = arith.andi %ne3A, %ne3A_479 : i1
      %sub3A = arith.constant 1 : i32
      %sub3A_480 = arith.subi %div3A, %sub3A : i32
      %select_n3A = arith.select %and3A, %sub3A_480, %div3A : i32
      %jit3A_481 = arith.constant 32 : i32
      %eq3A = arith.constant 0 : i32
      %eq3A_482 = arith.cmpi eq, %jit3A_481, %eq3A : i32
      %jit3A_483 = arith.constant 1 : i32
      %select_n3A_484 = arith.select %eq3A_482, %jit3A_483, %jit3A_481 : i32
      %rem3A_485 = arith.remsi %add3A_464, %select_n3A_484 : i32
      %ne3A_486 = arith.constant 0 : i32
      %ne3A_487 = arith.cmpi ne, %rem3A_485, %ne3A_486 : i32
      %lt3A = arith.constant 0 : i32
      %lt3A_488 = arith.cmpi slt, %rem3A_485, %lt3A : i32
      %lt3A_489 = arith.constant 0 : i32
      %lt3A_490 = arith.cmpi slt, %select_n3A_484, %lt3A_489 : i32
      %ne3A_491 = arith.xori %lt3A_488, %lt3A_490 : i1
      %and3A_492 = arith.andi %ne3A_491, %ne3A_487 : i1
      %add3A_493 = arith.addi %rem3A_485, %select_n3A_484 : i32
      %select_n3A_494 = arith.select %and3A_492, %add3A_493, %rem3A_485 : i32
      %mul3A_495 = arith.constant 32 : i32
      %mul3A_496 = arith.muli %select_n3A_494, %mul3A_495 : i32
      %mul3A_497 = arith.constant 128 : i32
      %mul3A_498 = arith.muli %mul3A_496, %mul3A_497 : i32
      %mul3A_499 = arith.constant 4 : i32
      %mul3A_500 = arith.muli %add3A, %mul3A_499 : i32
      %add3A_501 = arith.addi %mul3A_498, %mul3A_500 : i32
      %add3A_502 = arith.addi %add3A_501, %select_n3A : i32
      %add3A_503 = arith.constant 0 : i32
      %add3A_504 = vector.broadcast %add3A_503 : i32 to vector<16xi32>
      %add3A_505 = arith.addi %iota3A, %add3A_504 : vector<16xi32>
      %mul3A_506 = arith.constant 128 : i32
      %mul3A_507 = vector.broadcast %mul3A_506 : i32 to vector<16xi32>
      %mul3A_508 = arith.muli %add3A_505, %mul3A_507 : vector<16xi32>
      %add3A_509 = vector.broadcast %add3A_502 : i32 to vector<16xi32>
      %add3A_510 = arith.addi %add3A_509, %mul3A_508 : vector<16xi32>
      %swap3A_511 = arith.constant 0 : index
      %swap3A_512 = tpu.vector_load %arg14[%swap3A_511] {strides = array<i32>} : memref<32xi32, #tpu.memory_space<vmem>>, vector<16xi32>,
      %swap3A_513 = vector.shape_cast %swap3A_512 : vector<16xi32> to vector<16xi32>
      %swap3A_514 = vector.shape_cast %add3A_510 : vector<16xi32> to vector<16xi32>
      tpu.vector_store %arg14[%swap3A_511], %swap3A_514 {strides = array<i32>} : memref<32xi32, #tpu.memory_space<vmem>>, vector<16xi32>,
      %add3A_515 = arith.constant 16 : i32
      %add3A_516 = vector.broadcast %add3A_515 : i32 to vector<16xi32>
      %add3A_517 = arith.addi %iota3A, %add3A_516 : vector<16xi32>
      %mul3A_518 = arith.constant 128 : i32
      %mul3A_519 = vector.broadcast %mul3A_518 : i32 to vector<16xi32>
      %mul3A_520 = arith.muli %add3A_517, %mul3A_519 : vector<16xi32>
      %add3A_521 = vector.broadcast %add3A_502 : i32 to vector<16xi32>
      %add3A_522 = arith.addi %add3A_521, %mul3A_520 : vector<16xi32>
      %swap3A_523 = arith.constant 16 : index
      %swap3A_524 = tpu.vector_load %arg14[%swap3A_523] {strides = array<i32>} : memref<32xi32, #tpu.memory_space<vmem>>, vector<16xi32>,
      %swap3A_525 = vector.shape_cast %swap3A_524 : vector<16xi32> to vector<16xi32>
      %swap3A_526 = vector.shape_cast %add3A_522 : vector<16xi32> to vector<16xi32>
      tpu.vector_store %arg14[%swap3A_523], %swap3A_526 {strides = array<i32>} : memref<32xi32, #tpu.memory_space<vmem>>, vector<16xi32>,
      %mul3A_527 = arith.constant 512 : i32
      %mul3A_528 = arith.muli %select_n3A, %mul3A_527 : i32
      %multiple_of3A_529 = tpu.assume_multiple %mul3A_528, 16 : i32
      %dma_wait3A_530 = arith.constant 0 : i32
      %dma_wait3A_531 = tpu.memref_slice %arg6[%add3A_464, %dma_wait3A_530] : memref<128x32xi32, #tpu.memory_space<vmem>> -> memref<1x32xi32, #tpu.memory_space<vmem>>
      %dma_wait3A_532 = tpu.memref_squeeze %dma_wait3A_531 : memref<1x32xi32, #tpu.memory_space<vmem>> -> memref<32xi32, #tpu.memory_space<vmem>>
      %dma_wait3A_533 = arith.constant 0 : i32
      %dma_wait3A_534 = arith.constant 0 : i32
      %dma_wait3A_535 = tpu.memref_slice %arg4[%dma_wait3A_533, %dma_wait3A_534] : memref<100000x512xf32, #tpu.memory_space<hbm>> -> memref<100000x512xf32, #tpu.memory_space<hbm>>
      tpu.wait_indirect_dma semaphore(%arg20 : memref<!tpu.dma_semaphore, #tpu.memory_space<semaphore_mem>>) src(%dma_wait3A_535 : memref<100000x512xf32, #tpu.memory_space<hbm>>) dst(%arg8 : memref<32x512xf32, #tpu.memory_space<vmem>>)
      %add3A_536 = arith.constant 0 : i32
      %add3A_537 = arith.addi %multiple_of3A_529, %add3A_536 : i32
      %get3A_538 = arith.index_cast %add3A_537 : i32 to index
      %get3A_539 = tpu.vector_load %arg7[%get3A_538] {strides = array<i32>} : memref<2048xf32, #tpu.memory_space<vmem>>, vector<16xf32>,
      %get3A_540 = vector.shape_cast %get3A_539 : vector<16xf32> to vector<16xf32>
      %add3A_541 = arith.constant 16 : i32
      %add3A_542 = arith.addi %multiple_of3A_529, %add3A_541 : i32
      %get3A_543 = arith.index_cast %add3A_542 : i32 to index
      %get3A_544 = tpu.vector_load %arg7[%get3A_543] {strides = array<i32>} : memref<2048xf32, #tpu.memory_space<vmem>>, vector<16xf32>,
      %get3A_545 = vector.shape_cast %get3A_544 : vector<16xf32> to vector<16xf32>
      %add3A_546 = arith.constant 32 : i32
      %add3A_547 = arith.addi %multiple_of3A_529, %add3A_546 : i32
      %get3A_548 = arith.index_cast %add3A_547 : i32 to index
      %get3A_549 = tpu.vector_load %arg7[%get3A_548] {strides = array<i32>} : memref<2048xf32, #tpu.memory_space<vmem>>, vector<16xf32>,
      %get3A_550 = vector.shape_cast %get3A_549 : vector<16xf32> to vector<16xf32>
      %add3A_551 = arith.constant 48 : i32
      %add3A_552 = arith.addi %multiple_of3A_529, %add3A_551 : i32
      %get3A_553 = arith.index_cast %add3A_552 : i32 to index
      %get3A_554 = tpu.vector_load %arg7[%get3A_553] {strides = array<i32>} : memref<2048xf32, #tpu.memory_space<vmem>>, vector<16xf32>,
      %get3A_555 = vector.shape_cast %get3A_554 : vector<16xf32> to vector<16xf32>
      %add3A_556 = arith.constant 64 : i32
      %add3A_557 = arith.addi %multiple_of3A_529, %add3A_556 : i32
      %get3A_558 = arith.index_cast %add3A_557 : i32 to index
      %get3A_559 = tpu.vector_load %arg7[%get3A_558] {strides = array<i32>} : memref<2048xf32, #tpu.memory_space<vmem>>, vector<16xf32>,
      %get3A_560 = vector.shape_cast %get3A_559 : vector<16xf32> to vector<16xf32>
      %add3A_561 = arith.constant 80 : i32
      %add3A_562 = arith.addi %multiple_of3A_529, %add3A_561 : i32
      %get3A_563 = arith.index_cast %add3A_562 : i32 to index
      %get3A_564 = tpu.vector_load %arg7[%get3A_563] {strides = array<i32>} : memref<2048xf32, #tpu.memory_space<vmem>>, vector<16xf32>,
      %get3A_565 = vector.shape_cast %get3A_564 : vector<16xf32> to vector<16xf32>
      %add3A_566 = arith.constant 96 : i32
      %add3A_567 = arith.addi %multiple_of3A_529, %add3A_566 : i32
      %get3A_568 = arith.index_cast %add3A_567 : i32 to index
      %get3A_569 = tpu.vector_load %arg7[%get3A_568] {strides = array<i32>} : memref<2048xf32, #tpu.memory_space<vmem>>, vector<16xf32>,
      %get3A_570 = vector.shape_cast %get3A_569 : vector<16xf32> to vector<16xf32>
      %add3A_571 = arith.constant 112 : i32
      %add3A_572 = arith.addi %multiple_of3A_529, %add3A_571 : i32
      %get3A_573 = arith.index_cast %add3A_572 : i32 to index
      %get3A_574 = tpu.vector_load %arg7[%get3A_573] {strides = array<i32>} : memref<2048xf32, #tpu.memory_space<vmem>>, vector<16xf32>,
      %get3A_575 = vector.shape_cast %get3A_574 : vector<16xf32> to vector<16xf32>
      %add3A_576 = arith.constant 128 : i32
      %add3A_577 = arith.addi %multiple_of3A_529, %add3A_576 : i32
      %get3A_578 = arith.index_cast %add3A_577 : i32 to index
      %get3A_579 = tpu.vector_load %arg7[%get3A_578] {strides = array<i32>} : memref<2048xf32, #tpu.memory_space<vmem>>, vector<16xf32>,
      %get3A_580 = vector.shape_cast %get3A_579 : vector<16xf32> to vector<16xf32>
      %add3A_581 = arith.constant 144 : i32
      %add3A_582 = arith.addi %multiple_of3A_529, %add3A_581 : i32
      %get3A_583 = arith.index_cast %add3A_582 : i32 to index
      %get3A_584 = tpu.vector_load %arg7[%get3A_583] {strides = array<i32>} : memref<2048xf32, #tpu.memory_space<vmem>>, vector<16xf32>,
      %get3A_585 = vector.shape_cast %get3A_584 : vector<16xf32> to vector<16xf32>
      %add3A_586 = arith.constant 160 : i32
      %add3A_587 = arith.addi %multiple_of3A_529, %add3A_586 : i32
      %get3A_588 = arith.index_cast %add3A_587 : i32 to index
      %get3A_589 = tpu.vector_load %arg7[%get3A_588] {strides = array<i32>} : memref<2048xf32, #tpu.memory_space<vmem>>, vector<16xf32>,
      %get3A_590 = vector.shape_cast %get3A_589 : vector<16xf32> to vector<16xf32>
      %add3A_591 = arith.constant 176 : i32
      %add3A_592 = arith.addi %multiple_of3A_529, %add3A_591 : i32
      %get3A_593 = arith.index_cast %add3A_592 : i32 to index
      %get3A_594 = tpu.vector_load %arg7[%get3A_593] {strides = array<i32>} : memref<2048xf32, #tpu.memory_space<vmem>>, vector<16xf32>,
      %get3A_595 = vector.shape_cast %get3A_594 : vector<16xf32> to vector<16xf32>
      %add3A_596 = arith.constant 192 : i32
      %add3A_597 = arith.addi %multiple_of3A_529, %add3A_596 : i32
      %get3A_598 = arith.index_cast %add3A_597 : i32 to index
      %get3A_599 = tpu.vector_load %arg7[%get3A_598] {strides = array<i32>} : memref<2048xf32, #tpu.memory_space<vmem>>, vector<16xf32>,
      %get3A_600 = vector.shape_cast %get3A_599 : vector<16xf32> to vector<16xf32>
      %add3A_601 = arith.constant 208 : i32
      %add3A_602 = arith.addi %multiple_of3A_529, %add3A_601 : i32
      %get3A_603 = arith.index_cast %add3A_602 : i32 to index
      %get3A_604 = tpu.vector_load %arg7[%get3A_603] {strides = array<i32>} : memref<2048xf32, #tpu.memory_space<vmem>>, vector<16xf32>,
      %get3A_605 = vector.shape_cast %get3A_604 : vector<16xf32> to vector<16xf32>
      %add3A_606 = arith.constant 224 : i32
      %add3A_607 = arith.addi %multiple_of3A_529, %add3A_606 : i32
      %get3A_608 = arith.index_cast %add3A_607 : i32 to index
      %get3A_609 = tpu.vector_load %arg7[%get3A_608] {strides = array<i32>} : memref<2048xf32, #tpu.memory_space<vmem>>, vector<16xf32>,
      %get3A_610 = vector.shape_cast %get3A_609 : vector<16xf32> to vector<16xf32>
      %add3A_611 = arith.constant 240 : i32
      %add3A_612 = arith.addi %multiple_of3A_529, %add3A_611 : i32
      %get3A_613 = arith.index_cast %add3A_612 : i32 to index
      %get3A_614 = tpu.vector_load %arg7[%get3A_613] {strides = array<i32>} : memref<2048xf32, #tpu.memory_space<vmem>>, vector<16xf32>,
      %get3A_615 = vector.shape_cast %get3A_614 : vector<16xf32> to vector<16xf32>
      %parallel_loop3A_616 = arith.constant 0 : i32
      %parallel_loop3A_617 = arith.constant 32 : i32
      %parallel_loop3A_618 = arith.constant 1 : i32
      scf.for %parallel_loop3A_2044 = %parallel_loop3A_616 to %parallel_loop3A_617 step %parallel_loop3A_618  : i32 {
        %parallel_loop3A_2045 = arith.index_cast %parallel_loop3A_2044 : i32 to index
        %parallel_loop3A_2046 = arith.constant 0 : index
        %parallel_loop3A_2047 = tpu.vector_load %arg8[%parallel_loop3A_2045, %parallel_loop3A_2046] {strides = array<i32>} : memref<32x512xf32, #tpu.memory_space<vmem>>, vector<1x16xf32>,
        %parallel_loop3A_2048 = vector.shape_cast %parallel_loop3A_2047 : vector<1x16xf32> to vector<16xf32>
        %parallel_loop3A_2049 = vector.shape_cast %get3A_540 : vector<16xf32> to vector<1x16xf32>
        tpu.vector_store %arg8[%parallel_loop3A_2045, %parallel_loop3A_2046], %parallel_loop3A_2049 {add = true, strides = array<i32>} : memref<32x512xf32, #tpu.memory_space<vmem>>, vector<1x16xf32>,
        %parallel_loop3A_2050 = arith.index_cast %parallel_loop3A_2044 : i32 to index
        %parallel_loop3A_2051 = arith.constant 16 : index
        %parallel_loop3A_2052 = tpu.vector_load %arg8[%parallel_loop3A_2050, %parallel_loop3A_2051] {strides = array<i32>} : memref<32x512xf32, #tpu.memory_space<vmem>>, vector<1x16xf32>,
        %parallel_loop3A_2053 = vector.shape_cast %parallel_loop3A_2052 : vector<1x16xf32> to vector<16xf32>
        %parallel_loop3A_2054 = vector.shape_cast %get3A_545 : vector<16xf32> to vector<1x16xf32>
        tpu.vector_store %arg8[%parallel_loop3A_2050, %parallel_loop3A_2051], %parallel_loop3A_2054 {add = true, strides = array<i32>} : memref<32x512xf32, #tpu.memory_space<vmem>>, vector<1x16xf32>,
        %parallel_loop3A_2055 = arith.index_cast %parallel_loop3A_2044 : i32 to index
        %parallel_loop3A_2056 = arith.constant 32 : index
        %parallel_loop3A_2057 = tpu.vector_load %arg8[%parallel_loop3A_2055, %parallel_loop3A_2056] {strides = array<i32>} : memref<32x512xf32, #tpu.memory_space<vmem>>, vector<1x16xf32>,
        %parallel_loop3A_2058 = vector.shape_cast %parallel_loop3A_2057 : vector<1x16xf32> to vector<16xf32>
        %parallel_loop3A_2059 = vector.shape_cast %get3A_550 : vector<16xf32> to vector<1x16xf32>
        tpu.vector_store %arg8[%parallel_loop3A_2055, %parallel_loop3A_2056], %parallel_loop3A_2059 {add = true, strides = array<i32>} : memref<32x512xf32, #tpu.memory_space<vmem>>, vector<1x16xf32>,
        %parallel_loop3A_2060 = arith.index_cast %parallel_loop3A_2044 : i32 to index
        %parallel_loop3A_2061 = arith.constant 48 : index
        %parallel_loop3A_2062 = tpu.vector_load %arg8[%parallel_loop3A_2060, %parallel_loop3A_2061] {strides = array<i32>} : memref<32x512xf32, #tpu.memory_space<vmem>>, vector<1x16xf32>,
        %parallel_loop3A_2063 = vector.shape_cast %parallel_loop3A_2062 : vector<1x16xf32> to vector<16xf32>
        %parallel_loop3A_2064 = vector.shape_cast %get3A_555 : vector<16xf32> to vector<1x16xf32>
        tpu.vector_store %arg8[%parallel_loop3A_2060, %parallel_loop3A_2061], %parallel_loop3A_2064 {add = true, strides = array<i32>} : memref<32x512xf32, #tpu.memory_space<vmem>>, vector<1x16xf32>,
        %parallel_loop3A_2065 = arith.index_cast %parallel_loop3A_2044 : i32 to index
        %parallel_loop3A_2066 = arith.constant 64 : index
        %parallel_loop3A_2067 = tpu.vector_load %arg8[%parallel_loop3A_2065, %parallel_loop3A_2066] {strides = array<i32>} : memref<32x512xf32, #tpu.memory_space<vmem>>, vector<1x16xf32>,
        %parallel_loop3A_2068 = vector.shape_cast %parallel_loop3A_2067 : vector<1x16xf32> to vector<16xf32>
        %parallel_loop3A_2069 = vector.shape_cast %get3A_560 : vector<16xf32> to vector<1x16xf32>
        tpu.vector_store %arg8[%parallel_loop3A_2065, %parallel_loop3A_2066], %parallel_loop3A_2069 {add = true, strides = array<i32>} : memref<32x512xf32, #tpu.memory_space<vmem>>, vector<1x16xf32>,
        %parallel_loop3A_2070 = arith.index_cast %parallel_loop3A_2044 : i32 to index
        %parallel_loop3A_2071 = arith.constant 80 : index
        %parallel_loop3A_2072 = tpu.vector_load %arg8[%parallel_loop3A_2070, %parallel_loop3A_2071] {strides = array<i32>} : memref<32x512xf32, #tpu.memory_space<vmem>>, vector<1x16xf32>,
        %parallel_loop3A_2073 = vector.shape_cast %parallel_loop3A_2072 : vector<1x16xf32> to vector<16xf32>
        %parallel_loop3A_2074 = vector.shape_cast %get3A_565 : vector<16xf32> to vector<1x16xf32>
        tpu.vector_store %arg8[%parallel_loop3A_2070, %parallel_loop3A_2071], %parallel_loop3A_2074 {add = true, strides = array<i32>} : memref<32x512xf32, #tpu.memory_space<vmem>>, vector<1x16xf32>,
        %parallel_loop3A_2075 = arith.index_cast %parallel_loop3A_2044 : i32 to index
        %parallel_loop3A_2076 = arith.constant 96 : index
        %parallel_loop3A_2077 = tpu.vector_load %arg8[%parallel_loop3A_2075, %parallel_loop3A_2076] {strides = array<i32>} : memref<32x512xf32, #tpu.memory_space<vmem>>, vector<1x16xf32>,
        %parallel_loop3A_2078 = vector.shape_cast %parallel_loop3A_2077 : vector<1x16xf32> to vector<16xf32>
        %parallel_loop3A_2079 = vector.shape_cast %get3A_570 : vector<16xf32> to vector<1x16xf32>
        tpu.vector_store %arg8[%parallel_loop3A_2075, %parallel_loop3A_2076], %parallel_loop3A_2079 {add = true, strides = array<i32>} : memref<32x512xf32, #tpu.memory_space<vmem>>, vector<1x16xf32>,
        %parallel_loop3A_2080 = arith.index_cast %parallel_loop3A_2044 : i32 to index
        %parallel_loop3A_2081 = arith.constant 112 : index
        %parallel_loop3A_2082 = tpu.vector_load %arg8[%parallel_loop3A_2080, %parallel_loop3A_2081] {strides = array<i32>} : memref<32x512xf32, #tpu.memory_space<vmem>>, vector<1x16xf32>,
        %parallel_loop3A_2083 = vector.shape_cast %parallel_loop3A_2082 : vector<1x16xf32> to vector<16xf32>
        %parallel_loop3A_2084 = vector.shape_cast %get3A_575 : vector<16xf32> to vector<1x16xf32>
        tpu.vector_store %arg8[%parallel_loop3A_2080, %parallel_loop3A_2081], %parallel_loop3A_2084 {add = true, strides = array<i32>} : memref<32x512xf32, #tpu.memory_space<vmem>>, vector<1x16xf32>,
        %parallel_loop3A_2085 = arith.index_cast %parallel_loop3A_2044 : i32 to index
        %parallel_loop3A_2086 = arith.constant 128 : index
        %parallel_loop3A_2087 = tpu.vector_load %arg8[%parallel_loop3A_2085, %parallel_loop3A_2086] {strides = array<i32>} : memref<32x512xf32, #tpu.memory_space<vmem>>, vector<1x16xf32>,
        %parallel_loop3A_2088 = vector.shape_cast %parallel_loop3A_2087 : vector<1x16xf32> to vector<16xf32>
        %parallel_loop3A_2089 = vector.shape_cast %get3A_580 : vector<16xf32> to vector<1x16xf32>
        tpu.vector_store %arg8[%parallel_loop3A_2085, %parallel_loop3A_2086], %parallel_loop3A_2089 {add = true, strides = array<i32>} : memref<32x512xf32, #tpu.memory_space<vmem>>, vector<1x16xf32>,
        %parallel_loop3A_2090 = arith.index_cast %parallel_loop3A_2044 : i32 to index
        %parallel_loop3A_2091 = arith.constant 144 : index
        %parallel_loop3A_2092 = tpu.vector_load %arg8[%parallel_loop3A_2090, %parallel_loop3A_2091] {strides = array<i32>} : memref<32x512xf32, #tpu.memory_space<vmem>>, vector<1x16xf32>,
        %parallel_loop3A_2093 = vector.shape_cast %parallel_loop3A_2092 : vector<1x16xf32> to vector<16xf32>
        %parallel_loop3A_2094 = vector.shape_cast %get3A_585 : vector<16xf32> to vector<1x16xf32>
        tpu.vector_store %arg8[%parallel_loop3A_2090, %parallel_loop3A_2091], %parallel_loop3A_2094 {add = true, strides = array<i32>} : memref<32x512xf32, #tpu.memory_space<vmem>>, vector<1x16xf32>,
        %parallel_loop3A_2095 = arith.index_cast %parallel_loop3A_2044 : i32 to index
        %parallel_loop3A_2096 = arith.constant 160 : index
        %parallel_loop3A_2097 = tpu.vector_load %arg8[%parallel_loop3A_2095, %parallel_loop3A_2096] {strides = array<i32>} : memref<32x512xf32, #tpu.memory_space<vmem>>, vector<1x16xf32>,
        %parallel_loop3A_2098 = vector.shape_cast %parallel_loop3A_2097 : vector<1x16xf32> to vector<16xf32>
        %parallel_loop3A_2099 = vector.shape_cast %get3A_590 : vector<16xf32> to vector<1x16xf32>
        tpu.vector_store %arg8[%parallel_loop3A_2095, %parallel_loop3A_2096], %parallel_loop3A_2099 {add = true, strides = array<i32>} : memref<32x512xf32, #tpu.memory_space<vmem>>, vector<1x16xf32>,
        %parallel_loop3A_2100 = arith.index_cast %parallel_loop3A_2044 : i32 to index
        %parallel_loop3A_2101 = arith.constant 176 : index
        %parallel_loop3A_2102 = tpu.vector_load %arg8[%parallel_loop3A_2100, %parallel_loop3A_2101] {strides = array<i32>} : memref<32x512xf32, #tpu.memory_space<vmem>>, vector<1x16xf32>,
        %parallel_loop3A_2103 = vector.shape_cast %parallel_loop3A_2102 : vector<1x16xf32> to vector<16xf32>
        %parallel_loop3A_2104 = vector.shape_cast %get3A_595 : vector<16xf32> to vector<1x16xf32>
        tpu.vector_store %arg8[%parallel_loop3A_2100, %parallel_loop3A_2101], %parallel_loop3A_2104 {add = true, strides = array<i32>} : memref<32x512xf32, #tpu.memory_space<vmem>>, vector<1x16xf32>,
        %parallel_loop3A_2105 = arith.index_cast %parallel_loop3A_2044 : i32 to index
        %parallel_loop3A_2106 = arith.constant 192 : index
        %parallel_loop3A_2107 = tpu.vector_load %arg8[%parallel_loop3A_2105, %parallel_loop3A_2106] {strides = array<i32>} : memref<32x512xf32, #tpu.memory_space<vmem>>, vector<1x16xf32>,
        %parallel_loop3A_2108 = vector.shape_cast %parallel_loop3A_2107 : vector<1x16xf32> to vector<16xf32>
        %parallel_loop3A_2109 = vector.shape_cast %get3A_600 : vector<16xf32> to vector<1x16xf32>
        tpu.vector_store %arg8[%parallel_loop3A_2105, %parallel_loop3A_2106], %parallel_loop3A_2109 {add = true, strides = array<i32>} : memref<32x512xf32, #tpu.memory_space<vmem>>, vector<1x16xf32>,
        %parallel_loop3A_2110 = arith.index_cast %parallel_loop3A_2044 : i32 to index
        %parallel_loop3A_2111 = arith.constant 208 : index
        %parallel_loop3A_2112 = tpu.vector_load %arg8[%parallel_loop3A_2110, %parallel_loop3A_2111] {strides = array<i32>} : memref<32x512xf32, #tpu.memory_space<vmem>>, vector<1x16xf32>,
        %parallel_loop3A_2113 = vector.shape_cast %parallel_loop3A_2112 : vector<1x16xf32> to vector<16xf32>
        %parallel_loop3A_2114 = vector.shape_cast %get3A_605 : vector<16xf32> to vector<1x16xf32>
        tpu.vector_store %arg8[%parallel_loop3A_2110, %parallel_loop3A_2111], %parallel_loop3A_2114 {add = true, strides = array<i32>} : memref<32x512xf32, #tpu.memory_space<vmem>>, vector<1x16xf32>,
        %parallel_loop3A_2115 = arith.index_cast %parallel_loop3A_2044 : i32 to index
        %parallel_loop3A_2116 = arith.constant 224 : index
        %parallel_loop3A_2117 = tpu.vector_load %arg8[%parallel_loop3A_2115, %parallel_loop3A_2116] {strides = array<i32>} : memref<32x512xf32, #tpu.memory_space<vmem>>, vector<1x16xf32>,
        %parallel_loop3A_2118 = vector.shape_cast %parallel_loop3A_2117 : vector<1x16xf32> to vector<16xf32>
        %parallel_loop3A_2119 = vector.shape_cast %get3A_610 : vector<16xf32> to vector<1x16xf32>
        tpu.vector_store %arg8[%parallel_loop3A_2115, %parallel_loop3A_2116], %parallel_loop3A_2119 {add = true, strides = array<i32>} : memref<32x512xf32, #tpu.memory_space<vmem>>, vector<1x16xf32>,
        %parallel_loop3A_2120 = arith.index_cast %parallel_loop3A_2044 : i32 to index
        %parallel_loop3A_2121 = arith.constant 240 : index
        %parallel_loop3A_2122 = tpu.vector_load %arg8[%parallel_loop3A_2120, %parallel_loop3A_2121] {strides = array<i32>} : memref<32x512xf32, #tpu.memory_space<vmem>>, vector<1x16xf32>,
        %parallel_loop3A_2123 = vector.shape_cast %parallel_loop3A_2122 : vector<1x16xf32> to vector<16xf32>
        %parallel_loop3A_2124 = vector.shape_cast %get3A_615 : vector<16xf32> to vector<1x16xf32>
        tpu.vector_store %arg8[%parallel_loop3A_2120, %parallel_loop3A_2121], %parallel_loop3A_2124 {add = true, strides = array<i32>} : memref<32x512xf32, #tpu.memory_space<vmem>>, vector<1x16xf32>,
      } {sc.loop_unroll_factor = 1 : i64, sc.parallel_access}
      %add3A_619 = arith.constant 256 : i32
      %add3A_620 = arith.addi %multiple_of3A_529, %add3A_619 : i32
      %get3A_621 = arith.index_cast %add3A_620 : i32 to index
      %get3A_622 = tpu.vector_load %arg7[%get3A_621] {strides = array<i32>} : memref<2048xf32, #tpu.memory_space<vmem>>, vector<16xf32>,
      %get3A_623 = vector.shape_cast %get3A_622 : vector<16xf32> to vector<16xf32>
      %add3A_624 = arith.constant 272 : i32
      %add3A_625 = arith.addi %multiple_of3A_529, %add3A_624 : i32
      %get3A_626 = arith.index_cast %add3A_625 : i32 to index
      %get3A_627 = tpu.vector_load %arg7[%get3A_626] {strides = array<i32>} : memref<2048xf32, #tpu.memory_space<vmem>>, vector<16xf32>,
      %get3A_628 = vector.shape_cast %get3A_627 : vector<16xf32> to vector<16xf32>
      %add3A_629 = arith.constant 288 : i32
      %add3A_630 = arith.addi %multiple_of3A_529, %add3A_629 : i32
      %get3A_631 = arith.index_cast %add3A_630 : i32 to index
      %get3A_632 = tpu.vector_load %arg7[%get3A_631] {strides = array<i32>} : memref<2048xf32, #tpu.memory_space<vmem>>, vector<16xf32>,
      %get3A_633 = vector.shape_cast %get3A_632 : vector<16xf32> to vector<16xf32>
      %add3A_634 = arith.constant 304 : i32
      %add3A_635 = arith.addi %multiple_of3A_529, %add3A_634 : i32
      %get3A_636 = arith.index_cast %add3A_635 : i32 to index
      %get3A_637 = tpu.vector_load %arg7[%get3A_636] {strides = array<i32>} : memref<2048xf32, #tpu.memory_space<vmem>>, vector<16xf32>,
      %get3A_638 = vector.shape_cast %get3A_637 : vector<16xf32> to vector<16xf32>
      %add3A_639 = arith.constant 320 : i32
      %add3A_640 = arith.addi %multiple_of3A_529, %add3A_639 : i32
      %get3A_641 = arith.index_cast %add3A_640 : i32 to index
      %get3A_642 = tpu.vector_load %arg7[%get3A_641] {strides = array<i32>} : memref<2048xf32, #tpu.memory_space<vmem>>, vector<16xf32>,
      %get3A_643 = vector.shape_cast %get3A_642 : vector<16xf32> to vector<16xf32>
      %add3A_644 = arith.constant 336 : i32
      %add3A_645 = arith.addi %multiple_of3A_529, %add3A_644 : i32
      %get3A_646 = arith.index_cast %add3A_645 : i32 to index
      %get3A_647 = tpu.vector_load %arg7[%get3A_646] {strides = array<i32>} : memref<2048xf32, #tpu.memory_space<vmem>>, vector<16xf32>,
      %get3A_648 = vector.shape_cast %get3A_647 : vector<16xf32> to vector<16xf32>
      %add3A_649 = arith.constant 352 : i32
      %add3A_650 = arith.addi %multiple_of3A_529, %add3A_649 : i32
      %get3A_651 = arith.index_cast %add3A_650 : i32 to index
      %get3A_652 = tpu.vector_load %arg7[%get3A_651] {strides = array<i32>} : memref<2048xf32, #tpu.memory_space<vmem>>, vector<16xf32>,
      %get3A_653 = vector.shape_cast %get3A_652 : vector<16xf32> to vector<16xf32>
      %add3A_654 = arith.constant 368 : i32
      %add3A_655 = arith.addi %multiple_of3A_529, %add3A_654 : i32
      %get3A_656 = arith.index_cast %add3A_655 : i32 to index
      %get3A_657 = tpu.vector_load %arg7[%get3A_656] {strides = array<i32>} : memref<2048xf32, #tpu.memory_space<vmem>>, vector<16xf32>,
      %get3A_658 = vector.shape_cast %get3A_657 : vector<16xf32> to vector<16xf32>
      %add3A_659 = arith.constant 384 : i32
      %add3A_660 = arith.addi %multiple_of3A_529, %add3A_659 : i32
      %get3A_661 = arith.index_cast %add3A_660 : i32 to index
      %get3A_662 = tpu.vector_load %arg7[%get3A_661] {strides = array<i32>} : memref<2048xf32, #tpu.memory_space<vmem>>, vector<16xf32>,
      %get3A_663 = vector.shape_cast %get3A_662 : vector<16xf32> to vector<16xf32>
      %add3A_664 = arith.constant 400 : i32
      %add3A_665 = arith.addi %multiple_of3A_529, %add3A_664 : i32
      %get3A_666 = arith.index_cast %add3A_665 : i32 to index
      %get3A_667 = tpu.vector_load %arg7[%get3A_666] {strides = array<i32>} : memref<2048xf32, #tpu.memory_space<vmem>>, vector<16xf32>,
      %get3A_668 = vector.shape_cast %get3A_667 : vector<16xf32> to vector<16xf32>
      %add3A_669 = arith.constant 416 : i32
      %add3A_670 = arith.addi %multiple_of3A_529, %add3A_669 : i32
      %get3A_671 = arith.index_cast %add3A_670 : i32 to index
      %get3A_672 = tpu.vector_load %arg7[%get3A_671] {strides = array<i32>} : memref<2048xf32, #tpu.memory_space<vmem>>, vector<16xf32>,
      %get3A_673 = vector.shape_cast %get3A_672 : vector<16xf32> to vector<16xf32>
      %add3A_674 = arith.constant 432 : i32
      %add3A_675 = arith.addi %multiple_of3A_529, %add3A_674 : i32
      %get3A_676 = arith.index_cast %add3A_675 : i32 to index
      %get3A_677 = tpu.vector_load %arg7[%get3A_676] {strides = array<i32>} : memref<2048xf32, #tpu.memory_space<vmem>>, vector<16xf32>,
      %get3A_678 = vector.shape_cast %get3A_677 : vector<16xf32> to vector<16xf32>
      %add3A_679 = arith.constant 448 : i32
      %add3A_680 = arith.addi %multiple_of3A_529, %add3A_679 : i32
      %get3A_681 = arith.index_cast %add3A_680 : i32 to index
      %get3A_682 = tpu.vector_load %arg7[%get3A_681] {strides = array<i32>} : memref<2048xf32, #tpu.memory_space<vmem>>, vector<16xf32>,
      %get3A_683 = vector.shape_cast %get3A_682 : vector<16xf32> to vector<16xf32>
      %add3A_684 = arith.constant 464 : i32
      %add3A_685 = arith.addi %multiple_of3A_529, %add3A_684 : i32
      %get3A_686 = arith.index_cast %add3A_685 : i32 to index
      %get3A_687 = tpu.vector_load %arg7[%get3A_686] {strides = array<i32>} : memref<2048xf32, #tpu.memory_space<vmem>>, vector<16xf32>,
      %get3A_688 = vector.shape_cast %get3A_687 : vector<16xf32> to vector<16xf32>
      %add3A_689 = arith.constant 480 : i32
      %add3A_690 = arith.addi %multiple_of3A_529, %add3A_689 : i32
      %get3A_691 = arith.index_cast %add3A_690 : i32 to index
      %get3A_692 = tpu.vector_load %arg7[%get3A_691] {strides = array<i32>} : memref<2048xf32, #tpu.memory_space<vmem>>, vector<16xf32>,
      %get3A_693 = vector.shape_cast %get3A_692 : vector<16xf32> to vector<16xf32>
      %add3A_694 = arith.constant 496 : i32
      %add3A_695 = arith.addi %multiple_of3A_529, %add3A_694 : i32
      %get3A_696 = arith.index_cast %add3A_695 : i32 to index
      %get3A_697 = tpu.vector_load %arg7[%get3A_696] {strides = array<i32>} : memref<2048xf32, #tpu.memory_space<vmem>>, vector<16xf32>,
      %get3A_698 = vector.shape_cast %get3A_697 : vector<16xf32> to vector<16xf32>
      %parallel_loop3A_699 = arith.constant 0 : i32
      %parallel_loop3A_700 = arith.constant 32 : i32
      %parallel_loop3A_701 = arith.constant 1 : i32
      scf.for %parallel_loop3A_2044 = %parallel_loop3A_699 to %parallel_loop3A_700 step %parallel_loop3A_701  : i32 {
        %parallel_loop3A_2045 = arith.index_cast %parallel_loop3A_2044 : i32 to index
        %parallel_loop3A_2046 = arith.constant 256 : index
        %parallel_loop3A_2047 = tpu.vector_load %arg8[%parallel_loop3A_2045, %parallel_loop3A_2046] {strides = array<i32>} : memref<32x512xf32, #tpu.memory_space<vmem>>, vector<1x16xf32>,
        %parallel_loop3A_2048 = vector.shape_cast %parallel_loop3A_2047 : vector<1x16xf32> to vector<16xf32>
        %parallel_loop3A_2049 = vector.shape_cast %get3A_623 : vector<16xf32> to vector<1x16xf32>
        tpu.vector_store %arg8[%parallel_loop3A_2045, %parallel_loop3A_2046], %parallel_loop3A_2049 {add = true, strides = array<i32>} : memref<32x512xf32, #tpu.memory_space<vmem>>, vector<1x16xf32>,
        %parallel_loop3A_2050 = arith.index_cast %parallel_loop3A_2044 : i32 to index
        %parallel_loop3A_2051 = arith.constant 272 : index
        %parallel_loop3A_2052 = tpu.vector_load %arg8[%parallel_loop3A_2050, %parallel_loop3A_2051] {strides = array<i32>} : memref<32x512xf32, #tpu.memory_space<vmem>>, vector<1x16xf32>,
        %parallel_loop3A_2053 = vector.shape_cast %parallel_loop3A_2052 : vector<1x16xf32> to vector<16xf32>
        %parallel_loop3A_2054 = vector.shape_cast %get3A_628 : vector<16xf32> to vector<1x16xf32>
        tpu.vector_store %arg8[%parallel_loop3A_2050, %parallel_loop3A_2051], %parallel_loop3A_2054 {add = true, strides = array<i32>} : memref<32x512xf32, #tpu.memory_space<vmem>>, vector<1x16xf32>,
        %parallel_loop3A_2055 = arith.index_cast %parallel_loop3A_2044 : i32 to index
        %parallel_loop3A_2056 = arith.constant 288 : index
        %parallel_loop3A_2057 = tpu.vector_load %arg8[%parallel_loop3A_2055, %parallel_loop3A_2056] {strides = array<i32>} : memref<32x512xf32, #tpu.memory_space<vmem>>, vector<1x16xf32>,
        %parallel_loop3A_2058 = vector.shape_cast %parallel_loop3A_2057 : vector<1x16xf32> to vector<16xf32>
        %parallel_loop3A_2059 = vector.shape_cast %get3A_633 : vector<16xf32> to vector<1x16xf32>
        tpu.vector_store %arg8[%parallel_loop3A_2055, %parallel_loop3A_2056], %parallel_loop3A_2059 {add = true, strides = array<i32>} : memref<32x512xf32, #tpu.memory_space<vmem>>, vector<1x16xf32>,
        %parallel_loop3A_2060 = arith.index_cast %parallel_loop3A_2044 : i32 to index
        %parallel_loop3A_2061 = arith.constant 304 : index
        %parallel_loop3A_2062 = tpu.vector_load %arg8[%parallel_loop3A_2060, %parallel_loop3A_2061] {strides = array<i32>} : memref<32x512xf32, #tpu.memory_space<vmem>>, vector<1x16xf32>,
        %parallel_loop3A_2063 = vector.shape_cast %parallel_loop3A_2062 : vector<1x16xf32> to vector<16xf32>
        %parallel_loop3A_2064 = vector.shape_cast %get3A_638 : vector<16xf32> to vector<1x16xf32>
        tpu.vector_store %arg8[%parallel_loop3A_2060, %parallel_loop3A_2061], %parallel_loop3A_2064 {add = true, strides = array<i32>} : memref<32x512xf32, #tpu.memory_space<vmem>>, vector<1x16xf32>,
        %parallel_loop3A_2065 = arith.index_cast %parallel_loop3A_2044 : i32 to index
        %parallel_loop3A_2066 = arith.constant 320 : index
        %parallel_loop3A_2067 = tpu.vector_load %arg8[%parallel_loop3A_2065, %parallel_loop3A_2066] {strides = array<i32>} : memref<32x512xf32, #tpu.memory_space<vmem>>, vector<1x16xf32>,
        %parallel_loop3A_2068 = vector.shape_cast %parallel_loop3A_2067 : vector<1x16xf32> to vector<16xf32>
        %parallel_loop3A_2069 = vector.shape_cast %get3A_643 : vector<16xf32> to vector<1x16xf32>
        tpu.vector_store %arg8[%parallel_loop3A_2065, %parallel_loop3A_2066], %parallel_loop3A_2069 {add = true, strides = array<i32>} : memref<32x512xf32, #tpu.memory_space<vmem>>, vector<1x16xf32>,
        %parallel_loop3A_2070 = arith.index_cast %parallel_loop3A_2044 : i32 to index
        %parallel_loop3A_2071 = arith.constant 336 : index
        %parallel_loop3A_2072 = tpu.vector_load %arg8[%parallel_loop3A_2070, %parallel_loop3A_2071] {strides = array<i32>} : memref<32x512xf32, #tpu.memory_space<vmem>>, vector<1x16xf32>,
        %parallel_loop3A_2073 = vector.shape_cast %parallel_loop3A_2072 : vector<1x16xf32> to vector<16xf32>
        %parallel_loop3A_2074 = vector.shape_cast %get3A_648 : vector<16xf32> to vector<1x16xf32>
        tpu.vector_store %arg8[%parallel_loop3A_2070, %parallel_loop3A_2071], %parallel_loop3A_2074 {add = true, strides = array<i32>} : memref<32x512xf32, #tpu.memory_space<vmem>>, vector<1x16xf32>,
        %parallel_loop3A_2075 = arith.index_cast %parallel_loop3A_2044 : i32 to index
        %parallel_loop3A_2076 = arith.constant 352 : index
        %parallel_loop3A_2077 = tpu.vector_load %arg8[%parallel_loop3A_2075, %parallel_loop3A_2076] {strides = array<i32>} : memref<32x512xf32, #tpu.memory_space<vmem>>, vector<1x16xf32>,
        %parallel_loop3A_2078 = vector.shape_cast %parallel_loop3A_2077 : vector<1x16xf32> to vector<16xf32>
        %parallel_loop3A_2079 = vector.shape_cast %get3A_653 : vector<16xf32> to vector<1x16xf32>
        tpu.vector_store %arg8[%parallel_loop3A_2075, %parallel_loop3A_2076], %parallel_loop3A_2079 {add = true, strides = array<i32>} : memref<32x512xf32, #tpu.memory_space<vmem>>, vector<1x16xf32>,
        %parallel_loop3A_2080 = arith.index_cast %parallel_loop3A_2044 : i32 to index
        %parallel_loop3A_2081 = arith.constant 368 : index
        %parallel_loop3A_2082 = tpu.vector_load %arg8[%parallel_loop3A_2080, %parallel_loop3A_2081] {strides = array<i32>} : memref<32x512xf32, #tpu.memory_space<vmem>>, vector<1x16xf32>,
        %parallel_loop3A_2083 = vector.shape_cast %parallel_loop3A_2082 : vector<1x16xf32> to vector<16xf32>
        %parallel_loop3A_2084 = vector.shape_cast %get3A_658 : vector<16xf32> to vector<1x16xf32>
        tpu.vector_store %arg8[%parallel_loop3A_2080, %parallel_loop3A_2081], %parallel_loop3A_2084 {add = true, strides = array<i32>} : memref<32x512xf32, #tpu.memory_space<vmem>>, vector<1x16xf32>,
        %parallel_loop3A_2085 = arith.index_cast %parallel_loop3A_2044 : i32 to index
        %parallel_loop3A_2086 = arith.constant 384 : index
        %parallel_loop3A_2087 = tpu.vector_load %arg8[%parallel_loop3A_2085, %parallel_loop3A_2086] {strides = array<i32>} : memref<32x512xf32, #tpu.memory_space<vmem>>, vector<1x16xf32>,
        %parallel_loop3A_2088 = vector.shape_cast %parallel_loop3A_2087 : vector<1x16xf32> to vector<16xf32>
        %parallel_loop3A_2089 = vector.shape_cast %get3A_663 : vector<16xf32> to vector<1x16xf32>
        tpu.vector_store %arg8[%parallel_loop3A_2085, %parallel_loop3A_2086], %parallel_loop3A_2089 {add = true, strides = array<i32>} : memref<32x512xf32, #tpu.memory_space<vmem>>, vector<1x16xf32>,
        %parallel_loop3A_2090 = arith.index_cast %parallel_loop3A_2044 : i32 to index
        %parallel_loop3A_2091 = arith.constant 400 : index
        %parallel_loop3A_2092 = tpu.vector_load %arg8[%parallel_loop3A_2090, %parallel_loop3A_2091] {strides = array<i32>} : memref<32x512xf32, #tpu.memory_space<vmem>>, vector<1x16xf32>,
        %parallel_loop3A_2093 = vector.shape_cast %parallel_loop3A_2092 : vector<1x16xf32> to vector<16xf32>
        %parallel_loop3A_2094 = vector.shape_cast %get3A_668 : vector<16xf32> to vector<1x16xf32>
        tpu.vector_store %arg8[%parallel_loop3A_2090, %parallel_loop3A_2091], %parallel_loop3A_2094 {add = true, strides = array<i32>} : memref<32x512xf32, #tpu.memory_space<vmem>>, vector<1x16xf32>,
        %parallel_loop3A_2095 = arith.index_cast %parallel_loop3A_2044 : i32 to index
        %parallel_loop3A_2096 = arith.constant 416 : index
        %parallel_loop3A_2097 = tpu.vector_load %arg8[%parallel_loop3A_2095, %parallel_loop3A_2096] {strides = array<i32>} : memref<32x512xf32, #tpu.memory_space<vmem>>, vector<1x16xf32>,
        %parallel_loop3A_2098 = vector.shape_cast %parallel_loop3A_2097 : vector<1x16xf32> to vector<16xf32>
        %parallel_loop3A_2099 = vector.shape_cast %get3A_673 : vector<16xf32> to vector<1x16xf32>
        tpu.vector_store %arg8[%parallel_loop3A_2095, %parallel_loop3A_2096], %parallel_loop3A_2099 {add = true, strides = array<i32>} : memref<32x512xf32, #tpu.memory_space<vmem>>, vector<1x16xf32>,
        %parallel_loop3A_2100 = arith.index_cast %parallel_loop3A_2044 : i32 to index
        %parallel_loop3A_2101 = arith.constant 432 : index
        %parallel_loop3A_2102 = tpu.vector_load %arg8[%parallel_loop3A_2100, %parallel_loop3A_2101] {strides = array<i32>} : memref<32x512xf32, #tpu.memory_space<vmem>>, vector<1x16xf32>,
        %parallel_loop3A_2103 = vector.shape_cast %parallel_loop3A_2102 : vector<1x16xf32> to vector<16xf32>
        %parallel_loop3A_2104 = vector.shape_cast %get3A_678 : vector<16xf32> to vector<1x16xf32>
        tpu.vector_store %arg8[%parallel_loop3A_2100, %parallel_loop3A_2101], %parallel_loop3A_2104 {add = true, strides = array<i32>} : memref<32x512xf32, #tpu.memory_space<vmem>>, vector<1x16xf32>,
        %parallel_loop3A_2105 = arith.index_cast %parallel_loop3A_2044 : i32 to index
        %parallel_loop3A_2106 = arith.constant 448 : index
        %parallel_loop3A_2107 = tpu.vector_load %arg8[%parallel_loop3A_2105, %parallel_loop3A_2106] {strides = array<i32>} : memref<32x512xf32, #tpu.memory_space<vmem>>, vector<1x16xf32>,
        %parallel_loop3A_2108 = vector.shape_cast %parallel_loop3A_2107 : vector<1x16xf32> to vector<16xf32>
        %parallel_loop3A_2109 = vector.shape_cast %get3A_683 : vector<16xf32> to vector<1x16xf32>
        tpu.vector_store %arg8[%parallel_loop3A_2105, %parallel_loop3A_2106], %parallel_loop3A_2109 {add = true, strides = array<i32>} : memref<32x512xf32, #tpu.memory_space<vmem>>, vector<1x16xf32>,
        %parallel_loop3A_2110 = arith.index_cast %parallel_loop3A_2044 : i32 to index
        %parallel_loop3A_2111 = arith.constant 464 : index
        %parallel_loop3A_2112 = tpu.vector_load %arg8[%parallel_loop3A_2110, %parallel_loop3A_2111] {strides = array<i32>} : memref<32x512xf32, #tpu.memory_space<vmem>>, vector<1x16xf32>,
        %parallel_loop3A_2113 = vector.shape_cast %parallel_loop3A_2112 : vector<1x16xf32> to vector<16xf32>
        %parallel_loop3A_2114 = vector.shape_cast %get3A_688 : vector<16xf32> to vector<1x16xf32>
        tpu.vector_store %arg8[%parallel_loop3A_2110, %parallel_loop3A_2111], %parallel_loop3A_2114 {add = true, strides = array<i32>} : memref<32x512xf32, #tpu.memory_space<vmem>>, vector<1x16xf32>,
        %parallel_loop3A_2115 = arith.index_cast %parallel_loop3A_2044 : i32 to index
        %parallel_loop3A_2116 = arith.constant 480 : index
        %parallel_loop3A_2117 = tpu.vector_load %arg8[%parallel_loop3A_2115, %parallel_loop3A_2116] {strides = array<i32>} : memref<32x512xf32, #tpu.memory_space<vmem>>, vector<1x16xf32>,
        %parallel_loop3A_2118 = vector.shape_cast %parallel_loop3A_2117 : vector<1x16xf32> to vector<16xf32>
        %parallel_loop3A_2119 = vector.shape_cast %get3A_693 : vector<16xf32> to vector<1x16xf32>
        tpu.vector_store %arg8[%parallel_loop3A_2115, %parallel_loop3A_2116], %parallel_loop3A_2119 {add = true, strides = array<i32>} : memref<32x512xf32, #tpu.memory_space<vmem>>, vector<1x16xf32>,
        %parallel_loop3A_2120 = arith.index_cast %parallel_loop3A_2044 : i32 to index
        %parallel_loop3A_2121 = arith.constant 496 : index
        %parallel_loop3A_2122 = tpu.vector_load %arg8[%parallel_loop3A_2120, %parallel_loop3A_2121] {strides = array<i32>} : memref<32x512xf32, #tpu.memory_space<vmem>>, vector<1x16xf32>,
        %parallel_loop3A_2123 = vector.shape_cast %parallel_loop3A_2122 : vector<1x16xf32> to vector<16xf32>
        %parallel_loop3A_2124 = vector.shape_cast %get3A_698 : vector<16xf32> to vector<1x16xf32>
        tpu.vector_store %arg8[%parallel_loop3A_2120, %parallel_loop3A_2121], %parallel_loop3A_2124 {add = true, strides = array<i32>} : memref<32x512xf32, #tpu.memory_space<vmem>>, vector<1x16xf32>,
      } {sc.loop_unroll_factor = 1 : i64, sc.parallel_access}
      %dma_start3A_702 = arith.constant 0 : i32
      %dma_start3A_703 = arith.constant 0 : i32
      %dma_start3A_704 = tpu.memref_slice %arg5[%dma_start3A_702, %dma_start3A_703] : memref<131072x512xf32, #tpu.memory_space<hbm>> -> memref<131072x512xf32, #tpu.memory_space<hbm>>
      tpu.enqueue_indirect_dma source(%arg8 : memref<32x512xf32, #tpu.memory_space<vmem>>) target(%dma_start3A_704 : memref<131072x512xf32, #tpu.memory_space<hbm>>) offsets(%arg14 : memref<32xi32, #tpu.memory_space<vmem>>) semaphore(%arg26 : memref<!tpu.dma_semaphore, #tpu.memory_space<semaphore_mem>>)
      %ge3A = arith.constant 2 : i32
      %ge3A_705 = arith.cmpi sge, %add3A_464, %ge3A : i32
      %convert_element_type3A = arith.extui %ge3A_705 : i1 to i32
      %cond3A = arith.constant 0 : i32
      %cond3A_706 = arith.cmpi ne, %convert_element_type3A, %cond3A : i32
      scf.if %cond3A_706 {
        %sub3A_2044 = arith.constant 2 : i32
        %sub3A_2045 = arith.subi %add3A_464, %sub3A_2044 : i32
        %dma_wait3A_2046 = arith.constant 0 : i32
        %dma_wait3A_2047 = arith.constant 0 : i32
        %dma_wait3A_2048 = tpu.memref_slice %arg5[%dma_wait3A_2046, %dma_wait3A_2047] : memref<131072x512xf32, #tpu.memory_space<hbm>> -> memref<131072x512xf32, #tpu.memory_space<hbm>>
        tpu.wait_indirect_dma semaphore(%arg30 : memref<!tpu.dma_semaphore, #tpu.memory_space<semaphore_mem>>) src(%arg12 : memref<32x512xf32, #tpu.memory_space<vmem>>) dst(%dma_wait3A_2048 : memref<131072x512xf32, #tpu.memory_space<hbm>>)
      } else {
      }
      %add3A_707 = arith.constant 4 : i32
      %add3A_708 = arith.addi %add3A_464, %add3A_707 : i32
      %lt3A_709 = arith.constant 128 : i32
      %lt3A_710 = arith.cmpi slt, %add3A_708, %lt3A_709 : i32
      %convert_element_type3A_711 = arith.extui %lt3A_710 : i1 to i32
      %cond3A_712 = arith.constant 0 : i32
      %cond3A_713 = arith.cmpi ne, %convert_element_type3A_711, %cond3A_712 : i32
      scf.if %cond3A_713 {
        %add3A_2044 = arith.constant 4 : i32
        %add3A_2045 = arith.addi %add3A_464, %add3A_2044 : i32
        %dma_start3A_2046 = arith.constant 0 : i32
        %dma_start3A_2047 = tpu.memref_slice %arg6[%add3A_2045, %dma_start3A_2046] : memref<128x32xi32, #tpu.memory_space<vmem>> -> memref<1x32xi32, #tpu.memory_space<vmem>>
        %dma_start3A_2048 = tpu.memref_squeeze %dma_start3A_2047 : memref<1x32xi32, #tpu.memory_space<vmem>> -> memref<32xi32, #tpu.memory_space<vmem>>
        %dma_start3A_2049 = arith.constant 0 : i32
        %dma_start3A_2050 = arith.constant 0 : i32
        %dma_start3A_2051 = tpu.memref_slice %arg4[%dma_start3A_2049, %dma_start3A_2050] : memref<100000x512xf32, #tpu.memory_space<hbm>> -> memref<100000x512xf32, #tpu.memory_space<hbm>>
        tpu.enqueue_indirect_dma source(%dma_start3A_2051 : memref<100000x512xf32, #tpu.memory_space<hbm>>) target(%arg12 : memref<32x512xf32, #tpu.memory_space<vmem>>) offsets(%dma_start3A_2048 : memref<32xi32, #tpu.memory_space<vmem>>) semaphore(%arg24 : memref<!tpu.dma_semaphore, #tpu.memory_space<semaphore_mem>>)
      } else {
      }
      %mul3A_714 = arith.constant 6 : i32
      %mul3A_715 = arith.muli %scan3A_460, %mul3A_714 : i32
      %add3A_716 = arith.constant 1 : i32
      %add3A_717 = arith.addi %mul3A_715, %add3A_716 : i32
      %jit3A_718 = arith.constant 32 : i32
      %div3A_719 = arith.divsi %add3A_717, %jit3A_718 : i32
      %sign3A_720 = arith.constant 0 : i32
      %sign3A_721 = arith.cmpi sgt, %add3A_717, %sign3A_720 : i32
      %sign3A_722 = arith.extui %sign3A_721 : i1 to i32
      %sign3A_723 = arith.constant 0 : i32
      %sign3A_724 = arith.cmpi slt, %add3A_717, %sign3A_723 : i32
      %sign3A_725 = arith.extui %sign3A_724 : i1 to i32
      %sign3A_726 = arith.subi %sign3A_722, %sign3A_725 : i32
      %sign3A_727 = arith.constant 0 : i32
      %sign3A_728 = arith.cmpi sgt, %jit3A_718, %sign3A_727 : i32
      %sign3A_729 = arith.extui %sign3A_728 : i1 to i32
      %sign3A_730 = arith.constant 0 : i32
      %sign3A_731 = arith.cmpi slt, %jit3A_718, %sign3A_730 : i32
      %sign3A_732 = arith.extui %sign3A_731 : i1 to i32
      %sign3A_733 = arith.subi %sign3A_729, %sign3A_732 : i32
      %ne3A_734 = arith.cmpi ne, %sign3A_726, %sign3A_733 : i32
      %rem3A_735 = arith.remsi %add3A_717, %jit3A_718 : i32
      %ne3A_736 = arith.constant 0 : i32
      %ne3A_737 = arith.cmpi ne, %rem3A_735, %ne3A_736 : i32
      %and3A_738 = arith.andi %ne3A_734, %ne3A_737 : i1
      %sub3A_739 = arith.constant 1 : i32
      %sub3A_740 = arith.subi %div3A_719, %sub3A_739 : i32
      %select_n3A_741 = arith.select %and3A_738, %sub3A_740, %div3A_719 : i32
      %jit3A_742 = arith.constant 32 : i32
      %eq3A_743 = arith.constant 0 : i32
      %eq3A_744 = arith.cmpi eq, %jit3A_742, %eq3A_743 : i32
      %jit3A_745 = arith.constant 1 : i32
      %select_n3A_746 = arith.select %eq3A_744, %jit3A_745, %jit3A_742 : i32
      %rem3A_747 = arith.remsi %add3A_717, %select_n3A_746 : i32
      %ne3A_748 = arith.constant 0 : i32
      %ne3A_749 = arith.cmpi ne, %rem3A_747, %ne3A_748 : i32
      %lt3A_750 = arith.constant 0 : i32
      %lt3A_751 = arith.cmpi slt, %rem3A_747, %lt3A_750 : i32
      %lt3A_752 = arith.constant 0 : i32
      %lt3A_753 = arith.cmpi slt, %select_n3A_746, %lt3A_752 : i32
      %ne3A_754 = arith.xori %lt3A_751, %lt3A_753 : i1
      %and3A_755 = arith.andi %ne3A_754, %ne3A_749 : i1
      %add3A_756 = arith.addi %rem3A_747, %select_n3A_746 : i32
      %select_n3A_757 = arith.select %and3A_755, %add3A_756, %rem3A_747 : i32
      %mul3A_758 = arith.constant 32 : i32
      %mul3A_759 = arith.muli %select_n3A_757, %mul3A_758 : i32
      %mul3A_760 = arith.constant 128 : i32
      %mul3A_761 = arith.muli %mul3A_759, %mul3A_760 : i32
      %mul3A_762 = arith.constant 4 : i32
      %mul3A_763 = arith.muli %add3A, %mul3A_762 : i32
      %add3A_764 = arith.addi %mul3A_761, %mul3A_763 : i32
      %add3A_765 = arith.addi %add3A_764, %select_n3A_741 : i32
      %add3A_766 = arith.constant 0 : i32
      %add3A_767 = vector.broadcast %add3A_766 : i32 to vector<16xi32>
      %add3A_768 = arith.addi %iota3A, %add3A_767 : vector<16xi32>
      %mul3A_769 = arith.constant 128 : i32
      %mul3A_770 = vector.broadcast %mul3A_769 : i32 to vector<16xi32>
      %mul3A_771 = arith.muli %add3A_768, %mul3A_770 : vector<16xi32>
      %add3A_772 = vector.broadcast %add3A_765 : i32 to vector<16xi32>
      %add3A_773 = arith.addi %add3A_772, %mul3A_771 : vector<16xi32>
      %swap3A_774 = arith.constant 0 : index
      %swap3A_775 = tpu.vector_load %arg15[%swap3A_774] {strides = array<i32>} : memref<32xi32, #tpu.memory_space<vmem>>, vector<16xi32>,
      %swap3A_776 = vector.shape_cast %swap3A_775 : vector<16xi32> to vector<16xi32>
      %swap3A_777 = vector.shape_cast %add3A_773 : vector<16xi32> to vector<16xi32>
      tpu.vector_store %arg15[%swap3A_774], %swap3A_777 {strides = array<i32>} : memref<32xi32, #tpu.memory_space<vmem>>, vector<16xi32>,
      %add3A_778 = arith.constant 16 : i32
      %add3A_779 = vector.broadcast %add3A_778 : i32 to vector<16xi32>
      %add3A_780 = arith.addi %iota3A, %add3A_779 : vector<16xi32>
      %mul3A_781 = arith.constant 128 : i32
      %mul3A_782 = vector.broadcast %mul3A_781 : i32 to vector<16xi32>
      %mul3A_783 = arith.muli %add3A_780, %mul3A_782 : vector<16xi32>
      %add3A_784 = vector.broadcast %add3A_765 : i32 to vector<16xi32>
      %add3A_785 = arith.addi %add3A_784, %mul3A_783 : vector<16xi32>
      %swap3A_786 = arith.constant 16 : index
      %swap3A_787 = tpu.vector_load %arg15[%swap3A_786] {strides = array<i32>} : memref<32xi32, #tpu.memory_space<vmem>>, vector<16xi32>,
      %swap3A_788 = vector.shape_cast %swap3A_787 : vector<16xi32> to vector<16xi32>
      %swap3A_789 = vector.shape_cast %add3A_785 : vector<16xi32> to vector<16xi32>
      tpu.vector_store %arg15[%swap3A_786], %swap3A_789 {strides = array<i32>} : memref<32xi32, #tpu.memory_space<vmem>>, vector<16xi32>,
      %mul3A_790 = arith.constant 512 : i32
      %mul3A_791 = arith.muli %select_n3A_741, %mul3A_790 : i32
      %multiple_of3A_792 = tpu.assume_multiple %mul3A_791, 16 : i32
      %dma_wait3A_793 = arith.constant 0 : i32
      %dma_wait3A_794 = tpu.memref_slice %arg6[%add3A_717, %dma_wait3A_793] : memref<128x32xi32, #tpu.memory_space<vmem>> -> memref<1x32xi32, #tpu.memory_space<vmem>>
      %dma_wait3A_795 = tpu.memref_squeeze %dma_wait3A_794 : memref<1x32xi32, #tpu.memory_space<vmem>> -> memref<32xi32, #tpu.memory_space<vmem>>
      %dma_wait3A_796 = arith.constant 0 : i32
      %dma_wait3A_797 = arith.constant 0 : i32
      %dma_wait3A_798 = tpu.memref_slice %arg4[%dma_wait3A_796, %dma_wait3A_797] : memref<100000x512xf32, #tpu.memory_space<hbm>> -> memref<100000x512xf32, #tpu.memory_space<hbm>>
      tpu.wait_indirect_dma semaphore(%arg21 : memref<!tpu.dma_semaphore, #tpu.memory_space<semaphore_mem>>) src(%dma_wait3A_798 : memref<100000x512xf32, #tpu.memory_space<hbm>>) dst(%arg9 : memref<32x512xf32, #tpu.memory_space<vmem>>)
      %add3A_799 = arith.constant 0 : i32
      %add3A_800 = arith.addi %multiple_of3A_792, %add3A_799 : i32
      %get3A_801 = arith.index_cast %add3A_800 : i32 to index
      %get3A_802 = tpu.vector_load %arg7[%get3A_801] {strides = array<i32>} : memref<2048xf32, #tpu.memory_space<vmem>>, vector<16xf32>,
      %get3A_803 = vector.shape_cast %get3A_802 : vector<16xf32> to vector<16xf32>
      %add3A_804 = arith.constant 16 : i32
      %add3A_805 = arith.addi %multiple_of3A_792, %add3A_804 : i32
      %get3A_806 = arith.index_cast %add3A_805 : i32 to index
      %get3A_807 = tpu.vector_load %arg7[%get3A_806] {strides = array<i32>} : memref<2048xf32, #tpu.memory_space<vmem>>, vector<16xf32>,
      %get3A_808 = vector.shape_cast %get3A_807 : vector<16xf32> to vector<16xf32>
      %add3A_809 = arith.constant 32 : i32
      %add3A_810 = arith.addi %multiple_of3A_792, %add3A_809 : i32
      %get3A_811 = arith.index_cast %add3A_810 : i32 to index
      %get3A_812 = tpu.vector_load %arg7[%get3A_811] {strides = array<i32>} : memref<2048xf32, #tpu.memory_space<vmem>>, vector<16xf32>,
      %get3A_813 = vector.shape_cast %get3A_812 : vector<16xf32> to vector<16xf32>
      %add3A_814 = arith.constant 48 : i32
      %add3A_815 = arith.addi %multiple_of3A_792, %add3A_814 : i32
      %get3A_816 = arith.index_cast %add3A_815 : i32 to index
      %get3A_817 = tpu.vector_load %arg7[%get3A_816] {strides = array<i32>} : memref<2048xf32, #tpu.memory_space<vmem>>, vector<16xf32>,
      %get3A_818 = vector.shape_cast %get3A_817 : vector<16xf32> to vector<16xf32>
      %add3A_819 = arith.constant 64 : i32
      %add3A_820 = arith.addi %multiple_of3A_792, %add3A_819 : i32
      %get3A_821 = arith.index_cast %add3A_820 : i32 to index
      %get3A_822 = tpu.vector_load %arg7[%get3A_821] {strides = array<i32>} : memref<2048xf32, #tpu.memory_space<vmem>>, vector<16xf32>,
      %get3A_823 = vector.shape_cast %get3A_822 : vector<16xf32> to vector<16xf32>
      %add3A_824 = arith.constant 80 : i32
      %add3A_825 = arith.addi %multiple_of3A_792, %add3A_824 : i32
      %get3A_826 = arith.index_cast %add3A_825 : i32 to index
      %get3A_827 = tpu.vector_load %arg7[%get3A_826] {strides = array<i32>} : memref<2048xf32, #tpu.memory_space<vmem>>, vector<16xf32>,
      %get3A_828 = vector.shape_cast %get3A_827 : vector<16xf32> to vector<16xf32>
      %add3A_829 = arith.constant 96 : i32
      %add3A_830 = arith.addi %multiple_of3A_792, %add3A_829 : i32
      %get3A_831 = arith.index_cast %add3A_830 : i32 to index
      %get3A_832 = tpu.vector_load %arg7[%get3A_831] {strides = array<i32>} : memref<2048xf32, #tpu.memory_space<vmem>>, vector<16xf32>,
      %get3A_833 = vector.shape_cast %get3A_832 : vector<16xf32> to vector<16xf32>
      %add3A_834 = arith.constant 112 : i32
      %add3A_835 = arith.addi %multiple_of3A_792, %add3A_834 : i32
      %get3A_836 = arith.index_cast %add3A_835 : i32 to index
      %get3A_837 = tpu.vector_load %arg7[%get3A_836] {strides = array<i32>} : memref<2048xf32, #tpu.memory_space<vmem>>, vector<16xf32>,
      %get3A_838 = vector.shape_cast %get3A_837 : vector<16xf32> to vector<16xf32>
      %add3A_839 = arith.constant 128 : i32
      %add3A_840 = arith.addi %multiple_of3A_792, %add3A_839 : i32
      %get3A_841 = arith.index_cast %add3A_840 : i32 to index
      %get3A_842 = tpu.vector_load %arg7[%get3A_841] {strides = array<i32>} : memref<2048xf32, #tpu.memory_space<vmem>>, vector<16xf32>,
      %get3A_843 = vector.shape_cast %get3A_842 : vector<16xf32> to vector<16xf32>
      %add3A_844 = arith.constant 144 : i32
      %add3A_845 = arith.addi %multiple_of3A_792, %add3A_844 : i32
      %get3A_846 = arith.index_cast %add3A_845 : i32 to index
      %get3A_847 = tpu.vector_load %arg7[%get3A_846] {strides = array<i32>} : memref<2048xf32, #tpu.memory_space<vmem>>, vector<16xf32>,
      %get3A_848 = vector.shape_cast %get3A_847 : vector<16xf32> to vector<16xf32>
      %add3A_849 = arith.constant 160 : i32
      %add3A_850 = arith.addi %multiple_of3A_792, %add3A_849 : i32
      %get3A_851 = arith.index_cast %add3A_850 : i32 to index
      %get3A_852 = tpu.vector_load %arg7[%get3A_851] {strides = array<i32>} : memref<2048xf32, #tpu.memory_space<vmem>>, vector<16xf32>,
      %get3A_853 = vector.shape_cast %get3A_852 : vector<16xf32> to vector<16xf32>
      %add3A_854 = arith.constant 176 : i32
      %add3A_855 = arith.addi %multiple_of3A_792, %add3A_854 : i32
      %get3A_856 = arith.index_cast %add3A_855 : i32 to index
      %get3A_857 = tpu.vector_load %arg7[%get3A_856] {strides = array<i32>} : memref<2048xf32, #tpu.memory_space<vmem>>, vector<16xf32>,
      %get3A_858 = vector.shape_cast %get3A_857 : vector<16xf32> to vector<16xf32>
      %add3A_859 = arith.constant 192 : i32
      %add3A_860 = arith.addi %multiple_of3A_792, %add3A_859 : i32
      %get3A_861 = arith.index_cast %add3A_860 : i32 to index
      %get3A_862 = tpu.vector_load %arg7[%get3A_861] {strides = array<i32>} : memref<2048xf32, #tpu.memory_space<vmem>>, vector<16xf32>,
      %get3A_863 = vector.shape_cast %get3A_862 : vector<16xf32> to vector<16xf32>
      %add3A_864 = arith.constant 208 : i32
      %add3A_865 = arith.addi %multiple_of3A_792, %add3A_864 : i32
      %get3A_866 = arith.index_cast %add3A_865 : i32 to index
      %get3A_867 = tpu.vector_load %arg7[%get3A_866] {strides = array<i32>} : memref<2048xf32, #tpu.memory_space<vmem>>, vector<16xf32>,
      %get3A_868 = vector.shape_cast %get3A_867 : vector<16xf32> to vector<16xf32>
      %add3A_869 = arith.constant 224 : i32
      %add3A_870 = arith.addi %multiple_of3A_792, %add3A_869 : i32
      %get3A_871 = arith.index_cast %add3A_870 : i32 to index
      %get3A_872 = tpu.vector_load %arg7[%get3A_871] {strides = array<i32>} : memref<2048xf32, #tpu.memory_space<vmem>>, vector<16xf32>,
      %get3A_873 = vector.shape_cast %get3A_872 : vector<16xf32> to vector<16xf32>
      %add3A_874 = arith.constant 240 : i32
      %add3A_875 = arith.addi %multiple_of3A_792, %add3A_874 : i32
      %get3A_876 = arith.index_cast %add3A_875 : i32 to index
      %get3A_877 = tpu.vector_load %arg7[%get3A_876] {strides = array<i32>} : memref<2048xf32, #tpu.memory_space<vmem>>, vector<16xf32>,
      %get3A_878 = vector.shape_cast %get3A_877 : vector<16xf32> to vector<16xf32>
      %parallel_loop3A_879 = arith.constant 0 : i32
      %parallel_loop3A_880 = arith.constant 32 : i32
      %parallel_loop3A_881 = arith.constant 1 : i32
      scf.for %parallel_loop3A_2044 = %parallel_loop3A_879 to %parallel_loop3A_880 step %parallel_loop3A_881  : i32 {
        %parallel_loop3A_2045 = arith.index_cast %parallel_loop3A_2044 : i32 to index
        %parallel_loop3A_2046 = arith.constant 0 : index
        %parallel_loop3A_2047 = tpu.vector_load %arg9[%parallel_loop3A_2045, %parallel_loop3A_2046] {strides = array<i32>} : memref<32x512xf32, #tpu.memory_space<vmem>>, vector<1x16xf32>,
        %parallel_loop3A_2048 = vector.shape_cast %parallel_loop3A_2047 : vector<1x16xf32> to vector<16xf32>
        %parallel_loop3A_2049 = vector.shape_cast %get3A_803 : vector<16xf32> to vector<1x16xf32>
        tpu.vector_store %arg9[%parallel_loop3A_2045, %parallel_loop3A_2046], %parallel_loop3A_2049 {add = true, strides = array<i32>} : memref<32x512xf32, #tpu.memory_space<vmem>>, vector<1x16xf32>,
        %parallel_loop3A_2050 = arith.index_cast %parallel_loop3A_2044 : i32 to index
        %parallel_loop3A_2051 = arith.constant 16 : index
        %parallel_loop3A_2052 = tpu.vector_load %arg9[%parallel_loop3A_2050, %parallel_loop3A_2051] {strides = array<i32>} : memref<32x512xf32, #tpu.memory_space<vmem>>, vector<1x16xf32>,
        %parallel_loop3A_2053 = vector.shape_cast %parallel_loop3A_2052 : vector<1x16xf32> to vector<16xf32>
        %parallel_loop3A_2054 = vector.shape_cast %get3A_808 : vector<16xf32> to vector<1x16xf32>
        tpu.vector_store %arg9[%parallel_loop3A_2050, %parallel_loop3A_2051], %parallel_loop3A_2054 {add = true, strides = array<i32>} : memref<32x512xf32, #tpu.memory_space<vmem>>, vector<1x16xf32>,
        %parallel_loop3A_2055 = arith.index_cast %parallel_loop3A_2044 : i32 to index
        %parallel_loop3A_2056 = arith.constant 32 : index
        %parallel_loop3A_2057 = tpu.vector_load %arg9[%parallel_loop3A_2055, %parallel_loop3A_2056] {strides = array<i32>} : memref<32x512xf32, #tpu.memory_space<vmem>>, vector<1x16xf32>,
        %parallel_loop3A_2058 = vector.shape_cast %parallel_loop3A_2057 : vector<1x16xf32> to vector<16xf32>
        %parallel_loop3A_2059 = vector.shape_cast %get3A_813 : vector<16xf32> to vector<1x16xf32>
        tpu.vector_store %arg9[%parallel_loop3A_2055, %parallel_loop3A_2056], %parallel_loop3A_2059 {add = true, strides = array<i32>} : memref<32x512xf32, #tpu.memory_space<vmem>>, vector<1x16xf32>,
        %parallel_loop3A_2060 = arith.index_cast %parallel_loop3A_2044 : i32 to index
        %parallel_loop3A_2061 = arith.constant 48 : index
        %parallel_loop3A_2062 = tpu.vector_load %arg9[%parallel_loop3A_2060, %parallel_loop3A_2061] {strides = array<i32>} : memref<32x512xf32, #tpu.memory_space<vmem>>, vector<1x16xf32>,
        %parallel_loop3A_2063 = vector.shape_cast %parallel_loop3A_2062 : vector<1x16xf32> to vector<16xf32>
        %parallel_loop3A_2064 = vector.shape_cast %get3A_818 : vector<16xf32> to vector<1x16xf32>
        tpu.vector_store %arg9[%parallel_loop3A_2060, %parallel_loop3A_2061], %parallel_loop3A_2064 {add = true, strides = array<i32>} : memref<32x512xf32, #tpu.memory_space<vmem>>, vector<1x16xf32>,
        %parallel_loop3A_2065 = arith.index_cast %parallel_loop3A_2044 : i32 to index
        %parallel_loop3A_2066 = arith.constant 64 : index
        %parallel_loop3A_2067 = tpu.vector_load %arg9[%parallel_loop3A_2065, %parallel_loop3A_2066] {strides = array<i32>} : memref<32x512xf32, #tpu.memory_space<vmem>>, vector<1x16xf32>,
        %parallel_loop3A_2068 = vector.shape_cast %parallel_loop3A_2067 : vector<1x16xf32> to vector<16xf32>
        %parallel_loop3A_2069 = vector.shape_cast %get3A_823 : vector<16xf32> to vector<1x16xf32>
        tpu.vector_store %arg9[%parallel_loop3A_2065, %parallel_loop3A_2066], %parallel_loop3A_2069 {add = true, strides = array<i32>} : memref<32x512xf32, #tpu.memory_space<vmem>>, vector<1x16xf32>,
        %parallel_loop3A_2070 = arith.index_cast %parallel_loop3A_2044 : i32 to index
        %parallel_loop3A_2071 = arith.constant 80 : index
        %parallel_loop3A_2072 = tpu.vector_load %arg9[%parallel_loop3A_2070, %parallel_loop3A_2071] {strides = array<i32>} : memref<32x512xf32, #tpu.memory_space<vmem>>, vector<1x16xf32>,
        %parallel_loop3A_2073 = vector.shape_cast %parallel_loop3A_2072 : vector<1x16xf32> to vector<16xf32>
        %parallel_loop3A_2074 = vector.shape_cast %get3A_828 : vector<16xf32> to vector<1x16xf32>
        tpu.vector_store %arg9[%parallel_loop3A_2070, %parallel_loop3A_2071], %parallel_loop3A_2074 {add = true, strides = array<i32>} : memref<32x512xf32, #tpu.memory_space<vmem>>, vector<1x16xf32>,
        %parallel_loop3A_2075 = arith.index_cast %parallel_loop3A_2044 : i32 to index
        %parallel_loop3A_2076 = arith.constant 96 : index
        %parallel_loop3A_2077 = tpu.vector_load %arg9[%parallel_loop3A_2075, %parallel_loop3A_2076] {strides = array<i32>} : memref<32x512xf32, #tpu.memory_space<vmem>>, vector<1x16xf32>,
        %parallel_loop3A_2078 = vector.shape_cast %parallel_loop3A_2077 : vector<1x16xf32> to vector<16xf32>
        %parallel_loop3A_2079 = vector.shape_cast %get3A_833 : vector<16xf32> to vector<1x16xf32>
        tpu.vector_store %arg9[%parallel_loop3A_2075, %parallel_loop3A_2076], %parallel_loop3A_2079 {add = true, strides = array<i32>} : memref<32x512xf32, #tpu.memory_space<vmem>>, vector<1x16xf32>,
        %parallel_loop3A_2080 = arith.index_cast %parallel_loop3A_2044 : i32 to index
        %parallel_loop3A_2081 = arith.constant 112 : index
        %parallel_loop3A_2082 = tpu.vector_load %arg9[%parallel_loop3A_2080, %parallel_loop3A_2081] {strides = array<i32>} : memref<32x512xf32, #tpu.memory_space<vmem>>, vector<1x16xf32>,
        %parallel_loop3A_2083 = vector.shape_cast %parallel_loop3A_2082 : vector<1x16xf32> to vector<16xf32>
        %parallel_loop3A_2084 = vector.shape_cast %get3A_838 : vector<16xf32> to vector<1x16xf32>
        tpu.vector_store %arg9[%parallel_loop3A_2080, %parallel_loop3A_2081], %parallel_loop3A_2084 {add = true, strides = array<i32>} : memref<32x512xf32, #tpu.memory_space<vmem>>, vector<1x16xf32>,
        %parallel_loop3A_2085 = arith.index_cast %parallel_loop3A_2044 : i32 to index
        %parallel_loop3A_2086 = arith.constant 128 : index
        %parallel_loop3A_2087 = tpu.vector_load %arg9[%parallel_loop3A_2085, %parallel_loop3A_2086] {strides = array<i32>} : memref<32x512xf32, #tpu.memory_space<vmem>>, vector<1x16xf32>,
        %parallel_loop3A_2088 = vector.shape_cast %parallel_loop3A_2087 : vector<1x16xf32> to vector<16xf32>
        %parallel_loop3A_2089 = vector.shape_cast %get3A_843 : vector<16xf32> to vector<1x16xf32>
        tpu.vector_store %arg9[%parallel_loop3A_2085, %parallel_loop3A_2086], %parallel_loop3A_2089 {add = true, strides = array<i32>} : memref<32x512xf32, #tpu.memory_space<vmem>>, vector<1x16xf32>,
        %parallel_loop3A_2090 = arith.index_cast %parallel_loop3A_2044 : i32 to index
        %parallel_loop3A_2091 = arith.constant 144 : index
        %parallel_loop3A_2092 = tpu.vector_load %arg9[%parallel_loop3A_2090, %parallel_loop3A_2091] {strides = array<i32>} : memref<32x512xf32, #tpu.memory_space<vmem>>, vector<1x16xf32>,
        %parallel_loop3A_2093 = vector.shape_cast %parallel_loop3A_2092 : vector<1x16xf32> to vector<16xf32>
        %parallel_loop3A_2094 = vector.shape_cast %get3A_848 : vector<16xf32> to vector<1x16xf32>
        tpu.vector_store %arg9[%parallel_loop3A_2090, %parallel_loop3A_2091], %parallel_loop3A_2094 {add = true, strides = array<i32>} : memref<32x512xf32, #tpu.memory_space<vmem>>, vector<1x16xf32>,
        %parallel_loop3A_2095 = arith.index_cast %parallel_loop3A_2044 : i32 to index
        %parallel_loop3A_2096 = arith.constant 160 : index
        %parallel_loop3A_2097 = tpu.vector_load %arg9[%parallel_loop3A_2095, %parallel_loop3A_2096] {strides = array<i32>} : memref<32x512xf32, #tpu.memory_space<vmem>>, vector<1x16xf32>,
        %parallel_loop3A_2098 = vector.shape_cast %parallel_loop3A_2097 : vector<1x16xf32> to vector<16xf32>
        %parallel_loop3A_2099 = vector.shape_cast %get3A_853 : vector<16xf32> to vector<1x16xf32>
        tpu.vector_store %arg9[%parallel_loop3A_2095, %parallel_loop3A_2096], %parallel_loop3A_2099 {add = true, strides = array<i32>} : memref<32x512xf32, #tpu.memory_space<vmem>>, vector<1x16xf32>,
        %parallel_loop3A_2100 = arith.index_cast %parallel_loop3A_2044 : i32 to index
        %parallel_loop3A_2101 = arith.constant 176 : index
        %parallel_loop3A_2102 = tpu.vector_load %arg9[%parallel_loop3A_2100, %parallel_loop3A_2101] {strides = array<i32>} : memref<32x512xf32, #tpu.memory_space<vmem>>, vector<1x16xf32>,
        %parallel_loop3A_2103 = vector.shape_cast %parallel_loop3A_2102 : vector<1x16xf32> to vector<16xf32>
        %parallel_loop3A_2104 = vector.shape_cast %get3A_858 : vector<16xf32> to vector<1x16xf32>
        tpu.vector_store %arg9[%parallel_loop3A_2100, %parallel_loop3A_2101], %parallel_loop3A_2104 {add = true, strides = array<i32>} : memref<32x512xf32, #tpu.memory_space<vmem>>, vector<1x16xf32>,
        %parallel_loop3A_2105 = arith.index_cast %parallel_loop3A_2044 : i32 to index
        %parallel_loop3A_2106 = arith.constant 192 : index
        %parallel_loop3A_2107 = tpu.vector_load %arg9[%parallel_loop3A_2105, %parallel_loop3A_2106] {strides = array<i32>} : memref<32x512xf32, #tpu.memory_space<vmem>>, vector<1x16xf32>,
        %parallel_loop3A_2108 = vector.shape_cast %parallel_loop3A_2107 : vector<1x16xf32> to vector<16xf32>
        %parallel_loop3A_2109 = vector.shape_cast %get3A_863 : vector<16xf32> to vector<1x16xf32>
        tpu.vector_store %arg9[%parallel_loop3A_2105, %parallel_loop3A_2106], %parallel_loop3A_2109 {add = true, strides = array<i32>} : memref<32x512xf32, #tpu.memory_space<vmem>>, vector<1x16xf32>,
        %parallel_loop3A_2110 = arith.index_cast %parallel_loop3A_2044 : i32 to index
        %parallel_loop3A_2111 = arith.constant 208 : index
        %parallel_loop3A_2112 = tpu.vector_load %arg9[%parallel_loop3A_2110, %parallel_loop3A_2111] {strides = array<i32>} : memref<32x512xf32, #tpu.memory_space<vmem>>, vector<1x16xf32>,
        %parallel_loop3A_2113 = vector.shape_cast %parallel_loop3A_2112 : vector<1x16xf32> to vector<16xf32>
        %parallel_loop3A_2114 = vector.shape_cast %get3A_868 : vector<16xf32> to vector<1x16xf32>
        tpu.vector_store %arg9[%parallel_loop3A_2110, %parallel_loop3A_2111], %parallel_loop3A_2114 {add = true, strides = array<i32>} : memref<32x512xf32, #tpu.memory_space<vmem>>, vector<1x16xf32>,
        %parallel_loop3A_2115 = arith.index_cast %parallel_loop3A_2044 : i32 to index
        %parallel_loop3A_2116 = arith.constant 224 : index
        %parallel_loop3A_2117 = tpu.vector_load %arg9[%parallel_loop3A_2115, %parallel_loop3A_2116] {strides = array<i32>} : memref<32x512xf32, #tpu.memory_space<vmem>>, vector<1x16xf32>,
        %parallel_loop3A_2118 = vector.shape_cast %parallel_loop3A_2117 : vector<1x16xf32> to vector<16xf32>
        %parallel_loop3A_2119 = vector.shape_cast %get3A_873 : vector<16xf32> to vector<1x16xf32>
        tpu.vector_store %arg9[%parallel_loop3A_2115, %parallel_loop3A_2116], %parallel_loop3A_2119 {add = true, strides = array<i32>} : memref<32x512xf32, #tpu.memory_space<vmem>>, vector<1x16xf32>,
        %parallel_loop3A_2120 = arith.index_cast %parallel_loop3A_2044 : i32 to index
        %parallel_loop3A_2121 = arith.constant 240 : index
        %parallel_loop3A_2122 = tpu.vector_load %arg9[%parallel_loop3A_2120, %parallel_loop3A_2121] {strides = array<i32>} : memref<32x512xf32, #tpu.memory_space<vmem>>, vector<1x16xf32>,
        %parallel_loop3A_2123 = vector.shape_cast %parallel_loop3A_2122 : vector<1x16xf32> to vector<16xf32>
        %parallel_loop3A_2124 = vector.shape_cast %get3A_878 : vector<16xf32> to vector<1x16xf32>
        tpu.vector_store %arg9[%parallel_loop3A_2120, %parallel_loop3A_2121], %parallel_loop3A_2124 {add = true, strides = array<i32>} : memref<32x512xf32, #tpu.memory_space<vmem>>, vector<1x16xf32>,
      } {sc.loop_unroll_factor = 1 : i64, sc.parallel_access}
      %add3A_882 = arith.constant 256 : i32
      %add3A_883 = arith.addi %multiple_of3A_792, %add3A_882 : i32
      %get3A_884 = arith.index_cast %add3A_883 : i32 to index
      %get3A_885 = tpu.vector_load %arg7[%get3A_884] {strides = array<i32>} : memref<2048xf32, #tpu.memory_space<vmem>>, vector<16xf32>,
      %get3A_886 = vector.shape_cast %get3A_885 : vector<16xf32> to vector<16xf32>
      %add3A_887 = arith.constant 272 : i32
      %add3A_888 = arith.addi %multiple_of3A_792, %add3A_887 : i32
      %get3A_889 = arith.index_cast %add3A_888 : i32 to index
      %get3A_890 = tpu.vector_load %arg7[%get3A_889] {strides = array<i32>} : memref<2048xf32, #tpu.memory_space<vmem>>, vector<16xf32>,
      %get3A_891 = vector.shape_cast %get3A_890 : vector<16xf32> to vector<16xf32>
      %add3A_892 = arith.constant 288 : i32
      %add3A_893 = arith.addi %multiple_of3A_792, %add3A_892 : i32
      %get3A_894 = arith.index_cast %add3A_893 : i32 to index
      %get3A_895 = tpu.vector_load %arg7[%get3A_894] {strides = array<i32>} : memref<2048xf32, #tpu.memory_space<vmem>>, vector<16xf32>,
      %get3A_896 = vector.shape_cast %get3A_895 : vector<16xf32> to vector<16xf32>
      %add3A_897 = arith.constant 304 : i32
      %add3A_898 = arith.addi %multiple_of3A_792, %add3A_897 : i32
      %get3A_899 = arith.index_cast %add3A_898 : i32 to index
      %get3A_900 = tpu.vector_load %arg7[%get3A_899] {strides = array<i32>} : memref<2048xf32, #tpu.memory_space<vmem>>, vector<16xf32>,
      %get3A_901 = vector.shape_cast %get3A_900 : vector<16xf32> to vector<16xf32>
      %add3A_902 = arith.constant 320 : i32
      %add3A_903 = arith.addi %multiple_of3A_792, %add3A_902 : i32
      %get3A_904 = arith.index_cast %add3A_903 : i32 to index
      %get3A_905 = tpu.vector_load %arg7[%get3A_904] {strides = array<i32>} : memref<2048xf32, #tpu.memory_space<vmem>>, vector<16xf32>,
      %get3A_906 = vector.shape_cast %get3A_905 : vector<16xf32> to vector<16xf32>
      %add3A_907 = arith.constant 336 : i32
      %add3A_908 = arith.addi %multiple_of3A_792, %add3A_907 : i32
      %get3A_909 = arith.index_cast %add3A_908 : i32 to index
      %get3A_910 = tpu.vector_load %arg7[%get3A_909] {strides = array<i32>} : memref<2048xf32, #tpu.memory_space<vmem>>, vector<16xf32>,
      %get3A_911 = vector.shape_cast %get3A_910 : vector<16xf32> to vector<16xf32>
      %add3A_912 = arith.constant 352 : i32
      %add3A_913 = arith.addi %multiple_of3A_792, %add3A_912 : i32
      %get3A_914 = arith.index_cast %add3A_913 : i32 to index
      %get3A_915 = tpu.vector_load %arg7[%get3A_914] {strides = array<i32>} : memref<2048xf32, #tpu.memory_space<vmem>>, vector<16xf32>,
      %get3A_916 = vector.shape_cast %get3A_915 : vector<16xf32> to vector<16xf32>
      %add3A_917 = arith.constant 368 : i32
      %add3A_918 = arith.addi %multiple_of3A_792, %add3A_917 : i32
      %get3A_919 = arith.index_cast %add3A_918 : i32 to index
      %get3A_920 = tpu.vector_load %arg7[%get3A_919] {strides = array<i32>} : memref<2048xf32, #tpu.memory_space<vmem>>, vector<16xf32>,
      %get3A_921 = vector.shape_cast %get3A_920 : vector<16xf32> to vector<16xf32>
      %add3A_922 = arith.constant 384 : i32
      %add3A_923 = arith.addi %multiple_of3A_792, %add3A_922 : i32
      %get3A_924 = arith.index_cast %add3A_923 : i32 to index
      %get3A_925 = tpu.vector_load %arg7[%get3A_924] {strides = array<i32>} : memref<2048xf32, #tpu.memory_space<vmem>>, vector<16xf32>,
      %get3A_926 = vector.shape_cast %get3A_925 : vector<16xf32> to vector<16xf32>
      %add3A_927 = arith.constant 400 : i32
      %add3A_928 = arith.addi %multiple_of3A_792, %add3A_927 : i32
      %get3A_929 = arith.index_cast %add3A_928 : i32 to index
      %get3A_930 = tpu.vector_load %arg7[%get3A_929] {strides = array<i32>} : memref<2048xf32, #tpu.memory_space<vmem>>, vector<16xf32>,
      %get3A_931 = vector.shape_cast %get3A_930 : vector<16xf32> to vector<16xf32>
      %add3A_932 = arith.constant 416 : i32
      %add3A_933 = arith.addi %multiple_of3A_792, %add3A_932 : i32
      %get3A_934 = arith.index_cast %add3A_933 : i32 to index
      %get3A_935 = tpu.vector_load %arg7[%get3A_934] {strides = array<i32>} : memref<2048xf32, #tpu.memory_space<vmem>>, vector<16xf32>,
      %get3A_936 = vector.shape_cast %get3A_935 : vector<16xf32> to vector<16xf32>
      %add3A_937 = arith.constant 432 : i32
      %add3A_938 = arith.addi %multiple_of3A_792, %add3A_937 : i32
      %get3A_939 = arith.index_cast %add3A_938 : i32 to index
      %get3A_940 = tpu.vector_load %arg7[%get3A_939] {strides = array<i32>} : memref<2048xf32, #tpu.memory_space<vmem>>, vector<16xf32>,
      %get3A_941 = vector.shape_cast %get3A_940 : vector<16xf32> to vector<16xf32>
      %add3A_942 = arith.constant 448 : i32
      %add3A_943 = arith.addi %multiple_of3A_792, %add3A_942 : i32
      %get3A_944 = arith.index_cast %add3A_943 : i32 to index
      %get3A_945 = tpu.vector_load %arg7[%get3A_944] {strides = array<i32>} : memref<2048xf32, #tpu.memory_space<vmem>>, vector<16xf32>,
      %get3A_946 = vector.shape_cast %get3A_945 : vector<16xf32> to vector<16xf32>
      %add3A_947 = arith.constant 464 : i32
      %add3A_948 = arith.addi %multiple_of3A_792, %add3A_947 : i32
      %get3A_949 = arith.index_cast %add3A_948 : i32 to index
      %get3A_950 = tpu.vector_load %arg7[%get3A_949] {strides = array<i32>} : memref<2048xf32, #tpu.memory_space<vmem>>, vector<16xf32>,
      %get3A_951 = vector.shape_cast %get3A_950 : vector<16xf32> to vector<16xf32>
      %add3A_952 = arith.constant 480 : i32
      %add3A_953 = arith.addi %multiple_of3A_792, %add3A_952 : i32
      %get3A_954 = arith.index_cast %add3A_953 : i32 to index
      %get3A_955 = tpu.vector_load %arg7[%get3A_954] {strides = array<i32>} : memref<2048xf32, #tpu.memory_space<vmem>>, vector<16xf32>,
      %get3A_956 = vector.shape_cast %get3A_955 : vector<16xf32> to vector<16xf32>
      %add3A_957 = arith.constant 496 : i32
      %add3A_958 = arith.addi %multiple_of3A_792, %add3A_957 : i32
      %get3A_959 = arith.index_cast %add3A_958 : i32 to index
      %get3A_960 = tpu.vector_load %arg7[%get3A_959] {strides = array<i32>} : memref<2048xf32, #tpu.memory_space<vmem>>, vector<16xf32>,
      %get3A_961 = vector.shape_cast %get3A_960 : vector<16xf32> to vector<16xf32>
      %parallel_loop3A_962 = arith.constant 0 : i32
      %parallel_loop3A_963 = arith.constant 32 : i32
      %parallel_loop3A_964 = arith.constant 1 : i32
      scf.for %parallel_loop3A_2044 = %parallel_loop3A_962 to %parallel_loop3A_963 step %parallel_loop3A_964  : i32 {
        %parallel_loop3A_2045 = arith.index_cast %parallel_loop3A_2044 : i32 to index
        %parallel_loop3A_2046 = arith.constant 256 : index
        %parallel_loop3A_2047 = tpu.vector_load %arg9[%parallel_loop3A_2045, %parallel_loop3A_2046] {strides = array<i32>} : memref<32x512xf32, #tpu.memory_space<vmem>>, vector<1x16xf32>,
        %parallel_loop3A_2048 = vector.shape_cast %parallel_loop3A_2047 : vector<1x16xf32> to vector<16xf32>
        %parallel_loop3A_2049 = vector.shape_cast %get3A_886 : vector<16xf32> to vector<1x16xf32>
        tpu.vector_store %arg9[%parallel_loop3A_2045, %parallel_loop3A_2046], %parallel_loop3A_2049 {add = true, strides = array<i32>} : memref<32x512xf32, #tpu.memory_space<vmem>>, vector<1x16xf32>,
        %parallel_loop3A_2050 = arith.index_cast %parallel_loop3A_2044 : i32 to index
        %parallel_loop3A_2051 = arith.constant 272 : index
        %parallel_loop3A_2052 = tpu.vector_load %arg9[%parallel_loop3A_2050, %parallel_loop3A_2051] {strides = array<i32>} : memref<32x512xf32, #tpu.memory_space<vmem>>, vector<1x16xf32>,
        %parallel_loop3A_2053 = vector.shape_cast %parallel_loop3A_2052 : vector<1x16xf32> to vector<16xf32>
        %parallel_loop3A_2054 = vector.shape_cast %get3A_891 : vector<16xf32> to vector<1x16xf32>
        tpu.vector_store %arg9[%parallel_loop3A_2050, %parallel_loop3A_2051], %parallel_loop3A_2054 {add = true, strides = array<i32>} : memref<32x512xf32, #tpu.memory_space<vmem>>, vector<1x16xf32>,
        %parallel_loop3A_2055 = arith.index_cast %parallel_loop3A_2044 : i32 to index
        %parallel_loop3A_2056 = arith.constant 288 : index
        %parallel_loop3A_2057 = tpu.vector_load %arg9[%parallel_loop3A_2055, %parallel_loop3A_2056] {strides = array<i32>} : memref<32x512xf32, #tpu.memory_space<vmem>>, vector<1x16xf32>,
        %parallel_loop3A_2058 = vector.shape_cast %parallel_loop3A_2057 : vector<1x16xf32> to vector<16xf32>
        %parallel_loop3A_2059 = vector.shape_cast %get3A_896 : vector<16xf32> to vector<1x16xf32>
        tpu.vector_store %arg9[%parallel_loop3A_2055, %parallel_loop3A_2056], %parallel_loop3A_2059 {add = true, strides = array<i32>} : memref<32x512xf32, #tpu.memory_space<vmem>>, vector<1x16xf32>,
        %parallel_loop3A_2060 = arith.index_cast %parallel_loop3A_2044 : i32 to index
        %parallel_loop3A_2061 = arith.constant 304 : index
        %parallel_loop3A_2062 = tpu.vector_load %arg9[%parallel_loop3A_2060, %parallel_loop3A_2061] {strides = array<i32>} : memref<32x512xf32, #tpu.memory_space<vmem>>, vector<1x16xf32>,
        %parallel_loop3A_2063 = vector.shape_cast %parallel_loop3A_2062 : vector<1x16xf32> to vector<16xf32>
        %parallel_loop3A_2064 = vector.shape_cast %get3A_901 : vector<16xf32> to vector<1x16xf32>
        tpu.vector_store %arg9[%parallel_loop3A_2060, %parallel_loop3A_2061], %parallel_loop3A_2064 {add = true, strides = array<i32>} : memref<32x512xf32, #tpu.memory_space<vmem>>, vector<1x16xf32>,
        %parallel_loop3A_2065 = arith.index_cast %parallel_loop3A_2044 : i32 to index
        %parallel_loop3A_2066 = arith.constant 320 : index
        %parallel_loop3A_2067 = tpu.vector_load %arg9[%parallel_loop3A_2065, %parallel_loop3A_2066] {strides = array<i32>} : memref<32x512xf32, #tpu.memory_space<vmem>>, vector<1x16xf32>,
        %parallel_loop3A_2068 = vector.shape_cast %parallel_loop3A_2067 : vector<1x16xf32> to vector<16xf32>
        %parallel_loop3A_2069 = vector.shape_cast %get3A_906 : vector<16xf32> to vector<1x16xf32>
        tpu.vector_store %arg9[%parallel_loop3A_2065, %parallel_loop3A_2066], %parallel_loop3A_2069 {add = true, strides = array<i32>} : memref<32x512xf32, #tpu.memory_space<vmem>>, vector<1x16xf32>,
        %parallel_loop3A_2070 = arith.index_cast %parallel_loop3A_2044 : i32 to index
        %parallel_loop3A_2071 = arith.constant 336 : index
        %parallel_loop3A_2072 = tpu.vector_load %arg9[%parallel_loop3A_2070, %parallel_loop3A_2071] {strides = array<i32>} : memref<32x512xf32, #tpu.memory_space<vmem>>, vector<1x16xf32>,
        %parallel_loop3A_2073 = vector.shape_cast %parallel_loop3A_2072 : vector<1x16xf32> to vector<16xf32>
        %parallel_loop3A_2074 = vector.shape_cast %get3A_911 : vector<16xf32> to vector<1x16xf32>
        tpu.vector_store %arg9[%parallel_loop3A_2070, %parallel_loop3A_2071], %parallel_loop3A_2074 {add = true, strides = array<i32>} : memref<32x512xf32, #tpu.memory_space<vmem>>, vector<1x16xf32>,
        %parallel_loop3A_2075 = arith.index_cast %parallel_loop3A_2044 : i32 to index
        %parallel_loop3A_2076 = arith.constant 352 : index
        %parallel_loop3A_2077 = tpu.vector_load %arg9[%parallel_loop3A_2075, %parallel_loop3A_2076] {strides = array<i32>} : memref<32x512xf32, #tpu.memory_space<vmem>>, vector<1x16xf32>,
        %parallel_loop3A_2078 = vector.shape_cast %parallel_loop3A_2077 : vector<1x16xf32> to vector<16xf32>
        %parallel_loop3A_2079 = vector.shape_cast %get3A_916 : vector<16xf32> to vector<1x16xf32>
        tpu.vector_store %arg9[%parallel_loop3A_2075, %parallel_loop3A_2076], %parallel_loop3A_2079 {add = true, strides = array<i32>} : memref<32x512xf32, #tpu.memory_space<vmem>>, vector<1x16xf32>,
        %parallel_loop3A_2080 = arith.index_cast %parallel_loop3A_2044 : i32 to index
        %parallel_loop3A_2081 = arith.constant 368 : index
        %parallel_loop3A_2082 = tpu.vector_load %arg9[%parallel_loop3A_2080, %parallel_loop3A_2081] {strides = array<i32>} : memref<32x512xf32, #tpu.memory_space<vmem>>, vector<1x16xf32>,
        %parallel_loop3A_2083 = vector.shape_cast %parallel_loop3A_2082 : vector<1x16xf32> to vector<16xf32>
        %parallel_loop3A_2084 = vector.shape_cast %get3A_921 : vector<16xf32> to vector<1x16xf32>
        tpu.vector_store %arg9[%parallel_loop3A_2080, %parallel_loop3A_2081], %parallel_loop3A_2084 {add = true, strides = array<i32>} : memref<32x512xf32, #tpu.memory_space<vmem>>, vector<1x16xf32>,
        %parallel_loop3A_2085 = arith.index_cast %parallel_loop3A_2044 : i32 to index
        %parallel_loop3A_2086 = arith.constant 384 : index
        %parallel_loop3A_2087 = tpu.vector_load %arg9[%parallel_loop3A_2085, %parallel_loop3A_2086] {strides = array<i32>} : memref<32x512xf32, #tpu.memory_space<vmem>>, vector<1x16xf32>,
        %parallel_loop3A_2088 = vector.shape_cast %parallel_loop3A_2087 : vector<1x16xf32> to vector<16xf32>
        %parallel_loop3A_2089 = vector.shape_cast %get3A_926 : vector<16xf32> to vector<1x16xf32>
        tpu.vector_store %arg9[%parallel_loop3A_2085, %parallel_loop3A_2086], %parallel_loop3A_2089 {add = true, strides = array<i32>} : memref<32x512xf32, #tpu.memory_space<vmem>>, vector<1x16xf32>,
        %parallel_loop3A_2090 = arith.index_cast %parallel_loop3A_2044 : i32 to index
        %parallel_loop3A_2091 = arith.constant 400 : index
        %parallel_loop3A_2092 = tpu.vector_load %arg9[%parallel_loop3A_2090, %parallel_loop3A_2091] {strides = array<i32>} : memref<32x512xf32, #tpu.memory_space<vmem>>, vector<1x16xf32>,
        %parallel_loop3A_2093 = vector.shape_cast %parallel_loop3A_2092 : vector<1x16xf32> to vector<16xf32>
        %parallel_loop3A_2094 = vector.shape_cast %get3A_931 : vector<16xf32> to vector<1x16xf32>
        tpu.vector_store %arg9[%parallel_loop3A_2090, %parallel_loop3A_2091], %parallel_loop3A_2094 {add = true, strides = array<i32>} : memref<32x512xf32, #tpu.memory_space<vmem>>, vector<1x16xf32>,
        %parallel_loop3A_2095 = arith.index_cast %parallel_loop3A_2044 : i32 to index
        %parallel_loop3A_2096 = arith.constant 416 : index
        %parallel_loop3A_2097 = tpu.vector_load %arg9[%parallel_loop3A_2095, %parallel_loop3A_2096] {strides = array<i32>} : memref<32x512xf32, #tpu.memory_space<vmem>>, vector<1x16xf32>,
        %parallel_loop3A_2098 = vector.shape_cast %parallel_loop3A_2097 : vector<1x16xf32> to vector<16xf32>
        %parallel_loop3A_2099 = vector.shape_cast %get3A_936 : vector<16xf32> to vector<1x16xf32>
        tpu.vector_store %arg9[%parallel_loop3A_2095, %parallel_loop3A_2096], %parallel_loop3A_2099 {add = true, strides = array<i32>} : memref<32x512xf32, #tpu.memory_space<vmem>>, vector<1x16xf32>,
        %parallel_loop3A_2100 = arith.index_cast %parallel_loop3A_2044 : i32 to index
        %parallel_loop3A_2101 = arith.constant 432 : index
        %parallel_loop3A_2102 = tpu.vector_load %arg9[%parallel_loop3A_2100, %parallel_loop3A_2101] {strides = array<i32>} : memref<32x512xf32, #tpu.memory_space<vmem>>, vector<1x16xf32>,
        %parallel_loop3A_2103 = vector.shape_cast %parallel_loop3A_2102 : vector<1x16xf32> to vector<16xf32>
        %parallel_loop3A_2104 = vector.shape_cast %get3A_941 : vector<16xf32> to vector<1x16xf32>
        tpu.vector_store %arg9[%parallel_loop3A_2100, %parallel_loop3A_2101], %parallel_loop3A_2104 {add = true, strides = array<i32>} : memref<32x512xf32, #tpu.memory_space<vmem>>, vector<1x16xf32>,
        %parallel_loop3A_2105 = arith.index_cast %parallel_loop3A_2044 : i32 to index
        %parallel_loop3A_2106 = arith.constant 448 : index
        %parallel_loop3A_2107 = tpu.vector_load %arg9[%parallel_loop3A_2105, %parallel_loop3A_2106] {strides = array<i32>} : memref<32x512xf32, #tpu.memory_space<vmem>>, vector<1x16xf32>,
        %parallel_loop3A_2108 = vector.shape_cast %parallel_loop3A_2107 : vector<1x16xf32> to vector<16xf32>
        %parallel_loop3A_2109 = vector.shape_cast %get3A_946 : vector<16xf32> to vector<1x16xf32>
        tpu.vector_store %arg9[%parallel_loop3A_2105, %parallel_loop3A_2106], %parallel_loop3A_2109 {add = true, strides = array<i32>} : memref<32x512xf32, #tpu.memory_space<vmem>>, vector<1x16xf32>,
        %parallel_loop3A_2110 = arith.index_cast %parallel_loop3A_2044 : i32 to index
        %parallel_loop3A_2111 = arith.constant 464 : index
        %parallel_loop3A_2112 = tpu.vector_load %arg9[%parallel_loop3A_2110, %parallel_loop3A_2111] {strides = array<i32>} : memref<32x512xf32, #tpu.memory_space<vmem>>, vector<1x16xf32>,
        %parallel_loop3A_2113 = vector.shape_cast %parallel_loop3A_2112 : vector<1x16xf32> to vector<16xf32>
        %parallel_loop3A_2114 = vector.shape_cast %get3A_951 : vector<16xf32> to vector<1x16xf32>
        tpu.vector_store %arg9[%parallel_loop3A_2110, %parallel_loop3A_2111], %parallel_loop3A_2114 {add = true, strides = array<i32>} : memref<32x512xf32, #tpu.memory_space<vmem>>, vector<1x16xf32>,
        %parallel_loop3A_2115 = arith.index_cast %parallel_loop3A_2044 : i32 to index
        %parallel_loop3A_2116 = arith.constant 480 : index
        %parallel_loop3A_2117 = tpu.vector_load %arg9[%parallel_loop3A_2115, %parallel_loop3A_2116] {strides = array<i32>} : memref<32x512xf32, #tpu.memory_space<vmem>>, vector<1x16xf32>,
        %parallel_loop3A_2118 = vector.shape_cast %parallel_loop3A_2117 : vector<1x16xf32> to vector<16xf32>
        %parallel_loop3A_2119 = vector.shape_cast %get3A_956 : vector<16xf32> to vector<1x16xf32>
        tpu.vector_store %arg9[%parallel_loop3A_2115, %parallel_loop3A_2116], %parallel_loop3A_2119 {add = true, strides = array<i32>} : memref<32x512xf32, #tpu.memory_space<vmem>>, vector<1x16xf32>,
        %parallel_loop3A_2120 = arith.index_cast %parallel_loop3A_2044 : i32 to index
        %parallel_loop3A_2121 = arith.constant 496 : index
        %parallel_loop3A_2122 = tpu.vector_load %arg9[%parallel_loop3A_2120, %parallel_loop3A_2121] {strides = array<i32>} : memref<32x512xf32, #tpu.memory_space<vmem>>, vector<1x16xf32>,
        %parallel_loop3A_2123 = vector.shape_cast %parallel_loop3A_2122 : vector<1x16xf32> to vector<16xf32>
        %parallel_loop3A_2124 = vector.shape_cast %get3A_961 : vector<16xf32> to vector<1x16xf32>
        tpu.vector_store %arg9[%parallel_loop3A_2120, %parallel_loop3A_2121], %parallel_loop3A_2124 {add = true, strides = array<i32>} : memref<32x512xf32, #tpu.memory_space<vmem>>, vector<1x16xf32>,
      } {sc.loop_unroll_factor = 1 : i64, sc.parallel_access}
      %dma_start3A_965 = arith.constant 0 : i32
      %dma_start3A_966 = arith.constant 0 : i32
      %dma_start3A_967 = tpu.memref_slice %arg5[%dma_start3A_965, %dma_start3A_966] : memref<131072x512xf32, #tpu.memory_space<hbm>> -> memref<131072x512xf32, #tpu.memory_space<hbm>>
      tpu.enqueue_indirect_dma source(%arg9 : memref<32x512xf32, #tpu.memory_space<vmem>>) target(%dma_start3A_967 : memref<131072x512xf32, #tpu.memory_space<hbm>>) offsets(%arg15 : memref<32xi32, #tpu.memory_space<vmem>>) semaphore(%arg27 : memref<!tpu.dma_semaphore, #tpu.memory_space<semaphore_mem>>)
      %ge3A_968 = arith.constant 2 : i32
      %ge3A_969 = arith.cmpi sge, %add3A_717, %ge3A_968 : i32
      %convert_element_type3A_970 = arith.extui %ge3A_969 : i1 to i32
      %cond3A_971 = arith.constant 0 : i32
      %cond3A_972 = arith.cmpi ne, %convert_element_type3A_970, %cond3A_971 : i32
      scf.if %cond3A_972 {
        %sub3A_2044 = arith.constant 2 : i32
        %sub3A_2045 = arith.subi %add3A_717, %sub3A_2044 : i32
        %dma_wait3A_2046 = arith.constant 0 : i32
        %dma_wait3A_2047 = arith.constant 0 : i32
        %dma_wait3A_2048 = tpu.memref_slice %arg5[%dma_wait3A_2046, %dma_wait3A_2047] : memref<131072x512xf32, #tpu.memory_space<hbm>> -> memref<131072x512xf32, #tpu.memory_space<hbm>>
        tpu.wait_indirect_dma semaphore(%arg31 : memref<!tpu.dma_semaphore, #tpu.memory_space<semaphore_mem>>) src(%arg13 : memref<32x512xf32, #tpu.memory_space<vmem>>) dst(%dma_wait3A_2048 : memref<131072x512xf32, #tpu.memory_space<hbm>>)
      } else {
      }
      %add3A_973 = arith.constant 4 : i32
      %add3A_974 = arith.addi %add3A_717, %add3A_973 : i32
      %lt3A_975 = arith.constant 128 : i32
      %lt3A_976 = arith.cmpi slt, %add3A_974, %lt3A_975 : i32
      %convert_element_type3A_977 = arith.extui %lt3A_976 : i1 to i32
      %cond3A_978 = arith.constant 0 : i32
      %cond3A_979 = arith.cmpi ne, %convert_element_type3A_977, %cond3A_978 : i32
      scf.if %cond3A_979 {
        %add3A_2044 = arith.constant 4 : i32
        %add3A_2045 = arith.addi %add3A_717, %add3A_2044 : i32
        %dma_start3A_2046 = arith.constant 0 : i32
        %dma_start3A_2047 = tpu.memref_slice %arg6[%add3A_2045, %dma_start3A_2046] : memref<128x32xi32, #tpu.memory_space<vmem>> -> memref<1x32xi32, #tpu.memory_space<vmem>>
        %dma_start3A_2048 = tpu.memref_squeeze %dma_start3A_2047 : memref<1x32xi32, #tpu.memory_space<vmem>> -> memref<32xi32, #tpu.memory_space<vmem>>
        %dma_start3A_2049 = arith.constant 0 : i32
        %dma_start3A_2050 = arith.constant 0 : i32
        %dma_start3A_2051 = tpu.memref_slice %arg4[%dma_start3A_2049, %dma_start3A_2050] : memref<100000x512xf32, #tpu.memory_space<hbm>> -> memref<100000x512xf32, #tpu.memory_space<hbm>>
        tpu.enqueue_indirect_dma source(%dma_start3A_2051 : memref<100000x512xf32, #tpu.memory_space<hbm>>) target(%arg13 : memref<32x512xf32, #tpu.memory_space<vmem>>) offsets(%dma_start3A_2048 : memref<32xi32, #tpu.memory_space<vmem>>) semaphore(%arg25 : memref<!tpu.dma_semaphore, #tpu.memory_space<semaphore_mem>>)
      } else {
      }
      %mul3A_980 = arith.constant 6 : i32
      %mul3A_981 = arith.muli %scan3A_460, %mul3A_980 : i32
      %add3A_982 = arith.constant 2 : i32
      %add3A_983 = arith.addi %mul3A_981, %add3A_982 : i32
      %jit3A_984 = arith.constant 32 : i32
      %div3A_985 = arith.divsi %add3A_983, %jit3A_984 : i32
      %sign3A_986 = arith.constant 0 : i32
      %sign3A_987 = arith.cmpi sgt, %add3A_983, %sign3A_986 : i32
      %sign3A_988 = arith.extui %sign3A_987 : i1 to i32
      %sign3A_989 = arith.constant 0 : i32
      %sign3A_990 = arith.cmpi slt, %add3A_983, %sign3A_989 : i32
      %sign3A_991 = arith.extui %sign3A_990 : i1 to i32
      %sign3A_992 = arith.subi %sign3A_988, %sign3A_991 : i32
      %sign3A_993 = arith.constant 0 : i32
      %sign3A_994 = arith.cmpi sgt, %jit3A_984, %sign3A_993 : i32
      %sign3A_995 = arith.extui %sign3A_994 : i1 to i32
      %sign3A_996 = arith.constant 0 : i32
      %sign3A_997 = arith.cmpi slt, %jit3A_984, %sign3A_996 : i32
      %sign3A_998 = arith.extui %sign3A_997 : i1 to i32
      %sign3A_999 = arith.subi %sign3A_995, %sign3A_998 : i32
      %ne3A_1000 = arith.cmpi ne, %sign3A_992, %sign3A_999 : i32
      %rem3A_1001 = arith.remsi %add3A_983, %jit3A_984 : i32
      %ne3A_1002 = arith.constant 0 : i32
      %ne3A_1003 = arith.cmpi ne, %rem3A_1001, %ne3A_1002 : i32
      %and3A_1004 = arith.andi %ne3A_1000, %ne3A_1003 : i1
      %sub3A_1005 = arith.constant 1 : i32
      %sub3A_1006 = arith.subi %div3A_985, %sub3A_1005 : i32
      %select_n3A_1007 = arith.select %and3A_1004, %sub3A_1006, %div3A_985 : i32
      %jit3A_1008 = arith.constant 32 : i32
      %eq3A_1009 = arith.constant 0 : i32
      %eq3A_1010 = arith.cmpi eq, %jit3A_1008, %eq3A_1009 : i32
      %jit3A_1011 = arith.constant 1 : i32
      %select_n3A_1012 = arith.select %eq3A_1010, %jit3A_1011, %jit3A_1008 : i32
      %rem3A_1013 = arith.remsi %add3A_983, %select_n3A_1012 : i32
      %ne3A_1014 = arith.constant 0 : i32
      %ne3A_1015 = arith.cmpi ne, %rem3A_1013, %ne3A_1014 : i32
      %lt3A_1016 = arith.constant 0 : i32
      %lt3A_1017 = arith.cmpi slt, %rem3A_1013, %lt3A_1016 : i32
      %lt3A_1018 = arith.constant 0 : i32
      %lt3A_1019 = arith.cmpi slt, %select_n3A_1012, %lt3A_1018 : i32
      %ne3A_1020 = arith.xori %lt3A_1017, %lt3A_1019 : i1
      %and3A_1021 = arith.andi %ne3A_1020, %ne3A_1015 : i1
      %add3A_1022 = arith.addi %rem3A_1013, %select_n3A_1012 : i32
      %select_n3A_1023 = arith.select %and3A_1021, %add3A_1022, %rem3A_1013 : i32
      %mul3A_1024 = arith.constant 32 : i32
      %mul3A_1025 = arith.muli %select_n3A_1023, %mul3A_1024 : i32
      %mul3A_1026 = arith.constant 128 : i32
      %mul3A_1027 = arith.muli %mul3A_1025, %mul3A_1026 : i32
      %mul3A_1028 = arith.constant 4 : i32
      %mul3A_1029 = arith.muli %add3A, %mul3A_1028 : i32
      %add3A_1030 = arith.addi %mul3A_1027, %mul3A_1029 : i32
      %add3A_1031 = arith.addi %add3A_1030, %select_n3A_1007 : i32
      %add3A_1032 = arith.constant 0 : i32
      %add3A_1033 = vector.broadcast %add3A_1032 : i32 to vector<16xi32>
      %add3A_1034 = arith.addi %iota3A, %add3A_1033 : vector<16xi32>
      %mul3A_1035 = arith.constant 128 : i32
      %mul3A_1036 = vector.broadcast %mul3A_1035 : i32 to vector<16xi32>
      %mul3A_1037 = arith.muli %add3A_1034, %mul3A_1036 : vector<16xi32>
      %add3A_1038 = vector.broadcast %add3A_1031 : i32 to vector<16xi32>
      %add3A_1039 = arith.addi %add3A_1038, %mul3A_1037 : vector<16xi32>
      %swap3A_1040 = arith.constant 0 : index
      %swap3A_1041 = tpu.vector_load %arg16[%swap3A_1040] {strides = array<i32>} : memref<32xi32, #tpu.memory_space<vmem>>, vector<16xi32>,
      %swap3A_1042 = vector.shape_cast %swap3A_1041 : vector<16xi32> to vector<16xi32>
      %swap3A_1043 = vector.shape_cast %add3A_1039 : vector<16xi32> to vector<16xi32>
      tpu.vector_store %arg16[%swap3A_1040], %swap3A_1043 {strides = array<i32>} : memref<32xi32, #tpu.memory_space<vmem>>, vector<16xi32>,
      %add3A_1044 = arith.constant 16 : i32
      %add3A_1045 = vector.broadcast %add3A_1044 : i32 to vector<16xi32>
      %add3A_1046 = arith.addi %iota3A, %add3A_1045 : vector<16xi32>
      %mul3A_1047 = arith.constant 128 : i32
      %mul3A_1048 = vector.broadcast %mul3A_1047 : i32 to vector<16xi32>
      %mul3A_1049 = arith.muli %add3A_1046, %mul3A_1048 : vector<16xi32>
      %add3A_1050 = vector.broadcast %add3A_1031 : i32 to vector<16xi32>
      %add3A_1051 = arith.addi %add3A_1050, %mul3A_1049 : vector<16xi32>
      %swap3A_1052 = arith.constant 16 : index
      %swap3A_1053 = tpu.vector_load %arg16[%swap3A_1052] {strides = array<i32>} : memref<32xi32, #tpu.memory_space<vmem>>, vector<16xi32>,
      %swap3A_1054 = vector.shape_cast %swap3A_1053 : vector<16xi32> to vector<16xi32>
      %swap3A_1055 = vector.shape_cast %add3A_1051 : vector<16xi32> to vector<16xi32>
      tpu.vector_store %arg16[%swap3A_1052], %swap3A_1055 {strides = array<i32>} : memref<32xi32, #tpu.memory_space<vmem>>, vector<16xi32>,
      %mul3A_1056 = arith.constant 512 : i32
      %mul3A_1057 = arith.muli %select_n3A_1007, %mul3A_1056 : i32
      %multiple_of3A_1058 = tpu.assume_multiple %mul3A_1057, 16 : i32
      %dma_wait3A_1059 = arith.constant 0 : i32
      %dma_wait3A_1060 = tpu.memref_slice %arg6[%add3A_983, %dma_wait3A_1059] : memref<128x32xi32, #tpu.memory_space<vmem>> -> memref<1x32xi32, #tpu.memory_space<vmem>>
      %dma_wait3A_1061 = tpu.memref_squeeze %dma_wait3A_1060 : memref<1x32xi32, #tpu.memory_space<vmem>> -> memref<32xi32, #tpu.memory_space<vmem>>
      %dma_wait3A_1062 = arith.constant 0 : i32
      %dma_wait3A_1063 = arith.constant 0 : i32
      %dma_wait3A_1064 = tpu.memref_slice %arg4[%dma_wait3A_1062, %dma_wait3A_1063] : memref<100000x512xf32, #tpu.memory_space<hbm>> -> memref<100000x512xf32, #tpu.memory_space<hbm>>
      tpu.wait_indirect_dma semaphore(%arg22 : memref<!tpu.dma_semaphore, #tpu.memory_space<semaphore_mem>>) src(%dma_wait3A_1064 : memref<100000x512xf32, #tpu.memory_space<hbm>>) dst(%arg10 : memref<32x512xf32, #tpu.memory_space<vmem>>)
      %add3A_1065 = arith.constant 0 : i32
      %add3A_1066 = arith.addi %multiple_of3A_1058, %add3A_1065 : i32
      %get3A_1067 = arith.index_cast %add3A_1066 : i32 to index
      %get3A_1068 = tpu.vector_load %arg7[%get3A_1067] {strides = array<i32>} : memref<2048xf32, #tpu.memory_space<vmem>>, vector<16xf32>,
      %get3A_1069 = vector.shape_cast %get3A_1068 : vector<16xf32> to vector<16xf32>
      %add3A_1070 = arith.constant 16 : i32
      %add3A_1071 = arith.addi %multiple_of3A_1058, %add3A_1070 : i32
      %get3A_1072 = arith.index_cast %add3A_1071 : i32 to index
      %get3A_1073 = tpu.vector_load %arg7[%get3A_1072] {strides = array<i32>} : memref<2048xf32, #tpu.memory_space<vmem>>, vector<16xf32>,
      %get3A_1074 = vector.shape_cast %get3A_1073 : vector<16xf32> to vector<16xf32>
      %add3A_1075 = arith.constant 32 : i32
      %add3A_1076 = arith.addi %multiple_of3A_1058, %add3A_1075 : i32
      %get3A_1077 = arith.index_cast %add3A_1076 : i32 to index
      %get3A_1078 = tpu.vector_load %arg7[%get3A_1077] {strides = array<i32>} : memref<2048xf32, #tpu.memory_space<vmem>>, vector<16xf32>,
      %get3A_1079 = vector.shape_cast %get3A_1078 : vector<16xf32> to vector<16xf32>
      %add3A_1080 = arith.constant 48 : i32
      %add3A_1081 = arith.addi %multiple_of3A_1058, %add3A_1080 : i32
      %get3A_1082 = arith.index_cast %add3A_1081 : i32 to index
      %get3A_1083 = tpu.vector_load %arg7[%get3A_1082] {strides = array<i32>} : memref<2048xf32, #tpu.memory_space<vmem>>, vector<16xf32>,
      %get3A_1084 = vector.shape_cast %get3A_1083 : vector<16xf32> to vector<16xf32>
      %add3A_1085 = arith.constant 64 : i32
      %add3A_1086 = arith.addi %multiple_of3A_1058, %add3A_1085 : i32
      %get3A_1087 = arith.index_cast %add3A_1086 : i32 to index
      %get3A_1088 = tpu.vector_load %arg7[%get3A_1087] {strides = array<i32>} : memref<2048xf32, #tpu.memory_space<vmem>>, vector<16xf32>,
      %get3A_1089 = vector.shape_cast %get3A_1088 : vector<16xf32> to vector<16xf32>
      %add3A_1090 = arith.constant 80 : i32
      %add3A_1091 = arith.addi %multiple_of3A_1058, %add3A_1090 : i32
      %get3A_1092 = arith.index_cast %add3A_1091 : i32 to index
      %get3A_1093 = tpu.vector_load %arg7[%get3A_1092] {strides = array<i32>} : memref<2048xf32, #tpu.memory_space<vmem>>, vector<16xf32>,
      %get3A_1094 = vector.shape_cast %get3A_1093 : vector<16xf32> to vector<16xf32>
      %add3A_1095 = arith.constant 96 : i32
      %add3A_1096 = arith.addi %multiple_of3A_1058, %add3A_1095 : i32
      %get3A_1097 = arith.index_cast %add3A_1096 : i32 to index
      %get3A_1098 = tpu.vector_load %arg7[%get3A_1097] {strides = array<i32>} : memref<2048xf32, #tpu.memory_space<vmem>>, vector<16xf32>,
      %get3A_1099 = vector.shape_cast %get3A_1098 : vector<16xf32> to vector<16xf32>
      %add3A_1100 = arith.constant 112 : i32
      %add3A_1101 = arith.addi %multiple_of3A_1058, %add3A_1100 : i32
      %get3A_1102 = arith.index_cast %add3A_1101 : i32 to index
      %get3A_1103 = tpu.vector_load %arg7[%get3A_1102] {strides = array<i32>} : memref<2048xf32, #tpu.memory_space<vmem>>, vector<16xf32>,
      %get3A_1104 = vector.shape_cast %get3A_1103 : vector<16xf32> to vector<16xf32>
      %add3A_1105 = arith.constant 128 : i32
      %add3A_1106 = arith.addi %multiple_of3A_1058, %add3A_1105 : i32
      %get3A_1107 = arith.index_cast %add3A_1106 : i32 to index
      %get3A_1108 = tpu.vector_load %arg7[%get3A_1107] {strides = array<i32>} : memref<2048xf32, #tpu.memory_space<vmem>>, vector<16xf32>,
      %get3A_1109 = vector.shape_cast %get3A_1108 : vector<16xf32> to vector<16xf32>
      %add3A_1110 = arith.constant 144 : i32
      %add3A_1111 = arith.addi %multiple_of3A_1058, %add3A_1110 : i32
      %get3A_1112 = arith.index_cast %add3A_1111 : i32 to index
      %get3A_1113 = tpu.vector_load %arg7[%get3A_1112] {strides = array<i32>} : memref<2048xf32, #tpu.memory_space<vmem>>, vector<16xf32>,
      %get3A_1114 = vector.shape_cast %get3A_1113 : vector<16xf32> to vector<16xf32>
      %add3A_1115 = arith.constant 160 : i32
      %add3A_1116 = arith.addi %multiple_of3A_1058, %add3A_1115 : i32
      %get3A_1117 = arith.index_cast %add3A_1116 : i32 to index
      %get3A_1118 = tpu.vector_load %arg7[%get3A_1117] {strides = array<i32>} : memref<2048xf32, #tpu.memory_space<vmem>>, vector<16xf32>,
      %get3A_1119 = vector.shape_cast %get3A_1118 : vector<16xf32> to vector<16xf32>
      %add3A_1120 = arith.constant 176 : i32
      %add3A_1121 = arith.addi %multiple_of3A_1058, %add3A_1120 : i32
      %get3A_1122 = arith.index_cast %add3A_1121 : i32 to index
      %get3A_1123 = tpu.vector_load %arg7[%get3A_1122] {strides = array<i32>} : memref<2048xf32, #tpu.memory_space<vmem>>, vector<16xf32>,
      %get3A_1124 = vector.shape_cast %get3A_1123 : vector<16xf32> to vector<16xf32>
      %add3A_1125 = arith.constant 192 : i32
      %add3A_1126 = arith.addi %multiple_of3A_1058, %add3A_1125 : i32
      %get3A_1127 = arith.index_cast %add3A_1126 : i32 to index
      %get3A_1128 = tpu.vector_load %arg7[%get3A_1127] {strides = array<i32>} : memref<2048xf32, #tpu.memory_space<vmem>>, vector<16xf32>,
      %get3A_1129 = vector.shape_cast %get3A_1128 : vector<16xf32> to vector<16xf32>
      %add3A_1130 = arith.constant 208 : i32
      %add3A_1131 = arith.addi %multiple_of3A_1058, %add3A_1130 : i32
      %get3A_1132 = arith.index_cast %add3A_1131 : i32 to index
      %get3A_1133 = tpu.vector_load %arg7[%get3A_1132] {strides = array<i32>} : memref<2048xf32, #tpu.memory_space<vmem>>, vector<16xf32>,
      %get3A_1134 = vector.shape_cast %get3A_1133 : vector<16xf32> to vector<16xf32>
      %add3A_1135 = arith.constant 224 : i32
      %add3A_1136 = arith.addi %multiple_of3A_1058, %add3A_1135 : i32
      %get3A_1137 = arith.index_cast %add3A_1136 : i32 to index
      %get3A_1138 = tpu.vector_load %arg7[%get3A_1137] {strides = array<i32>} : memref<2048xf32, #tpu.memory_space<vmem>>, vector<16xf32>,
      %get3A_1139 = vector.shape_cast %get3A_1138 : vector<16xf32> to vector<16xf32>
      %add3A_1140 = arith.constant 240 : i32
      %add3A_1141 = arith.addi %multiple_of3A_1058, %add3A_1140 : i32
      %get3A_1142 = arith.index_cast %add3A_1141 : i32 to index
      %get3A_1143 = tpu.vector_load %arg7[%get3A_1142] {strides = array<i32>} : memref<2048xf32, #tpu.memory_space<vmem>>, vector<16xf32>,
      %get3A_1144 = vector.shape_cast %get3A_1143 : vector<16xf32> to vector<16xf32>
      %parallel_loop3A_1145 = arith.constant 0 : i32
      %parallel_loop3A_1146 = arith.constant 32 : i32
      %parallel_loop3A_1147 = arith.constant 1 : i32
      scf.for %parallel_loop3A_2044 = %parallel_loop3A_1145 to %parallel_loop3A_1146 step %parallel_loop3A_1147  : i32 {
        %parallel_loop3A_2045 = arith.index_cast %parallel_loop3A_2044 : i32 to index
        %parallel_loop3A_2046 = arith.constant 0 : index
        %parallel_loop3A_2047 = tpu.vector_load %arg10[%parallel_loop3A_2045, %parallel_loop3A_2046] {strides = array<i32>} : memref<32x512xf32, #tpu.memory_space<vmem>>, vector<1x16xf32>,
        %parallel_loop3A_2048 = vector.shape_cast %parallel_loop3A_2047 : vector<1x16xf32> to vector<16xf32>
        %parallel_loop3A_2049 = vector.shape_cast %get3A_1069 : vector<16xf32> to vector<1x16xf32>
        tpu.vector_store %arg10[%parallel_loop3A_2045, %parallel_loop3A_2046], %parallel_loop3A_2049 {add = true, strides = array<i32>} : memref<32x512xf32, #tpu.memory_space<vmem>>, vector<1x16xf32>,
        %parallel_loop3A_2050 = arith.index_cast %parallel_loop3A_2044 : i32 to index
        %parallel_loop3A_2051 = arith.constant 16 : index
        %parallel_loop3A_2052 = tpu.vector_load %arg10[%parallel_loop3A_2050, %parallel_loop3A_2051] {strides = array<i32>} : memref<32x512xf32, #tpu.memory_space<vmem>>, vector<1x16xf32>,
        %parallel_loop3A_2053 = vector.shape_cast %parallel_loop3A_2052 : vector<1x16xf32> to vector<16xf32>
        %parallel_loop3A_2054 = vector.shape_cast %get3A_1074 : vector<16xf32> to vector<1x16xf32>
        tpu.vector_store %arg10[%parallel_loop3A_2050, %parallel_loop3A_2051], %parallel_loop3A_2054 {add = true, strides = array<i32>} : memref<32x512xf32, #tpu.memory_space<vmem>>, vector<1x16xf32>,
        %parallel_loop3A_2055 = arith.index_cast %parallel_loop3A_2044 : i32 to index
        %parallel_loop3A_2056 = arith.constant 32 : index
        %parallel_loop3A_2057 = tpu.vector_load %arg10[%parallel_loop3A_2055, %parallel_loop3A_2056] {strides = array<i32>} : memref<32x512xf32, #tpu.memory_space<vmem>>, vector<1x16xf32>,
        %parallel_loop3A_2058 = vector.shape_cast %parallel_loop3A_2057 : vector<1x16xf32> to vector<16xf32>
        %parallel_loop3A_2059 = vector.shape_cast %get3A_1079 : vector<16xf32> to vector<1x16xf32>
        tpu.vector_store %arg10[%parallel_loop3A_2055, %parallel_loop3A_2056], %parallel_loop3A_2059 {add = true, strides = array<i32>} : memref<32x512xf32, #tpu.memory_space<vmem>>, vector<1x16xf32>,
        %parallel_loop3A_2060 = arith.index_cast %parallel_loop3A_2044 : i32 to index
        %parallel_loop3A_2061 = arith.constant 48 : index
        %parallel_loop3A_2062 = tpu.vector_load %arg10[%parallel_loop3A_2060, %parallel_loop3A_2061] {strides = array<i32>} : memref<32x512xf32, #tpu.memory_space<vmem>>, vector<1x16xf32>,
        %parallel_loop3A_2063 = vector.shape_cast %parallel_loop3A_2062 : vector<1x16xf32> to vector<16xf32>
        %parallel_loop3A_2064 = vector.shape_cast %get3A_1084 : vector<16xf32> to vector<1x16xf32>
        tpu.vector_store %arg10[%parallel_loop3A_2060, %parallel_loop3A_2061], %parallel_loop3A_2064 {add = true, strides = array<i32>} : memref<32x512xf32, #tpu.memory_space<vmem>>, vector<1x16xf32>,
        %parallel_loop3A_2065 = arith.index_cast %parallel_loop3A_2044 : i32 to index
        %parallel_loop3A_2066 = arith.constant 64 : index
        %parallel_loop3A_2067 = tpu.vector_load %arg10[%parallel_loop3A_2065, %parallel_loop3A_2066] {strides = array<i32>} : memref<32x512xf32, #tpu.memory_space<vmem>>, vector<1x16xf32>,
        %parallel_loop3A_2068 = vector.shape_cast %parallel_loop3A_2067 : vector<1x16xf32> to vector<16xf32>
        %parallel_loop3A_2069 = vector.shape_cast %get3A_1089 : vector<16xf32> to vector<1x16xf32>
        tpu.vector_store %arg10[%parallel_loop3A_2065, %parallel_loop3A_2066], %parallel_loop3A_2069 {add = true, strides = array<i32>} : memref<32x512xf32, #tpu.memory_space<vmem>>, vector<1x16xf32>,
        %parallel_loop3A_2070 = arith.index_cast %parallel_loop3A_2044 : i32 to index
        %parallel_loop3A_2071 = arith.constant 80 : index
        %parallel_loop3A_2072 = tpu.vector_load %arg10[%parallel_loop3A_2070, %parallel_loop3A_2071] {strides = array<i32>} : memref<32x512xf32, #tpu.memory_space<vmem>>, vector<1x16xf32>,
        %parallel_loop3A_2073 = vector.shape_cast %parallel_loop3A_2072 : vector<1x16xf32> to vector<16xf32>
        %parallel_loop3A_2074 = vector.shape_cast %get3A_1094 : vector<16xf32> to vector<1x16xf32>
        tpu.vector_store %arg10[%parallel_loop3A_2070, %parallel_loop3A_2071], %parallel_loop3A_2074 {add = true, strides = array<i32>} : memref<32x512xf32, #tpu.memory_space<vmem>>, vector<1x16xf32>,
        %parallel_loop3A_2075 = arith.index_cast %parallel_loop3A_2044 : i32 to index
        %parallel_loop3A_2076 = arith.constant 96 : index
        %parallel_loop3A_2077 = tpu.vector_load %arg10[%parallel_loop3A_2075, %parallel_loop3A_2076] {strides = array<i32>} : memref<32x512xf32, #tpu.memory_space<vmem>>, vector<1x16xf32>,
        %parallel_loop3A_2078 = vector.shape_cast %parallel_loop3A_2077 : vector<1x16xf32> to vector<16xf32>
        %parallel_loop3A_2079 = vector.shape_cast %get3A_1099 : vector<16xf32> to vector<1x16xf32>
        tpu.vector_store %arg10[%parallel_loop3A_2075, %parallel_loop3A_2076], %parallel_loop3A_2079 {add = true, strides = array<i32>} : memref<32x512xf32, #tpu.memory_space<vmem>>, vector<1x16xf32>,
        %parallel_loop3A_2080 = arith.index_cast %parallel_loop3A_2044 : i32 to index
        %parallel_loop3A_2081 = arith.constant 112 : index
        %parallel_loop3A_2082 = tpu.vector_load %arg10[%parallel_loop3A_2080, %parallel_loop3A_2081] {strides = array<i32>} : memref<32x512xf32, #tpu.memory_space<vmem>>, vector<1x16xf32>,
        %parallel_loop3A_2083 = vector.shape_cast %parallel_loop3A_2082 : vector<1x16xf32> to vector<16xf32>
        %parallel_loop3A_2084 = vector.shape_cast %get3A_1104 : vector<16xf32> to vector<1x16xf32>
        tpu.vector_store %arg10[%parallel_loop3A_2080, %parallel_loop3A_2081], %parallel_loop3A_2084 {add = true, strides = array<i32>} : memref<32x512xf32, #tpu.memory_space<vmem>>, vector<1x16xf32>,
        %parallel_loop3A_2085 = arith.index_cast %parallel_loop3A_2044 : i32 to index
        %parallel_loop3A_2086 = arith.constant 128 : index
        %parallel_loop3A_2087 = tpu.vector_load %arg10[%parallel_loop3A_2085, %parallel_loop3A_2086] {strides = array<i32>} : memref<32x512xf32, #tpu.memory_space<vmem>>, vector<1x16xf32>,
        %parallel_loop3A_2088 = vector.shape_cast %parallel_loop3A_2087 : vector<1x16xf32> to vector<16xf32>
        %parallel_loop3A_2089 = vector.shape_cast %get3A_1109 : vector<16xf32> to vector<1x16xf32>
        tpu.vector_store %arg10[%parallel_loop3A_2085, %parallel_loop3A_2086], %parallel_loop3A_2089 {add = true, strides = array<i32>} : memref<32x512xf32, #tpu.memory_space<vmem>>, vector<1x16xf32>,
        %parallel_loop3A_2090 = arith.index_cast %parallel_loop3A_2044 : i32 to index
        %parallel_loop3A_2091 = arith.constant 144 : index
        %parallel_loop3A_2092 = tpu.vector_load %arg10[%parallel_loop3A_2090, %parallel_loop3A_2091] {strides = array<i32>} : memref<32x512xf32, #tpu.memory_space<vmem>>, vector<1x16xf32>,
        %parallel_loop3A_2093 = vector.shape_cast %parallel_loop3A_2092 : vector<1x16xf32> to vector<16xf32>
        %parallel_loop3A_2094 = vector.shape_cast %get3A_1114 : vector<16xf32> to vector<1x16xf32>
        tpu.vector_store %arg10[%parallel_loop3A_2090, %parallel_loop3A_2091], %parallel_loop3A_2094 {add = true, strides = array<i32>} : memref<32x512xf32, #tpu.memory_space<vmem>>, vector<1x16xf32>,
        %parallel_loop3A_2095 = arith.index_cast %parallel_loop3A_2044 : i32 to index
        %parallel_loop3A_2096 = arith.constant 160 : index
        %parallel_loop3A_2097 = tpu.vector_load %arg10[%parallel_loop3A_2095, %parallel_loop3A_2096] {strides = array<i32>} : memref<32x512xf32, #tpu.memory_space<vmem>>, vector<1x16xf32>,
        %parallel_loop3A_2098 = vector.shape_cast %parallel_loop3A_2097 : vector<1x16xf32> to vector<16xf32>
        %parallel_loop3A_2099 = vector.shape_cast %get3A_1119 : vector<16xf32> to vector<1x16xf32>
        tpu.vector_store %arg10[%parallel_loop3A_2095, %parallel_loop3A_2096], %parallel_loop3A_2099 {add = true, strides = array<i32>} : memref<32x512xf32, #tpu.memory_space<vmem>>, vector<1x16xf32>,
        %parallel_loop3A_2100 = arith.index_cast %parallel_loop3A_2044 : i32 to index
        %parallel_loop3A_2101 = arith.constant 176 : index
        %parallel_loop3A_2102 = tpu.vector_load %arg10[%parallel_loop3A_2100, %parallel_loop3A_2101] {strides = array<i32>} : memref<32x512xf32, #tpu.memory_space<vmem>>, vector<1x16xf32>,
        %parallel_loop3A_2103 = vector.shape_cast %parallel_loop3A_2102 : vector<1x16xf32> to vector<16xf32>
        %parallel_loop3A_2104 = vector.shape_cast %get3A_1124 : vector<16xf32> to vector<1x16xf32>
        tpu.vector_store %arg10[%parallel_loop3A_2100, %parallel_loop3A_2101], %parallel_loop3A_2104 {add = true, strides = array<i32>} : memref<32x512xf32, #tpu.memory_space<vmem>>, vector<1x16xf32>,
        %parallel_loop3A_2105 = arith.index_cast %parallel_loop3A_2044 : i32 to index
        %parallel_loop3A_2106 = arith.constant 192 : index
        %parallel_loop3A_2107 = tpu.vector_load %arg10[%parallel_loop3A_2105, %parallel_loop3A_2106] {strides = array<i32>} : memref<32x512xf32, #tpu.memory_space<vmem>>, vector<1x16xf32>,
        %parallel_loop3A_2108 = vector.shape_cast %parallel_loop3A_2107 : vector<1x16xf32> to vector<16xf32>
        %parallel_loop3A_2109 = vector.shape_cast %get3A_1129 : vector<16xf32> to vector<1x16xf32>
        tpu.vector_store %arg10[%parallel_loop3A_2105, %parallel_loop3A_2106], %parallel_loop3A_2109 {add = true, strides = array<i32>} : memref<32x512xf32, #tpu.memory_space<vmem>>, vector<1x16xf32>,
        %parallel_loop3A_2110 = arith.index_cast %parallel_loop3A_2044 : i32 to index
        %parallel_loop3A_2111 = arith.constant 208 : index
        %parallel_loop3A_2112 = tpu.vector_load %arg10[%parallel_loop3A_2110, %parallel_loop3A_2111] {strides = array<i32>} : memref<32x512xf32, #tpu.memory_space<vmem>>, vector<1x16xf32>,
        %parallel_loop3A_2113 = vector.shape_cast %parallel_loop3A_2112 : vector<1x16xf32> to vector<16xf32>
        %parallel_loop3A_2114 = vector.shape_cast %get3A_1134 : vector<16xf32> to vector<1x16xf32>
        tpu.vector_store %arg10[%parallel_loop3A_2110, %parallel_loop3A_2111], %parallel_loop3A_2114 {add = true, strides = array<i32>} : memref<32x512xf32, #tpu.memory_space<vmem>>, vector<1x16xf32>,
        %parallel_loop3A_2115 = arith.index_cast %parallel_loop3A_2044 : i32 to index
        %parallel_loop3A_2116 = arith.constant 224 : index
        %parallel_loop3A_2117 = tpu.vector_load %arg10[%parallel_loop3A_2115, %parallel_loop3A_2116] {strides = array<i32>} : memref<32x512xf32, #tpu.memory_space<vmem>>, vector<1x16xf32>,
        %parallel_loop3A_2118 = vector.shape_cast %parallel_loop3A_2117 : vector<1x16xf32> to vector<16xf32>
        %parallel_loop3A_2119 = vector.shape_cast %get3A_1139 : vector<16xf32> to vector<1x16xf32>
        tpu.vector_store %arg10[%parallel_loop3A_2115, %parallel_loop3A_2116], %parallel_loop3A_2119 {add = true, strides = array<i32>} : memref<32x512xf32, #tpu.memory_space<vmem>>, vector<1x16xf32>,
        %parallel_loop3A_2120 = arith.index_cast %parallel_loop3A_2044 : i32 to index
        %parallel_loop3A_2121 = arith.constant 240 : index
        %parallel_loop3A_2122 = tpu.vector_load %arg10[%parallel_loop3A_2120, %parallel_loop3A_2121] {strides = array<i32>} : memref<32x512xf32, #tpu.memory_space<vmem>>, vector<1x16xf32>,
        %parallel_loop3A_2123 = vector.shape_cast %parallel_loop3A_2122 : vector<1x16xf32> to vector<16xf32>
        %parallel_loop3A_2124 = vector.shape_cast %get3A_1144 : vector<16xf32> to vector<1x16xf32>
        tpu.vector_store %arg10[%parallel_loop3A_2120, %parallel_loop3A_2121], %parallel_loop3A_2124 {add = true, strides = array<i32>} : memref<32x512xf32, #tpu.memory_space<vmem>>, vector<1x16xf32>,
      } {sc.loop_unroll_factor = 1 : i64, sc.parallel_access}
      %add3A_1148 = arith.constant 256 : i32
      %add3A_1149 = arith.addi %multiple_of3A_1058, %add3A_1148 : i32
      %get3A_1150 = arith.index_cast %add3A_1149 : i32 to index
      %get3A_1151 = tpu.vector_load %arg7[%get3A_1150] {strides = array<i32>} : memref<2048xf32, #tpu.memory_space<vmem>>, vector<16xf32>,
      %get3A_1152 = vector.shape_cast %get3A_1151 : vector<16xf32> to vector<16xf32>
      %add3A_1153 = arith.constant 272 : i32
      %add3A_1154 = arith.addi %multiple_of3A_1058, %add3A_1153 : i32
      %get3A_1155 = arith.index_cast %add3A_1154 : i32 to index
      %get3A_1156 = tpu.vector_load %arg7[%get3A_1155] {strides = array<i32>} : memref<2048xf32, #tpu.memory_space<vmem>>, vector<16xf32>,
      %get3A_1157 = vector.shape_cast %get3A_1156 : vector<16xf32> to vector<16xf32>
      %add3A_1158 = arith.constant 288 : i32
      %add3A_1159 = arith.addi %multiple_of3A_1058, %add3A_1158 : i32
      %get3A_1160 = arith.index_cast %add3A_1159 : i32 to index
      %get3A_1161 = tpu.vector_load %arg7[%get3A_1160] {strides = array<i32>} : memref<2048xf32, #tpu.memory_space<vmem>>, vector<16xf32>,
      %get3A_1162 = vector.shape_cast %get3A_1161 : vector<16xf32> to vector<16xf32>
      %add3A_1163 = arith.constant 304 : i32
      %add3A_1164 = arith.addi %multiple_of3A_1058, %add3A_1163 : i32
      %get3A_1165 = arith.index_cast %add3A_1164 : i32 to index
      %get3A_1166 = tpu.vector_load %arg7[%get3A_1165] {strides = array<i32>} : memref<2048xf32, #tpu.memory_space<vmem>>, vector<16xf32>,
      %get3A_1167 = vector.shape_cast %get3A_1166 : vector<16xf32> to vector<16xf32>
      %add3A_1168 = arith.constant 320 : i32
      %add3A_1169 = arith.addi %multiple_of3A_1058, %add3A_1168 : i32
      %get3A_1170 = arith.index_cast %add3A_1169 : i32 to index
      %get3A_1171 = tpu.vector_load %arg7[%get3A_1170] {strides = array<i32>} : memref<2048xf32, #tpu.memory_space<vmem>>, vector<16xf32>,
      %get3A_1172 = vector.shape_cast %get3A_1171 : vector<16xf32> to vector<16xf32>
      %add3A_1173 = arith.constant 336 : i32
      %add3A_1174 = arith.addi %multiple_of3A_1058, %add3A_1173 : i32
      %get3A_1175 = arith.index_cast %add3A_1174 : i32 to index
      %get3A_1176 = tpu.vector_load %arg7[%get3A_1175] {strides = array<i32>} : memref<2048xf32, #tpu.memory_space<vmem>>, vector<16xf32>,
      %get3A_1177 = vector.shape_cast %get3A_1176 : vector<16xf32> to vector<16xf32>
      %add3A_1178 = arith.constant 352 : i32
      %add3A_1179 = arith.addi %multiple_of3A_1058, %add3A_1178 : i32
      %get3A_1180 = arith.index_cast %add3A_1179 : i32 to index
      %get3A_1181 = tpu.vector_load %arg7[%get3A_1180] {strides = array<i32>} : memref<2048xf32, #tpu.memory_space<vmem>>, vector<16xf32>,
      %get3A_1182 = vector.shape_cast %get3A_1181 : vector<16xf32> to vector<16xf32>
      %add3A_1183 = arith.constant 368 : i32
      %add3A_1184 = arith.addi %multiple_of3A_1058, %add3A_1183 : i32
      %get3A_1185 = arith.index_cast %add3A_1184 : i32 to index
      %get3A_1186 = tpu.vector_load %arg7[%get3A_1185] {strides = array<i32>} : memref<2048xf32, #tpu.memory_space<vmem>>, vector<16xf32>,
      %get3A_1187 = vector.shape_cast %get3A_1186 : vector<16xf32> to vector<16xf32>
      %add3A_1188 = arith.constant 384 : i32
      %add3A_1189 = arith.addi %multiple_of3A_1058, %add3A_1188 : i32
      %get3A_1190 = arith.index_cast %add3A_1189 : i32 to index
      %get3A_1191 = tpu.vector_load %arg7[%get3A_1190] {strides = array<i32>} : memref<2048xf32, #tpu.memory_space<vmem>>, vector<16xf32>,
      %get3A_1192 = vector.shape_cast %get3A_1191 : vector<16xf32> to vector<16xf32>
      %add3A_1193 = arith.constant 400 : i32
      %add3A_1194 = arith.addi %multiple_of3A_1058, %add3A_1193 : i32
      %get3A_1195 = arith.index_cast %add3A_1194 : i32 to index
      %get3A_1196 = tpu.vector_load %arg7[%get3A_1195] {strides = array<i32>} : memref<2048xf32, #tpu.memory_space<vmem>>, vector<16xf32>,
      %get3A_1197 = vector.shape_cast %get3A_1196 : vector<16xf32> to vector<16xf32>
      %add3A_1198 = arith.constant 416 : i32
      %add3A_1199 = arith.addi %multiple_of3A_1058, %add3A_1198 : i32
      %get3A_1200 = arith.index_cast %add3A_1199 : i32 to index
      %get3A_1201 = tpu.vector_load %arg7[%get3A_1200] {strides = array<i32>} : memref<2048xf32, #tpu.memory_space<vmem>>, vector<16xf32>,
      %get3A_1202 = vector.shape_cast %get3A_1201 : vector<16xf32> to vector<16xf32>
      %add3A_1203 = arith.constant 432 : i32
      %add3A_1204 = arith.addi %multiple_of3A_1058, %add3A_1203 : i32
      %get3A_1205 = arith.index_cast %add3A_1204 : i32 to index
      %get3A_1206 = tpu.vector_load %arg7[%get3A_1205] {strides = array<i32>} : memref<2048xf32, #tpu.memory_space<vmem>>, vector<16xf32>,
      %get3A_1207 = vector.shape_cast %get3A_1206 : vector<16xf32> to vector<16xf32>
      %add3A_1208 = arith.constant 448 : i32
      %add3A_1209 = arith.addi %multiple_of3A_1058, %add3A_1208 : i32
      %get3A_1210 = arith.index_cast %add3A_1209 : i32 to index
      %get3A_1211 = tpu.vector_load %arg7[%get3A_1210] {strides = array<i32>} : memref<2048xf32, #tpu.memory_space<vmem>>, vector<16xf32>,
      %get3A_1212 = vector.shape_cast %get3A_1211 : vector<16xf32> to vector<16xf32>
      %add3A_1213 = arith.constant 464 : i32
      %add3A_1214 = arith.addi %multiple_of3A_1058, %add3A_1213 : i32
      %get3A_1215 = arith.index_cast %add3A_1214 : i32 to index
      %get3A_1216 = tpu.vector_load %arg7[%get3A_1215] {strides = array<i32>} : memref<2048xf32, #tpu.memory_space<vmem>>, vector<16xf32>,
      %get3A_1217 = vector.shape_cast %get3A_1216 : vector<16xf32> to vector<16xf32>
      %add3A_1218 = arith.constant 480 : i32
      %add3A_1219 = arith.addi %multiple_of3A_1058, %add3A_1218 : i32
      %get3A_1220 = arith.index_cast %add3A_1219 : i32 to index
      %get3A_1221 = tpu.vector_load %arg7[%get3A_1220] {strides = array<i32>} : memref<2048xf32, #tpu.memory_space<vmem>>, vector<16xf32>,
      %get3A_1222 = vector.shape_cast %get3A_1221 : vector<16xf32> to vector<16xf32>
      %add3A_1223 = arith.constant 496 : i32
      %add3A_1224 = arith.addi %multiple_of3A_1058, %add3A_1223 : i32
      %get3A_1225 = arith.index_cast %add3A_1224 : i32 to index
      %get3A_1226 = tpu.vector_load %arg7[%get3A_1225] {strides = array<i32>} : memref<2048xf32, #tpu.memory_space<vmem>>, vector<16xf32>,
      %get3A_1227 = vector.shape_cast %get3A_1226 : vector<16xf32> to vector<16xf32>
      %parallel_loop3A_1228 = arith.constant 0 : i32
      %parallel_loop3A_1229 = arith.constant 32 : i32
      %parallel_loop3A_1230 = arith.constant 1 : i32
      scf.for %parallel_loop3A_2044 = %parallel_loop3A_1228 to %parallel_loop3A_1229 step %parallel_loop3A_1230  : i32 {
        %parallel_loop3A_2045 = arith.index_cast %parallel_loop3A_2044 : i32 to index
        %parallel_loop3A_2046 = arith.constant 256 : index
        %parallel_loop3A_2047 = tpu.vector_load %arg10[%parallel_loop3A_2045, %parallel_loop3A_2046] {strides = array<i32>} : memref<32x512xf32, #tpu.memory_space<vmem>>, vector<1x16xf32>,
        %parallel_loop3A_2048 = vector.shape_cast %parallel_loop3A_2047 : vector<1x16xf32> to vector<16xf32>
        %parallel_loop3A_2049 = vector.shape_cast %get3A_1152 : vector<16xf32> to vector<1x16xf32>
        tpu.vector_store %arg10[%parallel_loop3A_2045, %parallel_loop3A_2046], %parallel_loop3A_2049 {add = true, strides = array<i32>} : memref<32x512xf32, #tpu.memory_space<vmem>>, vector<1x16xf32>,
        %parallel_loop3A_2050 = arith.index_cast %parallel_loop3A_2044 : i32 to index
        %parallel_loop3A_2051 = arith.constant 272 : index
        %parallel_loop3A_2052 = tpu.vector_load %arg10[%parallel_loop3A_2050, %parallel_loop3A_2051] {strides = array<i32>} : memref<32x512xf32, #tpu.memory_space<vmem>>, vector<1x16xf32>,
        %parallel_loop3A_2053 = vector.shape_cast %parallel_loop3A_2052 : vector<1x16xf32> to vector<16xf32>
        %parallel_loop3A_2054 = vector.shape_cast %get3A_1157 : vector<16xf32> to vector<1x16xf32>
        tpu.vector_store %arg10[%parallel_loop3A_2050, %parallel_loop3A_2051], %parallel_loop3A_2054 {add = true, strides = array<i32>} : memref<32x512xf32, #tpu.memory_space<vmem>>, vector<1x16xf32>,
        %parallel_loop3A_2055 = arith.index_cast %parallel_loop3A_2044 : i32 to index
        %parallel_loop3A_2056 = arith.constant 288 : index
        %parallel_loop3A_2057 = tpu.vector_load %arg10[%parallel_loop3A_2055, %parallel_loop3A_2056] {strides = array<i32>} : memref<32x512xf32, #tpu.memory_space<vmem>>, vector<1x16xf32>,
        %parallel_loop3A_2058 = vector.shape_cast %parallel_loop3A_2057 : vector<1x16xf32> to vector<16xf32>
        %parallel_loop3A_2059 = vector.shape_cast %get3A_1162 : vector<16xf32> to vector<1x16xf32>
        tpu.vector_store %arg10[%parallel_loop3A_2055, %parallel_loop3A_2056], %parallel_loop3A_2059 {add = true, strides = array<i32>} : memref<32x512xf32, #tpu.memory_space<vmem>>, vector<1x16xf32>,
        %parallel_loop3A_2060 = arith.index_cast %parallel_loop3A_2044 : i32 to index
        %parallel_loop3A_2061 = arith.constant 304 : index
        %parallel_loop3A_2062 = tpu.vector_load %arg10[%parallel_loop3A_2060, %parallel_loop3A_2061] {strides = array<i32>} : memref<32x512xf32, #tpu.memory_space<vmem>>, vector<1x16xf32>,
        %parallel_loop3A_2063 = vector.shape_cast %parallel_loop3A_2062 : vector<1x16xf32> to vector<16xf32>
        %parallel_loop3A_2064 = vector.shape_cast %get3A_1167 : vector<16xf32> to vector<1x16xf32>
        tpu.vector_store %arg10[%parallel_loop3A_2060, %parallel_loop3A_2061], %parallel_loop3A_2064 {add = true, strides = array<i32>} : memref<32x512xf32, #tpu.memory_space<vmem>>, vector<1x16xf32>,
        %parallel_loop3A_2065 = arith.index_cast %parallel_loop3A_2044 : i32 to index
        %parallel_loop3A_2066 = arith.constant 320 : index
        %parallel_loop3A_2067 = tpu.vector_load %arg10[%parallel_loop3A_2065, %parallel_loop3A_2066] {strides = array<i32>} : memref<32x512xf32, #tpu.memory_space<vmem>>, vector<1x16xf32>,
        %parallel_loop3A_2068 = vector.shape_cast %parallel_loop3A_2067 : vector<1x16xf32> to vector<16xf32>
        %parallel_loop3A_2069 = vector.shape_cast %get3A_1172 : vector<16xf32> to vector<1x16xf32>
        tpu.vector_store %arg10[%parallel_loop3A_2065, %parallel_loop3A_2066], %parallel_loop3A_2069 {add = true, strides = array<i32>} : memref<32x512xf32, #tpu.memory_space<vmem>>, vector<1x16xf32>,
        %parallel_loop3A_2070 = arith.index_cast %parallel_loop3A_2044 : i32 to index
        %parallel_loop3A_2071 = arith.constant 336 : index
        %parallel_loop3A_2072 = tpu.vector_load %arg10[%parallel_loop3A_2070, %parallel_loop3A_2071] {strides = array<i32>} : memref<32x512xf32, #tpu.memory_space<vmem>>, vector<1x16xf32>,
        %parallel_loop3A_2073 = vector.shape_cast %parallel_loop3A_2072 : vector<1x16xf32> to vector<16xf32>
        %parallel_loop3A_2074 = vector.shape_cast %get3A_1177 : vector<16xf32> to vector<1x16xf32>
        tpu.vector_store %arg10[%parallel_loop3A_2070, %parallel_loop3A_2071], %parallel_loop3A_2074 {add = true, strides = array<i32>} : memref<32x512xf32, #tpu.memory_space<vmem>>, vector<1x16xf32>,
        %parallel_loop3A_2075 = arith.index_cast %parallel_loop3A_2044 : i32 to index
        %parallel_loop3A_2076 = arith.constant 352 : index
        %parallel_loop3A_2077 = tpu.vector_load %arg10[%parallel_loop3A_2075, %parallel_loop3A_2076] {strides = array<i32>} : memref<32x512xf32, #tpu.memory_space<vmem>>, vector<1x16xf32>,
        %parallel_loop3A_2078 = vector.shape_cast %parallel_loop3A_2077 : vector<1x16xf32> to vector<16xf32>
        %parallel_loop3A_2079 = vector.shape_cast %get3A_1182 : vector<16xf32> to vector<1x16xf32>
        tpu.vector_store %arg10[%parallel_loop3A_2075, %parallel_loop3A_2076], %parallel_loop3A_2079 {add = true, strides = array<i32>} : memref<32x512xf32, #tpu.memory_space<vmem>>, vector<1x16xf32>,
        %parallel_loop3A_2080 = arith.index_cast %parallel_loop3A_2044 : i32 to index
        %parallel_loop3A_2081 = arith.constant 368 : index
        %parallel_loop3A_2082 = tpu.vector_load %arg10[%parallel_loop3A_2080, %parallel_loop3A_2081] {strides = array<i32>} : memref<32x512xf32, #tpu.memory_space<vmem>>, vector<1x16xf32>,
        %parallel_loop3A_2083 = vector.shape_cast %parallel_loop3A_2082 : vector<1x16xf32> to vector<16xf32>
        %parallel_loop3A_2084 = vector.shape_cast %get3A_1187 : vector<16xf32> to vector<1x16xf32>
        tpu.vector_store %arg10[%parallel_loop3A_2080, %parallel_loop3A_2081], %parallel_loop3A_2084 {add = true, strides = array<i32>} : memref<32x512xf32, #tpu.memory_space<vmem>>, vector<1x16xf32>,
        %parallel_loop3A_2085 = arith.index_cast %parallel_loop3A_2044 : i32 to index
        %parallel_loop3A_2086 = arith.constant 384 : index
        %parallel_loop3A_2087 = tpu.vector_load %arg10[%parallel_loop3A_2085, %parallel_loop3A_2086] {strides = array<i32>} : memref<32x512xf32, #tpu.memory_space<vmem>>, vector<1x16xf32>,
        %parallel_loop3A_2088 = vector.shape_cast %parallel_loop3A_2087 : vector<1x16xf32> to vector<16xf32>
        %parallel_loop3A_2089 = vector.shape_cast %get3A_1192 : vector<16xf32> to vector<1x16xf32>
        tpu.vector_store %arg10[%parallel_loop3A_2085, %parallel_loop3A_2086], %parallel_loop3A_2089 {add = true, strides = array<i32>} : memref<32x512xf32, #tpu.memory_space<vmem>>, vector<1x16xf32>,
        %parallel_loop3A_2090 = arith.index_cast %parallel_loop3A_2044 : i32 to index
        %parallel_loop3A_2091 = arith.constant 400 : index
        %parallel_loop3A_2092 = tpu.vector_load %arg10[%parallel_loop3A_2090, %parallel_loop3A_2091] {strides = array<i32>} : memref<32x512xf32, #tpu.memory_space<vmem>>, vector<1x16xf32>,
        %parallel_loop3A_2093 = vector.shape_cast %parallel_loop3A_2092 : vector<1x16xf32> to vector<16xf32>
        %parallel_loop3A_2094 = vector.shape_cast %get3A_1197 : vector<16xf32> to vector<1x16xf32>
        tpu.vector_store %arg10[%parallel_loop3A_2090, %parallel_loop3A_2091], %parallel_loop3A_2094 {add = true, strides = array<i32>} : memref<32x512xf32, #tpu.memory_space<vmem>>, vector<1x16xf32>,
        %parallel_loop3A_2095 = arith.index_cast %parallel_loop3A_2044 : i32 to index
        %parallel_loop3A_2096 = arith.constant 416 : index
        %parallel_loop3A_2097 = tpu.vector_load %arg10[%parallel_loop3A_2095, %parallel_loop3A_2096] {strides = array<i32>} : memref<32x512xf32, #tpu.memory_space<vmem>>, vector<1x16xf32>,
        %parallel_loop3A_2098 = vector.shape_cast %parallel_loop3A_2097 : vector<1x16xf32> to vector<16xf32>
        %parallel_loop3A_2099 = vector.shape_cast %get3A_1202 : vector<16xf32> to vector<1x16xf32>
        tpu.vector_store %arg10[%parallel_loop3A_2095, %parallel_loop3A_2096], %parallel_loop3A_2099 {add = true, strides = array<i32>} : memref<32x512xf32, #tpu.memory_space<vmem>>, vector<1x16xf32>,
        %parallel_loop3A_2100 = arith.index_cast %parallel_loop3A_2044 : i32 to index
        %parallel_loop3A_2101 = arith.constant 432 : index
        %parallel_loop3A_2102 = tpu.vector_load %arg10[%parallel_loop3A_2100, %parallel_loop3A_2101] {strides = array<i32>} : memref<32x512xf32, #tpu.memory_space<vmem>>, vector<1x16xf32>,
        %parallel_loop3A_2103 = vector.shape_cast %parallel_loop3A_2102 : vector<1x16xf32> to vector<16xf32>
        %parallel_loop3A_2104 = vector.shape_cast %get3A_1207 : vector<16xf32> to vector<1x16xf32>
        tpu.vector_store %arg10[%parallel_loop3A_2100, %parallel_loop3A_2101], %parallel_loop3A_2104 {add = true, strides = array<i32>} : memref<32x512xf32, #tpu.memory_space<vmem>>, vector<1x16xf32>,
        %parallel_loop3A_2105 = arith.index_cast %parallel_loop3A_2044 : i32 to index
        %parallel_loop3A_2106 = arith.constant 448 : index
        %parallel_loop3A_2107 = tpu.vector_load %arg10[%parallel_loop3A_2105, %parallel_loop3A_2106] {strides = array<i32>} : memref<32x512xf32, #tpu.memory_space<vmem>>, vector<1x16xf32>,
        %parallel_loop3A_2108 = vector.shape_cast %parallel_loop3A_2107 : vector<1x16xf32> to vector<16xf32>
        %parallel_loop3A_2109 = vector.shape_cast %get3A_1212 : vector<16xf32> to vector<1x16xf32>
        tpu.vector_store %arg10[%parallel_loop3A_2105, %parallel_loop3A_2106], %parallel_loop3A_2109 {add = true, strides = array<i32>} : memref<32x512xf32, #tpu.memory_space<vmem>>, vector<1x16xf32>,
        %parallel_loop3A_2110 = arith.index_cast %parallel_loop3A_2044 : i32 to index
        %parallel_loop3A_2111 = arith.constant 464 : index
        %parallel_loop3A_2112 = tpu.vector_load %arg10[%parallel_loop3A_2110, %parallel_loop3A_2111] {strides = array<i32>} : memref<32x512xf32, #tpu.memory_space<vmem>>, vector<1x16xf32>,
        %parallel_loop3A_2113 = vector.shape_cast %parallel_loop3A_2112 : vector<1x16xf32> to vector<16xf32>
        %parallel_loop3A_2114 = vector.shape_cast %get3A_1217 : vector<16xf32> to vector<1x16xf32>
        tpu.vector_store %arg10[%parallel_loop3A_2110, %parallel_loop3A_2111], %parallel_loop3A_2114 {add = true, strides = array<i32>} : memref<32x512xf32, #tpu.memory_space<vmem>>, vector<1x16xf32>,
        %parallel_loop3A_2115 = arith.index_cast %parallel_loop3A_2044 : i32 to index
        %parallel_loop3A_2116 = arith.constant 480 : index
        %parallel_loop3A_2117 = tpu.vector_load %arg10[%parallel_loop3A_2115, %parallel_loop3A_2116] {strides = array<i32>} : memref<32x512xf32, #tpu.memory_space<vmem>>, vector<1x16xf32>,
        %parallel_loop3A_2118 = vector.shape_cast %parallel_loop3A_2117 : vector<1x16xf32> to vector<16xf32>
        %parallel_loop3A_2119 = vector.shape_cast %get3A_1222 : vector<16xf32> to vector<1x16xf32>
        tpu.vector_store %arg10[%parallel_loop3A_2115, %parallel_loop3A_2116], %parallel_loop3A_2119 {add = true, strides = array<i32>} : memref<32x512xf32, #tpu.memory_space<vmem>>, vector<1x16xf32>,
        %parallel_loop3A_2120 = arith.index_cast %parallel_loop3A_2044 : i32 to index
        %parallel_loop3A_2121 = arith.constant 496 : index
        %parallel_loop3A_2122 = tpu.vector_load %arg10[%parallel_loop3A_2120, %parallel_loop3A_2121] {strides = array<i32>} : memref<32x512xf32, #tpu.memory_space<vmem>>, vector<1x16xf32>,
        %parallel_loop3A_2123 = vector.shape_cast %parallel_loop3A_2122 : vector<1x16xf32> to vector<16xf32>
        %parallel_loop3A_2124 = vector.shape_cast %get3A_1227 : vector<16xf32> to vector<1x16xf32>
        tpu.vector_store %arg10[%parallel_loop3A_2120, %parallel_loop3A_2121], %parallel_loop3A_2124 {add = true, strides = array<i32>} : memref<32x512xf32, #tpu.memory_space<vmem>>, vector<1x16xf32>,
      } {sc.loop_unroll_factor = 1 : i64, sc.parallel_access}
      %dma_start3A_1231 = arith.constant 0 : i32
      %dma_start3A_1232 = arith.constant 0 : i32
      %dma_start3A_1233 = tpu.memref_slice %arg5[%dma_start3A_1231, %dma_start3A_1232] : memref<131072x512xf32, #tpu.memory_space<hbm>> -> memref<131072x512xf32, #tpu.memory_space<hbm>>
      tpu.enqueue_indirect_dma source(%arg10 : memref<32x512xf32, #tpu.memory_space<vmem>>) target(%dma_start3A_1233 : memref<131072x512xf32, #tpu.memory_space<hbm>>) offsets(%arg16 : memref<32xi32, #tpu.memory_space<vmem>>) semaphore(%arg28 : memref<!tpu.dma_semaphore, #tpu.memory_space<semaphore_mem>>)
      %ge3A_1234 = arith.constant 2 : i32
      %ge3A_1235 = arith.cmpi sge, %add3A_983, %ge3A_1234 : i32
      %convert_element_type3A_1236 = arith.extui %ge3A_1235 : i1 to i32
      %cond3A_1237 = arith.constant 0 : i32
      %cond3A_1238 = arith.cmpi ne, %convert_element_type3A_1236, %cond3A_1237 : i32
      scf.if %cond3A_1238 {
        %sub3A_2044 = arith.constant 2 : i32
        %sub3A_2045 = arith.subi %add3A_983, %sub3A_2044 : i32
        %dma_wait3A_2046 = arith.constant 0 : i32
        %dma_wait3A_2047 = arith.constant 0 : i32
        %dma_wait3A_2048 = tpu.memref_slice %arg5[%dma_wait3A_2046, %dma_wait3A_2047] : memref<131072x512xf32, #tpu.memory_space<hbm>> -> memref<131072x512xf32, #tpu.memory_space<hbm>>
        tpu.wait_indirect_dma semaphore(%arg26 : memref<!tpu.dma_semaphore, #tpu.memory_space<semaphore_mem>>) src(%arg8 : memref<32x512xf32, #tpu.memory_space<vmem>>) dst(%dma_wait3A_2048 : memref<131072x512xf32, #tpu.memory_space<hbm>>)
      } else {
      }
      %add3A_1239 = arith.constant 4 : i32
      %add3A_1240 = arith.addi %add3A_983, %add3A_1239 : i32
      %lt3A_1241 = arith.constant 128 : i32
      %lt3A_1242 = arith.cmpi slt, %add3A_1240, %lt3A_1241 : i32
      %convert_element_type3A_1243 = arith.extui %lt3A_1242 : i1 to i32
      %cond3A_1244 = arith.constant 0 : i32
      %cond3A_1245 = arith.cmpi ne, %convert_element_type3A_1243, %cond3A_1244 : i32
      scf.if %cond3A_1245 {
        %add3A_2044 = arith.constant 4 : i32
        %add3A_2045 = arith.addi %add3A_983, %add3A_2044 : i32
        %dma_start3A_2046 = arith.constant 0 : i32
        %dma_start3A_2047 = tpu.memref_slice %arg6[%add3A_2045, %dma_start3A_2046] : memref<128x32xi32, #tpu.memory_space<vmem>> -> memref<1x32xi32, #tpu.memory_space<vmem>>
        %dma_start3A_2048 = tpu.memref_squeeze %dma_start3A_2047 : memref<1x32xi32, #tpu.memory_space<vmem>> -> memref<32xi32, #tpu.memory_space<vmem>>
        %dma_start3A_2049 = arith.constant 0 : i32
        %dma_start3A_2050 = arith.constant 0 : i32
        %dma_start3A_2051 = tpu.memref_slice %arg4[%dma_start3A_2049, %dma_start3A_2050] : memref<100000x512xf32, #tpu.memory_space<hbm>> -> memref<100000x512xf32, #tpu.memory_space<hbm>>
        tpu.enqueue_indirect_dma source(%dma_start3A_2051 : memref<100000x512xf32, #tpu.memory_space<hbm>>) target(%arg8 : memref<32x512xf32, #tpu.memory_space<vmem>>) offsets(%dma_start3A_2048 : memref<32xi32, #tpu.memory_space<vmem>>) semaphore(%arg20 : memref<!tpu.dma_semaphore, #tpu.memory_space<semaphore_mem>>)
      } else {
      }
      %mul3A_1246 = arith.constant 6 : i32
      %mul3A_1247 = arith.muli %scan3A_460, %mul3A_1246 : i32
      %add3A_1248 = arith.constant 3 : i32
      %add3A_1249 = arith.addi %mul3A_1247, %add3A_1248 : i32
      %jit3A_1250 = arith.constant 32 : i32
      %div3A_1251 = arith.divsi %add3A_1249, %jit3A_1250 : i32
      %sign3A_1252 = arith.constant 0 : i32
      %sign3A_1253 = arith.cmpi sgt, %add3A_1249, %sign3A_1252 : i32
      %sign3A_1254 = arith.extui %sign3A_1253 : i1 to i32
      %sign3A_1255 = arith.constant 0 : i32
      %sign3A_1256 = arith.cmpi slt, %add3A_1249, %sign3A_1255 : i32
      %sign3A_1257 = arith.extui %sign3A_1256 : i1 to i32
      %sign3A_1258 = arith.subi %sign3A_1254, %sign3A_1257 : i32
      %sign3A_1259 = arith.constant 0 : i32
      %sign3A_1260 = arith.cmpi sgt, %jit3A_1250, %sign3A_1259 : i32
      %sign3A_1261 = arith.extui %sign3A_1260 : i1 to i32
      %sign3A_1262 = arith.constant 0 : i32
      %sign3A_1263 = arith.cmpi slt, %jit3A_1250, %sign3A_1262 : i32
      %sign3A_1264 = arith.extui %sign3A_1263 : i1 to i32
      %sign3A_1265 = arith.subi %sign3A_1261, %sign3A_1264 : i32
      %ne3A_1266 = arith.cmpi ne, %sign3A_1258, %sign3A_1265 : i32
      %rem3A_1267 = arith.remsi %add3A_1249, %jit3A_1250 : i32
      %ne3A_1268 = arith.constant 0 : i32
      %ne3A_1269 = arith.cmpi ne, %rem3A_1267, %ne3A_1268 : i32
      %and3A_1270 = arith.andi %ne3A_1266, %ne3A_1269 : i1
      %sub3A_1271 = arith.constant 1 : i32
      %sub3A_1272 = arith.subi %div3A_1251, %sub3A_1271 : i32
      %select_n3A_1273 = arith.select %and3A_1270, %sub3A_1272, %div3A_1251 : i32
      %jit3A_1274 = arith.constant 32 : i32
      %eq3A_1275 = arith.constant 0 : i32
      %eq3A_1276 = arith.cmpi eq, %jit3A_1274, %eq3A_1275 : i32
      %jit3A_1277 = arith.constant 1 : i32
      %select_n3A_1278 = arith.select %eq3A_1276, %jit3A_1277, %jit3A_1274 : i32
      %rem3A_1279 = arith.remsi %add3A_1249, %select_n3A_1278 : i32
      %ne3A_1280 = arith.constant 0 : i32
      %ne3A_1281 = arith.cmpi ne, %rem3A_1279, %ne3A_1280 : i32
      %lt3A_1282 = arith.constant 0 : i32
      %lt3A_1283 = arith.cmpi slt, %rem3A_1279, %lt3A_1282 : i32
      %lt3A_1284 = arith.constant 0 : i32
      %lt3A_1285 = arith.cmpi slt, %select_n3A_1278, %lt3A_1284 : i32
      %ne3A_1286 = arith.xori %lt3A_1283, %lt3A_1285 : i1
      %and3A_1287 = arith.andi %ne3A_1286, %ne3A_1281 : i1
      %add3A_1288 = arith.addi %rem3A_1279, %select_n3A_1278 : i32
      %select_n3A_1289 = arith.select %and3A_1287, %add3A_1288, %rem3A_1279 : i32
      %mul3A_1290 = arith.constant 32 : i32
      %mul3A_1291 = arith.muli %select_n3A_1289, %mul3A_1290 : i32
      %mul3A_1292 = arith.constant 128 : i32
      %mul3A_1293 = arith.muli %mul3A_1291, %mul3A_1292 : i32
      %mul3A_1294 = arith.constant 4 : i32
      %mul3A_1295 = arith.muli %add3A, %mul3A_1294 : i32
      %add3A_1296 = arith.addi %mul3A_1293, %mul3A_1295 : i32
      %add3A_1297 = arith.addi %add3A_1296, %select_n3A_1273 : i32
      %add3A_1298 = arith.constant 0 : i32
      %add3A_1299 = vector.broadcast %add3A_1298 : i32 to vector<16xi32>
      %add3A_1300 = arith.addi %iota3A, %add3A_1299 : vector<16xi32>
      %mul3A_1301 = arith.constant 128 : i32
      %mul3A_1302 = vector.broadcast %mul3A_1301 : i32 to vector<16xi32>
      %mul3A_1303 = arith.muli %add3A_1300, %mul3A_1302 : vector<16xi32>
      %add3A_1304 = vector.broadcast %add3A_1297 : i32 to vector<16xi32>
      %add3A_1305 = arith.addi %add3A_1304, %mul3A_1303 : vector<16xi32>
      %swap3A_1306 = arith.constant 0 : index
      %swap3A_1307 = tpu.vector_load %arg17[%swap3A_1306] {strides = array<i32>} : memref<32xi32, #tpu.memory_space<vmem>>, vector<16xi32>,
      %swap3A_1308 = vector.shape_cast %swap3A_1307 : vector<16xi32> to vector<16xi32>
      %swap3A_1309 = vector.shape_cast %add3A_1305 : vector<16xi32> to vector<16xi32>
      tpu.vector_store %arg17[%swap3A_1306], %swap3A_1309 {strides = array<i32>} : memref<32xi32, #tpu.memory_space<vmem>>, vector<16xi32>,
      %add3A_1310 = arith.constant 16 : i32
      %add3A_1311 = vector.broadcast %add3A_1310 : i32 to vector<16xi32>
      %add3A_1312 = arith.addi %iota3A, %add3A_1311 : vector<16xi32>
      %mul3A_1313 = arith.constant 128 : i32
      %mul3A_1314 = vector.broadcast %mul3A_1313 : i32 to vector<16xi32>
      %mul3A_1315 = arith.muli %add3A_1312, %mul3A_1314 : vector<16xi32>
      %add3A_1316 = vector.broadcast %add3A_1297 : i32 to vector<16xi32>
      %add3A_1317 = arith.addi %add3A_1316, %mul3A_1315 : vector<16xi32>
      %swap3A_1318 = arith.constant 16 : index
      %swap3A_1319 = tpu.vector_load %arg17[%swap3A_1318] {strides = array<i32>} : memref<32xi32, #tpu.memory_space<vmem>>, vector<16xi32>,
      %swap3A_1320 = vector.shape_cast %swap3A_1319 : vector<16xi32> to vector<16xi32>
      %swap3A_1321 = vector.shape_cast %add3A_1317 : vector<16xi32> to vector<16xi32>
      tpu.vector_store %arg17[%swap3A_1318], %swap3A_1321 {strides = array<i32>} : memref<32xi32, #tpu.memory_space<vmem>>, vector<16xi32>,
      %mul3A_1322 = arith.constant 512 : i32
      %mul3A_1323 = arith.muli %select_n3A_1273, %mul3A_1322 : i32
      %multiple_of3A_1324 = tpu.assume_multiple %mul3A_1323, 16 : i32
      %dma_wait3A_1325 = arith.constant 0 : i32
      %dma_wait3A_1326 = tpu.memref_slice %arg6[%add3A_1249, %dma_wait3A_1325] : memref<128x32xi32, #tpu.memory_space<vmem>> -> memref<1x32xi32, #tpu.memory_space<vmem>>
      %dma_wait3A_1327 = tpu.memref_squeeze %dma_wait3A_1326 : memref<1x32xi32, #tpu.memory_space<vmem>> -> memref<32xi32, #tpu.memory_space<vmem>>
      %dma_wait3A_1328 = arith.constant 0 : i32
      %dma_wait3A_1329 = arith.constant 0 : i32
      %dma_wait3A_1330 = tpu.memref_slice %arg4[%dma_wait3A_1328, %dma_wait3A_1329] : memref<100000x512xf32, #tpu.memory_space<hbm>> -> memref<100000x512xf32, #tpu.memory_space<hbm>>
      tpu.wait_indirect_dma semaphore(%arg23 : memref<!tpu.dma_semaphore, #tpu.memory_space<semaphore_mem>>) src(%dma_wait3A_1330 : memref<100000x512xf32, #tpu.memory_space<hbm>>) dst(%arg11 : memref<32x512xf32, #tpu.memory_space<vmem>>)
      %add3A_1331 = arith.constant 0 : i32
      %add3A_1332 = arith.addi %multiple_of3A_1324, %add3A_1331 : i32
      %get3A_1333 = arith.index_cast %add3A_1332 : i32 to index
      %get3A_1334 = tpu.vector_load %arg7[%get3A_1333] {strides = array<i32>} : memref<2048xf32, #tpu.memory_space<vmem>>, vector<16xf32>,
      %get3A_1335 = vector.shape_cast %get3A_1334 : vector<16xf32> to vector<16xf32>
      %add3A_1336 = arith.constant 16 : i32
      %add3A_1337 = arith.addi %multiple_of3A_1324, %add3A_1336 : i32
      %get3A_1338 = arith.index_cast %add3A_1337 : i32 to index
      %get3A_1339 = tpu.vector_load %arg7[%get3A_1338] {strides = array<i32>} : memref<2048xf32, #tpu.memory_space<vmem>>, vector<16xf32>,
      %get3A_1340 = vector.shape_cast %get3A_1339 : vector<16xf32> to vector<16xf32>
      %add3A_1341 = arith.constant 32 : i32
      %add3A_1342 = arith.addi %multiple_of3A_1324, %add3A_1341 : i32
      %get3A_1343 = arith.index_cast %add3A_1342 : i32 to index
      %get3A_1344 = tpu.vector_load %arg7[%get3A_1343] {strides = array<i32>} : memref<2048xf32, #tpu.memory_space<vmem>>, vector<16xf32>,
      %get3A_1345 = vector.shape_cast %get3A_1344 : vector<16xf32> to vector<16xf32>
      %add3A_1346 = arith.constant 48 : i32
      %add3A_1347 = arith.addi %multiple_of3A_1324, %add3A_1346 : i32
      %get3A_1348 = arith.index_cast %add3A_1347 : i32 to index
      %get3A_1349 = tpu.vector_load %arg7[%get3A_1348] {strides = array<i32>} : memref<2048xf32, #tpu.memory_space<vmem>>, vector<16xf32>,
      %get3A_1350 = vector.shape_cast %get3A_1349 : vector<16xf32> to vector<16xf32>
      %add3A_1351 = arith.constant 64 : i32
      %add3A_1352 = arith.addi %multiple_of3A_1324, %add3A_1351 : i32
      %get3A_1353 = arith.index_cast %add3A_1352 : i32 to index
      %get3A_1354 = tpu.vector_load %arg7[%get3A_1353] {strides = array<i32>} : memref<2048xf32, #tpu.memory_space<vmem>>, vector<16xf32>,
      %get3A_1355 = vector.shape_cast %get3A_1354 : vector<16xf32> to vector<16xf32>
      %add3A_1356 = arith.constant 80 : i32
      %add3A_1357 = arith.addi %multiple_of3A_1324, %add3A_1356 : i32
      %get3A_1358 = arith.index_cast %add3A_1357 : i32 to index
      %get3A_1359 = tpu.vector_load %arg7[%get3A_1358] {strides = array<i32>} : memref<2048xf32, #tpu.memory_space<vmem>>, vector<16xf32>,
      %get3A_1360 = vector.shape_cast %get3A_1359 : vector<16xf32> to vector<16xf32>
      %add3A_1361 = arith.constant 96 : i32
      %add3A_1362 = arith.addi %multiple_of3A_1324, %add3A_1361 : i32
      %get3A_1363 = arith.index_cast %add3A_1362 : i32 to index
      %get3A_1364 = tpu.vector_load %arg7[%get3A_1363] {strides = array<i32>} : memref<2048xf32, #tpu.memory_space<vmem>>, vector<16xf32>,
      %get3A_1365 = vector.shape_cast %get3A_1364 : vector<16xf32> to vector<16xf32>
      %add3A_1366 = arith.constant 112 : i32
      %add3A_1367 = arith.addi %multiple_of3A_1324, %add3A_1366 : i32
      %get3A_1368 = arith.index_cast %add3A_1367 : i32 to index
      %get3A_1369 = tpu.vector_load %arg7[%get3A_1368] {strides = array<i32>} : memref<2048xf32, #tpu.memory_space<vmem>>, vector<16xf32>,
      %get3A_1370 = vector.shape_cast %get3A_1369 : vector<16xf32> to vector<16xf32>
      %add3A_1371 = arith.constant 128 : i32
      %add3A_1372 = arith.addi %multiple_of3A_1324, %add3A_1371 : i32
      %get3A_1373 = arith.index_cast %add3A_1372 : i32 to index
      %get3A_1374 = tpu.vector_load %arg7[%get3A_1373] {strides = array<i32>} : memref<2048xf32, #tpu.memory_space<vmem>>, vector<16xf32>,
      %get3A_1375 = vector.shape_cast %get3A_1374 : vector<16xf32> to vector<16xf32>
      %add3A_1376 = arith.constant 144 : i32
      %add3A_1377 = arith.addi %multiple_of3A_1324, %add3A_1376 : i32
      %get3A_1378 = arith.index_cast %add3A_1377 : i32 to index
      %get3A_1379 = tpu.vector_load %arg7[%get3A_1378] {strides = array<i32>} : memref<2048xf32, #tpu.memory_space<vmem>>, vector<16xf32>,
      %get3A_1380 = vector.shape_cast %get3A_1379 : vector<16xf32> to vector<16xf32>
      %add3A_1381 = arith.constant 160 : i32
      %add3A_1382 = arith.addi %multiple_of3A_1324, %add3A_1381 : i32
      %get3A_1383 = arith.index_cast %add3A_1382 : i32 to index
      %get3A_1384 = tpu.vector_load %arg7[%get3A_1383] {strides = array<i32>} : memref<2048xf32, #tpu.memory_space<vmem>>, vector<16xf32>,
      %get3A_1385 = vector.shape_cast %get3A_1384 : vector<16xf32> to vector<16xf32>
      %add3A_1386 = arith.constant 176 : i32
      %add3A_1387 = arith.addi %multiple_of3A_1324, %add3A_1386 : i32
      %get3A_1388 = arith.index_cast %add3A_1387 : i32 to index
      %get3A_1389 = tpu.vector_load %arg7[%get3A_1388] {strides = array<i32>} : memref<2048xf32, #tpu.memory_space<vmem>>, vector<16xf32>,
      %get3A_1390 = vector.shape_cast %get3A_1389 : vector<16xf32> to vector<16xf32>
      %add3A_1391 = arith.constant 192 : i32
      %add3A_1392 = arith.addi %multiple_of3A_1324, %add3A_1391 : i32
      %get3A_1393 = arith.index_cast %add3A_1392 : i32 to index
      %get3A_1394 = tpu.vector_load %arg7[%get3A_1393] {strides = array<i32>} : memref<2048xf32, #tpu.memory_space<vmem>>, vector<16xf32>,
      %get3A_1395 = vector.shape_cast %get3A_1394 : vector<16xf32> to vector<16xf32>
      %add3A_1396 = arith.constant 208 : i32
      %add3A_1397 = arith.addi %multiple_of3A_1324, %add3A_1396 : i32
      %get3A_1398 = arith.index_cast %add3A_1397 : i32 to index
      %get3A_1399 = tpu.vector_load %arg7[%get3A_1398] {strides = array<i32>} : memref<2048xf32, #tpu.memory_space<vmem>>, vector<16xf32>,
      %get3A_1400 = vector.shape_cast %get3A_1399 : vector<16xf32> to vector<16xf32>
      %add3A_1401 = arith.constant 224 : i32
      %add3A_1402 = arith.addi %multiple_of3A_1324, %add3A_1401 : i32
      %get3A_1403 = arith.index_cast %add3A_1402 : i32 to index
      %get3A_1404 = tpu.vector_load %arg7[%get3A_1403] {strides = array<i32>} : memref<2048xf32, #tpu.memory_space<vmem>>, vector<16xf32>,
      %get3A_1405 = vector.shape_cast %get3A_1404 : vector<16xf32> to vector<16xf32>
      %add3A_1406 = arith.constant 240 : i32
      %add3A_1407 = arith.addi %multiple_of3A_1324, %add3A_1406 : i32
      %get3A_1408 = arith.index_cast %add3A_1407 : i32 to index
      %get3A_1409 = tpu.vector_load %arg7[%get3A_1408] {strides = array<i32>} : memref<2048xf32, #tpu.memory_space<vmem>>, vector<16xf32>,
      %get3A_1410 = vector.shape_cast %get3A_1409 : vector<16xf32> to vector<16xf32>
      %parallel_loop3A_1411 = arith.constant 0 : i32
      %parallel_loop3A_1412 = arith.constant 32 : i32
      %parallel_loop3A_1413 = arith.constant 1 : i32
      scf.for %parallel_loop3A_2044 = %parallel_loop3A_1411 to %parallel_loop3A_1412 step %parallel_loop3A_1413  : i32 {
        %parallel_loop3A_2045 = arith.index_cast %parallel_loop3A_2044 : i32 to index
        %parallel_loop3A_2046 = arith.constant 0 : index
        %parallel_loop3A_2047 = tpu.vector_load %arg11[%parallel_loop3A_2045, %parallel_loop3A_2046] {strides = array<i32>} : memref<32x512xf32, #tpu.memory_space<vmem>>, vector<1x16xf32>,
        %parallel_loop3A_2048 = vector.shape_cast %parallel_loop3A_2047 : vector<1x16xf32> to vector<16xf32>
        %parallel_loop3A_2049 = vector.shape_cast %get3A_1335 : vector<16xf32> to vector<1x16xf32>
        tpu.vector_store %arg11[%parallel_loop3A_2045, %parallel_loop3A_2046], %parallel_loop3A_2049 {add = true, strides = array<i32>} : memref<32x512xf32, #tpu.memory_space<vmem>>, vector<1x16xf32>,
        %parallel_loop3A_2050 = arith.index_cast %parallel_loop3A_2044 : i32 to index
        %parallel_loop3A_2051 = arith.constant 16 : index
        %parallel_loop3A_2052 = tpu.vector_load %arg11[%parallel_loop3A_2050, %parallel_loop3A_2051] {strides = array<i32>} : memref<32x512xf32, #tpu.memory_space<vmem>>, vector<1x16xf32>,
        %parallel_loop3A_2053 = vector.shape_cast %parallel_loop3A_2052 : vector<1x16xf32> to vector<16xf32>
        %parallel_loop3A_2054 = vector.shape_cast %get3A_1340 : vector<16xf32> to vector<1x16xf32>
        tpu.vector_store %arg11[%parallel_loop3A_2050, %parallel_loop3A_2051], %parallel_loop3A_2054 {add = true, strides = array<i32>} : memref<32x512xf32, #tpu.memory_space<vmem>>, vector<1x16xf32>,
        %parallel_loop3A_2055 = arith.index_cast %parallel_loop3A_2044 : i32 to index
        %parallel_loop3A_2056 = arith.constant 32 : index
        %parallel_loop3A_2057 = tpu.vector_load %arg11[%parallel_loop3A_2055, %parallel_loop3A_2056] {strides = array<i32>} : memref<32x512xf32, #tpu.memory_space<vmem>>, vector<1x16xf32>,
        %parallel_loop3A_2058 = vector.shape_cast %parallel_loop3A_2057 : vector<1x16xf32> to vector<16xf32>
        %parallel_loop3A_2059 = vector.shape_cast %get3A_1345 : vector<16xf32> to vector<1x16xf32>
        tpu.vector_store %arg11[%parallel_loop3A_2055, %parallel_loop3A_2056], %parallel_loop3A_2059 {add = true, strides = array<i32>} : memref<32x512xf32, #tpu.memory_space<vmem>>, vector<1x16xf32>,
        %parallel_loop3A_2060 = arith.index_cast %parallel_loop3A_2044 : i32 to index
        %parallel_loop3A_2061 = arith.constant 48 : index
        %parallel_loop3A_2062 = tpu.vector_load %arg11[%parallel_loop3A_2060, %parallel_loop3A_2061] {strides = array<i32>} : memref<32x512xf32, #tpu.memory_space<vmem>>, vector<1x16xf32>,
        %parallel_loop3A_2063 = vector.shape_cast %parallel_loop3A_2062 : vector<1x16xf32> to vector<16xf32>
        %parallel_loop3A_2064 = vector.shape_cast %get3A_1350 : vector<16xf32> to vector<1x16xf32>
        tpu.vector_store %arg11[%parallel_loop3A_2060, %parallel_loop3A_2061], %parallel_loop3A_2064 {add = true, strides = array<i32>} : memref<32x512xf32, #tpu.memory_space<vmem>>, vector<1x16xf32>,
        %parallel_loop3A_2065 = arith.index_cast %parallel_loop3A_2044 : i32 to index
        %parallel_loop3A_2066 = arith.constant 64 : index
        %parallel_loop3A_2067 = tpu.vector_load %arg11[%parallel_loop3A_2065, %parallel_loop3A_2066] {strides = array<i32>} : memref<32x512xf32, #tpu.memory_space<vmem>>, vector<1x16xf32>,
        %parallel_loop3A_2068 = vector.shape_cast %parallel_loop3A_2067 : vector<1x16xf32> to vector<16xf32>
        %parallel_loop3A_2069 = vector.shape_cast %get3A_1355 : vector<16xf32> to vector<1x16xf32>
        tpu.vector_store %arg11[%parallel_loop3A_2065, %parallel_loop3A_2066], %parallel_loop3A_2069 {add = true, strides = array<i32>} : memref<32x512xf32, #tpu.memory_space<vmem>>, vector<1x16xf32>,
        %parallel_loop3A_2070 = arith.index_cast %parallel_loop3A_2044 : i32 to index
        %parallel_loop3A_2071 = arith.constant 80 : index
        %parallel_loop3A_2072 = tpu.vector_load %arg11[%parallel_loop3A_2070, %parallel_loop3A_2071] {strides = array<i32>} : memref<32x512xf32, #tpu.memory_space<vmem>>, vector<1x16xf32>,
        %parallel_loop3A_2073 = vector.shape_cast %parallel_loop3A_2072 : vector<1x16xf32> to vector<16xf32>
        %parallel_loop3A_2074 = vector.shape_cast %get3A_1360 : vector<16xf32> to vector<1x16xf32>
        tpu.vector_store %arg11[%parallel_loop3A_2070, %parallel_loop3A_2071], %parallel_loop3A_2074 {add = true, strides = array<i32>} : memref<32x512xf32, #tpu.memory_space<vmem>>, vector<1x16xf32>,
        %parallel_loop3A_2075 = arith.index_cast %parallel_loop3A_2044 : i32 to index
        %parallel_loop3A_2076 = arith.constant 96 : index
        %parallel_loop3A_2077 = tpu.vector_load %arg11[%parallel_loop3A_2075, %parallel_loop3A_2076] {strides = array<i32>} : memref<32x512xf32, #tpu.memory_space<vmem>>, vector<1x16xf32>,
        %parallel_loop3A_2078 = vector.shape_cast %parallel_loop3A_2077 : vector<1x16xf32> to vector<16xf32>
        %parallel_loop3A_2079 = vector.shape_cast %get3A_1365 : vector<16xf32> to vector<1x16xf32>
        tpu.vector_store %arg11[%parallel_loop3A_2075, %parallel_loop3A_2076], %parallel_loop3A_2079 {add = true, strides = array<i32>} : memref<32x512xf32, #tpu.memory_space<vmem>>, vector<1x16xf32>,
        %parallel_loop3A_2080 = arith.index_cast %parallel_loop3A_2044 : i32 to index
        %parallel_loop3A_2081 = arith.constant 112 : index
        %parallel_loop3A_2082 = tpu.vector_load %arg11[%parallel_loop3A_2080, %parallel_loop3A_2081] {strides = array<i32>} : memref<32x512xf32, #tpu.memory_space<vmem>>, vector<1x16xf32>,
        %parallel_loop3A_2083 = vector.shape_cast %parallel_loop3A_2082 : vector<1x16xf32> to vector<16xf32>
        %parallel_loop3A_2084 = vector.shape_cast %get3A_1370 : vector<16xf32> to vector<1x16xf32>
        tpu.vector_store %arg11[%parallel_loop3A_2080, %parallel_loop3A_2081], %parallel_loop3A_2084 {add = true, strides = array<i32>} : memref<32x512xf32, #tpu.memory_space<vmem>>, vector<1x16xf32>,
        %parallel_loop3A_2085 = arith.index_cast %parallel_loop3A_2044 : i32 to index
        %parallel_loop3A_2086 = arith.constant 128 : index
        %parallel_loop3A_2087 = tpu.vector_load %arg11[%parallel_loop3A_2085, %parallel_loop3A_2086] {strides = array<i32>} : memref<32x512xf32, #tpu.memory_space<vmem>>, vector<1x16xf32>,
        %parallel_loop3A_2088 = vector.shape_cast %parallel_loop3A_2087 : vector<1x16xf32> to vector<16xf32>
        %parallel_loop3A_2089 = vector.shape_cast %get3A_1375 : vector<16xf32> to vector<1x16xf32>
        tpu.vector_store %arg11[%parallel_loop3A_2085, %parallel_loop3A_2086], %parallel_loop3A_2089 {add = true, strides = array<i32>} : memref<32x512xf32, #tpu.memory_space<vmem>>, vector<1x16xf32>,
        %parallel_loop3A_2090 = arith.index_cast %parallel_loop3A_2044 : i32 to index
        %parallel_loop3A_2091 = arith.constant 144 : index
        %parallel_loop3A_2092 = tpu.vector_load %arg11[%parallel_loop3A_2090, %parallel_loop3A_2091] {strides = array<i32>} : memref<32x512xf32, #tpu.memory_space<vmem>>, vector<1x16xf32>,
        %parallel_loop3A_2093 = vector.shape_cast %parallel_loop3A_2092 : vector<1x16xf32> to vector<16xf32>
        %parallel_loop3A_2094 = vector.shape_cast %get3A_1380 : vector<16xf32> to vector<1x16xf32>
        tpu.vector_store %arg11[%parallel_loop3A_2090, %parallel_loop3A_2091], %parallel_loop3A_2094 {add = true, strides = array<i32>} : memref<32x512xf32, #tpu.memory_space<vmem>>, vector<1x16xf32>,
        %parallel_loop3A_2095 = arith.index_cast %parallel_loop3A_2044 : i32 to index
        %parallel_loop3A_2096 = arith.constant 160 : index
        %parallel_loop3A_2097 = tpu.vector_load %arg11[%parallel_loop3A_2095, %parallel_loop3A_2096] {strides = array<i32>} : memref<32x512xf32, #tpu.memory_space<vmem>>, vector<1x16xf32>,
        %parallel_loop3A_2098 = vector.shape_cast %parallel_loop3A_2097 : vector<1x16xf32> to vector<16xf32>
        %parallel_loop3A_2099 = vector.shape_cast %get3A_1385 : vector<16xf32> to vector<1x16xf32>
        tpu.vector_store %arg11[%parallel_loop3A_2095, %parallel_loop3A_2096], %parallel_loop3A_2099 {add = true, strides = array<i32>} : memref<32x512xf32, #tpu.memory_space<vmem>>, vector<1x16xf32>,
        %parallel_loop3A_2100 = arith.index_cast %parallel_loop3A_2044 : i32 to index
        %parallel_loop3A_2101 = arith.constant 176 : index
        %parallel_loop3A_2102 = tpu.vector_load %arg11[%parallel_loop3A_2100, %parallel_loop3A_2101] {strides = array<i32>} : memref<32x512xf32, #tpu.memory_space<vmem>>, vector<1x16xf32>,
        %parallel_loop3A_2103 = vector.shape_cast %parallel_loop3A_2102 : vector<1x16xf32> to vector<16xf32>
        %parallel_loop3A_2104 = vector.shape_cast %get3A_1390 : vector<16xf32> to vector<1x16xf32>
        tpu.vector_store %arg11[%parallel_loop3A_2100, %parallel_loop3A_2101], %parallel_loop3A_2104 {add = true, strides = array<i32>} : memref<32x512xf32, #tpu.memory_space<vmem>>, vector<1x16xf32>,
        %parallel_loop3A_2105 = arith.index_cast %parallel_loop3A_2044 : i32 to index
        %parallel_loop3A_2106 = arith.constant 192 : index
        %parallel_loop3A_2107 = tpu.vector_load %arg11[%parallel_loop3A_2105, %parallel_loop3A_2106] {strides = array<i32>} : memref<32x512xf32, #tpu.memory_space<vmem>>, vector<1x16xf32>,
        %parallel_loop3A_2108 = vector.shape_cast %parallel_loop3A_2107 : vector<1x16xf32> to vector<16xf32>
        %parallel_loop3A_2109 = vector.shape_cast %get3A_1395 : vector<16xf32> to vector<1x16xf32>
        tpu.vector_store %arg11[%parallel_loop3A_2105, %parallel_loop3A_2106], %parallel_loop3A_2109 {add = true, strides = array<i32>} : memref<32x512xf32, #tpu.memory_space<vmem>>, vector<1x16xf32>,
        %parallel_loop3A_2110 = arith.index_cast %parallel_loop3A_2044 : i32 to index
        %parallel_loop3A_2111 = arith.constant 208 : index
        %parallel_loop3A_2112 = tpu.vector_load %arg11[%parallel_loop3A_2110, %parallel_loop3A_2111] {strides = array<i32>} : memref<32x512xf32, #tpu.memory_space<vmem>>, vector<1x16xf32>,
        %parallel_loop3A_2113 = vector.shape_cast %parallel_loop3A_2112 : vector<1x16xf32> to vector<16xf32>
        %parallel_loop3A_2114 = vector.shape_cast %get3A_1400 : vector<16xf32> to vector<1x16xf32>
        tpu.vector_store %arg11[%parallel_loop3A_2110, %parallel_loop3A_2111], %parallel_loop3A_2114 {add = true, strides = array<i32>} : memref<32x512xf32, #tpu.memory_space<vmem>>, vector<1x16xf32>,
        %parallel_loop3A_2115 = arith.index_cast %parallel_loop3A_2044 : i32 to index
        %parallel_loop3A_2116 = arith.constant 224 : index
        %parallel_loop3A_2117 = tpu.vector_load %arg11[%parallel_loop3A_2115, %parallel_loop3A_2116] {strides = array<i32>} : memref<32x512xf32, #tpu.memory_space<vmem>>, vector<1x16xf32>,
        %parallel_loop3A_2118 = vector.shape_cast %parallel_loop3A_2117 : vector<1x16xf32> to vector<16xf32>
        %parallel_loop3A_2119 = vector.shape_cast %get3A_1405 : vector<16xf32> to vector<1x16xf32>
        tpu.vector_store %arg11[%parallel_loop3A_2115, %parallel_loop3A_2116], %parallel_loop3A_2119 {add = true, strides = array<i32>} : memref<32x512xf32, #tpu.memory_space<vmem>>, vector<1x16xf32>,
        %parallel_loop3A_2120 = arith.index_cast %parallel_loop3A_2044 : i32 to index
        %parallel_loop3A_2121 = arith.constant 240 : index
        %parallel_loop3A_2122 = tpu.vector_load %arg11[%parallel_loop3A_2120, %parallel_loop3A_2121] {strides = array<i32>} : memref<32x512xf32, #tpu.memory_space<vmem>>, vector<1x16xf32>,
        %parallel_loop3A_2123 = vector.shape_cast %parallel_loop3A_2122 : vector<1x16xf32> to vector<16xf32>
        %parallel_loop3A_2124 = vector.shape_cast %get3A_1410 : vector<16xf32> to vector<1x16xf32>
        tpu.vector_store %arg11[%parallel_loop3A_2120, %parallel_loop3A_2121], %parallel_loop3A_2124 {add = true, strides = array<i32>} : memref<32x512xf32, #tpu.memory_space<vmem>>, vector<1x16xf32>,
      } {sc.loop_unroll_factor = 1 : i64, sc.parallel_access}
      %add3A_1414 = arith.constant 256 : i32
      %add3A_1415 = arith.addi %multiple_of3A_1324, %add3A_1414 : i32
      %get3A_1416 = arith.index_cast %add3A_1415 : i32 to index
      %get3A_1417 = tpu.vector_load %arg7[%get3A_1416] {strides = array<i32>} : memref<2048xf32, #tpu.memory_space<vmem>>, vector<16xf32>,
      %get3A_1418 = vector.shape_cast %get3A_1417 : vector<16xf32> to vector<16xf32>
      %add3A_1419 = arith.constant 272 : i32
      %add3A_1420 = arith.addi %multiple_of3A_1324, %add3A_1419 : i32
      %get3A_1421 = arith.index_cast %add3A_1420 : i32 to index
      %get3A_1422 = tpu.vector_load %arg7[%get3A_1421] {strides = array<i32>} : memref<2048xf32, #tpu.memory_space<vmem>>, vector<16xf32>,
      %get3A_1423 = vector.shape_cast %get3A_1422 : vector<16xf32> to vector<16xf32>
      %add3A_1424 = arith.constant 288 : i32
      %add3A_1425 = arith.addi %multiple_of3A_1324, %add3A_1424 : i32
      %get3A_1426 = arith.index_cast %add3A_1425 : i32 to index
      %get3A_1427 = tpu.vector_load %arg7[%get3A_1426] {strides = array<i32>} : memref<2048xf32, #tpu.memory_space<vmem>>, vector<16xf32>,
      %get3A_1428 = vector.shape_cast %get3A_1427 : vector<16xf32> to vector<16xf32>
      %add3A_1429 = arith.constant 304 : i32
      %add3A_1430 = arith.addi %multiple_of3A_1324, %add3A_1429 : i32
      %get3A_1431 = arith.index_cast %add3A_1430 : i32 to index
      %get3A_1432 = tpu.vector_load %arg7[%get3A_1431] {strides = array<i32>} : memref<2048xf32, #tpu.memory_space<vmem>>, vector<16xf32>,
      %get3A_1433 = vector.shape_cast %get3A_1432 : vector<16xf32> to vector<16xf32>
      %add3A_1434 = arith.constant 320 : i32
      %add3A_1435 = arith.addi %multiple_of3A_1324, %add3A_1434 : i32
      %get3A_1436 = arith.index_cast %add3A_1435 : i32 to index
      %get3A_1437 = tpu.vector_load %arg7[%get3A_1436] {strides = array<i32>} : memref<2048xf32, #tpu.memory_space<vmem>>, vector<16xf32>,
      %get3A_1438 = vector.shape_cast %get3A_1437 : vector<16xf32> to vector<16xf32>
      %add3A_1439 = arith.constant 336 : i32
      %add3A_1440 = arith.addi %multiple_of3A_1324, %add3A_1439 : i32
      %get3A_1441 = arith.index_cast %add3A_1440 : i32 to index
      %get3A_1442 = tpu.vector_load %arg7[%get3A_1441] {strides = array<i32>} : memref<2048xf32, #tpu.memory_space<vmem>>, vector<16xf32>,
      %get3A_1443 = vector.shape_cast %get3A_1442 : vector<16xf32> to vector<16xf32>
      %add3A_1444 = arith.constant 352 : i32
      %add3A_1445 = arith.addi %multiple_of3A_1324, %add3A_1444 : i32
      %get3A_1446 = arith.index_cast %add3A_1445 : i32 to index
      %get3A_1447 = tpu.vector_load %arg7[%get3A_1446] {strides = array<i32>} : memref<2048xf32, #tpu.memory_space<vmem>>, vector<16xf32>,
      %get3A_1448 = vector.shape_cast %get3A_1447 : vector<16xf32> to vector<16xf32>
      %add3A_1449 = arith.constant 368 : i32
      %add3A_1450 = arith.addi %multiple_of3A_1324, %add3A_1449 : i32
      %get3A_1451 = arith.index_cast %add3A_1450 : i32 to index
      %get3A_1452 = tpu.vector_load %arg7[%get3A_1451] {strides = array<i32>} : memref<2048xf32, #tpu.memory_space<vmem>>, vector<16xf32>,
      %get3A_1453 = vector.shape_cast %get3A_1452 : vector<16xf32> to vector<16xf32>
      %add3A_1454 = arith.constant 384 : i32
      %add3A_1455 = arith.addi %multiple_of3A_1324, %add3A_1454 : i32
      %get3A_1456 = arith.index_cast %add3A_1455 : i32 to index
      %get3A_1457 = tpu.vector_load %arg7[%get3A_1456] {strides = array<i32>} : memref<2048xf32, #tpu.memory_space<vmem>>, vector<16xf32>,
      %get3A_1458 = vector.shape_cast %get3A_1457 : vector<16xf32> to vector<16xf32>
      %add3A_1459 = arith.constant 400 : i32
      %add3A_1460 = arith.addi %multiple_of3A_1324, %add3A_1459 : i32
      %get3A_1461 = arith.index_cast %add3A_1460 : i32 to index
      %get3A_1462 = tpu.vector_load %arg7[%get3A_1461] {strides = array<i32>} : memref<2048xf32, #tpu.memory_space<vmem>>, vector<16xf32>,
      %get3A_1463 = vector.shape_cast %get3A_1462 : vector<16xf32> to vector<16xf32>
      %add3A_1464 = arith.constant 416 : i32
      %add3A_1465 = arith.addi %multiple_of3A_1324, %add3A_1464 : i32
      %get3A_1466 = arith.index_cast %add3A_1465 : i32 to index
      %get3A_1467 = tpu.vector_load %arg7[%get3A_1466] {strides = array<i32>} : memref<2048xf32, #tpu.memory_space<vmem>>, vector<16xf32>,
      %get3A_1468 = vector.shape_cast %get3A_1467 : vector<16xf32> to vector<16xf32>
      %add3A_1469 = arith.constant 432 : i32
      %add3A_1470 = arith.addi %multiple_of3A_1324, %add3A_1469 : i32
      %get3A_1471 = arith.index_cast %add3A_1470 : i32 to index
      %get3A_1472 = tpu.vector_load %arg7[%get3A_1471] {strides = array<i32>} : memref<2048xf32, #tpu.memory_space<vmem>>, vector<16xf32>,
      %get3A_1473 = vector.shape_cast %get3A_1472 : vector<16xf32> to vector<16xf32>
      %add3A_1474 = arith.constant 448 : i32
      %add3A_1475 = arith.addi %multiple_of3A_1324, %add3A_1474 : i32
      %get3A_1476 = arith.index_cast %add3A_1475 : i32 to index
      %get3A_1477 = tpu.vector_load %arg7[%get3A_1476] {strides = array<i32>} : memref<2048xf32, #tpu.memory_space<vmem>>, vector<16xf32>,
      %get3A_1478 = vector.shape_cast %get3A_1477 : vector<16xf32> to vector<16xf32>
      %add3A_1479 = arith.constant 464 : i32
      %add3A_1480 = arith.addi %multiple_of3A_1324, %add3A_1479 : i32
      %get3A_1481 = arith.index_cast %add3A_1480 : i32 to index
      %get3A_1482 = tpu.vector_load %arg7[%get3A_1481] {strides = array<i32>} : memref<2048xf32, #tpu.memory_space<vmem>>, vector<16xf32>,
      %get3A_1483 = vector.shape_cast %get3A_1482 : vector<16xf32> to vector<16xf32>
      %add3A_1484 = arith.constant 480 : i32
      %add3A_1485 = arith.addi %multiple_of3A_1324, %add3A_1484 : i32
      %get3A_1486 = arith.index_cast %add3A_1485 : i32 to index
      %get3A_1487 = tpu.vector_load %arg7[%get3A_1486] {strides = array<i32>} : memref<2048xf32, #tpu.memory_space<vmem>>, vector<16xf32>,
      %get3A_1488 = vector.shape_cast %get3A_1487 : vector<16xf32> to vector<16xf32>
      %add3A_1489 = arith.constant 496 : i32
      %add3A_1490 = arith.addi %multiple_of3A_1324, %add3A_1489 : i32
      %get3A_1491 = arith.index_cast %add3A_1490 : i32 to index
      %get3A_1492 = tpu.vector_load %arg7[%get3A_1491] {strides = array<i32>} : memref<2048xf32, #tpu.memory_space<vmem>>, vector<16xf32>,
      %get3A_1493 = vector.shape_cast %get3A_1492 : vector<16xf32> to vector<16xf32>
      %parallel_loop3A_1494 = arith.constant 0 : i32
      %parallel_loop3A_1495 = arith.constant 32 : i32
      %parallel_loop3A_1496 = arith.constant 1 : i32
      scf.for %parallel_loop3A_2044 = %parallel_loop3A_1494 to %parallel_loop3A_1495 step %parallel_loop3A_1496  : i32 {
        %parallel_loop3A_2045 = arith.index_cast %parallel_loop3A_2044 : i32 to index
        %parallel_loop3A_2046 = arith.constant 256 : index
        %parallel_loop3A_2047 = tpu.vector_load %arg11[%parallel_loop3A_2045, %parallel_loop3A_2046] {strides = array<i32>} : memref<32x512xf32, #tpu.memory_space<vmem>>, vector<1x16xf32>,
        %parallel_loop3A_2048 = vector.shape_cast %parallel_loop3A_2047 : vector<1x16xf32> to vector<16xf32>
        %parallel_loop3A_2049 = vector.shape_cast %get3A_1418 : vector<16xf32> to vector<1x16xf32>
        tpu.vector_store %arg11[%parallel_loop3A_2045, %parallel_loop3A_2046], %parallel_loop3A_2049 {add = true, strides = array<i32>} : memref<32x512xf32, #tpu.memory_space<vmem>>, vector<1x16xf32>,
        %parallel_loop3A_2050 = arith.index_cast %parallel_loop3A_2044 : i32 to index
        %parallel_loop3A_2051 = arith.constant 272 : index
        %parallel_loop3A_2052 = tpu.vector_load %arg11[%parallel_loop3A_2050, %parallel_loop3A_2051] {strides = array<i32>} : memref<32x512xf32, #tpu.memory_space<vmem>>, vector<1x16xf32>,
        %parallel_loop3A_2053 = vector.shape_cast %parallel_loop3A_2052 : vector<1x16xf32> to vector<16xf32>
        %parallel_loop3A_2054 = vector.shape_cast %get3A_1423 : vector<16xf32> to vector<1x16xf32>
        tpu.vector_store %arg11[%parallel_loop3A_2050, %parallel_loop3A_2051], %parallel_loop3A_2054 {add = true, strides = array<i32>} : memref<32x512xf32, #tpu.memory_space<vmem>>, vector<1x16xf32>,
        %parallel_loop3A_2055 = arith.index_cast %parallel_loop3A_2044 : i32 to index
        %parallel_loop3A_2056 = arith.constant 288 : index
        %parallel_loop3A_2057 = tpu.vector_load %arg11[%parallel_loop3A_2055, %parallel_loop3A_2056] {strides = array<i32>} : memref<32x512xf32, #tpu.memory_space<vmem>>, vector<1x16xf32>,
        %parallel_loop3A_2058 = vector.shape_cast %parallel_loop3A_2057 : vector<1x16xf32> to vector<16xf32>
        %parallel_loop3A_2059 = vector.shape_cast %get3A_1428 : vector<16xf32> to vector<1x16xf32>
        tpu.vector_store %arg11[%parallel_loop3A_2055, %parallel_loop3A_2056], %parallel_loop3A_2059 {add = true, strides = array<i32>} : memref<32x512xf32, #tpu.memory_space<vmem>>, vector<1x16xf32>,
        %parallel_loop3A_2060 = arith.index_cast %parallel_loop3A_2044 : i32 to index
        %parallel_loop3A_2061 = arith.constant 304 : index
        %parallel_loop3A_2062 = tpu.vector_load %arg11[%parallel_loop3A_2060, %parallel_loop3A_2061] {strides = array<i32>} : memref<32x512xf32, #tpu.memory_space<vmem>>, vector<1x16xf32>,
        %parallel_loop3A_2063 = vector.shape_cast %parallel_loop3A_2062 : vector<1x16xf32> to vector<16xf32>
        %parallel_loop3A_2064 = vector.shape_cast %get3A_1433 : vector<16xf32> to vector<1x16xf32>
        tpu.vector_store %arg11[%parallel_loop3A_2060, %parallel_loop3A_2061], %parallel_loop3A_2064 {add = true, strides = array<i32>} : memref<32x512xf32, #tpu.memory_space<vmem>>, vector<1x16xf32>,
        %parallel_loop3A_2065 = arith.index_cast %parallel_loop3A_2044 : i32 to index
        %parallel_loop3A_2066 = arith.constant 320 : index
        %parallel_loop3A_2067 = tpu.vector_load %arg11[%parallel_loop3A_2065, %parallel_loop3A_2066] {strides = array<i32>} : memref<32x512xf32, #tpu.memory_space<vmem>>, vector<1x16xf32>,
        %parallel_loop3A_2068 = vector.shape_cast %parallel_loop3A_2067 : vector<1x16xf32> to vector<16xf32>
        %parallel_loop3A_2069 = vector.shape_cast %get3A_1438 : vector<16xf32> to vector<1x16xf32>
        tpu.vector_store %arg11[%parallel_loop3A_2065, %parallel_loop3A_2066], %parallel_loop3A_2069 {add = true, strides = array<i32>} : memref<32x512xf32, #tpu.memory_space<vmem>>, vector<1x16xf32>,
        %parallel_loop3A_2070 = arith.index_cast %parallel_loop3A_2044 : i32 to index
        %parallel_loop3A_2071 = arith.constant 336 : index
        %parallel_loop3A_2072 = tpu.vector_load %arg11[%parallel_loop3A_2070, %parallel_loop3A_2071] {strides = array<i32>} : memref<32x512xf32, #tpu.memory_space<vmem>>, vector<1x16xf32>,
        %parallel_loop3A_2073 = vector.shape_cast %parallel_loop3A_2072 : vector<1x16xf32> to vector<16xf32>
        %parallel_loop3A_2074 = vector.shape_cast %get3A_1443 : vector<16xf32> to vector<1x16xf32>
        tpu.vector_store %arg11[%parallel_loop3A_2070, %parallel_loop3A_2071], %parallel_loop3A_2074 {add = true, strides = array<i32>} : memref<32x512xf32, #tpu.memory_space<vmem>>, vector<1x16xf32>,
        %parallel_loop3A_2075 = arith.index_cast %parallel_loop3A_2044 : i32 to index
        %parallel_loop3A_2076 = arith.constant 352 : index
        %parallel_loop3A_2077 = tpu.vector_load %arg11[%parallel_loop3A_2075, %parallel_loop3A_2076] {strides = array<i32>} : memref<32x512xf32, #tpu.memory_space<vmem>>, vector<1x16xf32>,
        %parallel_loop3A_2078 = vector.shape_cast %parallel_loop3A_2077 : vector<1x16xf32> to vector<16xf32>
        %parallel_loop3A_2079 = vector.shape_cast %get3A_1448 : vector<16xf32> to vector<1x16xf32>
        tpu.vector_store %arg11[%parallel_loop3A_2075, %parallel_loop3A_2076], %parallel_loop3A_2079 {add = true, strides = array<i32>} : memref<32x512xf32, #tpu.memory_space<vmem>>, vector<1x16xf32>,
        %parallel_loop3A_2080 = arith.index_cast %parallel_loop3A_2044 : i32 to index
        %parallel_loop3A_2081 = arith.constant 368 : index
        %parallel_loop3A_2082 = tpu.vector_load %arg11[%parallel_loop3A_2080, %parallel_loop3A_2081] {strides = array<i32>} : memref<32x512xf32, #tpu.memory_space<vmem>>, vector<1x16xf32>,
        %parallel_loop3A_2083 = vector.shape_cast %parallel_loop3A_2082 : vector<1x16xf32> to vector<16xf32>
        %parallel_loop3A_2084 = vector.shape_cast %get3A_1453 : vector<16xf32> to vector<1x16xf32>
        tpu.vector_store %arg11[%parallel_loop3A_2080, %parallel_loop3A_2081], %parallel_loop3A_2084 {add = true, strides = array<i32>} : memref<32x512xf32, #tpu.memory_space<vmem>>, vector<1x16xf32>,
        %parallel_loop3A_2085 = arith.index_cast %parallel_loop3A_2044 : i32 to index
        %parallel_loop3A_2086 = arith.constant 384 : index
        %parallel_loop3A_2087 = tpu.vector_load %arg11[%parallel_loop3A_2085, %parallel_loop3A_2086] {strides = array<i32>} : memref<32x512xf32, #tpu.memory_space<vmem>>, vector<1x16xf32>,
        %parallel_loop3A_2088 = vector.shape_cast %parallel_loop3A_2087 : vector<1x16xf32> to vector<16xf32>
        %parallel_loop3A_2089 = vector.shape_cast %get3A_1458 : vector<16xf32> to vector<1x16xf32>
        tpu.vector_store %arg11[%parallel_loop3A_2085, %parallel_loop3A_2086], %parallel_loop3A_2089 {add = true, strides = array<i32>} : memref<32x512xf32, #tpu.memory_space<vmem>>, vector<1x16xf32>,
        %parallel_loop3A_2090 = arith.index_cast %parallel_loop3A_2044 : i32 to index
        %parallel_loop3A_2091 = arith.constant 400 : index
        %parallel_loop3A_2092 = tpu.vector_load %arg11[%parallel_loop3A_2090, %parallel_loop3A_2091] {strides = array<i32>} : memref<32x512xf32, #tpu.memory_space<vmem>>, vector<1x16xf32>,
        %parallel_loop3A_2093 = vector.shape_cast %parallel_loop3A_2092 : vector<1x16xf32> to vector<16xf32>
        %parallel_loop3A_2094 = vector.shape_cast %get3A_1463 : vector<16xf32> to vector<1x16xf32>
        tpu.vector_store %arg11[%parallel_loop3A_2090, %parallel_loop3A_2091], %parallel_loop3A_2094 {add = true, strides = array<i32>} : memref<32x512xf32, #tpu.memory_space<vmem>>, vector<1x16xf32>,
        %parallel_loop3A_2095 = arith.index_cast %parallel_loop3A_2044 : i32 to index
        %parallel_loop3A_2096 = arith.constant 416 : index
        %parallel_loop3A_2097 = tpu.vector_load %arg11[%parallel_loop3A_2095, %parallel_loop3A_2096] {strides = array<i32>} : memref<32x512xf32, #tpu.memory_space<vmem>>, vector<1x16xf32>,
        %parallel_loop3A_2098 = vector.shape_cast %parallel_loop3A_2097 : vector<1x16xf32> to vector<16xf32>
        %parallel_loop3A_2099 = vector.shape_cast %get3A_1468 : vector<16xf32> to vector<1x16xf32>
        tpu.vector_store %arg11[%parallel_loop3A_2095, %parallel_loop3A_2096], %parallel_loop3A_2099 {add = true, strides = array<i32>} : memref<32x512xf32, #tpu.memory_space<vmem>>, vector<1x16xf32>,
        %parallel_loop3A_2100 = arith.index_cast %parallel_loop3A_2044 : i32 to index
        %parallel_loop3A_2101 = arith.constant 432 : index
        %parallel_loop3A_2102 = tpu.vector_load %arg11[%parallel_loop3A_2100, %parallel_loop3A_2101] {strides = array<i32>} : memref<32x512xf32, #tpu.memory_space<vmem>>, vector<1x16xf32>,
        %parallel_loop3A_2103 = vector.shape_cast %parallel_loop3A_2102 : vector<1x16xf32> to vector<16xf32>
        %parallel_loop3A_2104 = vector.shape_cast %get3A_1473 : vector<16xf32> to vector<1x16xf32>
        tpu.vector_store %arg11[%parallel_loop3A_2100, %parallel_loop3A_2101], %parallel_loop3A_2104 {add = true, strides = array<i32>} : memref<32x512xf32, #tpu.memory_space<vmem>>, vector<1x16xf32>,
        %parallel_loop3A_2105 = arith.index_cast %parallel_loop3A_2044 : i32 to index
        %parallel_loop3A_2106 = arith.constant 448 : index
        %parallel_loop3A_2107 = tpu.vector_load %arg11[%parallel_loop3A_2105, %parallel_loop3A_2106] {strides = array<i32>} : memref<32x512xf32, #tpu.memory_space<vmem>>, vector<1x16xf32>,
        %parallel_loop3A_2108 = vector.shape_cast %parallel_loop3A_2107 : vector<1x16xf32> to vector<16xf32>
        %parallel_loop3A_2109 = vector.shape_cast %get3A_1478 : vector<16xf32> to vector<1x16xf32>
        tpu.vector_store %arg11[%parallel_loop3A_2105, %parallel_loop3A_2106], %parallel_loop3A_2109 {add = true, strides = array<i32>} : memref<32x512xf32, #tpu.memory_space<vmem>>, vector<1x16xf32>,
        %parallel_loop3A_2110 = arith.index_cast %parallel_loop3A_2044 : i32 to index
        %parallel_loop3A_2111 = arith.constant 464 : index
        %parallel_loop3A_2112 = tpu.vector_load %arg11[%parallel_loop3A_2110, %parallel_loop3A_2111] {strides = array<i32>} : memref<32x512xf32, #tpu.memory_space<vmem>>, vector<1x16xf32>,
        %parallel_loop3A_2113 = vector.shape_cast %parallel_loop3A_2112 : vector<1x16xf32> to vector<16xf32>
        %parallel_loop3A_2114 = vector.shape_cast %get3A_1483 : vector<16xf32> to vector<1x16xf32>
        tpu.vector_store %arg11[%parallel_loop3A_2110, %parallel_loop3A_2111], %parallel_loop3A_2114 {add = true, strides = array<i32>} : memref<32x512xf32, #tpu.memory_space<vmem>>, vector<1x16xf32>,
        %parallel_loop3A_2115 = arith.index_cast %parallel_loop3A_2044 : i32 to index
        %parallel_loop3A_2116 = arith.constant 480 : index
        %parallel_loop3A_2117 = tpu.vector_load %arg11[%parallel_loop3A_2115, %parallel_loop3A_2116] {strides = array<i32>} : memref<32x512xf32, #tpu.memory_space<vmem>>, vector<1x16xf32>,
        %parallel_loop3A_2118 = vector.shape_cast %parallel_loop3A_2117 : vector<1x16xf32> to vector<16xf32>
        %parallel_loop3A_2119 = vector.shape_cast %get3A_1488 : vector<16xf32> to vector<1x16xf32>
        tpu.vector_store %arg11[%parallel_loop3A_2115, %parallel_loop3A_2116], %parallel_loop3A_2119 {add = true, strides = array<i32>} : memref<32x512xf32, #tpu.memory_space<vmem>>, vector<1x16xf32>,
        %parallel_loop3A_2120 = arith.index_cast %parallel_loop3A_2044 : i32 to index
        %parallel_loop3A_2121 = arith.constant 496 : index
        %parallel_loop3A_2122 = tpu.vector_load %arg11[%parallel_loop3A_2120, %parallel_loop3A_2121] {strides = array<i32>} : memref<32x512xf32, #tpu.memory_space<vmem>>, vector<1x16xf32>,
        %parallel_loop3A_2123 = vector.shape_cast %parallel_loop3A_2122 : vector<1x16xf32> to vector<16xf32>
        %parallel_loop3A_2124 = vector.shape_cast %get3A_1493 : vector<16xf32> to vector<1x16xf32>
        tpu.vector_store %arg11[%parallel_loop3A_2120, %parallel_loop3A_2121], %parallel_loop3A_2124 {add = true, strides = array<i32>} : memref<32x512xf32, #tpu.memory_space<vmem>>, vector<1x16xf32>,
      } {sc.loop_unroll_factor = 1 : i64, sc.parallel_access}
      %dma_start3A_1497 = arith.constant 0 : i32
      %dma_start3A_1498 = arith.constant 0 : i32
      %dma_start3A_1499 = tpu.memref_slice %arg5[%dma_start3A_1497, %dma_start3A_1498] : memref<131072x512xf32, #tpu.memory_space<hbm>> -> memref<131072x512xf32, #tpu.memory_space<hbm>>
      tpu.enqueue_indirect_dma source(%arg11 : memref<32x512xf32, #tpu.memory_space<vmem>>) target(%dma_start3A_1499 : memref<131072x512xf32, #tpu.memory_space<hbm>>) offsets(%arg17 : memref<32xi32, #tpu.memory_space<vmem>>) semaphore(%arg29 : memref<!tpu.dma_semaphore, #tpu.memory_space<semaphore_mem>>)
      %ge3A_1500 = arith.constant 2 : i32
      %ge3A_1501 = arith.cmpi sge, %add3A_1249, %ge3A_1500 : i32
      %convert_element_type3A_1502 = arith.extui %ge3A_1501 : i1 to i32
      %cond3A_1503 = arith.constant 0 : i32
      %cond3A_1504 = arith.cmpi ne, %convert_element_type3A_1502, %cond3A_1503 : i32
      scf.if %cond3A_1504 {
        %sub3A_2044 = arith.constant 2 : i32
        %sub3A_2045 = arith.subi %add3A_1249, %sub3A_2044 : i32
        %dma_wait3A_2046 = arith.constant 0 : i32
        %dma_wait3A_2047 = arith.constant 0 : i32
        %dma_wait3A_2048 = tpu.memref_slice %arg5[%dma_wait3A_2046, %dma_wait3A_2047] : memref<131072x512xf32, #tpu.memory_space<hbm>> -> memref<131072x512xf32, #tpu.memory_space<hbm>>
        tpu.wait_indirect_dma semaphore(%arg27 : memref<!tpu.dma_semaphore, #tpu.memory_space<semaphore_mem>>) src(%arg9 : memref<32x512xf32, #tpu.memory_space<vmem>>) dst(%dma_wait3A_2048 : memref<131072x512xf32, #tpu.memory_space<hbm>>)
      } else {
      }
      %add3A_1505 = arith.constant 4 : i32
      %add3A_1506 = arith.addi %add3A_1249, %add3A_1505 : i32
      %lt3A_1507 = arith.constant 128 : i32
      %lt3A_1508 = arith.cmpi slt, %add3A_1506, %lt3A_1507 : i32
      %convert_element_type3A_1509 = arith.extui %lt3A_1508 : i1 to i32
      %cond3A_1510 = arith.constant 0 : i32
      %cond3A_1511 = arith.cmpi ne, %convert_element_type3A_1509, %cond3A_1510 : i32
      scf.if %cond3A_1511 {
        %add3A_2044 = arith.constant 4 : i32
        %add3A_2045 = arith.addi %add3A_1249, %add3A_2044 : i32
        %dma_start3A_2046 = arith.constant 0 : i32
        %dma_start3A_2047 = tpu.memref_slice %arg6[%add3A_2045, %dma_start3A_2046] : memref<128x32xi32, #tpu.memory_space<vmem>> -> memref<1x32xi32, #tpu.memory_space<vmem>>
        %dma_start3A_2048 = tpu.memref_squeeze %dma_start3A_2047 : memref<1x32xi32, #tpu.memory_space<vmem>> -> memref<32xi32, #tpu.memory_space<vmem>>
        %dma_start3A_2049 = arith.constant 0 : i32
        %dma_start3A_2050 = arith.constant 0 : i32
        %dma_start3A_2051 = tpu.memref_slice %arg4[%dma_start3A_2049, %dma_start3A_2050] : memref<100000x512xf32, #tpu.memory_space<hbm>> -> memref<100000x512xf32, #tpu.memory_space<hbm>>
        tpu.enqueue_indirect_dma source(%dma_start3A_2051 : memref<100000x512xf32, #tpu.memory_space<hbm>>) target(%arg9 : memref<32x512xf32, #tpu.memory_space<vmem>>) offsets(%dma_start3A_2048 : memref<32xi32, #tpu.memory_space<vmem>>) semaphore(%arg21 : memref<!tpu.dma_semaphore, #tpu.memory_space<semaphore_mem>>)
      } else {
      }
      %mul3A_1512 = arith.constant 6 : i32
      %mul3A_1513 = arith.muli %scan3A_460, %mul3A_1512 : i32
      %add3A_1514 = arith.constant 4 : i32
      %add3A_1515 = arith.addi %mul3A_1513, %add3A_1514 : i32
      %jit3A_1516 = arith.constant 32 : i32
      %div3A_1517 = arith.divsi %add3A_1515, %jit3A_1516 : i32
      %sign3A_1518 = arith.constant 0 : i32
      %sign3A_1519 = arith.cmpi sgt, %add3A_1515, %sign3A_1518 : i32
      %sign3A_1520 = arith.extui %sign3A_1519 : i1 to i32
      %sign3A_1521 = arith.constant 0 : i32
      %sign3A_1522 = arith.cmpi slt, %add3A_1515, %sign3A_1521 : i32
      %sign3A_1523 = arith.extui %sign3A_1522 : i1 to i32
      %sign3A_1524 = arith.subi %sign3A_1520, %sign3A_1523 : i32
      %sign3A_1525 = arith.constant 0 : i32
      %sign3A_1526 = arith.cmpi sgt, %jit3A_1516, %sign3A_1525 : i32
      %sign3A_1527 = arith.extui %sign3A_1526 : i1 to i32
      %sign3A_1528 = arith.constant 0 : i32
      %sign3A_1529 = arith.cmpi slt, %jit3A_1516, %sign3A_1528 : i32
      %sign3A_1530 = arith.extui %sign3A_1529 : i1 to i32
      %sign3A_1531 = arith.subi %sign3A_1527, %sign3A_1530 : i32
      %ne3A_1532 = arith.cmpi ne, %sign3A_1524, %sign3A_1531 : i32
      %rem3A_1533 = arith.remsi %add3A_1515, %jit3A_1516 : i32
      %ne3A_1534 = arith.constant 0 : i32
      %ne3A_1535 = arith.cmpi ne, %rem3A_1533, %ne3A_1534 : i32
      %and3A_1536 = arith.andi %ne3A_1532, %ne3A_1535 : i1
      %sub3A_1537 = arith.constant 1 : i32
      %sub3A_1538 = arith.subi %div3A_1517, %sub3A_1537 : i32
      %select_n3A_1539 = arith.select %and3A_1536, %sub3A_1538, %div3A_1517 : i32
      %jit3A_1540 = arith.constant 32 : i32
      %eq3A_1541 = arith.constant 0 : i32
      %eq3A_1542 = arith.cmpi eq, %jit3A_1540, %eq3A_1541 : i32
      %jit3A_1543 = arith.constant 1 : i32
      %select_n3A_1544 = arith.select %eq3A_1542, %jit3A_1543, %jit3A_1540 : i32
      %rem3A_1545 = arith.remsi %add3A_1515, %select_n3A_1544 : i32
      %ne3A_1546 = arith.constant 0 : i32
      %ne3A_1547 = arith.cmpi ne, %rem3A_1545, %ne3A_1546 : i32
      %lt3A_1548 = arith.constant 0 : i32
      %lt3A_1549 = arith.cmpi slt, %rem3A_1545, %lt3A_1548 : i32
      %lt3A_1550 = arith.constant 0 : i32
      %lt3A_1551 = arith.cmpi slt, %select_n3A_1544, %lt3A_1550 : i32
      %ne3A_1552 = arith.xori %lt3A_1549, %lt3A_1551 : i1
      %and3A_1553 = arith.andi %ne3A_1552, %ne3A_1547 : i1
      %add3A_1554 = arith.addi %rem3A_1545, %select_n3A_1544 : i32
      %select_n3A_1555 = arith.select %and3A_1553, %add3A_1554, %rem3A_1545 : i32
      %mul3A_1556 = arith.constant 32 : i32
      %mul3A_1557 = arith.muli %select_n3A_1555, %mul3A_1556 : i32
      %mul3A_1558 = arith.constant 128 : i32
      %mul3A_1559 = arith.muli %mul3A_1557, %mul3A_1558 : i32
      %mul3A_1560 = arith.constant 4 : i32
      %mul3A_1561 = arith.muli %add3A, %mul3A_1560 : i32
      %add3A_1562 = arith.addi %mul3A_1559, %mul3A_1561 : i32
      %add3A_1563 = arith.addi %add3A_1562, %select_n3A_1539 : i32
      %add3A_1564 = arith.constant 0 : i32
      %add3A_1565 = vector.broadcast %add3A_1564 : i32 to vector<16xi32>
      %add3A_1566 = arith.addi %iota3A, %add3A_1565 : vector<16xi32>
      %mul3A_1567 = arith.constant 128 : i32
      %mul3A_1568 = vector.broadcast %mul3A_1567 : i32 to vector<16xi32>
      %mul3A_1569 = arith.muli %add3A_1566, %mul3A_1568 : vector<16xi32>
      %add3A_1570 = vector.broadcast %add3A_1563 : i32 to vector<16xi32>
      %add3A_1571 = arith.addi %add3A_1570, %mul3A_1569 : vector<16xi32>
      %swap3A_1572 = arith.constant 0 : index
      %swap3A_1573 = tpu.vector_load %arg18[%swap3A_1572] {strides = array<i32>} : memref<32xi32, #tpu.memory_space<vmem>>, vector<16xi32>,
      %swap3A_1574 = vector.shape_cast %swap3A_1573 : vector<16xi32> to vector<16xi32>
      %swap3A_1575 = vector.shape_cast %add3A_1571 : vector<16xi32> to vector<16xi32>
      tpu.vector_store %arg18[%swap3A_1572], %swap3A_1575 {strides = array<i32>} : memref<32xi32, #tpu.memory_space<vmem>>, vector<16xi32>,
      %add3A_1576 = arith.constant 16 : i32
      %add3A_1577 = vector.broadcast %add3A_1576 : i32 to vector<16xi32>
      %add3A_1578 = arith.addi %iota3A, %add3A_1577 : vector<16xi32>
      %mul3A_1579 = arith.constant 128 : i32
      %mul3A_1580 = vector.broadcast %mul3A_1579 : i32 to vector<16xi32>
      %mul3A_1581 = arith.muli %add3A_1578, %mul3A_1580 : vector<16xi32>
      %add3A_1582 = vector.broadcast %add3A_1563 : i32 to vector<16xi32>
      %add3A_1583 = arith.addi %add3A_1582, %mul3A_1581 : vector<16xi32>
      %swap3A_1584 = arith.constant 16 : index
      %swap3A_1585 = tpu.vector_load %arg18[%swap3A_1584] {strides = array<i32>} : memref<32xi32, #tpu.memory_space<vmem>>, vector<16xi32>,
      %swap3A_1586 = vector.shape_cast %swap3A_1585 : vector<16xi32> to vector<16xi32>
      %swap3A_1587 = vector.shape_cast %add3A_1583 : vector<16xi32> to vector<16xi32>
      tpu.vector_store %arg18[%swap3A_1584], %swap3A_1587 {strides = array<i32>} : memref<32xi32, #tpu.memory_space<vmem>>, vector<16xi32>,
      %mul3A_1588 = arith.constant 512 : i32
      %mul3A_1589 = arith.muli %select_n3A_1539, %mul3A_1588 : i32
      %multiple_of3A_1590 = tpu.assume_multiple %mul3A_1589, 16 : i32
      %dma_wait3A_1591 = arith.constant 0 : i32
      %dma_wait3A_1592 = tpu.memref_slice %arg6[%add3A_1515, %dma_wait3A_1591] : memref<128x32xi32, #tpu.memory_space<vmem>> -> memref<1x32xi32, #tpu.memory_space<vmem>>
      %dma_wait3A_1593 = tpu.memref_squeeze %dma_wait3A_1592 : memref<1x32xi32, #tpu.memory_space<vmem>> -> memref<32xi32, #tpu.memory_space<vmem>>
      %dma_wait3A_1594 = arith.constant 0 : i32
      %dma_wait3A_1595 = arith.constant 0 : i32
      %dma_wait3A_1596 = tpu.memref_slice %arg4[%dma_wait3A_1594, %dma_wait3A_1595] : memref<100000x512xf32, #tpu.memory_space<hbm>> -> memref<100000x512xf32, #tpu.memory_space<hbm>>
      tpu.wait_indirect_dma semaphore(%arg24 : memref<!tpu.dma_semaphore, #tpu.memory_space<semaphore_mem>>) src(%dma_wait3A_1596 : memref<100000x512xf32, #tpu.memory_space<hbm>>) dst(%arg12 : memref<32x512xf32, #tpu.memory_space<vmem>>)
      %add3A_1597 = arith.constant 0 : i32
      %add3A_1598 = arith.addi %multiple_of3A_1590, %add3A_1597 : i32
      %get3A_1599 = arith.index_cast %add3A_1598 : i32 to index
      %get3A_1600 = tpu.vector_load %arg7[%get3A_1599] {strides = array<i32>} : memref<2048xf32, #tpu.memory_space<vmem>>, vector<16xf32>,
      %get3A_1601 = vector.shape_cast %get3A_1600 : vector<16xf32> to vector<16xf32>
      %add3A_1602 = arith.constant 16 : i32
      %add3A_1603 = arith.addi %multiple_of3A_1590, %add3A_1602 : i32
      %get3A_1604 = arith.index_cast %add3A_1603 : i32 to index
      %get3A_1605 = tpu.vector_load %arg7[%get3A_1604] {strides = array<i32>} : memref<2048xf32, #tpu.memory_space<vmem>>, vector<16xf32>,
      %get3A_1606 = vector.shape_cast %get3A_1605 : vector<16xf32> to vector<16xf32>
      %add3A_1607 = arith.constant 32 : i32
      %add3A_1608 = arith.addi %multiple_of3A_1590, %add3A_1607 : i32
      %get3A_1609 = arith.index_cast %add3A_1608 : i32 to index
      %get3A_1610 = tpu.vector_load %arg7[%get3A_1609] {strides = array<i32>} : memref<2048xf32, #tpu.memory_space<vmem>>, vector<16xf32>,
      %get3A_1611 = vector.shape_cast %get3A_1610 : vector<16xf32> to vector<16xf32>
      %add3A_1612 = arith.constant 48 : i32
      %add3A_1613 = arith.addi %multiple_of3A_1590, %add3A_1612 : i32
      %get3A_1614 = arith.index_cast %add3A_1613 : i32 to index
      %get3A_1615 = tpu.vector_load %arg7[%get3A_1614] {strides = array<i32>} : memref<2048xf32, #tpu.memory_space<vmem>>, vector<16xf32>,
      %get3A_1616 = vector.shape_cast %get3A_1615 : vector<16xf32> to vector<16xf32>
      %add3A_1617 = arith.constant 64 : i32
      %add3A_1618 = arith.addi %multiple_of3A_1590, %add3A_1617 : i32
      %get3A_1619 = arith.index_cast %add3A_1618 : i32 to index
      %get3A_1620 = tpu.vector_load %arg7[%get3A_1619] {strides = array<i32>} : memref<2048xf32, #tpu.memory_space<vmem>>, vector<16xf32>,
      %get3A_1621 = vector.shape_cast %get3A_1620 : vector<16xf32> to vector<16xf32>
      %add3A_1622 = arith.constant 80 : i32
      %add3A_1623 = arith.addi %multiple_of3A_1590, %add3A_1622 : i32
      %get3A_1624 = arith.index_cast %add3A_1623 : i32 to index
      %get3A_1625 = tpu.vector_load %arg7[%get3A_1624] {strides = array<i32>} : memref<2048xf32, #tpu.memory_space<vmem>>, vector<16xf32>,
      %get3A_1626 = vector.shape_cast %get3A_1625 : vector<16xf32> to vector<16xf32>
      %add3A_1627 = arith.constant 96 : i32
      %add3A_1628 = arith.addi %multiple_of3A_1590, %add3A_1627 : i32
      %get3A_1629 = arith.index_cast %add3A_1628 : i32 to index
      %get3A_1630 = tpu.vector_load %arg7[%get3A_1629] {strides = array<i32>} : memref<2048xf32, #tpu.memory_space<vmem>>, vector<16xf32>,
      %get3A_1631 = vector.shape_cast %get3A_1630 : vector<16xf32> to vector<16xf32>
      %add3A_1632 = arith.constant 112 : i32
      %add3A_1633 = arith.addi %multiple_of3A_1590, %add3A_1632 : i32
      %get3A_1634 = arith.index_cast %add3A_1633 : i32 to index
      %get3A_1635 = tpu.vector_load %arg7[%get3A_1634] {strides = array<i32>} : memref<2048xf32, #tpu.memory_space<vmem>>, vector<16xf32>,
      %get3A_1636 = vector.shape_cast %get3A_1635 : vector<16xf32> to vector<16xf32>
      %add3A_1637 = arith.constant 128 : i32
      %add3A_1638 = arith.addi %multiple_of3A_1590, %add3A_1637 : i32
      %get3A_1639 = arith.index_cast %add3A_1638 : i32 to index
      %get3A_1640 = tpu.vector_load %arg7[%get3A_1639] {strides = array<i32>} : memref<2048xf32, #tpu.memory_space<vmem>>, vector<16xf32>,
      %get3A_1641 = vector.shape_cast %get3A_1640 : vector<16xf32> to vector<16xf32>
      %add3A_1642 = arith.constant 144 : i32
      %add3A_1643 = arith.addi %multiple_of3A_1590, %add3A_1642 : i32
      %get3A_1644 = arith.index_cast %add3A_1643 : i32 to index
      %get3A_1645 = tpu.vector_load %arg7[%get3A_1644] {strides = array<i32>} : memref<2048xf32, #tpu.memory_space<vmem>>, vector<16xf32>,
      %get3A_1646 = vector.shape_cast %get3A_1645 : vector<16xf32> to vector<16xf32>
      %add3A_1647 = arith.constant 160 : i32
      %add3A_1648 = arith.addi %multiple_of3A_1590, %add3A_1647 : i32
      %get3A_1649 = arith.index_cast %add3A_1648 : i32 to index
      %get3A_1650 = tpu.vector_load %arg7[%get3A_1649] {strides = array<i32>} : memref<2048xf32, #tpu.memory_space<vmem>>, vector<16xf32>,
      %get3A_1651 = vector.shape_cast %get3A_1650 : vector<16xf32> to vector<16xf32>
      %add3A_1652 = arith.constant 176 : i32
      %add3A_1653 = arith.addi %multiple_of3A_1590, %add3A_1652 : i32
      %get3A_1654 = arith.index_cast %add3A_1653 : i32 to index
      %get3A_1655 = tpu.vector_load %arg7[%get3A_1654] {strides = array<i32>} : memref<2048xf32, #tpu.memory_space<vmem>>, vector<16xf32>,
      %get3A_1656 = vector.shape_cast %get3A_1655 : vector<16xf32> to vector<16xf32>
      %add3A_1657 = arith.constant 192 : i32
      %add3A_1658 = arith.addi %multiple_of3A_1590, %add3A_1657 : i32
      %get3A_1659 = arith.index_cast %add3A_1658 : i32 to index
      %get3A_1660 = tpu.vector_load %arg7[%get3A_1659] {strides = array<i32>} : memref<2048xf32, #tpu.memory_space<vmem>>, vector<16xf32>,
      %get3A_1661 = vector.shape_cast %get3A_1660 : vector<16xf32> to vector<16xf32>
      %add3A_1662 = arith.constant 208 : i32
      %add3A_1663 = arith.addi %multiple_of3A_1590, %add3A_1662 : i32
      %get3A_1664 = arith.index_cast %add3A_1663 : i32 to index
      %get3A_1665 = tpu.vector_load %arg7[%get3A_1664] {strides = array<i32>} : memref<2048xf32, #tpu.memory_space<vmem>>, vector<16xf32>,
      %get3A_1666 = vector.shape_cast %get3A_1665 : vector<16xf32> to vector<16xf32>
      %add3A_1667 = arith.constant 224 : i32
      %add3A_1668 = arith.addi %multiple_of3A_1590, %add3A_1667 : i32
      %get3A_1669 = arith.index_cast %add3A_1668 : i32 to index
      %get3A_1670 = tpu.vector_load %arg7[%get3A_1669] {strides = array<i32>} : memref<2048xf32, #tpu.memory_space<vmem>>, vector<16xf32>,
      %get3A_1671 = vector.shape_cast %get3A_1670 : vector<16xf32> to vector<16xf32>
      %add3A_1672 = arith.constant 240 : i32
      %add3A_1673 = arith.addi %multiple_of3A_1590, %add3A_1672 : i32
      %get3A_1674 = arith.index_cast %add3A_1673 : i32 to index
      %get3A_1675 = tpu.vector_load %arg7[%get3A_1674] {strides = array<i32>} : memref<2048xf32, #tpu.memory_space<vmem>>, vector<16xf32>,
      %get3A_1676 = vector.shape_cast %get3A_1675 : vector<16xf32> to vector<16xf32>
      %parallel_loop3A_1677 = arith.constant 0 : i32
      %parallel_loop3A_1678 = arith.constant 32 : i32
      %parallel_loop3A_1679 = arith.constant 1 : i32
      scf.for %parallel_loop3A_2044 = %parallel_loop3A_1677 to %parallel_loop3A_1678 step %parallel_loop3A_1679  : i32 {
        %parallel_loop3A_2045 = arith.index_cast %parallel_loop3A_2044 : i32 to index
        %parallel_loop3A_2046 = arith.constant 0 : index
        %parallel_loop3A_2047 = tpu.vector_load %arg12[%parallel_loop3A_2045, %parallel_loop3A_2046] {strides = array<i32>} : memref<32x512xf32, #tpu.memory_space<vmem>>, vector<1x16xf32>,
        %parallel_loop3A_2048 = vector.shape_cast %parallel_loop3A_2047 : vector<1x16xf32> to vector<16xf32>
        %parallel_loop3A_2049 = vector.shape_cast %get3A_1601 : vector<16xf32> to vector<1x16xf32>
        tpu.vector_store %arg12[%parallel_loop3A_2045, %parallel_loop3A_2046], %parallel_loop3A_2049 {add = true, strides = array<i32>} : memref<32x512xf32, #tpu.memory_space<vmem>>, vector<1x16xf32>,
        %parallel_loop3A_2050 = arith.index_cast %parallel_loop3A_2044 : i32 to index
        %parallel_loop3A_2051 = arith.constant 16 : index
        %parallel_loop3A_2052 = tpu.vector_load %arg12[%parallel_loop3A_2050, %parallel_loop3A_2051] {strides = array<i32>} : memref<32x512xf32, #tpu.memory_space<vmem>>, vector<1x16xf32>,
        %parallel_loop3A_2053 = vector.shape_cast %parallel_loop3A_2052 : vector<1x16xf32> to vector<16xf32>
        %parallel_loop3A_2054 = vector.shape_cast %get3A_1606 : vector<16xf32> to vector<1x16xf32>
        tpu.vector_store %arg12[%parallel_loop3A_2050, %parallel_loop3A_2051], %parallel_loop3A_2054 {add = true, strides = array<i32>} : memref<32x512xf32, #tpu.memory_space<vmem>>, vector<1x16xf32>,
        %parallel_loop3A_2055 = arith.index_cast %parallel_loop3A_2044 : i32 to index
        %parallel_loop3A_2056 = arith.constant 32 : index
        %parallel_loop3A_2057 = tpu.vector_load %arg12[%parallel_loop3A_2055, %parallel_loop3A_2056] {strides = array<i32>} : memref<32x512xf32, #tpu.memory_space<vmem>>, vector<1x16xf32>,
        %parallel_loop3A_2058 = vector.shape_cast %parallel_loop3A_2057 : vector<1x16xf32> to vector<16xf32>
        %parallel_loop3A_2059 = vector.shape_cast %get3A_1611 : vector<16xf32> to vector<1x16xf32>
        tpu.vector_store %arg12[%parallel_loop3A_2055, %parallel_loop3A_2056], %parallel_loop3A_2059 {add = true, strides = array<i32>} : memref<32x512xf32, #tpu.memory_space<vmem>>, vector<1x16xf32>,
        %parallel_loop3A_2060 = arith.index_cast %parallel_loop3A_2044 : i32 to index
        %parallel_loop3A_2061 = arith.constant 48 : index
        %parallel_loop3A_2062 = tpu.vector_load %arg12[%parallel_loop3A_2060, %parallel_loop3A_2061] {strides = array<i32>} : memref<32x512xf32, #tpu.memory_space<vmem>>, vector<1x16xf32>,
        %parallel_loop3A_2063 = vector.shape_cast %parallel_loop3A_2062 : vector<1x16xf32> to vector<16xf32>
        %parallel_loop3A_2064 = vector.shape_cast %get3A_1616 : vector<16xf32> to vector<1x16xf32>
        tpu.vector_store %arg12[%parallel_loop3A_2060, %parallel_loop3A_2061], %parallel_loop3A_2064 {add = true, strides = array<i32>} : memref<32x512xf32, #tpu.memory_space<vmem>>, vector<1x16xf32>,
        %parallel_loop3A_2065 = arith.index_cast %parallel_loop3A_2044 : i32 to index
        %parallel_loop3A_2066 = arith.constant 64 : index
        %parallel_loop3A_2067 = tpu.vector_load %arg12[%parallel_loop3A_2065, %parallel_loop3A_2066] {strides = array<i32>} : memref<32x512xf32, #tpu.memory_space<vmem>>, vector<1x16xf32>,
        %parallel_loop3A_2068 = vector.shape_cast %parallel_loop3A_2067 : vector<1x16xf32> to vector<16xf32>
        %parallel_loop3A_2069 = vector.shape_cast %get3A_1621 : vector<16xf32> to vector<1x16xf32>
        tpu.vector_store %arg12[%parallel_loop3A_2065, %parallel_loop3A_2066], %parallel_loop3A_2069 {add = true, strides = array<i32>} : memref<32x512xf32, #tpu.memory_space<vmem>>, vector<1x16xf32>,
        %parallel_loop3A_2070 = arith.index_cast %parallel_loop3A_2044 : i32 to index
        %parallel_loop3A_2071 = arith.constant 80 : index
        %parallel_loop3A_2072 = tpu.vector_load %arg12[%parallel_loop3A_2070, %parallel_loop3A_2071] {strides = array<i32>} : memref<32x512xf32, #tpu.memory_space<vmem>>, vector<1x16xf32>,
        %parallel_loop3A_2073 = vector.shape_cast %parallel_loop3A_2072 : vector<1x16xf32> to vector<16xf32>
        %parallel_loop3A_2074 = vector.shape_cast %get3A_1626 : vector<16xf32> to vector<1x16xf32>
        tpu.vector_store %arg12[%parallel_loop3A_2070, %parallel_loop3A_2071], %parallel_loop3A_2074 {add = true, strides = array<i32>} : memref<32x512xf32, #tpu.memory_space<vmem>>, vector<1x16xf32>,
        %parallel_loop3A_2075 = arith.index_cast %parallel_loop3A_2044 : i32 to index
        %parallel_loop3A_2076 = arith.constant 96 : index
        %parallel_loop3A_2077 = tpu.vector_load %arg12[%parallel_loop3A_2075, %parallel_loop3A_2076] {strides = array<i32>} : memref<32x512xf32, #tpu.memory_space<vmem>>, vector<1x16xf32>,
        %parallel_loop3A_2078 = vector.shape_cast %parallel_loop3A_2077 : vector<1x16xf32> to vector<16xf32>
        %parallel_loop3A_2079 = vector.shape_cast %get3A_1631 : vector<16xf32> to vector<1x16xf32>
        tpu.vector_store %arg12[%parallel_loop3A_2075, %parallel_loop3A_2076], %parallel_loop3A_2079 {add = true, strides = array<i32>} : memref<32x512xf32, #tpu.memory_space<vmem>>, vector<1x16xf32>,
        %parallel_loop3A_2080 = arith.index_cast %parallel_loop3A_2044 : i32 to index
        %parallel_loop3A_2081 = arith.constant 112 : index
        %parallel_loop3A_2082 = tpu.vector_load %arg12[%parallel_loop3A_2080, %parallel_loop3A_2081] {strides = array<i32>} : memref<32x512xf32, #tpu.memory_space<vmem>>, vector<1x16xf32>,
        %parallel_loop3A_2083 = vector.shape_cast %parallel_loop3A_2082 : vector<1x16xf32> to vector<16xf32>
        %parallel_loop3A_2084 = vector.shape_cast %get3A_1636 : vector<16xf32> to vector<1x16xf32>
        tpu.vector_store %arg12[%parallel_loop3A_2080, %parallel_loop3A_2081], %parallel_loop3A_2084 {add = true, strides = array<i32>} : memref<32x512xf32, #tpu.memory_space<vmem>>, vector<1x16xf32>,
        %parallel_loop3A_2085 = arith.index_cast %parallel_loop3A_2044 : i32 to index
        %parallel_loop3A_2086 = arith.constant 128 : index
        %parallel_loop3A_2087 = tpu.vector_load %arg12[%parallel_loop3A_2085, %parallel_loop3A_2086] {strides = array<i32>} : memref<32x512xf32, #tpu.memory_space<vmem>>, vector<1x16xf32>,
        %parallel_loop3A_2088 = vector.shape_cast %parallel_loop3A_2087 : vector<1x16xf32> to vector<16xf32>
        %parallel_loop3A_2089 = vector.shape_cast %get3A_1641 : vector<16xf32> to vector<1x16xf32>
        tpu.vector_store %arg12[%parallel_loop3A_2085, %parallel_loop3A_2086], %parallel_loop3A_2089 {add = true, strides = array<i32>} : memref<32x512xf32, #tpu.memory_space<vmem>>, vector<1x16xf32>,
        %parallel_loop3A_2090 = arith.index_cast %parallel_loop3A_2044 : i32 to index
        %parallel_loop3A_2091 = arith.constant 144 : index
        %parallel_loop3A_2092 = tpu.vector_load %arg12[%parallel_loop3A_2090, %parallel_loop3A_2091] {strides = array<i32>} : memref<32x512xf32, #tpu.memory_space<vmem>>, vector<1x16xf32>,
        %parallel_loop3A_2093 = vector.shape_cast %parallel_loop3A_2092 : vector<1x16xf32> to vector<16xf32>
        %parallel_loop3A_2094 = vector.shape_cast %get3A_1646 : vector<16xf32> to vector<1x16xf32>
        tpu.vector_store %arg12[%parallel_loop3A_2090, %parallel_loop3A_2091], %parallel_loop3A_2094 {add = true, strides = array<i32>} : memref<32x512xf32, #tpu.memory_space<vmem>>, vector<1x16xf32>,
        %parallel_loop3A_2095 = arith.index_cast %parallel_loop3A_2044 : i32 to index
        %parallel_loop3A_2096 = arith.constant 160 : index
        %parallel_loop3A_2097 = tpu.vector_load %arg12[%parallel_loop3A_2095, %parallel_loop3A_2096] {strides = array<i32>} : memref<32x512xf32, #tpu.memory_space<vmem>>, vector<1x16xf32>,
        %parallel_loop3A_2098 = vector.shape_cast %parallel_loop3A_2097 : vector<1x16xf32> to vector<16xf32>
        %parallel_loop3A_2099 = vector.shape_cast %get3A_1651 : vector<16xf32> to vector<1x16xf32>
        tpu.vector_store %arg12[%parallel_loop3A_2095, %parallel_loop3A_2096], %parallel_loop3A_2099 {add = true, strides = array<i32>} : memref<32x512xf32, #tpu.memory_space<vmem>>, vector<1x16xf32>,
        %parallel_loop3A_2100 = arith.index_cast %parallel_loop3A_2044 : i32 to index
        %parallel_loop3A_2101 = arith.constant 176 : index
        %parallel_loop3A_2102 = tpu.vector_load %arg12[%parallel_loop3A_2100, %parallel_loop3A_2101] {strides = array<i32>} : memref<32x512xf32, #tpu.memory_space<vmem>>, vector<1x16xf32>,
        %parallel_loop3A_2103 = vector.shape_cast %parallel_loop3A_2102 : vector<1x16xf32> to vector<16xf32>
        %parallel_loop3A_2104 = vector.shape_cast %get3A_1656 : vector<16xf32> to vector<1x16xf32>
        tpu.vector_store %arg12[%parallel_loop3A_2100, %parallel_loop3A_2101], %parallel_loop3A_2104 {add = true, strides = array<i32>} : memref<32x512xf32, #tpu.memory_space<vmem>>, vector<1x16xf32>,
        %parallel_loop3A_2105 = arith.index_cast %parallel_loop3A_2044 : i32 to index
        %parallel_loop3A_2106 = arith.constant 192 : index
        %parallel_loop3A_2107 = tpu.vector_load %arg12[%parallel_loop3A_2105, %parallel_loop3A_2106] {strides = array<i32>} : memref<32x512xf32, #tpu.memory_space<vmem>>, vector<1x16xf32>,
        %parallel_loop3A_2108 = vector.shape_cast %parallel_loop3A_2107 : vector<1x16xf32> to vector<16xf32>
        %parallel_loop3A_2109 = vector.shape_cast %get3A_1661 : vector<16xf32> to vector<1x16xf32>
        tpu.vector_store %arg12[%parallel_loop3A_2105, %parallel_loop3A_2106], %parallel_loop3A_2109 {add = true, strides = array<i32>} : memref<32x512xf32, #tpu.memory_space<vmem>>, vector<1x16xf32>,
        %parallel_loop3A_2110 = arith.index_cast %parallel_loop3A_2044 : i32 to index
        %parallel_loop3A_2111 = arith.constant 208 : index
        %parallel_loop3A_2112 = tpu.vector_load %arg12[%parallel_loop3A_2110, %parallel_loop3A_2111] {strides = array<i32>} : memref<32x512xf32, #tpu.memory_space<vmem>>, vector<1x16xf32>,
        %parallel_loop3A_2113 = vector.shape_cast %parallel_loop3A_2112 : vector<1x16xf32> to vector<16xf32>
        %parallel_loop3A_2114 = vector.shape_cast %get3A_1666 : vector<16xf32> to vector<1x16xf32>
        tpu.vector_store %arg12[%parallel_loop3A_2110, %parallel_loop3A_2111], %parallel_loop3A_2114 {add = true, strides = array<i32>} : memref<32x512xf32, #tpu.memory_space<vmem>>, vector<1x16xf32>,
        %parallel_loop3A_2115 = arith.index_cast %parallel_loop3A_2044 : i32 to index
        %parallel_loop3A_2116 = arith.constant 224 : index
        %parallel_loop3A_2117 = tpu.vector_load %arg12[%parallel_loop3A_2115, %parallel_loop3A_2116] {strides = array<i32>} : memref<32x512xf32, #tpu.memory_space<vmem>>, vector<1x16xf32>,
        %parallel_loop3A_2118 = vector.shape_cast %parallel_loop3A_2117 : vector<1x16xf32> to vector<16xf32>
        %parallel_loop3A_2119 = vector.shape_cast %get3A_1671 : vector<16xf32> to vector<1x16xf32>
        tpu.vector_store %arg12[%parallel_loop3A_2115, %parallel_loop3A_2116], %parallel_loop3A_2119 {add = true, strides = array<i32>} : memref<32x512xf32, #tpu.memory_space<vmem>>, vector<1x16xf32>,
        %parallel_loop3A_2120 = arith.index_cast %parallel_loop3A_2044 : i32 to index
        %parallel_loop3A_2121 = arith.constant 240 : index
        %parallel_loop3A_2122 = tpu.vector_load %arg12[%parallel_loop3A_2120, %parallel_loop3A_2121] {strides = array<i32>} : memref<32x512xf32, #tpu.memory_space<vmem>>, vector<1x16xf32>,
        %parallel_loop3A_2123 = vector.shape_cast %parallel_loop3A_2122 : vector<1x16xf32> to vector<16xf32>
        %parallel_loop3A_2124 = vector.shape_cast %get3A_1676 : vector<16xf32> to vector<1x16xf32>
        tpu.vector_store %arg12[%parallel_loop3A_2120, %parallel_loop3A_2121], %parallel_loop3A_2124 {add = true, strides = array<i32>} : memref<32x512xf32, #tpu.memory_space<vmem>>, vector<1x16xf32>,
      } {sc.loop_unroll_factor = 1 : i64, sc.parallel_access}
      %add3A_1680 = arith.constant 256 : i32
      %add3A_1681 = arith.addi %multiple_of3A_1590, %add3A_1680 : i32
      %get3A_1682 = arith.index_cast %add3A_1681 : i32 to index
      %get3A_1683 = tpu.vector_load %arg7[%get3A_1682] {strides = array<i32>} : memref<2048xf32, #tpu.memory_space<vmem>>, vector<16xf32>,
      %get3A_1684 = vector.shape_cast %get3A_1683 : vector<16xf32> to vector<16xf32>
      %add3A_1685 = arith.constant 272 : i32
      %add3A_1686 = arith.addi %multiple_of3A_1590, %add3A_1685 : i32
      %get3A_1687 = arith.index_cast %add3A_1686 : i32 to index
      %get3A_1688 = tpu.vector_load %arg7[%get3A_1687] {strides = array<i32>} : memref<2048xf32, #tpu.memory_space<vmem>>, vector<16xf32>,
      %get3A_1689 = vector.shape_cast %get3A_1688 : vector<16xf32> to vector<16xf32>
      %add3A_1690 = arith.constant 288 : i32
      %add3A_1691 = arith.addi %multiple_of3A_1590, %add3A_1690 : i32
      %get3A_1692 = arith.index_cast %add3A_1691 : i32 to index
      %get3A_1693 = tpu.vector_load %arg7[%get3A_1692] {strides = array<i32>} : memref<2048xf32, #tpu.memory_space<vmem>>, vector<16xf32>,
      %get3A_1694 = vector.shape_cast %get3A_1693 : vector<16xf32> to vector<16xf32>
      %add3A_1695 = arith.constant 304 : i32
      %add3A_1696 = arith.addi %multiple_of3A_1590, %add3A_1695 : i32
      %get3A_1697 = arith.index_cast %add3A_1696 : i32 to index
      %get3A_1698 = tpu.vector_load %arg7[%get3A_1697] {strides = array<i32>} : memref<2048xf32, #tpu.memory_space<vmem>>, vector<16xf32>,
      %get3A_1699 = vector.shape_cast %get3A_1698 : vector<16xf32> to vector<16xf32>
      %add3A_1700 = arith.constant 320 : i32
      %add3A_1701 = arith.addi %multiple_of3A_1590, %add3A_1700 : i32
      %get3A_1702 = arith.index_cast %add3A_1701 : i32 to index
      %get3A_1703 = tpu.vector_load %arg7[%get3A_1702] {strides = array<i32>} : memref<2048xf32, #tpu.memory_space<vmem>>, vector<16xf32>,
      %get3A_1704 = vector.shape_cast %get3A_1703 : vector<16xf32> to vector<16xf32>
      %add3A_1705 = arith.constant 336 : i32
      %add3A_1706 = arith.addi %multiple_of3A_1590, %add3A_1705 : i32
      %get3A_1707 = arith.index_cast %add3A_1706 : i32 to index
      %get3A_1708 = tpu.vector_load %arg7[%get3A_1707] {strides = array<i32>} : memref<2048xf32, #tpu.memory_space<vmem>>, vector<16xf32>,
      %get3A_1709 = vector.shape_cast %get3A_1708 : vector<16xf32> to vector<16xf32>
      %add3A_1710 = arith.constant 352 : i32
      %add3A_1711 = arith.addi %multiple_of3A_1590, %add3A_1710 : i32
      %get3A_1712 = arith.index_cast %add3A_1711 : i32 to index
      %get3A_1713 = tpu.vector_load %arg7[%get3A_1712] {strides = array<i32>} : memref<2048xf32, #tpu.memory_space<vmem>>, vector<16xf32>,
      %get3A_1714 = vector.shape_cast %get3A_1713 : vector<16xf32> to vector<16xf32>
      %add3A_1715 = arith.constant 368 : i32
      %add3A_1716 = arith.addi %multiple_of3A_1590, %add3A_1715 : i32
      %get3A_1717 = arith.index_cast %add3A_1716 : i32 to index
      %get3A_1718 = tpu.vector_load %arg7[%get3A_1717] {strides = array<i32>} : memref<2048xf32, #tpu.memory_space<vmem>>, vector<16xf32>,
      %get3A_1719 = vector.shape_cast %get3A_1718 : vector<16xf32> to vector<16xf32>
      %add3A_1720 = arith.constant 384 : i32
      %add3A_1721 = arith.addi %multiple_of3A_1590, %add3A_1720 : i32
      %get3A_1722 = arith.index_cast %add3A_1721 : i32 to index
      %get3A_1723 = tpu.vector_load %arg7[%get3A_1722] {strides = array<i32>} : memref<2048xf32, #tpu.memory_space<vmem>>, vector<16xf32>,
      %get3A_1724 = vector.shape_cast %get3A_1723 : vector<16xf32> to vector<16xf32>
      %add3A_1725 = arith.constant 400 : i32
      %add3A_1726 = arith.addi %multiple_of3A_1590, %add3A_1725 : i32
      %get3A_1727 = arith.index_cast %add3A_1726 : i32 to index
      %get3A_1728 = tpu.vector_load %arg7[%get3A_1727] {strides = array<i32>} : memref<2048xf32, #tpu.memory_space<vmem>>, vector<16xf32>,
      %get3A_1729 = vector.shape_cast %get3A_1728 : vector<16xf32> to vector<16xf32>
      %add3A_1730 = arith.constant 416 : i32
      %add3A_1731 = arith.addi %multiple_of3A_1590, %add3A_1730 : i32
      %get3A_1732 = arith.index_cast %add3A_1731 : i32 to index
      %get3A_1733 = tpu.vector_load %arg7[%get3A_1732] {strides = array<i32>} : memref<2048xf32, #tpu.memory_space<vmem>>, vector<16xf32>,
      %get3A_1734 = vector.shape_cast %get3A_1733 : vector<16xf32> to vector<16xf32>
      %add3A_1735 = arith.constant 432 : i32
      %add3A_1736 = arith.addi %multiple_of3A_1590, %add3A_1735 : i32
      %get3A_1737 = arith.index_cast %add3A_1736 : i32 to index
      %get3A_1738 = tpu.vector_load %arg7[%get3A_1737] {strides = array<i32>} : memref<2048xf32, #tpu.memory_space<vmem>>, vector<16xf32>,
      %get3A_1739 = vector.shape_cast %get3A_1738 : vector<16xf32> to vector<16xf32>
      %add3A_1740 = arith.constant 448 : i32
      %add3A_1741 = arith.addi %multiple_of3A_1590, %add3A_1740 : i32
      %get3A_1742 = arith.index_cast %add3A_1741 : i32 to index
      %get3A_1743 = tpu.vector_load %arg7[%get3A_1742] {strides = array<i32>} : memref<2048xf32, #tpu.memory_space<vmem>>, vector<16xf32>,
      %get3A_1744 = vector.shape_cast %get3A_1743 : vector<16xf32> to vector<16xf32>
      %add3A_1745 = arith.constant 464 : i32
      %add3A_1746 = arith.addi %multiple_of3A_1590, %add3A_1745 : i32
      %get3A_1747 = arith.index_cast %add3A_1746 : i32 to index
      %get3A_1748 = tpu.vector_load %arg7[%get3A_1747] {strides = array<i32>} : memref<2048xf32, #tpu.memory_space<vmem>>, vector<16xf32>,
      %get3A_1749 = vector.shape_cast %get3A_1748 : vector<16xf32> to vector<16xf32>
      %add3A_1750 = arith.constant 480 : i32
      %add3A_1751 = arith.addi %multiple_of3A_1590, %add3A_1750 : i32
      %get3A_1752 = arith.index_cast %add3A_1751 : i32 to index
      %get3A_1753 = tpu.vector_load %arg7[%get3A_1752] {strides = array<i32>} : memref<2048xf32, #tpu.memory_space<vmem>>, vector<16xf32>,
      %get3A_1754 = vector.shape_cast %get3A_1753 : vector<16xf32> to vector<16xf32>
      %add3A_1755 = arith.constant 496 : i32
      %add3A_1756 = arith.addi %multiple_of3A_1590, %add3A_1755 : i32
      %get3A_1757 = arith.index_cast %add3A_1756 : i32 to index
      %get3A_1758 = tpu.vector_load %arg7[%get3A_1757] {strides = array<i32>} : memref<2048xf32, #tpu.memory_space<vmem>>, vector<16xf32>,
      %get3A_1759 = vector.shape_cast %get3A_1758 : vector<16xf32> to vector<16xf32>
      %parallel_loop3A_1760 = arith.constant 0 : i32
      %parallel_loop3A_1761 = arith.constant 32 : i32
      %parallel_loop3A_1762 = arith.constant 1 : i32
      scf.for %parallel_loop3A_2044 = %parallel_loop3A_1760 to %parallel_loop3A_1761 step %parallel_loop3A_1762  : i32 {
        %parallel_loop3A_2045 = arith.index_cast %parallel_loop3A_2044 : i32 to index
        %parallel_loop3A_2046 = arith.constant 256 : index
        %parallel_loop3A_2047 = tpu.vector_load %arg12[%parallel_loop3A_2045, %parallel_loop3A_2046] {strides = array<i32>} : memref<32x512xf32, #tpu.memory_space<vmem>>, vector<1x16xf32>,
        %parallel_loop3A_2048 = vector.shape_cast %parallel_loop3A_2047 : vector<1x16xf32> to vector<16xf32>
        %parallel_loop3A_2049 = vector.shape_cast %get3A_1684 : vector<16xf32> to vector<1x16xf32>
        tpu.vector_store %arg12[%parallel_loop3A_2045, %parallel_loop3A_2046], %parallel_loop3A_2049 {add = true, strides = array<i32>} : memref<32x512xf32, #tpu.memory_space<vmem>>, vector<1x16xf32>,
        %parallel_loop3A_2050 = arith.index_cast %parallel_loop3A_2044 : i32 to index
        %parallel_loop3A_2051 = arith.constant 272 : index
        %parallel_loop3A_2052 = tpu.vector_load %arg12[%parallel_loop3A_2050, %parallel_loop3A_2051] {strides = array<i32>} : memref<32x512xf32, #tpu.memory_space<vmem>>, vector<1x16xf32>,
        %parallel_loop3A_2053 = vector.shape_cast %parallel_loop3A_2052 : vector<1x16xf32> to vector<16xf32>
        %parallel_loop3A_2054 = vector.shape_cast %get3A_1689 : vector<16xf32> to vector<1x16xf32>
        tpu.vector_store %arg12[%parallel_loop3A_2050, %parallel_loop3A_2051], %parallel_loop3A_2054 {add = true, strides = array<i32>} : memref<32x512xf32, #tpu.memory_space<vmem>>, vector<1x16xf32>,
        %parallel_loop3A_2055 = arith.index_cast %parallel_loop3A_2044 : i32 to index
        %parallel_loop3A_2056 = arith.constant 288 : index
        %parallel_loop3A_2057 = tpu.vector_load %arg12[%parallel_loop3A_2055, %parallel_loop3A_2056] {strides = array<i32>} : memref<32x512xf32, #tpu.memory_space<vmem>>, vector<1x16xf32>,
        %parallel_loop3A_2058 = vector.shape_cast %parallel_loop3A_2057 : vector<1x16xf32> to vector<16xf32>
        %parallel_loop3A_2059 = vector.shape_cast %get3A_1694 : vector<16xf32> to vector<1x16xf32>
        tpu.vector_store %arg12[%parallel_loop3A_2055, %parallel_loop3A_2056], %parallel_loop3A_2059 {add = true, strides = array<i32>} : memref<32x512xf32, #tpu.memory_space<vmem>>, vector<1x16xf32>,
        %parallel_loop3A_2060 = arith.index_cast %parallel_loop3A_2044 : i32 to index
        %parallel_loop3A_2061 = arith.constant 304 : index
        %parallel_loop3A_2062 = tpu.vector_load %arg12[%parallel_loop3A_2060, %parallel_loop3A_2061] {strides = array<i32>} : memref<32x512xf32, #tpu.memory_space<vmem>>, vector<1x16xf32>,
        %parallel_loop3A_2063 = vector.shape_cast %parallel_loop3A_2062 : vector<1x16xf32> to vector<16xf32>
        %parallel_loop3A_2064 = vector.shape_cast %get3A_1699 : vector<16xf32> to vector<1x16xf32>
        tpu.vector_store %arg12[%parallel_loop3A_2060, %parallel_loop3A_2061], %parallel_loop3A_2064 {add = true, strides = array<i32>} : memref<32x512xf32, #tpu.memory_space<vmem>>, vector<1x16xf32>,
        %parallel_loop3A_2065 = arith.index_cast %parallel_loop3A_2044 : i32 to index
        %parallel_loop3A_2066 = arith.constant 320 : index
        %parallel_loop3A_2067 = tpu.vector_load %arg12[%parallel_loop3A_2065, %parallel_loop3A_2066] {strides = array<i32>} : memref<32x512xf32, #tpu.memory_space<vmem>>, vector<1x16xf32>,
        %parallel_loop3A_2068 = vector.shape_cast %parallel_loop3A_2067 : vector<1x16xf32> to vector<16xf32>
        %parallel_loop3A_2069 = vector.shape_cast %get3A_1704 : vector<16xf32> to vector<1x16xf32>
        tpu.vector_store %arg12[%parallel_loop3A_2065, %parallel_loop3A_2066], %parallel_loop3A_2069 {add = true, strides = array<i32>} : memref<32x512xf32, #tpu.memory_space<vmem>>, vector<1x16xf32>,
        %parallel_loop3A_2070 = arith.index_cast %parallel_loop3A_2044 : i32 to index
        %parallel_loop3A_2071 = arith.constant 336 : index
        %parallel_loop3A_2072 = tpu.vector_load %arg12[%parallel_loop3A_2070, %parallel_loop3A_2071] {strides = array<i32>} : memref<32x512xf32, #tpu.memory_space<vmem>>, vector<1x16xf32>,
        %parallel_loop3A_2073 = vector.shape_cast %parallel_loop3A_2072 : vector<1x16xf32> to vector<16xf32>
        %parallel_loop3A_2074 = vector.shape_cast %get3A_1709 : vector<16xf32> to vector<1x16xf32>
        tpu.vector_store %arg12[%parallel_loop3A_2070, %parallel_loop3A_2071], %parallel_loop3A_2074 {add = true, strides = array<i32>} : memref<32x512xf32, #tpu.memory_space<vmem>>, vector<1x16xf32>,
        %parallel_loop3A_2075 = arith.index_cast %parallel_loop3A_2044 : i32 to index
        %parallel_loop3A_2076 = arith.constant 352 : index
        %parallel_loop3A_2077 = tpu.vector_load %arg12[%parallel_loop3A_2075, %parallel_loop3A_2076] {strides = array<i32>} : memref<32x512xf32, #tpu.memory_space<vmem>>, vector<1x16xf32>,
        %parallel_loop3A_2078 = vector.shape_cast %parallel_loop3A_2077 : vector<1x16xf32> to vector<16xf32>
        %parallel_loop3A_2079 = vector.shape_cast %get3A_1714 : vector<16xf32> to vector<1x16xf32>
        tpu.vector_store %arg12[%parallel_loop3A_2075, %parallel_loop3A_2076], %parallel_loop3A_2079 {add = true, strides = array<i32>} : memref<32x512xf32, #tpu.memory_space<vmem>>, vector<1x16xf32>,
        %parallel_loop3A_2080 = arith.index_cast %parallel_loop3A_2044 : i32 to index
        %parallel_loop3A_2081 = arith.constant 368 : index
        %parallel_loop3A_2082 = tpu.vector_load %arg12[%parallel_loop3A_2080, %parallel_loop3A_2081] {strides = array<i32>} : memref<32x512xf32, #tpu.memory_space<vmem>>, vector<1x16xf32>,
        %parallel_loop3A_2083 = vector.shape_cast %parallel_loop3A_2082 : vector<1x16xf32> to vector<16xf32>
        %parallel_loop3A_2084 = vector.shape_cast %get3A_1719 : vector<16xf32> to vector<1x16xf32>
        tpu.vector_store %arg12[%parallel_loop3A_2080, %parallel_loop3A_2081], %parallel_loop3A_2084 {add = true, strides = array<i32>} : memref<32x512xf32, #tpu.memory_space<vmem>>, vector<1x16xf32>,
        %parallel_loop3A_2085 = arith.index_cast %parallel_loop3A_2044 : i32 to index
        %parallel_loop3A_2086 = arith.constant 384 : index
        %parallel_loop3A_2087 = tpu.vector_load %arg12[%parallel_loop3A_2085, %parallel_loop3A_2086] {strides = array<i32>} : memref<32x512xf32, #tpu.memory_space<vmem>>, vector<1x16xf32>,
        %parallel_loop3A_2088 = vector.shape_cast %parallel_loop3A_2087 : vector<1x16xf32> to vector<16xf32>
        %parallel_loop3A_2089 = vector.shape_cast %get3A_1724 : vector<16xf32> to vector<1x16xf32>
        tpu.vector_store %arg12[%parallel_loop3A_2085, %parallel_loop3A_2086], %parallel_loop3A_2089 {add = true, strides = array<i32>} : memref<32x512xf32, #tpu.memory_space<vmem>>, vector<1x16xf32>,
        %parallel_loop3A_2090 = arith.index_cast %parallel_loop3A_2044 : i32 to index
        %parallel_loop3A_2091 = arith.constant 400 : index
        %parallel_loop3A_2092 = tpu.vector_load %arg12[%parallel_loop3A_2090, %parallel_loop3A_2091] {strides = array<i32>} : memref<32x512xf32, #tpu.memory_space<vmem>>, vector<1x16xf32>,
        %parallel_loop3A_2093 = vector.shape_cast %parallel_loop3A_2092 : vector<1x16xf32> to vector<16xf32>
        %parallel_loop3A_2094 = vector.shape_cast %get3A_1729 : vector<16xf32> to vector<1x16xf32>
        tpu.vector_store %arg12[%parallel_loop3A_2090, %parallel_loop3A_2091], %parallel_loop3A_2094 {add = true, strides = array<i32>} : memref<32x512xf32, #tpu.memory_space<vmem>>, vector<1x16xf32>,
        %parallel_loop3A_2095 = arith.index_cast %parallel_loop3A_2044 : i32 to index
        %parallel_loop3A_2096 = arith.constant 416 : index
        %parallel_loop3A_2097 = tpu.vector_load %arg12[%parallel_loop3A_2095, %parallel_loop3A_2096] {strides = array<i32>} : memref<32x512xf32, #tpu.memory_space<vmem>>, vector<1x16xf32>,
        %parallel_loop3A_2098 = vector.shape_cast %parallel_loop3A_2097 : vector<1x16xf32> to vector<16xf32>
        %parallel_loop3A_2099 = vector.shape_cast %get3A_1734 : vector<16xf32> to vector<1x16xf32>
        tpu.vector_store %arg12[%parallel_loop3A_2095, %parallel_loop3A_2096], %parallel_loop3A_2099 {add = true, strides = array<i32>} : memref<32x512xf32, #tpu.memory_space<vmem>>, vector<1x16xf32>,
        %parallel_loop3A_2100 = arith.index_cast %parallel_loop3A_2044 : i32 to index
        %parallel_loop3A_2101 = arith.constant 432 : index
        %parallel_loop3A_2102 = tpu.vector_load %arg12[%parallel_loop3A_2100, %parallel_loop3A_2101] {strides = array<i32>} : memref<32x512xf32, #tpu.memory_space<vmem>>, vector<1x16xf32>,
        %parallel_loop3A_2103 = vector.shape_cast %parallel_loop3A_2102 : vector<1x16xf32> to vector<16xf32>
        %parallel_loop3A_2104 = vector.shape_cast %get3A_1739 : vector<16xf32> to vector<1x16xf32>
        tpu.vector_store %arg12[%parallel_loop3A_2100, %parallel_loop3A_2101], %parallel_loop3A_2104 {add = true, strides = array<i32>} : memref<32x512xf32, #tpu.memory_space<vmem>>, vector<1x16xf32>,
        %parallel_loop3A_2105 = arith.index_cast %parallel_loop3A_2044 : i32 to index
        %parallel_loop3A_2106 = arith.constant 448 : index
        %parallel_loop3A_2107 = tpu.vector_load %arg12[%parallel_loop3A_2105, %parallel_loop3A_2106] {strides = array<i32>} : memref<32x512xf32, #tpu.memory_space<vmem>>, vector<1x16xf32>,
        %parallel_loop3A_2108 = vector.shape_cast %parallel_loop3A_2107 : vector<1x16xf32> to vector<16xf32>
        %parallel_loop3A_2109 = vector.shape_cast %get3A_1744 : vector<16xf32> to vector<1x16xf32>
        tpu.vector_store %arg12[%parallel_loop3A_2105, %parallel_loop3A_2106], %parallel_loop3A_2109 {add = true, strides = array<i32>} : memref<32x512xf32, #tpu.memory_space<vmem>>, vector<1x16xf32>,
        %parallel_loop3A_2110 = arith.index_cast %parallel_loop3A_2044 : i32 to index
        %parallel_loop3A_2111 = arith.constant 464 : index
        %parallel_loop3A_2112 = tpu.vector_load %arg12[%parallel_loop3A_2110, %parallel_loop3A_2111] {strides = array<i32>} : memref<32x512xf32, #tpu.memory_space<vmem>>, vector<1x16xf32>,
        %parallel_loop3A_2113 = vector.shape_cast %parallel_loop3A_2112 : vector<1x16xf32> to vector<16xf32>
        %parallel_loop3A_2114 = vector.shape_cast %get3A_1749 : vector<16xf32> to vector<1x16xf32>
        tpu.vector_store %arg12[%parallel_loop3A_2110, %parallel_loop3A_2111], %parallel_loop3A_2114 {add = true, strides = array<i32>} : memref<32x512xf32, #tpu.memory_space<vmem>>, vector<1x16xf32>,
        %parallel_loop3A_2115 = arith.index_cast %parallel_loop3A_2044 : i32 to index
        %parallel_loop3A_2116 = arith.constant 480 : index
        %parallel_loop3A_2117 = tpu.vector_load %arg12[%parallel_loop3A_2115, %parallel_loop3A_2116] {strides = array<i32>} : memref<32x512xf32, #tpu.memory_space<vmem>>, vector<1x16xf32>,
        %parallel_loop3A_2118 = vector.shape_cast %parallel_loop3A_2117 : vector<1x16xf32> to vector<16xf32>
        %parallel_loop3A_2119 = vector.shape_cast %get3A_1754 : vector<16xf32> to vector<1x16xf32>
        tpu.vector_store %arg12[%parallel_loop3A_2115, %parallel_loop3A_2116], %parallel_loop3A_2119 {add = true, strides = array<i32>} : memref<32x512xf32, #tpu.memory_space<vmem>>, vector<1x16xf32>,
        %parallel_loop3A_2120 = arith.index_cast %parallel_loop3A_2044 : i32 to index
        %parallel_loop3A_2121 = arith.constant 496 : index
        %parallel_loop3A_2122 = tpu.vector_load %arg12[%parallel_loop3A_2120, %parallel_loop3A_2121] {strides = array<i32>} : memref<32x512xf32, #tpu.memory_space<vmem>>, vector<1x16xf32>,
        %parallel_loop3A_2123 = vector.shape_cast %parallel_loop3A_2122 : vector<1x16xf32> to vector<16xf32>
        %parallel_loop3A_2124 = vector.shape_cast %get3A_1759 : vector<16xf32> to vector<1x16xf32>
        tpu.vector_store %arg12[%parallel_loop3A_2120, %parallel_loop3A_2121], %parallel_loop3A_2124 {add = true, strides = array<i32>} : memref<32x512xf32, #tpu.memory_space<vmem>>, vector<1x16xf32>,
      } {sc.loop_unroll_factor = 1 : i64, sc.parallel_access}
      %dma_start3A_1763 = arith.constant 0 : i32
      %dma_start3A_1764 = arith.constant 0 : i32
      %dma_start3A_1765 = tpu.memref_slice %arg5[%dma_start3A_1763, %dma_start3A_1764] : memref<131072x512xf32, #tpu.memory_space<hbm>> -> memref<131072x512xf32, #tpu.memory_space<hbm>>
      tpu.enqueue_indirect_dma source(%arg12 : memref<32x512xf32, #tpu.memory_space<vmem>>) target(%dma_start3A_1765 : memref<131072x512xf32, #tpu.memory_space<hbm>>) offsets(%arg18 : memref<32xi32, #tpu.memory_space<vmem>>) semaphore(%arg30 : memref<!tpu.dma_semaphore, #tpu.memory_space<semaphore_mem>>)
      %ge3A_1766 = arith.constant 2 : i32
      %ge3A_1767 = arith.cmpi sge, %add3A_1515, %ge3A_1766 : i32
      %convert_element_type3A_1768 = arith.extui %ge3A_1767 : i1 to i32
      %cond3A_1769 = arith.constant 0 : i32
      %cond3A_1770 = arith.cmpi ne, %convert_element_type3A_1768, %cond3A_1769 : i32
      scf.if %cond3A_1770 {
        %sub3A_2044 = arith.constant 2 : i32
        %sub3A_2045 = arith.subi %add3A_1515, %sub3A_2044 : i32
        %dma_wait3A_2046 = arith.constant 0 : i32
        %dma_wait3A_2047 = arith.constant 0 : i32
        %dma_wait3A_2048 = tpu.memref_slice %arg5[%dma_wait3A_2046, %dma_wait3A_2047] : memref<131072x512xf32, #tpu.memory_space<hbm>> -> memref<131072x512xf32, #tpu.memory_space<hbm>>
        tpu.wait_indirect_dma semaphore(%arg28 : memref<!tpu.dma_semaphore, #tpu.memory_space<semaphore_mem>>) src(%arg10 : memref<32x512xf32, #tpu.memory_space<vmem>>) dst(%dma_wait3A_2048 : memref<131072x512xf32, #tpu.memory_space<hbm>>)
      } else {
      }
      %add3A_1771 = arith.constant 4 : i32
      %add3A_1772 = arith.addi %add3A_1515, %add3A_1771 : i32
      %lt3A_1773 = arith.constant 128 : i32
      %lt3A_1774 = arith.cmpi slt, %add3A_1772, %lt3A_1773 : i32
      %convert_element_type3A_1775 = arith.extui %lt3A_1774 : i1 to i32
      %cond3A_1776 = arith.constant 0 : i32
      %cond3A_1777 = arith.cmpi ne, %convert_element_type3A_1775, %cond3A_1776 : i32
      scf.if %cond3A_1777 {
        %add3A_2044 = arith.constant 4 : i32
        %add3A_2045 = arith.addi %add3A_1515, %add3A_2044 : i32
        %dma_start3A_2046 = arith.constant 0 : i32
        %dma_start3A_2047 = tpu.memref_slice %arg6[%add3A_2045, %dma_start3A_2046] : memref<128x32xi32, #tpu.memory_space<vmem>> -> memref<1x32xi32, #tpu.memory_space<vmem>>
        %dma_start3A_2048 = tpu.memref_squeeze %dma_start3A_2047 : memref<1x32xi32, #tpu.memory_space<vmem>> -> memref<32xi32, #tpu.memory_space<vmem>>
        %dma_start3A_2049 = arith.constant 0 : i32
        %dma_start3A_2050 = arith.constant 0 : i32
        %dma_start3A_2051 = tpu.memref_slice %arg4[%dma_start3A_2049, %dma_start3A_2050] : memref<100000x512xf32, #tpu.memory_space<hbm>> -> memref<100000x512xf32, #tpu.memory_space<hbm>>
        tpu.enqueue_indirect_dma source(%dma_start3A_2051 : memref<100000x512xf32, #tpu.memory_space<hbm>>) target(%arg10 : memref<32x512xf32, #tpu.memory_space<vmem>>) offsets(%dma_start3A_2048 : memref<32xi32, #tpu.memory_space<vmem>>) semaphore(%arg22 : memref<!tpu.dma_semaphore, #tpu.memory_space<semaphore_mem>>)
      } else {
      }
      %mul3A_1778 = arith.constant 6 : i32
      %mul3A_1779 = arith.muli %scan3A_460, %mul3A_1778 : i32
      %add3A_1780 = arith.constant 5 : i32
      %add3A_1781 = arith.addi %mul3A_1779, %add3A_1780 : i32
      %jit3A_1782 = arith.constant 32 : i32
      %div3A_1783 = arith.divsi %add3A_1781, %jit3A_1782 : i32
      %sign3A_1784 = arith.constant 0 : i32
      %sign3A_1785 = arith.cmpi sgt, %add3A_1781, %sign3A_1784 : i32
      %sign3A_1786 = arith.extui %sign3A_1785 : i1 to i32
      %sign3A_1787 = arith.constant 0 : i32
      %sign3A_1788 = arith.cmpi slt, %add3A_1781, %sign3A_1787 : i32
      %sign3A_1789 = arith.extui %sign3A_1788 : i1 to i32
      %sign3A_1790 = arith.subi %sign3A_1786, %sign3A_1789 : i32
      %sign3A_1791 = arith.constant 0 : i32
      %sign3A_1792 = arith.cmpi sgt, %jit3A_1782, %sign3A_1791 : i32
      %sign3A_1793 = arith.extui %sign3A_1792 : i1 to i32
      %sign3A_1794 = arith.constant 0 : i32
      %sign3A_1795 = arith.cmpi slt, %jit3A_1782, %sign3A_1794 : i32
      %sign3A_1796 = arith.extui %sign3A_1795 : i1 to i32
      %sign3A_1797 = arith.subi %sign3A_1793, %sign3A_1796 : i32
      %ne3A_1798 = arith.cmpi ne, %sign3A_1790, %sign3A_1797 : i32
      %rem3A_1799 = arith.remsi %add3A_1781, %jit3A_1782 : i32
      %ne3A_1800 = arith.constant 0 : i32
      %ne3A_1801 = arith.cmpi ne, %rem3A_1799, %ne3A_1800 : i32
      %and3A_1802 = arith.andi %ne3A_1798, %ne3A_1801 : i1
      %sub3A_1803 = arith.constant 1 : i32
      %sub3A_1804 = arith.subi %div3A_1783, %sub3A_1803 : i32
      %select_n3A_1805 = arith.select %and3A_1802, %sub3A_1804, %div3A_1783 : i32
      %jit3A_1806 = arith.constant 32 : i32
      %eq3A_1807 = arith.constant 0 : i32
      %eq3A_1808 = arith.cmpi eq, %jit3A_1806, %eq3A_1807 : i32
      %jit3A_1809 = arith.constant 1 : i32
      %select_n3A_1810 = arith.select %eq3A_1808, %jit3A_1809, %jit3A_1806 : i32
      %rem3A_1811 = arith.remsi %add3A_1781, %select_n3A_1810 : i32
      %ne3A_1812 = arith.constant 0 : i32
      %ne3A_1813 = arith.cmpi ne, %rem3A_1811, %ne3A_1812 : i32
      %lt3A_1814 = arith.constant 0 : i32
      %lt3A_1815 = arith.cmpi slt, %rem3A_1811, %lt3A_1814 : i32
      %lt3A_1816 = arith.constant 0 : i32
      %lt3A_1817 = arith.cmpi slt, %select_n3A_1810, %lt3A_1816 : i32
      %ne3A_1818 = arith.xori %lt3A_1815, %lt3A_1817 : i1
      %and3A_1819 = arith.andi %ne3A_1818, %ne3A_1813 : i1
      %add3A_1820 = arith.addi %rem3A_1811, %select_n3A_1810 : i32
      %select_n3A_1821 = arith.select %and3A_1819, %add3A_1820, %rem3A_1811 : i32
      %mul3A_1822 = arith.constant 32 : i32
      %mul3A_1823 = arith.muli %select_n3A_1821, %mul3A_1822 : i32
      %mul3A_1824 = arith.constant 128 : i32
      %mul3A_1825 = arith.muli %mul3A_1823, %mul3A_1824 : i32
      %mul3A_1826 = arith.constant 4 : i32
      %mul3A_1827 = arith.muli %add3A, %mul3A_1826 : i32
      %add3A_1828 = arith.addi %mul3A_1825, %mul3A_1827 : i32
      %add3A_1829 = arith.addi %add3A_1828, %select_n3A_1805 : i32
      %add3A_1830 = arith.constant 0 : i32
      %add3A_1831 = vector.broadcast %add3A_1830 : i32 to vector<16xi32>
      %add3A_1832 = arith.addi %iota3A, %add3A_1831 : vector<16xi32>
      %mul3A_1833 = arith.constant 128 : i32
      %mul3A_1834 = vector.broadcast %mul3A_1833 : i32 to vector<16xi32>
      %mul3A_1835 = arith.muli %add3A_1832, %mul3A_1834 : vector<16xi32>
      %add3A_1836 = vector.broadcast %add3A_1829 : i32 to vector<16xi32>
      %add3A_1837 = arith.addi %add3A_1836, %mul3A_1835 : vector<16xi32>
      %swap3A_1838 = arith.constant 0 : index
      %swap3A_1839 = tpu.vector_load %arg19[%swap3A_1838] {strides = array<i32>} : memref<32xi32, #tpu.memory_space<vmem>>, vector<16xi32>,
      %swap3A_1840 = vector.shape_cast %swap3A_1839 : vector<16xi32> to vector<16xi32>
      %swap3A_1841 = vector.shape_cast %add3A_1837 : vector<16xi32> to vector<16xi32>
      tpu.vector_store %arg19[%swap3A_1838], %swap3A_1841 {strides = array<i32>} : memref<32xi32, #tpu.memory_space<vmem>>, vector<16xi32>,
      %add3A_1842 = arith.constant 16 : i32
      %add3A_1843 = vector.broadcast %add3A_1842 : i32 to vector<16xi32>
      %add3A_1844 = arith.addi %iota3A, %add3A_1843 : vector<16xi32>
      %mul3A_1845 = arith.constant 128 : i32
      %mul3A_1846 = vector.broadcast %mul3A_1845 : i32 to vector<16xi32>
      %mul3A_1847 = arith.muli %add3A_1844, %mul3A_1846 : vector<16xi32>
      %add3A_1848 = vector.broadcast %add3A_1829 : i32 to vector<16xi32>
      %add3A_1849 = arith.addi %add3A_1848, %mul3A_1847 : vector<16xi32>
      %swap3A_1850 = arith.constant 16 : index
      %swap3A_1851 = tpu.vector_load %arg19[%swap3A_1850] {strides = array<i32>} : memref<32xi32, #tpu.memory_space<vmem>>, vector<16xi32>,
      %swap3A_1852 = vector.shape_cast %swap3A_1851 : vector<16xi32> to vector<16xi32>
      %swap3A_1853 = vector.shape_cast %add3A_1849 : vector<16xi32> to vector<16xi32>
      tpu.vector_store %arg19[%swap3A_1850], %swap3A_1853 {strides = array<i32>} : memref<32xi32, #tpu.memory_space<vmem>>, vector<16xi32>,
      %mul3A_1854 = arith.constant 512 : i32
      %mul3A_1855 = arith.muli %select_n3A_1805, %mul3A_1854 : i32
      %multiple_of3A_1856 = tpu.assume_multiple %mul3A_1855, 16 : i32
      %dma_wait3A_1857 = arith.constant 0 : i32
      %dma_wait3A_1858 = tpu.memref_slice %arg6[%add3A_1781, %dma_wait3A_1857] : memref<128x32xi32, #tpu.memory_space<vmem>> -> memref<1x32xi32, #tpu.memory_space<vmem>>
      %dma_wait3A_1859 = tpu.memref_squeeze %dma_wait3A_1858 : memref<1x32xi32, #tpu.memory_space<vmem>> -> memref<32xi32, #tpu.memory_space<vmem>>
      %dma_wait3A_1860 = arith.constant 0 : i32
      %dma_wait3A_1861 = arith.constant 0 : i32
      %dma_wait3A_1862 = tpu.memref_slice %arg4[%dma_wait3A_1860, %dma_wait3A_1861] : memref<100000x512xf32, #tpu.memory_space<hbm>> -> memref<100000x512xf32, #tpu.memory_space<hbm>>
      tpu.wait_indirect_dma semaphore(%arg25 : memref<!tpu.dma_semaphore, #tpu.memory_space<semaphore_mem>>) src(%dma_wait3A_1862 : memref<100000x512xf32, #tpu.memory_space<hbm>>) dst(%arg13 : memref<32x512xf32, #tpu.memory_space<vmem>>)
      %add3A_1863 = arith.constant 0 : i32
      %add3A_1864 = arith.addi %multiple_of3A_1856, %add3A_1863 : i32
      %get3A_1865 = arith.index_cast %add3A_1864 : i32 to index
      %get3A_1866 = tpu.vector_load %arg7[%get3A_1865] {strides = array<i32>} : memref<2048xf32, #tpu.memory_space<vmem>>, vector<16xf32>,
      %get3A_1867 = vector.shape_cast %get3A_1866 : vector<16xf32> to vector<16xf32>
      %add3A_1868 = arith.constant 16 : i32
      %add3A_1869 = arith.addi %multiple_of3A_1856, %add3A_1868 : i32
      %get3A_1870 = arith.index_cast %add3A_1869 : i32 to index
      %get3A_1871 = tpu.vector_load %arg7[%get3A_1870] {strides = array<i32>} : memref<2048xf32, #tpu.memory_space<vmem>>, vector<16xf32>,
      %get3A_1872 = vector.shape_cast %get3A_1871 : vector<16xf32> to vector<16xf32>
      %add3A_1873 = arith.constant 32 : i32
      %add3A_1874 = arith.addi %multiple_of3A_1856, %add3A_1873 : i32
      %get3A_1875 = arith.index_cast %add3A_1874 : i32 to index
      %get3A_1876 = tpu.vector_load %arg7[%get3A_1875] {strides = array<i32>} : memref<2048xf32, #tpu.memory_space<vmem>>, vector<16xf32>,
      %get3A_1877 = vector.shape_cast %get3A_1876 : vector<16xf32> to vector<16xf32>
      %add3A_1878 = arith.constant 48 : i32
      %add3A_1879 = arith.addi %multiple_of3A_1856, %add3A_1878 : i32
      %get3A_1880 = arith.index_cast %add3A_1879 : i32 to index
      %get3A_1881 = tpu.vector_load %arg7[%get3A_1880] {strides = array<i32>} : memref<2048xf32, #tpu.memory_space<vmem>>, vector<16xf32>,
      %get3A_1882 = vector.shape_cast %get3A_1881 : vector<16xf32> to vector<16xf32>
      %add3A_1883 = arith.constant 64 : i32
      %add3A_1884 = arith.addi %multiple_of3A_1856, %add3A_1883 : i32
      %get3A_1885 = arith.index_cast %add3A_1884 : i32 to index
      %get3A_1886 = tpu.vector_load %arg7[%get3A_1885] {strides = array<i32>} : memref<2048xf32, #tpu.memory_space<vmem>>, vector<16xf32>,
      %get3A_1887 = vector.shape_cast %get3A_1886 : vector<16xf32> to vector<16xf32>
      %add3A_1888 = arith.constant 80 : i32
      %add3A_1889 = arith.addi %multiple_of3A_1856, %add3A_1888 : i32
      %get3A_1890 = arith.index_cast %add3A_1889 : i32 to index
      %get3A_1891 = tpu.vector_load %arg7[%get3A_1890] {strides = array<i32>} : memref<2048xf32, #tpu.memory_space<vmem>>, vector<16xf32>,
      %get3A_1892 = vector.shape_cast %get3A_1891 : vector<16xf32> to vector<16xf32>
      %add3A_1893 = arith.constant 96 : i32
      %add3A_1894 = arith.addi %multiple_of3A_1856, %add3A_1893 : i32
      %get3A_1895 = arith.index_cast %add3A_1894 : i32 to index
      %get3A_1896 = tpu.vector_load %arg7[%get3A_1895] {strides = array<i32>} : memref<2048xf32, #tpu.memory_space<vmem>>, vector<16xf32>,
      %get3A_1897 = vector.shape_cast %get3A_1896 : vector<16xf32> to vector<16xf32>
      %add3A_1898 = arith.constant 112 : i32
      %add3A_1899 = arith.addi %multiple_of3A_1856, %add3A_1898 : i32
      %get3A_1900 = arith.index_cast %add3A_1899 : i32 to index
      %get3A_1901 = tpu.vector_load %arg7[%get3A_1900] {strides = array<i32>} : memref<2048xf32, #tpu.memory_space<vmem>>, vector<16xf32>,
      %get3A_1902 = vector.shape_cast %get3A_1901 : vector<16xf32> to vector<16xf32>
      %add3A_1903 = arith.constant 128 : i32
      %add3A_1904 = arith.addi %multiple_of3A_1856, %add3A_1903 : i32
      %get3A_1905 = arith.index_cast %add3A_1904 : i32 to index
      %get3A_1906 = tpu.vector_load %arg7[%get3A_1905] {strides = array<i32>} : memref<2048xf32, #tpu.memory_space<vmem>>, vector<16xf32>,
      %get3A_1907 = vector.shape_cast %get3A_1906 : vector<16xf32> to vector<16xf32>
      %add3A_1908 = arith.constant 144 : i32
      %add3A_1909 = arith.addi %multiple_of3A_1856, %add3A_1908 : i32
      %get3A_1910 = arith.index_cast %add3A_1909 : i32 to index
      %get3A_1911 = tpu.vector_load %arg7[%get3A_1910] {strides = array<i32>} : memref<2048xf32, #tpu.memory_space<vmem>>, vector<16xf32>,
      %get3A_1912 = vector.shape_cast %get3A_1911 : vector<16xf32> to vector<16xf32>
      %add3A_1913 = arith.constant 160 : i32
      %add3A_1914 = arith.addi %multiple_of3A_1856, %add3A_1913 : i32
      %get3A_1915 = arith.index_cast %add3A_1914 : i32 to index
      %get3A_1916 = tpu.vector_load %arg7[%get3A_1915] {strides = array<i32>} : memref<2048xf32, #tpu.memory_space<vmem>>, vector<16xf32>,
      %get3A_1917 = vector.shape_cast %get3A_1916 : vector<16xf32> to vector<16xf32>
      %add3A_1918 = arith.constant 176 : i32
      %add3A_1919 = arith.addi %multiple_of3A_1856, %add3A_1918 : i32
      %get3A_1920 = arith.index_cast %add3A_1919 : i32 to index
      %get3A_1921 = tpu.vector_load %arg7[%get3A_1920] {strides = array<i32>} : memref<2048xf32, #tpu.memory_space<vmem>>, vector<16xf32>,
      %get3A_1922 = vector.shape_cast %get3A_1921 : vector<16xf32> to vector<16xf32>
      %add3A_1923 = arith.constant 192 : i32
      %add3A_1924 = arith.addi %multiple_of3A_1856, %add3A_1923 : i32
      %get3A_1925 = arith.index_cast %add3A_1924 : i32 to index
      %get3A_1926 = tpu.vector_load %arg7[%get3A_1925] {strides = array<i32>} : memref<2048xf32, #tpu.memory_space<vmem>>, vector<16xf32>,
      %get3A_1927 = vector.shape_cast %get3A_1926 : vector<16xf32> to vector<16xf32>
      %add3A_1928 = arith.constant 208 : i32
      %add3A_1929 = arith.addi %multiple_of3A_1856, %add3A_1928 : i32
      %get3A_1930 = arith.index_cast %add3A_1929 : i32 to index
      %get3A_1931 = tpu.vector_load %arg7[%get3A_1930] {strides = array<i32>} : memref<2048xf32, #tpu.memory_space<vmem>>, vector<16xf32>,
      %get3A_1932 = vector.shape_cast %get3A_1931 : vector<16xf32> to vector<16xf32>
      %add3A_1933 = arith.constant 224 : i32
      %add3A_1934 = arith.addi %multiple_of3A_1856, %add3A_1933 : i32
      %get3A_1935 = arith.index_cast %add3A_1934 : i32 to index
      %get3A_1936 = tpu.vector_load %arg7[%get3A_1935] {strides = array<i32>} : memref<2048xf32, #tpu.memory_space<vmem>>, vector<16xf32>,
      %get3A_1937 = vector.shape_cast %get3A_1936 : vector<16xf32> to vector<16xf32>
      %add3A_1938 = arith.constant 240 : i32
      %add3A_1939 = arith.addi %multiple_of3A_1856, %add3A_1938 : i32
      %get3A_1940 = arith.index_cast %add3A_1939 : i32 to index
      %get3A_1941 = tpu.vector_load %arg7[%get3A_1940] {strides = array<i32>} : memref<2048xf32, #tpu.memory_space<vmem>>, vector<16xf32>,
      %get3A_1942 = vector.shape_cast %get3A_1941 : vector<16xf32> to vector<16xf32>
      %parallel_loop3A_1943 = arith.constant 0 : i32
      %parallel_loop3A_1944 = arith.constant 32 : i32
      %parallel_loop3A_1945 = arith.constant 1 : i32
      scf.for %parallel_loop3A_2044 = %parallel_loop3A_1943 to %parallel_loop3A_1944 step %parallel_loop3A_1945  : i32 {
        %parallel_loop3A_2045 = arith.index_cast %parallel_loop3A_2044 : i32 to index
        %parallel_loop3A_2046 = arith.constant 0 : index
        %parallel_loop3A_2047 = tpu.vector_load %arg13[%parallel_loop3A_2045, %parallel_loop3A_2046] {strides = array<i32>} : memref<32x512xf32, #tpu.memory_space<vmem>>, vector<1x16xf32>,
        %parallel_loop3A_2048 = vector.shape_cast %parallel_loop3A_2047 : vector<1x16xf32> to vector<16xf32>
        %parallel_loop3A_2049 = vector.shape_cast %get3A_1867 : vector<16xf32> to vector<1x16xf32>
        tpu.vector_store %arg13[%parallel_loop3A_2045, %parallel_loop3A_2046], %parallel_loop3A_2049 {add = true, strides = array<i32>} : memref<32x512xf32, #tpu.memory_space<vmem>>, vector<1x16xf32>,
        %parallel_loop3A_2050 = arith.index_cast %parallel_loop3A_2044 : i32 to index
        %parallel_loop3A_2051 = arith.constant 16 : index
        %parallel_loop3A_2052 = tpu.vector_load %arg13[%parallel_loop3A_2050, %parallel_loop3A_2051] {strides = array<i32>} : memref<32x512xf32, #tpu.memory_space<vmem>>, vector<1x16xf32>,
        %parallel_loop3A_2053 = vector.shape_cast %parallel_loop3A_2052 : vector<1x16xf32> to vector<16xf32>
        %parallel_loop3A_2054 = vector.shape_cast %get3A_1872 : vector<16xf32> to vector<1x16xf32>
        tpu.vector_store %arg13[%parallel_loop3A_2050, %parallel_loop3A_2051], %parallel_loop3A_2054 {add = true, strides = array<i32>} : memref<32x512xf32, #tpu.memory_space<vmem>>, vector<1x16xf32>,
        %parallel_loop3A_2055 = arith.index_cast %parallel_loop3A_2044 : i32 to index
        %parallel_loop3A_2056 = arith.constant 32 : index
        %parallel_loop3A_2057 = tpu.vector_load %arg13[%parallel_loop3A_2055, %parallel_loop3A_2056] {strides = array<i32>} : memref<32x512xf32, #tpu.memory_space<vmem>>, vector<1x16xf32>,
        %parallel_loop3A_2058 = vector.shape_cast %parallel_loop3A_2057 : vector<1x16xf32> to vector<16xf32>
        %parallel_loop3A_2059 = vector.shape_cast %get3A_1877 : vector<16xf32> to vector<1x16xf32>
        tpu.vector_store %arg13[%parallel_loop3A_2055, %parallel_loop3A_2056], %parallel_loop3A_2059 {add = true, strides = array<i32>} : memref<32x512xf32, #tpu.memory_space<vmem>>, vector<1x16xf32>,
        %parallel_loop3A_2060 = arith.index_cast %parallel_loop3A_2044 : i32 to index
        %parallel_loop3A_2061 = arith.constant 48 : index
        %parallel_loop3A_2062 = tpu.vector_load %arg13[%parallel_loop3A_2060, %parallel_loop3A_2061] {strides = array<i32>} : memref<32x512xf32, #tpu.memory_space<vmem>>, vector<1x16xf32>,
        %parallel_loop3A_2063 = vector.shape_cast %parallel_loop3A_2062 : vector<1x16xf32> to vector<16xf32>
        %parallel_loop3A_2064 = vector.shape_cast %get3A_1882 : vector<16xf32> to vector<1x16xf32>
        tpu.vector_store %arg13[%parallel_loop3A_2060, %parallel_loop3A_2061], %parallel_loop3A_2064 {add = true, strides = array<i32>} : memref<32x512xf32, #tpu.memory_space<vmem>>, vector<1x16xf32>,
        %parallel_loop3A_2065 = arith.index_cast %parallel_loop3A_2044 : i32 to index
        %parallel_loop3A_2066 = arith.constant 64 : index
        %parallel_loop3A_2067 = tpu.vector_load %arg13[%parallel_loop3A_2065, %parallel_loop3A_2066] {strides = array<i32>} : memref<32x512xf32, #tpu.memory_space<vmem>>, vector<1x16xf32>,
        %parallel_loop3A_2068 = vector.shape_cast %parallel_loop3A_2067 : vector<1x16xf32> to vector<16xf32>
        %parallel_loop3A_2069 = vector.shape_cast %get3A_1887 : vector<16xf32> to vector<1x16xf32>
        tpu.vector_store %arg13[%parallel_loop3A_2065, %parallel_loop3A_2066], %parallel_loop3A_2069 {add = true, strides = array<i32>} : memref<32x512xf32, #tpu.memory_space<vmem>>, vector<1x16xf32>,
        %parallel_loop3A_2070 = arith.index_cast %parallel_loop3A_2044 : i32 to index
        %parallel_loop3A_2071 = arith.constant 80 : index
        %parallel_loop3A_2072 = tpu.vector_load %arg13[%parallel_loop3A_2070, %parallel_loop3A_2071] {strides = array<i32>} : memref<32x512xf32, #tpu.memory_space<vmem>>, vector<1x16xf32>,
        %parallel_loop3A_2073 = vector.shape_cast %parallel_loop3A_2072 : vector<1x16xf32> to vector<16xf32>
        %parallel_loop3A_2074 = vector.shape_cast %get3A_1892 : vector<16xf32> to vector<1x16xf32>
        tpu.vector_store %arg13[%parallel_loop3A_2070, %parallel_loop3A_2071], %parallel_loop3A_2074 {add = true, strides = array<i32>} : memref<32x512xf32, #tpu.memory_space<vmem>>, vector<1x16xf32>,
        %parallel_loop3A_2075 = arith.index_cast %parallel_loop3A_2044 : i32 to index
        %parallel_loop3A_2076 = arith.constant 96 : index
        %parallel_loop3A_2077 = tpu.vector_load %arg13[%parallel_loop3A_2075, %parallel_loop3A_2076] {strides = array<i32>} : memref<32x512xf32, #tpu.memory_space<vmem>>, vector<1x16xf32>,
        %parallel_loop3A_2078 = vector.shape_cast %parallel_loop3A_2077 : vector<1x16xf32> to vector<16xf32>
        %parallel_loop3A_2079 = vector.shape_cast %get3A_1897 : vector<16xf32> to vector<1x16xf32>
        tpu.vector_store %arg13[%parallel_loop3A_2075, %parallel_loop3A_2076], %parallel_loop3A_2079 {add = true, strides = array<i32>} : memref<32x512xf32, #tpu.memory_space<vmem>>, vector<1x16xf32>,
        %parallel_loop3A_2080 = arith.index_cast %parallel_loop3A_2044 : i32 to index
        %parallel_loop3A_2081 = arith.constant 112 : index
        %parallel_loop3A_2082 = tpu.vector_load %arg13[%parallel_loop3A_2080, %parallel_loop3A_2081] {strides = array<i32>} : memref<32x512xf32, #tpu.memory_space<vmem>>, vector<1x16xf32>,
        %parallel_loop3A_2083 = vector.shape_cast %parallel_loop3A_2082 : vector<1x16xf32> to vector<16xf32>
        %parallel_loop3A_2084 = vector.shape_cast %get3A_1902 : vector<16xf32> to vector<1x16xf32>
        tpu.vector_store %arg13[%parallel_loop3A_2080, %parallel_loop3A_2081], %parallel_loop3A_2084 {add = true, strides = array<i32>} : memref<32x512xf32, #tpu.memory_space<vmem>>, vector<1x16xf32>,
        %parallel_loop3A_2085 = arith.index_cast %parallel_loop3A_2044 : i32 to index
        %parallel_loop3A_2086 = arith.constant 128 : index
        %parallel_loop3A_2087 = tpu.vector_load %arg13[%parallel_loop3A_2085, %parallel_loop3A_2086] {strides = array<i32>} : memref<32x512xf32, #tpu.memory_space<vmem>>, vector<1x16xf32>,
        %parallel_loop3A_2088 = vector.shape_cast %parallel_loop3A_2087 : vector<1x16xf32> to vector<16xf32>
        %parallel_loop3A_2089 = vector.shape_cast %get3A_1907 : vector<16xf32> to vector<1x16xf32>
        tpu.vector_store %arg13[%parallel_loop3A_2085, %parallel_loop3A_2086], %parallel_loop3A_2089 {add = true, strides = array<i32>} : memref<32x512xf32, #tpu.memory_space<vmem>>, vector<1x16xf32>,
        %parallel_loop3A_2090 = arith.index_cast %parallel_loop3A_2044 : i32 to index
        %parallel_loop3A_2091 = arith.constant 144 : index
        %parallel_loop3A_2092 = tpu.vector_load %arg13[%parallel_loop3A_2090, %parallel_loop3A_2091] {strides = array<i32>} : memref<32x512xf32, #tpu.memory_space<vmem>>, vector<1x16xf32>,
        %parallel_loop3A_2093 = vector.shape_cast %parallel_loop3A_2092 : vector<1x16xf32> to vector<16xf32>
        %parallel_loop3A_2094 = vector.shape_cast %get3A_1912 : vector<16xf32> to vector<1x16xf32>
        tpu.vector_store %arg13[%parallel_loop3A_2090, %parallel_loop3A_2091], %parallel_loop3A_2094 {add = true, strides = array<i32>} : memref<32x512xf32, #tpu.memory_space<vmem>>, vector<1x16xf32>,
        %parallel_loop3A_2095 = arith.index_cast %parallel_loop3A_2044 : i32 to index
        %parallel_loop3A_2096 = arith.constant 160 : index
        %parallel_loop3A_2097 = tpu.vector_load %arg13[%parallel_loop3A_2095, %parallel_loop3A_2096] {strides = array<i32>} : memref<32x512xf32, #tpu.memory_space<vmem>>, vector<1x16xf32>,
        %parallel_loop3A_2098 = vector.shape_cast %parallel_loop3A_2097 : vector<1x16xf32> to vector<16xf32>
        %parallel_loop3A_2099 = vector.shape_cast %get3A_1917 : vector<16xf32> to vector<1x16xf32>
        tpu.vector_store %arg13[%parallel_loop3A_2095, %parallel_loop3A_2096], %parallel_loop3A_2099 {add = true, strides = array<i32>} : memref<32x512xf32, #tpu.memory_space<vmem>>, vector<1x16xf32>,
        %parallel_loop3A_2100 = arith.index_cast %parallel_loop3A_2044 : i32 to index
        %parallel_loop3A_2101 = arith.constant 176 : index
        %parallel_loop3A_2102 = tpu.vector_load %arg13[%parallel_loop3A_2100, %parallel_loop3A_2101] {strides = array<i32>} : memref<32x512xf32, #tpu.memory_space<vmem>>, vector<1x16xf32>,
        %parallel_loop3A_2103 = vector.shape_cast %parallel_loop3A_2102 : vector<1x16xf32> to vector<16xf32>
        %parallel_loop3A_2104 = vector.shape_cast %get3A_1922 : vector<16xf32> to vector<1x16xf32>
        tpu.vector_store %arg13[%parallel_loop3A_2100, %parallel_loop3A_2101], %parallel_loop3A_2104 {add = true, strides = array<i32>} : memref<32x512xf32, #tpu.memory_space<vmem>>, vector<1x16xf32>,
        %parallel_loop3A_2105 = arith.index_cast %parallel_loop3A_2044 : i32 to index
        %parallel_loop3A_2106 = arith.constant 192 : index
        %parallel_loop3A_2107 = tpu.vector_load %arg13[%parallel_loop3A_2105, %parallel_loop3A_2106] {strides = array<i32>} : memref<32x512xf32, #tpu.memory_space<vmem>>, vector<1x16xf32>,
        %parallel_loop3A_2108 = vector.shape_cast %parallel_loop3A_2107 : vector<1x16xf32> to vector<16xf32>
        %parallel_loop3A_2109 = vector.shape_cast %get3A_1927 : vector<16xf32> to vector<1x16xf32>
        tpu.vector_store %arg13[%parallel_loop3A_2105, %parallel_loop3A_2106], %parallel_loop3A_2109 {add = true, strides = array<i32>} : memref<32x512xf32, #tpu.memory_space<vmem>>, vector<1x16xf32>,
        %parallel_loop3A_2110 = arith.index_cast %parallel_loop3A_2044 : i32 to index
        %parallel_loop3A_2111 = arith.constant 208 : index
        %parallel_loop3A_2112 = tpu.vector_load %arg13[%parallel_loop3A_2110, %parallel_loop3A_2111] {strides = array<i32>} : memref<32x512xf32, #tpu.memory_space<vmem>>, vector<1x16xf32>,
        %parallel_loop3A_2113 = vector.shape_cast %parallel_loop3A_2112 : vector<1x16xf32> to vector<16xf32>
        %parallel_loop3A_2114 = vector.shape_cast %get3A_1932 : vector<16xf32> to vector<1x16xf32>
        tpu.vector_store %arg13[%parallel_loop3A_2110, %parallel_loop3A_2111], %parallel_loop3A_2114 {add = true, strides = array<i32>} : memref<32x512xf32, #tpu.memory_space<vmem>>, vector<1x16xf32>,
        %parallel_loop3A_2115 = arith.index_cast %parallel_loop3A_2044 : i32 to index
        %parallel_loop3A_2116 = arith.constant 224 : index
        %parallel_loop3A_2117 = tpu.vector_load %arg13[%parallel_loop3A_2115, %parallel_loop3A_2116] {strides = array<i32>} : memref<32x512xf32, #tpu.memory_space<vmem>>, vector<1x16xf32>,
        %parallel_loop3A_2118 = vector.shape_cast %parallel_loop3A_2117 : vector<1x16xf32> to vector<16xf32>
        %parallel_loop3A_2119 = vector.shape_cast %get3A_1937 : vector<16xf32> to vector<1x16xf32>
        tpu.vector_store %arg13[%parallel_loop3A_2115, %parallel_loop3A_2116], %parallel_loop3A_2119 {add = true, strides = array<i32>} : memref<32x512xf32, #tpu.memory_space<vmem>>, vector<1x16xf32>,
        %parallel_loop3A_2120 = arith.index_cast %parallel_loop3A_2044 : i32 to index
        %parallel_loop3A_2121 = arith.constant 240 : index
        %parallel_loop3A_2122 = tpu.vector_load %arg13[%parallel_loop3A_2120, %parallel_loop3A_2121] {strides = array<i32>} : memref<32x512xf32, #tpu.memory_space<vmem>>, vector<1x16xf32>,
        %parallel_loop3A_2123 = vector.shape_cast %parallel_loop3A_2122 : vector<1x16xf32> to vector<16xf32>
        %parallel_loop3A_2124 = vector.shape_cast %get3A_1942 : vector<16xf32> to vector<1x16xf32>
        tpu.vector_store %arg13[%parallel_loop3A_2120, %parallel_loop3A_2121], %parallel_loop3A_2124 {add = true, strides = array<i32>} : memref<32x512xf32, #tpu.memory_space<vmem>>, vector<1x16xf32>,
      } {sc.loop_unroll_factor = 1 : i64, sc.parallel_access}
      %add3A_1946 = arith.constant 256 : i32
      %add3A_1947 = arith.addi %multiple_of3A_1856, %add3A_1946 : i32
      %get3A_1948 = arith.index_cast %add3A_1947 : i32 to index
      %get3A_1949 = tpu.vector_load %arg7[%get3A_1948] {strides = array<i32>} : memref<2048xf32, #tpu.memory_space<vmem>>, vector<16xf32>,
      %get3A_1950 = vector.shape_cast %get3A_1949 : vector<16xf32> to vector<16xf32>
      %add3A_1951 = arith.constant 272 : i32
      %add3A_1952 = arith.addi %multiple_of3A_1856, %add3A_1951 : i32
      %get3A_1953 = arith.index_cast %add3A_1952 : i32 to index
      %get3A_1954 = tpu.vector_load %arg7[%get3A_1953] {strides = array<i32>} : memref<2048xf32, #tpu.memory_space<vmem>>, vector<16xf32>,
      %get3A_1955 = vector.shape_cast %get3A_1954 : vector<16xf32> to vector<16xf32>
      %add3A_1956 = arith.constant 288 : i32
      %add3A_1957 = arith.addi %multiple_of3A_1856, %add3A_1956 : i32
      %get3A_1958 = arith.index_cast %add3A_1957 : i32 to index
      %get3A_1959 = tpu.vector_load %arg7[%get3A_1958] {strides = array<i32>} : memref<2048xf32, #tpu.memory_space<vmem>>, vector<16xf32>,
      %get3A_1960 = vector.shape_cast %get3A_1959 : vector<16xf32> to vector<16xf32>
      %add3A_1961 = arith.constant 304 : i32
      %add3A_1962 = arith.addi %multiple_of3A_1856, %add3A_1961 : i32
      %get3A_1963 = arith.index_cast %add3A_1962 : i32 to index
      %get3A_1964 = tpu.vector_load %arg7[%get3A_1963] {strides = array<i32>} : memref<2048xf32, #tpu.memory_space<vmem>>, vector<16xf32>,
      %get3A_1965 = vector.shape_cast %get3A_1964 : vector<16xf32> to vector<16xf32>
      %add3A_1966 = arith.constant 320 : i32
      %add3A_1967 = arith.addi %multiple_of3A_1856, %add3A_1966 : i32
      %get3A_1968 = arith.index_cast %add3A_1967 : i32 to index
      %get3A_1969 = tpu.vector_load %arg7[%get3A_1968] {strides = array<i32>} : memref<2048xf32, #tpu.memory_space<vmem>>, vector<16xf32>,
      %get3A_1970 = vector.shape_cast %get3A_1969 : vector<16xf32> to vector<16xf32>
      %add3A_1971 = arith.constant 336 : i32
      %add3A_1972 = arith.addi %multiple_of3A_1856, %add3A_1971 : i32
      %get3A_1973 = arith.index_cast %add3A_1972 : i32 to index
      %get3A_1974 = tpu.vector_load %arg7[%get3A_1973] {strides = array<i32>} : memref<2048xf32, #tpu.memory_space<vmem>>, vector<16xf32>,
      %get3A_1975 = vector.shape_cast %get3A_1974 : vector<16xf32> to vector<16xf32>
      %add3A_1976 = arith.constant 352 : i32
      %add3A_1977 = arith.addi %multiple_of3A_1856, %add3A_1976 : i32
      %get3A_1978 = arith.index_cast %add3A_1977 : i32 to index
      %get3A_1979 = tpu.vector_load %arg7[%get3A_1978] {strides = array<i32>} : memref<2048xf32, #tpu.memory_space<vmem>>, vector<16xf32>,
      %get3A_1980 = vector.shape_cast %get3A_1979 : vector<16xf32> to vector<16xf32>
      %add3A_1981 = arith.constant 368 : i32
      %add3A_1982 = arith.addi %multiple_of3A_1856, %add3A_1981 : i32
      %get3A_1983 = arith.index_cast %add3A_1982 : i32 to index
      %get3A_1984 = tpu.vector_load %arg7[%get3A_1983] {strides = array<i32>} : memref<2048xf32, #tpu.memory_space<vmem>>, vector<16xf32>,
      %get3A_1985 = vector.shape_cast %get3A_1984 : vector<16xf32> to vector<16xf32>
      %add3A_1986 = arith.constant 384 : i32
      %add3A_1987 = arith.addi %multiple_of3A_1856, %add3A_1986 : i32
      %get3A_1988 = arith.index_cast %add3A_1987 : i32 to index
      %get3A_1989 = tpu.vector_load %arg7[%get3A_1988] {strides = array<i32>} : memref<2048xf32, #tpu.memory_space<vmem>>, vector<16xf32>,
      %get3A_1990 = vector.shape_cast %get3A_1989 : vector<16xf32> to vector<16xf32>
      %add3A_1991 = arith.constant 400 : i32
      %add3A_1992 = arith.addi %multiple_of3A_1856, %add3A_1991 : i32
      %get3A_1993 = arith.index_cast %add3A_1992 : i32 to index
      %get3A_1994 = tpu.vector_load %arg7[%get3A_1993] {strides = array<i32>} : memref<2048xf32, #tpu.memory_space<vmem>>, vector<16xf32>,
      %get3A_1995 = vector.shape_cast %get3A_1994 : vector<16xf32> to vector<16xf32>
      %add3A_1996 = arith.constant 416 : i32
      %add3A_1997 = arith.addi %multiple_of3A_1856, %add3A_1996 : i32
      %get3A_1998 = arith.index_cast %add3A_1997 : i32 to index
      %get3A_1999 = tpu.vector_load %arg7[%get3A_1998] {strides = array<i32>} : memref<2048xf32, #tpu.memory_space<vmem>>, vector<16xf32>,
      %get3A_2000 = vector.shape_cast %get3A_1999 : vector<16xf32> to vector<16xf32>
      %add3A_2001 = arith.constant 432 : i32
      %add3A_2002 = arith.addi %multiple_of3A_1856, %add3A_2001 : i32
      %get3A_2003 = arith.index_cast %add3A_2002 : i32 to index
      %get3A_2004 = tpu.vector_load %arg7[%get3A_2003] {strides = array<i32>} : memref<2048xf32, #tpu.memory_space<vmem>>, vector<16xf32>,
      %get3A_2005 = vector.shape_cast %get3A_2004 : vector<16xf32> to vector<16xf32>
      %add3A_2006 = arith.constant 448 : i32
      %add3A_2007 = arith.addi %multiple_of3A_1856, %add3A_2006 : i32
      %get3A_2008 = arith.index_cast %add3A_2007 : i32 to index
      %get3A_2009 = tpu.vector_load %arg7[%get3A_2008] {strides = array<i32>} : memref<2048xf32, #tpu.memory_space<vmem>>, vector<16xf32>,
      %get3A_2010 = vector.shape_cast %get3A_2009 : vector<16xf32> to vector<16xf32>
      %add3A_2011 = arith.constant 464 : i32
      %add3A_2012 = arith.addi %multiple_of3A_1856, %add3A_2011 : i32
      %get3A_2013 = arith.index_cast %add3A_2012 : i32 to index
      %get3A_2014 = tpu.vector_load %arg7[%get3A_2013] {strides = array<i32>} : memref<2048xf32, #tpu.memory_space<vmem>>, vector<16xf32>,
      %get3A_2015 = vector.shape_cast %get3A_2014 : vector<16xf32> to vector<16xf32>
      %add3A_2016 = arith.constant 480 : i32
      %add3A_2017 = arith.addi %multiple_of3A_1856, %add3A_2016 : i32
      %get3A_2018 = arith.index_cast %add3A_2017 : i32 to index
      %get3A_2019 = tpu.vector_load %arg7[%get3A_2018] {strides = array<i32>} : memref<2048xf32, #tpu.memory_space<vmem>>, vector<16xf32>,
      %get3A_2020 = vector.shape_cast %get3A_2019 : vector<16xf32> to vector<16xf32>
      %add3A_2021 = arith.constant 496 : i32
      %add3A_2022 = arith.addi %multiple_of3A_1856, %add3A_2021 : i32
      %get3A_2023 = arith.index_cast %add3A_2022 : i32 to index
      %get3A_2024 = tpu.vector_load %arg7[%get3A_2023] {strides = array<i32>} : memref<2048xf32, #tpu.memory_space<vmem>>, vector<16xf32>,
      %get3A_2025 = vector.shape_cast %get3A_2024 : vector<16xf32> to vector<16xf32>
      %parallel_loop3A_2026 = arith.constant 0 : i32
      %parallel_loop3A_2027 = arith.constant 32 : i32
      %parallel_loop3A_2028 = arith.constant 1 : i32
      scf.for %parallel_loop3A_2044 = %parallel_loop3A_2026 to %parallel_loop3A_2027 step %parallel_loop3A_2028  : i32 {
        %parallel_loop3A_2045 = arith.index_cast %parallel_loop3A_2044 : i32 to index
        %parallel_loop3A_2046 = arith.constant 256 : index
        %parallel_loop3A_2047 = tpu.vector_load %arg13[%parallel_loop3A_2045, %parallel_loop3A_2046] {strides = array<i32>} : memref<32x512xf32, #tpu.memory_space<vmem>>, vector<1x16xf32>,
        %parallel_loop3A_2048 = vector.shape_cast %parallel_loop3A_2047 : vector<1x16xf32> to vector<16xf32>
        %parallel_loop3A_2049 = vector.shape_cast %get3A_1950 : vector<16xf32> to vector<1x16xf32>
        tpu.vector_store %arg13[%parallel_loop3A_2045, %parallel_loop3A_2046], %parallel_loop3A_2049 {add = true, strides = array<i32>} : memref<32x512xf32, #tpu.memory_space<vmem>>, vector<1x16xf32>,
        %parallel_loop3A_2050 = arith.index_cast %parallel_loop3A_2044 : i32 to index
        %parallel_loop3A_2051 = arith.constant 272 : index
        %parallel_loop3A_2052 = tpu.vector_load %arg13[%parallel_loop3A_2050, %parallel_loop3A_2051] {strides = array<i32>} : memref<32x512xf32, #tpu.memory_space<vmem>>, vector<1x16xf32>,
        %parallel_loop3A_2053 = vector.shape_cast %parallel_loop3A_2052 : vector<1x16xf32> to vector<16xf32>
        %parallel_loop3A_2054 = vector.shape_cast %get3A_1955 : vector<16xf32> to vector<1x16xf32>
        tpu.vector_store %arg13[%parallel_loop3A_2050, %parallel_loop3A_2051], %parallel_loop3A_2054 {add = true, strides = array<i32>} : memref<32x512xf32, #tpu.memory_space<vmem>>, vector<1x16xf32>,
        %parallel_loop3A_2055 = arith.index_cast %parallel_loop3A_2044 : i32 to index
        %parallel_loop3A_2056 = arith.constant 288 : index
        %parallel_loop3A_2057 = tpu.vector_load %arg13[%parallel_loop3A_2055, %parallel_loop3A_2056] {strides = array<i32>} : memref<32x512xf32, #tpu.memory_space<vmem>>, vector<1x16xf32>,
        %parallel_loop3A_2058 = vector.shape_cast %parallel_loop3A_2057 : vector<1x16xf32> to vector<16xf32>
        %parallel_loop3A_2059 = vector.shape_cast %get3A_1960 : vector<16xf32> to vector<1x16xf32>
        tpu.vector_store %arg13[%parallel_loop3A_2055, %parallel_loop3A_2056], %parallel_loop3A_2059 {add = true, strides = array<i32>} : memref<32x512xf32, #tpu.memory_space<vmem>>, vector<1x16xf32>,
        %parallel_loop3A_2060 = arith.index_cast %parallel_loop3A_2044 : i32 to index
        %parallel_loop3A_2061 = arith.constant 304 : index
        %parallel_loop3A_2062 = tpu.vector_load %arg13[%parallel_loop3A_2060, %parallel_loop3A_2061] {strides = array<i32>} : memref<32x512xf32, #tpu.memory_space<vmem>>, vector<1x16xf32>,
        %parallel_loop3A_2063 = vector.shape_cast %parallel_loop3A_2062 : vector<1x16xf32> to vector<16xf32>
        %parallel_loop3A_2064 = vector.shape_cast %get3A_1965 : vector<16xf32> to vector<1x16xf32>
        tpu.vector_store %arg13[%parallel_loop3A_2060, %parallel_loop3A_2061], %parallel_loop3A_2064 {add = true, strides = array<i32>} : memref<32x512xf32, #tpu.memory_space<vmem>>, vector<1x16xf32>,
        %parallel_loop3A_2065 = arith.index_cast %parallel_loop3A_2044 : i32 to index
        %parallel_loop3A_2066 = arith.constant 320 : index
        %parallel_loop3A_2067 = tpu.vector_load %arg13[%parallel_loop3A_2065, %parallel_loop3A_2066] {strides = array<i32>} : memref<32x512xf32, #tpu.memory_space<vmem>>, vector<1x16xf32>,
        %parallel_loop3A_2068 = vector.shape_cast %parallel_loop3A_2067 : vector<1x16xf32> to vector<16xf32>
        %parallel_loop3A_2069 = vector.shape_cast %get3A_1970 : vector<16xf32> to vector<1x16xf32>
        tpu.vector_store %arg13[%parallel_loop3A_2065, %parallel_loop3A_2066], %parallel_loop3A_2069 {add = true, strides = array<i32>} : memref<32x512xf32, #tpu.memory_space<vmem>>, vector<1x16xf32>,
        %parallel_loop3A_2070 = arith.index_cast %parallel_loop3A_2044 : i32 to index
        %parallel_loop3A_2071 = arith.constant 336 : index
        %parallel_loop3A_2072 = tpu.vector_load %arg13[%parallel_loop3A_2070, %parallel_loop3A_2071] {strides = array<i32>} : memref<32x512xf32, #tpu.memory_space<vmem>>, vector<1x16xf32>,
        %parallel_loop3A_2073 = vector.shape_cast %parallel_loop3A_2072 : vector<1x16xf32> to vector<16xf32>
        %parallel_loop3A_2074 = vector.shape_cast %get3A_1975 : vector<16xf32> to vector<1x16xf32>
        tpu.vector_store %arg13[%parallel_loop3A_2070, %parallel_loop3A_2071], %parallel_loop3A_2074 {add = true, strides = array<i32>} : memref<32x512xf32, #tpu.memory_space<vmem>>, vector<1x16xf32>,
        %parallel_loop3A_2075 = arith.index_cast %parallel_loop3A_2044 : i32 to index
        %parallel_loop3A_2076 = arith.constant 352 : index
        %parallel_loop3A_2077 = tpu.vector_load %arg13[%parallel_loop3A_2075, %parallel_loop3A_2076] {strides = array<i32>} : memref<32x512xf32, #tpu.memory_space<vmem>>, vector<1x16xf32>,
        %parallel_loop3A_2078 = vector.shape_cast %parallel_loop3A_2077 : vector<1x16xf32> to vector<16xf32>
        %parallel_loop3A_2079 = vector.shape_cast %get3A_1980 : vector<16xf32> to vector<1x16xf32>
        tpu.vector_store %arg13[%parallel_loop3A_2075, %parallel_loop3A_2076], %parallel_loop3A_2079 {add = true, strides = array<i32>} : memref<32x512xf32, #tpu.memory_space<vmem>>, vector<1x16xf32>,
        %parallel_loop3A_2080 = arith.index_cast %parallel_loop3A_2044 : i32 to index
        %parallel_loop3A_2081 = arith.constant 368 : index
        %parallel_loop3A_2082 = tpu.vector_load %arg13[%parallel_loop3A_2080, %parallel_loop3A_2081] {strides = array<i32>} : memref<32x512xf32, #tpu.memory_space<vmem>>, vector<1x16xf32>,
        %parallel_loop3A_2083 = vector.shape_cast %parallel_loop3A_2082 : vector<1x16xf32> to vector<16xf32>
        %parallel_loop3A_2084 = vector.shape_cast %get3A_1985 : vector<16xf32> to vector<1x16xf32>
        tpu.vector_store %arg13[%parallel_loop3A_2080, %parallel_loop3A_2081], %parallel_loop3A_2084 {add = true, strides = array<i32>} : memref<32x512xf32, #tpu.memory_space<vmem>>, vector<1x16xf32>,
        %parallel_loop3A_2085 = arith.index_cast %parallel_loop3A_2044 : i32 to index
        %parallel_loop3A_2086 = arith.constant 384 : index
        %parallel_loop3A_2087 = tpu.vector_load %arg13[%parallel_loop3A_2085, %parallel_loop3A_2086] {strides = array<i32>} : memref<32x512xf32, #tpu.memory_space<vmem>>, vector<1x16xf32>,
        %parallel_loop3A_2088 = vector.shape_cast %parallel_loop3A_2087 : vector<1x16xf32> to vector<16xf32>
        %parallel_loop3A_2089 = vector.shape_cast %get3A_1990 : vector<16xf32> to vector<1x16xf32>
        tpu.vector_store %arg13[%parallel_loop3A_2085, %parallel_loop3A_2086], %parallel_loop3A_2089 {add = true, strides = array<i32>} : memref<32x512xf32, #tpu.memory_space<vmem>>, vector<1x16xf32>,
        %parallel_loop3A_2090 = arith.index_cast %parallel_loop3A_2044 : i32 to index
        %parallel_loop3A_2091 = arith.constant 400 : index
        %parallel_loop3A_2092 = tpu.vector_load %arg13[%parallel_loop3A_2090, %parallel_loop3A_2091] {strides = array<i32>} : memref<32x512xf32, #tpu.memory_space<vmem>>, vector<1x16xf32>,
        %parallel_loop3A_2093 = vector.shape_cast %parallel_loop3A_2092 : vector<1x16xf32> to vector<16xf32>
        %parallel_loop3A_2094 = vector.shape_cast %get3A_1995 : vector<16xf32> to vector<1x16xf32>
        tpu.vector_store %arg13[%parallel_loop3A_2090, %parallel_loop3A_2091], %parallel_loop3A_2094 {add = true, strides = array<i32>} : memref<32x512xf32, #tpu.memory_space<vmem>>, vector<1x16xf32>,
        %parallel_loop3A_2095 = arith.index_cast %parallel_loop3A_2044 : i32 to index
        %parallel_loop3A_2096 = arith.constant 416 : index
        %parallel_loop3A_2097 = tpu.vector_load %arg13[%parallel_loop3A_2095, %parallel_loop3A_2096] {strides = array<i32>} : memref<32x512xf32, #tpu.memory_space<vmem>>, vector<1x16xf32>,
        %parallel_loop3A_2098 = vector.shape_cast %parallel_loop3A_2097 : vector<1x16xf32> to vector<16xf32>
        %parallel_loop3A_2099 = vector.shape_cast %get3A_2000 : vector<16xf32> to vector<1x16xf32>
        tpu.vector_store %arg13[%parallel_loop3A_2095, %parallel_loop3A_2096], %parallel_loop3A_2099 {add = true, strides = array<i32>} : memref<32x512xf32, #tpu.memory_space<vmem>>, vector<1x16xf32>,
        %parallel_loop3A_2100 = arith.index_cast %parallel_loop3A_2044 : i32 to index
        %parallel_loop3A_2101 = arith.constant 432 : index
        %parallel_loop3A_2102 = tpu.vector_load %arg13[%parallel_loop3A_2100, %parallel_loop3A_2101] {strides = array<i32>} : memref<32x512xf32, #tpu.memory_space<vmem>>, vector<1x16xf32>,
        %parallel_loop3A_2103 = vector.shape_cast %parallel_loop3A_2102 : vector<1x16xf32> to vector<16xf32>
        %parallel_loop3A_2104 = vector.shape_cast %get3A_2005 : vector<16xf32> to vector<1x16xf32>
        tpu.vector_store %arg13[%parallel_loop3A_2100, %parallel_loop3A_2101], %parallel_loop3A_2104 {add = true, strides = array<i32>} : memref<32x512xf32, #tpu.memory_space<vmem>>, vector<1x16xf32>,
        %parallel_loop3A_2105 = arith.index_cast %parallel_loop3A_2044 : i32 to index
        %parallel_loop3A_2106 = arith.constant 448 : index
        %parallel_loop3A_2107 = tpu.vector_load %arg13[%parallel_loop3A_2105, %parallel_loop3A_2106] {strides = array<i32>} : memref<32x512xf32, #tpu.memory_space<vmem>>, vector<1x16xf32>,
        %parallel_loop3A_2108 = vector.shape_cast %parallel_loop3A_2107 : vector<1x16xf32> to vector<16xf32>
        %parallel_loop3A_2109 = vector.shape_cast %get3A_2010 : vector<16xf32> to vector<1x16xf32>
        tpu.vector_store %arg13[%parallel_loop3A_2105, %parallel_loop3A_2106], %parallel_loop3A_2109 {add = true, strides = array<i32>} : memref<32x512xf32, #tpu.memory_space<vmem>>, vector<1x16xf32>,
        %parallel_loop3A_2110 = arith.index_cast %parallel_loop3A_2044 : i32 to index
        %parallel_loop3A_2111 = arith.constant 464 : index
        %parallel_loop3A_2112 = tpu.vector_load %arg13[%parallel_loop3A_2110, %parallel_loop3A_2111] {strides = array<i32>} : memref<32x512xf32, #tpu.memory_space<vmem>>, vector<1x16xf32>,
        %parallel_loop3A_2113 = vector.shape_cast %parallel_loop3A_2112 : vector<1x16xf32> to vector<16xf32>
        %parallel_loop3A_2114 = vector.shape_cast %get3A_2015 : vector<16xf32> to vector<1x16xf32>
        tpu.vector_store %arg13[%parallel_loop3A_2110, %parallel_loop3A_2111], %parallel_loop3A_2114 {add = true, strides = array<i32>} : memref<32x512xf32, #tpu.memory_space<vmem>>, vector<1x16xf32>,
        %parallel_loop3A_2115 = arith.index_cast %parallel_loop3A_2044 : i32 to index
        %parallel_loop3A_2116 = arith.constant 480 : index
        %parallel_loop3A_2117 = tpu.vector_load %arg13[%parallel_loop3A_2115, %parallel_loop3A_2116] {strides = array<i32>} : memref<32x512xf32, #tpu.memory_space<vmem>>, vector<1x16xf32>,
        %parallel_loop3A_2118 = vector.shape_cast %parallel_loop3A_2117 : vector<1x16xf32> to vector<16xf32>
        %parallel_loop3A_2119 = vector.shape_cast %get3A_2020 : vector<16xf32> to vector<1x16xf32>
        tpu.vector_store %arg13[%parallel_loop3A_2115, %parallel_loop3A_2116], %parallel_loop3A_2119 {add = true, strides = array<i32>} : memref<32x512xf32, #tpu.memory_space<vmem>>, vector<1x16xf32>,
        %parallel_loop3A_2120 = arith.index_cast %parallel_loop3A_2044 : i32 to index
        %parallel_loop3A_2121 = arith.constant 496 : index
        %parallel_loop3A_2122 = tpu.vector_load %arg13[%parallel_loop3A_2120, %parallel_loop3A_2121] {strides = array<i32>} : memref<32x512xf32, #tpu.memory_space<vmem>>, vector<1x16xf32>,
        %parallel_loop3A_2123 = vector.shape_cast %parallel_loop3A_2122 : vector<1x16xf32> to vector<16xf32>
        %parallel_loop3A_2124 = vector.shape_cast %get3A_2025 : vector<16xf32> to vector<1x16xf32>
        tpu.vector_store %arg13[%parallel_loop3A_2120, %parallel_loop3A_2121], %parallel_loop3A_2124 {add = true, strides = array<i32>} : memref<32x512xf32, #tpu.memory_space<vmem>>, vector<1x16xf32>,
      } {sc.loop_unroll_factor = 1 : i64, sc.parallel_access}
      %dma_start3A_2029 = arith.constant 0 : i32
      %dma_start3A_2030 = arith.constant 0 : i32
      %dma_start3A_2031 = tpu.memref_slice %arg5[%dma_start3A_2029, %dma_start3A_2030] : memref<131072x512xf32, #tpu.memory_space<hbm>> -> memref<131072x512xf32, #tpu.memory_space<hbm>>
      tpu.enqueue_indirect_dma source(%arg13 : memref<32x512xf32, #tpu.memory_space<vmem>>) target(%dma_start3A_2031 : memref<131072x512xf32, #tpu.memory_space<hbm>>) offsets(%arg19 : memref<32xi32, #tpu.memory_space<vmem>>) semaphore(%arg31 : memref<!tpu.dma_semaphore, #tpu.memory_space<semaphore_mem>>)
      %ge3A_2032 = arith.constant 2 : i32
      %ge3A_2033 = arith.cmpi sge, %add3A_1781, %ge3A_2032 : i32
      %convert_element_type3A_2034 = arith.extui %ge3A_2033 : i1 to i32
      %cond3A_2035 = arith.constant 0 : i32
      %cond3A_2036 = arith.cmpi ne, %convert_element_type3A_2034, %cond3A_2035 : i32
      scf.if %cond3A_2036 {
        %sub3A_2044 = arith.constant 2 : i32
        %sub3A_2045 = arith.subi %add3A_1781, %sub3A_2044 : i32
        %dma_wait3A_2046 = arith.constant 0 : i32
        %dma_wait3A_2047 = arith.constant 0 : i32
        %dma_wait3A_2048 = tpu.memref_slice %arg5[%dma_wait3A_2046, %dma_wait3A_2047] : memref<131072x512xf32, #tpu.memory_space<hbm>> -> memref<131072x512xf32, #tpu.memory_space<hbm>>
        tpu.wait_indirect_dma semaphore(%arg29 : memref<!tpu.dma_semaphore, #tpu.memory_space<semaphore_mem>>) src(%arg11 : memref<32x512xf32, #tpu.memory_space<vmem>>) dst(%dma_wait3A_2048 : memref<131072x512xf32, #tpu.memory_space<hbm>>)
      } else {
      }
      %add3A_2037 = arith.constant 4 : i32
      %add3A_2038 = arith.addi %add3A_1781, %add3A_2037 : i32
      %lt3A_2039 = arith.constant 128 : i32
      %lt3A_2040 = arith.cmpi slt, %add3A_2038, %lt3A_2039 : i32
      %convert_element_type3A_2041 = arith.extui %lt3A_2040 : i1 to i32
      %cond3A_2042 = arith.constant 0 : i32
      %cond3A_2043 = arith.cmpi ne, %convert_element_type3A_2041, %cond3A_2042 : i32
      scf.if %cond3A_2043 {
        %add3A_2044 = arith.constant 4 : i32
        %add3A_2045 = arith.addi %add3A_1781, %add3A_2044 : i32
        %dma_start3A_2046 = arith.constant 0 : i32
        %dma_start3A_2047 = tpu.memref_slice %arg6[%add3A_2045, %dma_start3A_2046] : memref<128x32xi32, #tpu.memory_space<vmem>> -> memref<1x32xi32, #tpu.memory_space<vmem>>
        %dma_start3A_2048 = tpu.memref_squeeze %dma_start3A_2047 : memref<1x32xi32, #tpu.memory_space<vmem>> -> memref<32xi32, #tpu.memory_space<vmem>>
        %dma_start3A_2049 = arith.constant 0 : i32
        %dma_start3A_2050 = arith.constant 0 : i32
        %dma_start3A_2051 = tpu.memref_slice %arg4[%dma_start3A_2049, %dma_start3A_2050] : memref<100000x512xf32, #tpu.memory_space<hbm>> -> memref<100000x512xf32, #tpu.memory_space<hbm>>
        tpu.enqueue_indirect_dma source(%dma_start3A_2051 : memref<100000x512xf32, #tpu.memory_space<hbm>>) target(%arg11 : memref<32x512xf32, #tpu.memory_space<vmem>>) offsets(%dma_start3A_2048 : memref<32xi32, #tpu.memory_space<vmem>>) semaphore(%arg23 : memref<!tpu.dma_semaphore, #tpu.memory_space<semaphore_mem>>)
      } else {
      }
    }
    %scan3A_36 = arith.constant 21 : i32
    %mul3A_37 = arith.constant 4 : i32
    %mul3A_38 = arith.muli %add3A, %mul3A_37 : i32
    %add3A_39 = arith.constant 122880 : i32
    %add3A_40 = arith.addi %add3A_39, %mul3A_38 : i32
    %add3A_41 = arith.constant 3 : i32
    %add3A_42 = arith.addi %add3A_40, %add3A_41 : i32
    %add3A_43 = arith.constant 0 : i32
    %add3A_44 = vector.broadcast %add3A_43 : i32 to vector<16xi32>
    %add3A_45 = arith.addi %iota3A, %add3A_44 : vector<16xi32>
    %mul3A_46 = arith.constant 128 : i32
    %mul3A_47 = vector.broadcast %mul3A_46 : i32 to vector<16xi32>
    %mul3A_48 = arith.muli %add3A_45, %mul3A_47 : vector<16xi32>
    %add3A_49 = vector.broadcast %add3A_42 : i32 to vector<16xi32>
    %add3A_50 = arith.addi %add3A_49, %mul3A_48 : vector<16xi32>
    %swap3A = arith.constant 0 : index
    %swap3A_51 = tpu.vector_load %arg14[%swap3A] {strides = array<i32>} : memref<32xi32, #tpu.memory_space<vmem>>, vector<16xi32>,
    %swap3A_52 = vector.shape_cast %swap3A_51 : vector<16xi32> to vector<16xi32>
    %swap3A_53 = vector.shape_cast %add3A_50 : vector<16xi32> to vector<16xi32>
    tpu.vector_store %arg14[%swap3A], %swap3A_53 {strides = array<i32>} : memref<32xi32, #tpu.memory_space<vmem>>, vector<16xi32>,
    %add3A_54 = arith.constant 16 : i32
    %add3A_55 = vector.broadcast %add3A_54 : i32 to vector<16xi32>
    %add3A_56 = arith.addi %iota3A, %add3A_55 : vector<16xi32>
    %mul3A_57 = arith.constant 128 : i32
    %mul3A_58 = vector.broadcast %mul3A_57 : i32 to vector<16xi32>
    %mul3A_59 = arith.muli %add3A_56, %mul3A_58 : vector<16xi32>
    %add3A_60 = vector.broadcast %add3A_42 : i32 to vector<16xi32>
    %add3A_61 = arith.addi %add3A_60, %mul3A_59 : vector<16xi32>
    %swap3A_62 = arith.constant 16 : index
    %swap3A_63 = tpu.vector_load %arg14[%swap3A_62] {strides = array<i32>} : memref<32xi32, #tpu.memory_space<vmem>>, vector<16xi32>,
    %swap3A_64 = vector.shape_cast %swap3A_63 : vector<16xi32> to vector<16xi32>
    %swap3A_65 = vector.shape_cast %add3A_61 : vector<16xi32> to vector<16xi32>
    tpu.vector_store %arg14[%swap3A_62], %swap3A_65 {strides = array<i32>} : memref<32xi32, #tpu.memory_space<vmem>>, vector<16xi32>,
    %multiple_of3A = arith.constant 1536 : i32
    %multiple_of3A_66 = tpu.assume_multiple %multiple_of3A, 16 : i32
    %dma_wait3A = arith.constant 126 : i32
    %dma_wait3A_67 = arith.constant 0 : i32
    %dma_wait3A_68 = tpu.memref_slice %arg6[%dma_wait3A, %dma_wait3A_67] : memref<128x32xi32, #tpu.memory_space<vmem>> -> memref<1x32xi32, #tpu.memory_space<vmem>>
    %dma_wait3A_69 = tpu.memref_squeeze %dma_wait3A_68 : memref<1x32xi32, #tpu.memory_space<vmem>> -> memref<32xi32, #tpu.memory_space<vmem>>
    %dma_wait3A_70 = arith.constant 0 : i32
    %dma_wait3A_71 = arith.constant 0 : i32
    %dma_wait3A_72 = tpu.memref_slice %arg4[%dma_wait3A_70, %dma_wait3A_71] : memref<100000x512xf32, #tpu.memory_space<hbm>> -> memref<100000x512xf32, #tpu.memory_space<hbm>>
    tpu.wait_indirect_dma semaphore(%arg20 : memref<!tpu.dma_semaphore, #tpu.memory_space<semaphore_mem>>) src(%dma_wait3A_72 : memref<100000x512xf32, #tpu.memory_space<hbm>>) dst(%arg8 : memref<32x512xf32, #tpu.memory_space<vmem>>)
    %add3A_73 = arith.constant 0 : i32
    %add3A_74 = arith.addi %multiple_of3A_66, %add3A_73 : i32
    %get3A = arith.index_cast %add3A_74 : i32 to index
    %get3A_75 = tpu.vector_load %arg7[%get3A] {strides = array<i32>} : memref<2048xf32, #tpu.memory_space<vmem>>, vector<16xf32>,
    %get3A_76 = vector.shape_cast %get3A_75 : vector<16xf32> to vector<16xf32>
    %add3A_77 = arith.constant 16 : i32
    %add3A_78 = arith.addi %multiple_of3A_66, %add3A_77 : i32
    %get3A_79 = arith.index_cast %add3A_78 : i32 to index
    %get3A_80 = tpu.vector_load %arg7[%get3A_79] {strides = array<i32>} : memref<2048xf32, #tpu.memory_space<vmem>>, vector<16xf32>,
    %get3A_81 = vector.shape_cast %get3A_80 : vector<16xf32> to vector<16xf32>
    %add3A_82 = arith.constant 32 : i32
    %add3A_83 = arith.addi %multiple_of3A_66, %add3A_82 : i32
    %get3A_84 = arith.index_cast %add3A_83 : i32 to index
    %get3A_85 = tpu.vector_load %arg7[%get3A_84] {strides = array<i32>} : memref<2048xf32, #tpu.memory_space<vmem>>, vector<16xf32>,
    %get3A_86 = vector.shape_cast %get3A_85 : vector<16xf32> to vector<16xf32>
    %add3A_87 = arith.constant 48 : i32
    %add3A_88 = arith.addi %multiple_of3A_66, %add3A_87 : i32
    %get3A_89 = arith.index_cast %add3A_88 : i32 to index
    %get3A_90 = tpu.vector_load %arg7[%get3A_89] {strides = array<i32>} : memref<2048xf32, #tpu.memory_space<vmem>>, vector<16xf32>,
    %get3A_91 = vector.shape_cast %get3A_90 : vector<16xf32> to vector<16xf32>
    %add3A_92 = arith.constant 64 : i32
    %add3A_93 = arith.addi %multiple_of3A_66, %add3A_92 : i32
    %get3A_94 = arith.index_cast %add3A_93 : i32 to index
    %get3A_95 = tpu.vector_load %arg7[%get3A_94] {strides = array<i32>} : memref<2048xf32, #tpu.memory_space<vmem>>, vector<16xf32>,
    %get3A_96 = vector.shape_cast %get3A_95 : vector<16xf32> to vector<16xf32>
    %add3A_97 = arith.constant 80 : i32
    %add3A_98 = arith.addi %multiple_of3A_66, %add3A_97 : i32
    %get3A_99 = arith.index_cast %add3A_98 : i32 to index
    %get3A_100 = tpu.vector_load %arg7[%get3A_99] {strides = array<i32>} : memref<2048xf32, #tpu.memory_space<vmem>>, vector<16xf32>,
    %get3A_101 = vector.shape_cast %get3A_100 : vector<16xf32> to vector<16xf32>
    %add3A_102 = arith.constant 96 : i32
    %add3A_103 = arith.addi %multiple_of3A_66, %add3A_102 : i32
    %get3A_104 = arith.index_cast %add3A_103 : i32 to index
    %get3A_105 = tpu.vector_load %arg7[%get3A_104] {strides = array<i32>} : memref<2048xf32, #tpu.memory_space<vmem>>, vector<16xf32>,
    %get3A_106 = vector.shape_cast %get3A_105 : vector<16xf32> to vector<16xf32>
    %add3A_107 = arith.constant 112 : i32
    %add3A_108 = arith.addi %multiple_of3A_66, %add3A_107 : i32
    %get3A_109 = arith.index_cast %add3A_108 : i32 to index
    %get3A_110 = tpu.vector_load %arg7[%get3A_109] {strides = array<i32>} : memref<2048xf32, #tpu.memory_space<vmem>>, vector<16xf32>,
    %get3A_111 = vector.shape_cast %get3A_110 : vector<16xf32> to vector<16xf32>
    %add3A_112 = arith.constant 128 : i32
    %add3A_113 = arith.addi %multiple_of3A_66, %add3A_112 : i32
    %get3A_114 = arith.index_cast %add3A_113 : i32 to index
    %get3A_115 = tpu.vector_load %arg7[%get3A_114] {strides = array<i32>} : memref<2048xf32, #tpu.memory_space<vmem>>, vector<16xf32>,
    %get3A_116 = vector.shape_cast %get3A_115 : vector<16xf32> to vector<16xf32>
    %add3A_117 = arith.constant 144 : i32
    %add3A_118 = arith.addi %multiple_of3A_66, %add3A_117 : i32
    %get3A_119 = arith.index_cast %add3A_118 : i32 to index
    %get3A_120 = tpu.vector_load %arg7[%get3A_119] {strides = array<i32>} : memref<2048xf32, #tpu.memory_space<vmem>>, vector<16xf32>,
    %get3A_121 = vector.shape_cast %get3A_120 : vector<16xf32> to vector<16xf32>
    %add3A_122 = arith.constant 160 : i32
    %add3A_123 = arith.addi %multiple_of3A_66, %add3A_122 : i32
    %get3A_124 = arith.index_cast %add3A_123 : i32 to index
    %get3A_125 = tpu.vector_load %arg7[%get3A_124] {strides = array<i32>} : memref<2048xf32, #tpu.memory_space<vmem>>, vector<16xf32>,
    %get3A_126 = vector.shape_cast %get3A_125 : vector<16xf32> to vector<16xf32>
    %add3A_127 = arith.constant 176 : i32
    %add3A_128 = arith.addi %multiple_of3A_66, %add3A_127 : i32
    %get3A_129 = arith.index_cast %add3A_128 : i32 to index
    %get3A_130 = tpu.vector_load %arg7[%get3A_129] {strides = array<i32>} : memref<2048xf32, #tpu.memory_space<vmem>>, vector<16xf32>,
    %get3A_131 = vector.shape_cast %get3A_130 : vector<16xf32> to vector<16xf32>
    %add3A_132 = arith.constant 192 : i32
    %add3A_133 = arith.addi %multiple_of3A_66, %add3A_132 : i32
    %get3A_134 = arith.index_cast %add3A_133 : i32 to index
    %get3A_135 = tpu.vector_load %arg7[%get3A_134] {strides = array<i32>} : memref<2048xf32, #tpu.memory_space<vmem>>, vector<16xf32>,
    %get3A_136 = vector.shape_cast %get3A_135 : vector<16xf32> to vector<16xf32>
    %add3A_137 = arith.constant 208 : i32
    %add3A_138 = arith.addi %multiple_of3A_66, %add3A_137 : i32
    %get3A_139 = arith.index_cast %add3A_138 : i32 to index
    %get3A_140 = tpu.vector_load %arg7[%get3A_139] {strides = array<i32>} : memref<2048xf32, #tpu.memory_space<vmem>>, vector<16xf32>,
    %get3A_141 = vector.shape_cast %get3A_140 : vector<16xf32> to vector<16xf32>
    %add3A_142 = arith.constant 224 : i32
    %add3A_143 = arith.addi %multiple_of3A_66, %add3A_142 : i32
    %get3A_144 = arith.index_cast %add3A_143 : i32 to index
    %get3A_145 = tpu.vector_load %arg7[%get3A_144] {strides = array<i32>} : memref<2048xf32, #tpu.memory_space<vmem>>, vector<16xf32>,
    %get3A_146 = vector.shape_cast %get3A_145 : vector<16xf32> to vector<16xf32>
    %add3A_147 = arith.constant 240 : i32
    %add3A_148 = arith.addi %multiple_of3A_66, %add3A_147 : i32
    %get3A_149 = arith.index_cast %add3A_148 : i32 to index
    %get3A_150 = tpu.vector_load %arg7[%get3A_149] {strides = array<i32>} : memref<2048xf32, #tpu.memory_space<vmem>>, vector<16xf32>,
    %get3A_151 = vector.shape_cast %get3A_150 : vector<16xf32> to vector<16xf32>
    %parallel_loop3A = arith.constant 0 : i32
    %parallel_loop3A_152 = arith.constant 32 : i32
    %parallel_loop3A_153 = arith.constant 1 : i32
    scf.for %parallel_loop3A_460 = %parallel_loop3A to %parallel_loop3A_152 step %parallel_loop3A_153  : i32 {
      %parallel_loop3A_461 = arith.index_cast %parallel_loop3A_460 : i32 to index
      %parallel_loop3A_462 = arith.constant 0 : index
      %parallel_loop3A_463 = tpu.vector_load %arg8[%parallel_loop3A_461, %parallel_loop3A_462] {strides = array<i32>} : memref<32x512xf32, #tpu.memory_space<vmem>>, vector<1x16xf32>,
      %parallel_loop3A_464 = vector.shape_cast %parallel_loop3A_463 : vector<1x16xf32> to vector<16xf32>
      %parallel_loop3A_465 = vector.shape_cast %get3A_76 : vector<16xf32> to vector<1x16xf32>
      tpu.vector_store %arg8[%parallel_loop3A_461, %parallel_loop3A_462], %parallel_loop3A_465 {add = true, strides = array<i32>} : memref<32x512xf32, #tpu.memory_space<vmem>>, vector<1x16xf32>,
      %parallel_loop3A_466 = arith.index_cast %parallel_loop3A_460 : i32 to index
      %parallel_loop3A_467 = arith.constant 16 : index
      %parallel_loop3A_468 = tpu.vector_load %arg8[%parallel_loop3A_466, %parallel_loop3A_467] {strides = array<i32>} : memref<32x512xf32, #tpu.memory_space<vmem>>, vector<1x16xf32>,
      %parallel_loop3A_469 = vector.shape_cast %parallel_loop3A_468 : vector<1x16xf32> to vector<16xf32>
      %parallel_loop3A_470 = vector.shape_cast %get3A_81 : vector<16xf32> to vector<1x16xf32>
      tpu.vector_store %arg8[%parallel_loop3A_466, %parallel_loop3A_467], %parallel_loop3A_470 {add = true, strides = array<i32>} : memref<32x512xf32, #tpu.memory_space<vmem>>, vector<1x16xf32>,
      %parallel_loop3A_471 = arith.index_cast %parallel_loop3A_460 : i32 to index
      %parallel_loop3A_472 = arith.constant 32 : index
      %parallel_loop3A_473 = tpu.vector_load %arg8[%parallel_loop3A_471, %parallel_loop3A_472] {strides = array<i32>} : memref<32x512xf32, #tpu.memory_space<vmem>>, vector<1x16xf32>,
      %parallel_loop3A_474 = vector.shape_cast %parallel_loop3A_473 : vector<1x16xf32> to vector<16xf32>
      %parallel_loop3A_475 = vector.shape_cast %get3A_86 : vector<16xf32> to vector<1x16xf32>
      tpu.vector_store %arg8[%parallel_loop3A_471, %parallel_loop3A_472], %parallel_loop3A_475 {add = true, strides = array<i32>} : memref<32x512xf32, #tpu.memory_space<vmem>>, vector<1x16xf32>,
      %parallel_loop3A_476 = arith.index_cast %parallel_loop3A_460 : i32 to index
      %parallel_loop3A_477 = arith.constant 48 : index
      %parallel_loop3A_478 = tpu.vector_load %arg8[%parallel_loop3A_476, %parallel_loop3A_477] {strides = array<i32>} : memref<32x512xf32, #tpu.memory_space<vmem>>, vector<1x16xf32>,
      %parallel_loop3A_479 = vector.shape_cast %parallel_loop3A_478 : vector<1x16xf32> to vector<16xf32>
      %parallel_loop3A_480 = vector.shape_cast %get3A_91 : vector<16xf32> to vector<1x16xf32>
      tpu.vector_store %arg8[%parallel_loop3A_476, %parallel_loop3A_477], %parallel_loop3A_480 {add = true, strides = array<i32>} : memref<32x512xf32, #tpu.memory_space<vmem>>, vector<1x16xf32>,
      %parallel_loop3A_481 = arith.index_cast %parallel_loop3A_460 : i32 to index
      %parallel_loop3A_482 = arith.constant 64 : index
      %parallel_loop3A_483 = tpu.vector_load %arg8[%parallel_loop3A_481, %parallel_loop3A_482] {strides = array<i32>} : memref<32x512xf32, #tpu.memory_space<vmem>>, vector<1x16xf32>,
      %parallel_loop3A_484 = vector.shape_cast %parallel_loop3A_483 : vector<1x16xf32> to vector<16xf32>
      %parallel_loop3A_485 = vector.shape_cast %get3A_96 : vector<16xf32> to vector<1x16xf32>
      tpu.vector_store %arg8[%parallel_loop3A_481, %parallel_loop3A_482], %parallel_loop3A_485 {add = true, strides = array<i32>} : memref<32x512xf32, #tpu.memory_space<vmem>>, vector<1x16xf32>,
      %parallel_loop3A_486 = arith.index_cast %parallel_loop3A_460 : i32 to index
      %parallel_loop3A_487 = arith.constant 80 : index
      %parallel_loop3A_488 = tpu.vector_load %arg8[%parallel_loop3A_486, %parallel_loop3A_487] {strides = array<i32>} : memref<32x512xf32, #tpu.memory_space<vmem>>, vector<1x16xf32>,
      %parallel_loop3A_489 = vector.shape_cast %parallel_loop3A_488 : vector<1x16xf32> to vector<16xf32>
      %parallel_loop3A_490 = vector.shape_cast %get3A_101 : vector<16xf32> to vector<1x16xf32>
      tpu.vector_store %arg8[%parallel_loop3A_486, %parallel_loop3A_487], %parallel_loop3A_490 {add = true, strides = array<i32>} : memref<32x512xf32, #tpu.memory_space<vmem>>, vector<1x16xf32>,
      %parallel_loop3A_491 = arith.index_cast %parallel_loop3A_460 : i32 to index
      %parallel_loop3A_492 = arith.constant 96 : index
      %parallel_loop3A_493 = tpu.vector_load %arg8[%parallel_loop3A_491, %parallel_loop3A_492] {strides = array<i32>} : memref<32x512xf32, #tpu.memory_space<vmem>>, vector<1x16xf32>,
      %parallel_loop3A_494 = vector.shape_cast %parallel_loop3A_493 : vector<1x16xf32> to vector<16xf32>
      %parallel_loop3A_495 = vector.shape_cast %get3A_106 : vector<16xf32> to vector<1x16xf32>
      tpu.vector_store %arg8[%parallel_loop3A_491, %parallel_loop3A_492], %parallel_loop3A_495 {add = true, strides = array<i32>} : memref<32x512xf32, #tpu.memory_space<vmem>>, vector<1x16xf32>,
      %parallel_loop3A_496 = arith.index_cast %parallel_loop3A_460 : i32 to index
      %parallel_loop3A_497 = arith.constant 112 : index
      %parallel_loop3A_498 = tpu.vector_load %arg8[%parallel_loop3A_496, %parallel_loop3A_497] {strides = array<i32>} : memref<32x512xf32, #tpu.memory_space<vmem>>, vector<1x16xf32>,
      %parallel_loop3A_499 = vector.shape_cast %parallel_loop3A_498 : vector<1x16xf32> to vector<16xf32>
      %parallel_loop3A_500 = vector.shape_cast %get3A_111 : vector<16xf32> to vector<1x16xf32>
      tpu.vector_store %arg8[%parallel_loop3A_496, %parallel_loop3A_497], %parallel_loop3A_500 {add = true, strides = array<i32>} : memref<32x512xf32, #tpu.memory_space<vmem>>, vector<1x16xf32>,
      %parallel_loop3A_501 = arith.index_cast %parallel_loop3A_460 : i32 to index
      %parallel_loop3A_502 = arith.constant 128 : index
      %parallel_loop3A_503 = tpu.vector_load %arg8[%parallel_loop3A_501, %parallel_loop3A_502] {strides = array<i32>} : memref<32x512xf32, #tpu.memory_space<vmem>>, vector<1x16xf32>,
      %parallel_loop3A_504 = vector.shape_cast %parallel_loop3A_503 : vector<1x16xf32> to vector<16xf32>
      %parallel_loop3A_505 = vector.shape_cast %get3A_116 : vector<16xf32> to vector<1x16xf32>
      tpu.vector_store %arg8[%parallel_loop3A_501, %parallel_loop3A_502], %parallel_loop3A_505 {add = true, strides = array<i32>} : memref<32x512xf32, #tpu.memory_space<vmem>>, vector<1x16xf32>,
      %parallel_loop3A_506 = arith.index_cast %parallel_loop3A_460 : i32 to index
      %parallel_loop3A_507 = arith.constant 144 : index
      %parallel_loop3A_508 = tpu.vector_load %arg8[%parallel_loop3A_506, %parallel_loop3A_507] {strides = array<i32>} : memref<32x512xf32, #tpu.memory_space<vmem>>, vector<1x16xf32>,
      %parallel_loop3A_509 = vector.shape_cast %parallel_loop3A_508 : vector<1x16xf32> to vector<16xf32>
      %parallel_loop3A_510 = vector.shape_cast %get3A_121 : vector<16xf32> to vector<1x16xf32>
      tpu.vector_store %arg8[%parallel_loop3A_506, %parallel_loop3A_507], %parallel_loop3A_510 {add = true, strides = array<i32>} : memref<32x512xf32, #tpu.memory_space<vmem>>, vector<1x16xf32>,
      %parallel_loop3A_511 = arith.index_cast %parallel_loop3A_460 : i32 to index
      %parallel_loop3A_512 = arith.constant 160 : index
      %parallel_loop3A_513 = tpu.vector_load %arg8[%parallel_loop3A_511, %parallel_loop3A_512] {strides = array<i32>} : memref<32x512xf32, #tpu.memory_space<vmem>>, vector<1x16xf32>,
      %parallel_loop3A_514 = vector.shape_cast %parallel_loop3A_513 : vector<1x16xf32> to vector<16xf32>
      %parallel_loop3A_515 = vector.shape_cast %get3A_126 : vector<16xf32> to vector<1x16xf32>
      tpu.vector_store %arg8[%parallel_loop3A_511, %parallel_loop3A_512], %parallel_loop3A_515 {add = true, strides = array<i32>} : memref<32x512xf32, #tpu.memory_space<vmem>>, vector<1x16xf32>,
      %parallel_loop3A_516 = arith.index_cast %parallel_loop3A_460 : i32 to index
      %parallel_loop3A_517 = arith.constant 176 : index
      %parallel_loop3A_518 = tpu.vector_load %arg8[%parallel_loop3A_516, %parallel_loop3A_517] {strides = array<i32>} : memref<32x512xf32, #tpu.memory_space<vmem>>, vector<1x16xf32>,
      %parallel_loop3A_519 = vector.shape_cast %parallel_loop3A_518 : vector<1x16xf32> to vector<16xf32>
      %parallel_loop3A_520 = vector.shape_cast %get3A_131 : vector<16xf32> to vector<1x16xf32>
      tpu.vector_store %arg8[%parallel_loop3A_516, %parallel_loop3A_517], %parallel_loop3A_520 {add = true, strides = array<i32>} : memref<32x512xf32, #tpu.memory_space<vmem>>, vector<1x16xf32>,
      %parallel_loop3A_521 = arith.index_cast %parallel_loop3A_460 : i32 to index
      %parallel_loop3A_522 = arith.constant 192 : index
      %parallel_loop3A_523 = tpu.vector_load %arg8[%parallel_loop3A_521, %parallel_loop3A_522] {strides = array<i32>} : memref<32x512xf32, #tpu.memory_space<vmem>>, vector<1x16xf32>,
      %parallel_loop3A_524 = vector.shape_cast %parallel_loop3A_523 : vector<1x16xf32> to vector<16xf32>
      %parallel_loop3A_525 = vector.shape_cast %get3A_136 : vector<16xf32> to vector<1x16xf32>
      tpu.vector_store %arg8[%parallel_loop3A_521, %parallel_loop3A_522], %parallel_loop3A_525 {add = true, strides = array<i32>} : memref<32x512xf32, #tpu.memory_space<vmem>>, vector<1x16xf32>,
      %parallel_loop3A_526 = arith.index_cast %parallel_loop3A_460 : i32 to index
      %parallel_loop3A_527 = arith.constant 208 : index
      %parallel_loop3A_528 = tpu.vector_load %arg8[%parallel_loop3A_526, %parallel_loop3A_527] {strides = array<i32>} : memref<32x512xf32, #tpu.memory_space<vmem>>, vector<1x16xf32>,
      %parallel_loop3A_529 = vector.shape_cast %parallel_loop3A_528 : vector<1x16xf32> to vector<16xf32>
      %parallel_loop3A_530 = vector.shape_cast %get3A_141 : vector<16xf32> to vector<1x16xf32>
      tpu.vector_store %arg8[%parallel_loop3A_526, %parallel_loop3A_527], %parallel_loop3A_530 {add = true, strides = array<i32>} : memref<32x512xf32, #tpu.memory_space<vmem>>, vector<1x16xf32>,
      %parallel_loop3A_531 = arith.index_cast %parallel_loop3A_460 : i32 to index
      %parallel_loop3A_532 = arith.constant 224 : index
      %parallel_loop3A_533 = tpu.vector_load %arg8[%parallel_loop3A_531, %parallel_loop3A_532] {strides = array<i32>} : memref<32x512xf32, #tpu.memory_space<vmem>>, vector<1x16xf32>,
      %parallel_loop3A_534 = vector.shape_cast %parallel_loop3A_533 : vector<1x16xf32> to vector<16xf32>
      %parallel_loop3A_535 = vector.shape_cast %get3A_146 : vector<16xf32> to vector<1x16xf32>
      tpu.vector_store %arg8[%parallel_loop3A_531, %parallel_loop3A_532], %parallel_loop3A_535 {add = true, strides = array<i32>} : memref<32x512xf32, #tpu.memory_space<vmem>>, vector<1x16xf32>,
      %parallel_loop3A_536 = arith.index_cast %parallel_loop3A_460 : i32 to index
      %parallel_loop3A_537 = arith.constant 240 : index
      %parallel_loop3A_538 = tpu.vector_load %arg8[%parallel_loop3A_536, %parallel_loop3A_537] {strides = array<i32>} : memref<32x512xf32, #tpu.memory_space<vmem>>, vector<1x16xf32>,
      %parallel_loop3A_539 = vector.shape_cast %parallel_loop3A_538 : vector<1x16xf32> to vector<16xf32>
      %parallel_loop3A_540 = vector.shape_cast %get3A_151 : vector<16xf32> to vector<1x16xf32>
      tpu.vector_store %arg8[%parallel_loop3A_536, %parallel_loop3A_537], %parallel_loop3A_540 {add = true, strides = array<i32>} : memref<32x512xf32, #tpu.memory_space<vmem>>, vector<1x16xf32>,
    } {sc.loop_unroll_factor = 1 : i64, sc.parallel_access}
    %add3A_154 = arith.constant 256 : i32
    %add3A_155 = arith.addi %multiple_of3A_66, %add3A_154 : i32
    %get3A_156 = arith.index_cast %add3A_155 : i32 to index
    %get3A_157 = tpu.vector_load %arg7[%get3A_156] {strides = array<i32>} : memref<2048xf32, #tpu.memory_space<vmem>>, vector<16xf32>,
    %get3A_158 = vector.shape_cast %get3A_157 : vector<16xf32> to vector<16xf32>
    %add3A_159 = arith.constant 272 : i32
    %add3A_160 = arith.addi %multiple_of3A_66, %add3A_159 : i32
    %get3A_161 = arith.index_cast %add3A_160 : i32 to index
    %get3A_162 = tpu.vector_load %arg7[%get3A_161] {strides = array<i32>} : memref<2048xf32, #tpu.memory_space<vmem>>, vector<16xf32>,
    %get3A_163 = vector.shape_cast %get3A_162 : vector<16xf32> to vector<16xf32>
    %add3A_164 = arith.constant 288 : i32
    %add3A_165 = arith.addi %multiple_of3A_66, %add3A_164 : i32
    %get3A_166 = arith.index_cast %add3A_165 : i32 to index
    %get3A_167 = tpu.vector_load %arg7[%get3A_166] {strides = array<i32>} : memref<2048xf32, #tpu.memory_space<vmem>>, vector<16xf32>,
    %get3A_168 = vector.shape_cast %get3A_167 : vector<16xf32> to vector<16xf32>
    %add3A_169 = arith.constant 304 : i32
    %add3A_170 = arith.addi %multiple_of3A_66, %add3A_169 : i32
    %get3A_171 = arith.index_cast %add3A_170 : i32 to index
    %get3A_172 = tpu.vector_load %arg7[%get3A_171] {strides = array<i32>} : memref<2048xf32, #tpu.memory_space<vmem>>, vector<16xf32>,
    %get3A_173 = vector.shape_cast %get3A_172 : vector<16xf32> to vector<16xf32>
    %add3A_174 = arith.constant 320 : i32
    %add3A_175 = arith.addi %multiple_of3A_66, %add3A_174 : i32
    %get3A_176 = arith.index_cast %add3A_175 : i32 to index
    %get3A_177 = tpu.vector_load %arg7[%get3A_176] {strides = array<i32>} : memref<2048xf32, #tpu.memory_space<vmem>>, vector<16xf32>,
    %get3A_178 = vector.shape_cast %get3A_177 : vector<16xf32> to vector<16xf32>
    %add3A_179 = arith.constant 336 : i32
    %add3A_180 = arith.addi %multiple_of3A_66, %add3A_179 : i32
    %get3A_181 = arith.index_cast %add3A_180 : i32 to index
    %get3A_182 = tpu.vector_load %arg7[%get3A_181] {strides = array<i32>} : memref<2048xf32, #tpu.memory_space<vmem>>, vector<16xf32>,
    %get3A_183 = vector.shape_cast %get3A_182 : vector<16xf32> to vector<16xf32>
    %add3A_184 = arith.constant 352 : i32
    %add3A_185 = arith.addi %multiple_of3A_66, %add3A_184 : i32
    %get3A_186 = arith.index_cast %add3A_185 : i32 to index
    %get3A_187 = tpu.vector_load %arg7[%get3A_186] {strides = array<i32>} : memref<2048xf32, #tpu.memory_space<vmem>>, vector<16xf32>,
    %get3A_188 = vector.shape_cast %get3A_187 : vector<16xf32> to vector<16xf32>
    %add3A_189 = arith.constant 368 : i32
    %add3A_190 = arith.addi %multiple_of3A_66, %add3A_189 : i32
    %get3A_191 = arith.index_cast %add3A_190 : i32 to index
    %get3A_192 = tpu.vector_load %arg7[%get3A_191] {strides = array<i32>} : memref<2048xf32, #tpu.memory_space<vmem>>, vector<16xf32>,
    %get3A_193 = vector.shape_cast %get3A_192 : vector<16xf32> to vector<16xf32>
    %add3A_194 = arith.constant 384 : i32
    %add3A_195 = arith.addi %multiple_of3A_66, %add3A_194 : i32
    %get3A_196 = arith.index_cast %add3A_195 : i32 to index
    %get3A_197 = tpu.vector_load %arg7[%get3A_196] {strides = array<i32>} : memref<2048xf32, #tpu.memory_space<vmem>>, vector<16xf32>,
    %get3A_198 = vector.shape_cast %get3A_197 : vector<16xf32> to vector<16xf32>
    %add3A_199 = arith.constant 400 : i32
    %add3A_200 = arith.addi %multiple_of3A_66, %add3A_199 : i32
    %get3A_201 = arith.index_cast %add3A_200 : i32 to index
    %get3A_202 = tpu.vector_load %arg7[%get3A_201] {strides = array<i32>} : memref<2048xf32, #tpu.memory_space<vmem>>, vector<16xf32>,
    %get3A_203 = vector.shape_cast %get3A_202 : vector<16xf32> to vector<16xf32>
    %add3A_204 = arith.constant 416 : i32
    %add3A_205 = arith.addi %multiple_of3A_66, %add3A_204 : i32
    %get3A_206 = arith.index_cast %add3A_205 : i32 to index
    %get3A_207 = tpu.vector_load %arg7[%get3A_206] {strides = array<i32>} : memref<2048xf32, #tpu.memory_space<vmem>>, vector<16xf32>,
    %get3A_208 = vector.shape_cast %get3A_207 : vector<16xf32> to vector<16xf32>
    %add3A_209 = arith.constant 432 : i32
    %add3A_210 = arith.addi %multiple_of3A_66, %add3A_209 : i32
    %get3A_211 = arith.index_cast %add3A_210 : i32 to index
    %get3A_212 = tpu.vector_load %arg7[%get3A_211] {strides = array<i32>} : memref<2048xf32, #tpu.memory_space<vmem>>, vector<16xf32>,
    %get3A_213 = vector.shape_cast %get3A_212 : vector<16xf32> to vector<16xf32>
    %add3A_214 = arith.constant 448 : i32
    %add3A_215 = arith.addi %multiple_of3A_66, %add3A_214 : i32
    %get3A_216 = arith.index_cast %add3A_215 : i32 to index
    %get3A_217 = tpu.vector_load %arg7[%get3A_216] {strides = array<i32>} : memref<2048xf32, #tpu.memory_space<vmem>>, vector<16xf32>,
    %get3A_218 = vector.shape_cast %get3A_217 : vector<16xf32> to vector<16xf32>
    %add3A_219 = arith.constant 464 : i32
    %add3A_220 = arith.addi %multiple_of3A_66, %add3A_219 : i32
    %get3A_221 = arith.index_cast %add3A_220 : i32 to index
    %get3A_222 = tpu.vector_load %arg7[%get3A_221] {strides = array<i32>} : memref<2048xf32, #tpu.memory_space<vmem>>, vector<16xf32>,
    %get3A_223 = vector.shape_cast %get3A_222 : vector<16xf32> to vector<16xf32>
    %add3A_224 = arith.constant 480 : i32
    %add3A_225 = arith.addi %multiple_of3A_66, %add3A_224 : i32
    %get3A_226 = arith.index_cast %add3A_225 : i32 to index
    %get3A_227 = tpu.vector_load %arg7[%get3A_226] {strides = array<i32>} : memref<2048xf32, #tpu.memory_space<vmem>>, vector<16xf32>,
    %get3A_228 = vector.shape_cast %get3A_227 : vector<16xf32> to vector<16xf32>
    %add3A_229 = arith.constant 496 : i32
    %add3A_230 = arith.addi %multiple_of3A_66, %add3A_229 : i32
    %get3A_231 = arith.index_cast %add3A_230 : i32 to index
    %get3A_232 = tpu.vector_load %arg7[%get3A_231] {strides = array<i32>} : memref<2048xf32, #tpu.memory_space<vmem>>, vector<16xf32>,
    %get3A_233 = vector.shape_cast %get3A_232 : vector<16xf32> to vector<16xf32>
    %parallel_loop3A_234 = arith.constant 0 : i32
    %parallel_loop3A_235 = arith.constant 32 : i32
    %parallel_loop3A_236 = arith.constant 1 : i32
    scf.for %parallel_loop3A_460 = %parallel_loop3A_234 to %parallel_loop3A_235 step %parallel_loop3A_236  : i32 {
      %parallel_loop3A_461 = arith.index_cast %parallel_loop3A_460 : i32 to index
      %parallel_loop3A_462 = arith.constant 256 : index
      %parallel_loop3A_463 = tpu.vector_load %arg8[%parallel_loop3A_461, %parallel_loop3A_462] {strides = array<i32>} : memref<32x512xf32, #tpu.memory_space<vmem>>, vector<1x16xf32>,
      %parallel_loop3A_464 = vector.shape_cast %parallel_loop3A_463 : vector<1x16xf32> to vector<16xf32>
      %parallel_loop3A_465 = vector.shape_cast %get3A_158 : vector<16xf32> to vector<1x16xf32>
      tpu.vector_store %arg8[%parallel_loop3A_461, %parallel_loop3A_462], %parallel_loop3A_465 {add = true, strides = array<i32>} : memref<32x512xf32, #tpu.memory_space<vmem>>, vector<1x16xf32>,
      %parallel_loop3A_466 = arith.index_cast %parallel_loop3A_460 : i32 to index
      %parallel_loop3A_467 = arith.constant 272 : index
      %parallel_loop3A_468 = tpu.vector_load %arg8[%parallel_loop3A_466, %parallel_loop3A_467] {strides = array<i32>} : memref<32x512xf32, #tpu.memory_space<vmem>>, vector<1x16xf32>,
      %parallel_loop3A_469 = vector.shape_cast %parallel_loop3A_468 : vector<1x16xf32> to vector<16xf32>
      %parallel_loop3A_470 = vector.shape_cast %get3A_163 : vector<16xf32> to vector<1x16xf32>
      tpu.vector_store %arg8[%parallel_loop3A_466, %parallel_loop3A_467], %parallel_loop3A_470 {add = true, strides = array<i32>} : memref<32x512xf32, #tpu.memory_space<vmem>>, vector<1x16xf32>,
      %parallel_loop3A_471 = arith.index_cast %parallel_loop3A_460 : i32 to index
      %parallel_loop3A_472 = arith.constant 288 : index
      %parallel_loop3A_473 = tpu.vector_load %arg8[%parallel_loop3A_471, %parallel_loop3A_472] {strides = array<i32>} : memref<32x512xf32, #tpu.memory_space<vmem>>, vector<1x16xf32>,
      %parallel_loop3A_474 = vector.shape_cast %parallel_loop3A_473 : vector<1x16xf32> to vector<16xf32>
      %parallel_loop3A_475 = vector.shape_cast %get3A_168 : vector<16xf32> to vector<1x16xf32>
      tpu.vector_store %arg8[%parallel_loop3A_471, %parallel_loop3A_472], %parallel_loop3A_475 {add = true, strides = array<i32>} : memref<32x512xf32, #tpu.memory_space<vmem>>, vector<1x16xf32>,
      %parallel_loop3A_476 = arith.index_cast %parallel_loop3A_460 : i32 to index
      %parallel_loop3A_477 = arith.constant 304 : index
      %parallel_loop3A_478 = tpu.vector_load %arg8[%parallel_loop3A_476, %parallel_loop3A_477] {strides = array<i32>} : memref<32x512xf32, #tpu.memory_space<vmem>>, vector<1x16xf32>,
      %parallel_loop3A_479 = vector.shape_cast %parallel_loop3A_478 : vector<1x16xf32> to vector<16xf32>
      %parallel_loop3A_480 = vector.shape_cast %get3A_173 : vector<16xf32> to vector<1x16xf32>
      tpu.vector_store %arg8[%parallel_loop3A_476, %parallel_loop3A_477], %parallel_loop3A_480 {add = true, strides = array<i32>} : memref<32x512xf32, #tpu.memory_space<vmem>>, vector<1x16xf32>,
      %parallel_loop3A_481 = arith.index_cast %parallel_loop3A_460 : i32 to index
      %parallel_loop3A_482 = arith.constant 320 : index
      %parallel_loop3A_483 = tpu.vector_load %arg8[%parallel_loop3A_481, %parallel_loop3A_482] {strides = array<i32>} : memref<32x512xf32, #tpu.memory_space<vmem>>, vector<1x16xf32>,
      %parallel_loop3A_484 = vector.shape_cast %parallel_loop3A_483 : vector<1x16xf32> to vector<16xf32>
      %parallel_loop3A_485 = vector.shape_cast %get3A_178 : vector<16xf32> to vector<1x16xf32>
      tpu.vector_store %arg8[%parallel_loop3A_481, %parallel_loop3A_482], %parallel_loop3A_485 {add = true, strides = array<i32>} : memref<32x512xf32, #tpu.memory_space<vmem>>, vector<1x16xf32>,
      %parallel_loop3A_486 = arith.index_cast %parallel_loop3A_460 : i32 to index
      %parallel_loop3A_487 = arith.constant 336 : index
      %parallel_loop3A_488 = tpu.vector_load %arg8[%parallel_loop3A_486, %parallel_loop3A_487] {strides = array<i32>} : memref<32x512xf32, #tpu.memory_space<vmem>>, vector<1x16xf32>,
      %parallel_loop3A_489 = vector.shape_cast %parallel_loop3A_488 : vector<1x16xf32> to vector<16xf32>
      %parallel_loop3A_490 = vector.shape_cast %get3A_183 : vector<16xf32> to vector<1x16xf32>
      tpu.vector_store %arg8[%parallel_loop3A_486, %parallel_loop3A_487], %parallel_loop3A_490 {add = true, strides = array<i32>} : memref<32x512xf32, #tpu.memory_space<vmem>>, vector<1x16xf32>,
      %parallel_loop3A_491 = arith.index_cast %parallel_loop3A_460 : i32 to index
      %parallel_loop3A_492 = arith.constant 352 : index
      %parallel_loop3A_493 = tpu.vector_load %arg8[%parallel_loop3A_491, %parallel_loop3A_492] {strides = array<i32>} : memref<32x512xf32, #tpu.memory_space<vmem>>, vector<1x16xf32>,
      %parallel_loop3A_494 = vector.shape_cast %parallel_loop3A_493 : vector<1x16xf32> to vector<16xf32>
      %parallel_loop3A_495 = vector.shape_cast %get3A_188 : vector<16xf32> to vector<1x16xf32>
      tpu.vector_store %arg8[%parallel_loop3A_491, %parallel_loop3A_492], %parallel_loop3A_495 {add = true, strides = array<i32>} : memref<32x512xf32, #tpu.memory_space<vmem>>, vector<1x16xf32>,
      %parallel_loop3A_496 = arith.index_cast %parallel_loop3A_460 : i32 to index
      %parallel_loop3A_497 = arith.constant 368 : index
      %parallel_loop3A_498 = tpu.vector_load %arg8[%parallel_loop3A_496, %parallel_loop3A_497] {strides = array<i32>} : memref<32x512xf32, #tpu.memory_space<vmem>>, vector<1x16xf32>,
      %parallel_loop3A_499 = vector.shape_cast %parallel_loop3A_498 : vector<1x16xf32> to vector<16xf32>
      %parallel_loop3A_500 = vector.shape_cast %get3A_193 : vector<16xf32> to vector<1x16xf32>
      tpu.vector_store %arg8[%parallel_loop3A_496, %parallel_loop3A_497], %parallel_loop3A_500 {add = true, strides = array<i32>} : memref<32x512xf32, #tpu.memory_space<vmem>>, vector<1x16xf32>,
      %parallel_loop3A_501 = arith.index_cast %parallel_loop3A_460 : i32 to index
      %parallel_loop3A_502 = arith.constant 384 : index
      %parallel_loop3A_503 = tpu.vector_load %arg8[%parallel_loop3A_501, %parallel_loop3A_502] {strides = array<i32>} : memref<32x512xf32, #tpu.memory_space<vmem>>, vector<1x16xf32>,
      %parallel_loop3A_504 = vector.shape_cast %parallel_loop3A_503 : vector<1x16xf32> to vector<16xf32>
      %parallel_loop3A_505 = vector.shape_cast %get3A_198 : vector<16xf32> to vector<1x16xf32>
      tpu.vector_store %arg8[%parallel_loop3A_501, %parallel_loop3A_502], %parallel_loop3A_505 {add = true, strides = array<i32>} : memref<32x512xf32, #tpu.memory_space<vmem>>, vector<1x16xf32>,
      %parallel_loop3A_506 = arith.index_cast %parallel_loop3A_460 : i32 to index
      %parallel_loop3A_507 = arith.constant 400 : index
      %parallel_loop3A_508 = tpu.vector_load %arg8[%parallel_loop3A_506, %parallel_loop3A_507] {strides = array<i32>} : memref<32x512xf32, #tpu.memory_space<vmem>>, vector<1x16xf32>,
      %parallel_loop3A_509 = vector.shape_cast %parallel_loop3A_508 : vector<1x16xf32> to vector<16xf32>
      %parallel_loop3A_510 = vector.shape_cast %get3A_203 : vector<16xf32> to vector<1x16xf32>
      tpu.vector_store %arg8[%parallel_loop3A_506, %parallel_loop3A_507], %parallel_loop3A_510 {add = true, strides = array<i32>} : memref<32x512xf32, #tpu.memory_space<vmem>>, vector<1x16xf32>,
      %parallel_loop3A_511 = arith.index_cast %parallel_loop3A_460 : i32 to index
      %parallel_loop3A_512 = arith.constant 416 : index
      %parallel_loop3A_513 = tpu.vector_load %arg8[%parallel_loop3A_511, %parallel_loop3A_512] {strides = array<i32>} : memref<32x512xf32, #tpu.memory_space<vmem>>, vector<1x16xf32>,
      %parallel_loop3A_514 = vector.shape_cast %parallel_loop3A_513 : vector<1x16xf32> to vector<16xf32>
      %parallel_loop3A_515 = vector.shape_cast %get3A_208 : vector<16xf32> to vector<1x16xf32>
      tpu.vector_store %arg8[%parallel_loop3A_511, %parallel_loop3A_512], %parallel_loop3A_515 {add = true, strides = array<i32>} : memref<32x512xf32, #tpu.memory_space<vmem>>, vector<1x16xf32>,
      %parallel_loop3A_516 = arith.index_cast %parallel_loop3A_460 : i32 to index
      %parallel_loop3A_517 = arith.constant 432 : index
      %parallel_loop3A_518 = tpu.vector_load %arg8[%parallel_loop3A_516, %parallel_loop3A_517] {strides = array<i32>} : memref<32x512xf32, #tpu.memory_space<vmem>>, vector<1x16xf32>,
      %parallel_loop3A_519 = vector.shape_cast %parallel_loop3A_518 : vector<1x16xf32> to vector<16xf32>
      %parallel_loop3A_520 = vector.shape_cast %get3A_213 : vector<16xf32> to vector<1x16xf32>
      tpu.vector_store %arg8[%parallel_loop3A_516, %parallel_loop3A_517], %parallel_loop3A_520 {add = true, strides = array<i32>} : memref<32x512xf32, #tpu.memory_space<vmem>>, vector<1x16xf32>,
      %parallel_loop3A_521 = arith.index_cast %parallel_loop3A_460 : i32 to index
      %parallel_loop3A_522 = arith.constant 448 : index
      %parallel_loop3A_523 = tpu.vector_load %arg8[%parallel_loop3A_521, %parallel_loop3A_522] {strides = array<i32>} : memref<32x512xf32, #tpu.memory_space<vmem>>, vector<1x16xf32>,
      %parallel_loop3A_524 = vector.shape_cast %parallel_loop3A_523 : vector<1x16xf32> to vector<16xf32>
      %parallel_loop3A_525 = vector.shape_cast %get3A_218 : vector<16xf32> to vector<1x16xf32>
      tpu.vector_store %arg8[%parallel_loop3A_521, %parallel_loop3A_522], %parallel_loop3A_525 {add = true, strides = array<i32>} : memref<32x512xf32, #tpu.memory_space<vmem>>, vector<1x16xf32>,
      %parallel_loop3A_526 = arith.index_cast %parallel_loop3A_460 : i32 to index
      %parallel_loop3A_527 = arith.constant 464 : index
      %parallel_loop3A_528 = tpu.vector_load %arg8[%parallel_loop3A_526, %parallel_loop3A_527] {strides = array<i32>} : memref<32x512xf32, #tpu.memory_space<vmem>>, vector<1x16xf32>,
      %parallel_loop3A_529 = vector.shape_cast %parallel_loop3A_528 : vector<1x16xf32> to vector<16xf32>
      %parallel_loop3A_530 = vector.shape_cast %get3A_223 : vector<16xf32> to vector<1x16xf32>
      tpu.vector_store %arg8[%parallel_loop3A_526, %parallel_loop3A_527], %parallel_loop3A_530 {add = true, strides = array<i32>} : memref<32x512xf32, #tpu.memory_space<vmem>>, vector<1x16xf32>,
      %parallel_loop3A_531 = arith.index_cast %parallel_loop3A_460 : i32 to index
      %parallel_loop3A_532 = arith.constant 480 : index
      %parallel_loop3A_533 = tpu.vector_load %arg8[%parallel_loop3A_531, %parallel_loop3A_532] {strides = array<i32>} : memref<32x512xf32, #tpu.memory_space<vmem>>, vector<1x16xf32>,
      %parallel_loop3A_534 = vector.shape_cast %parallel_loop3A_533 : vector<1x16xf32> to vector<16xf32>
      %parallel_loop3A_535 = vector.shape_cast %get3A_228 : vector<16xf32> to vector<1x16xf32>
      tpu.vector_store %arg8[%parallel_loop3A_531, %parallel_loop3A_532], %parallel_loop3A_535 {add = true, strides = array<i32>} : memref<32x512xf32, #tpu.memory_space<vmem>>, vector<1x16xf32>,
      %parallel_loop3A_536 = arith.index_cast %parallel_loop3A_460 : i32 to index
      %parallel_loop3A_537 = arith.constant 496 : index
      %parallel_loop3A_538 = tpu.vector_load %arg8[%parallel_loop3A_536, %parallel_loop3A_537] {strides = array<i32>} : memref<32x512xf32, #tpu.memory_space<vmem>>, vector<1x16xf32>,
      %parallel_loop3A_539 = vector.shape_cast %parallel_loop3A_538 : vector<1x16xf32> to vector<16xf32>
      %parallel_loop3A_540 = vector.shape_cast %get3A_233 : vector<16xf32> to vector<1x16xf32>
      tpu.vector_store %arg8[%parallel_loop3A_536, %parallel_loop3A_537], %parallel_loop3A_540 {add = true, strides = array<i32>} : memref<32x512xf32, #tpu.memory_space<vmem>>, vector<1x16xf32>,
    } {sc.loop_unroll_factor = 1 : i64, sc.parallel_access}
    %dma_start3A_237 = arith.constant 0 : i32
    %dma_start3A_238 = arith.constant 0 : i32
    %dma_start3A_239 = tpu.memref_slice %arg5[%dma_start3A_237, %dma_start3A_238] : memref<131072x512xf32, #tpu.memory_space<hbm>> -> memref<131072x512xf32, #tpu.memory_space<hbm>>
    tpu.enqueue_indirect_dma source(%arg8 : memref<32x512xf32, #tpu.memory_space<vmem>>) target(%dma_start3A_239 : memref<131072x512xf32, #tpu.memory_space<hbm>>) offsets(%arg14 : memref<32xi32, #tpu.memory_space<vmem>>) semaphore(%arg26 : memref<!tpu.dma_semaphore, #tpu.memory_space<semaphore_mem>>)
    %dma_wait3A_240 = arith.constant 0 : i32
    %dma_wait3A_241 = arith.constant 0 : i32
    %dma_wait3A_242 = tpu.memref_slice %arg5[%dma_wait3A_240, %dma_wait3A_241] : memref<131072x512xf32, #tpu.memory_space<hbm>> -> memref<131072x512xf32, #tpu.memory_space<hbm>>
    tpu.wait_indirect_dma semaphore(%arg30 : memref<!tpu.dma_semaphore, #tpu.memory_space<semaphore_mem>>) src(%arg12 : memref<32x512xf32, #tpu.memory_space<vmem>>) dst(%dma_wait3A_242 : memref<131072x512xf32, #tpu.memory_space<hbm>>)
    %mul3A_243 = arith.constant 4 : i32
    %mul3A_244 = arith.muli %add3A, %mul3A_243 : i32
    %add3A_245 = arith.constant 126976 : i32
    %add3A_246 = arith.addi %add3A_245, %mul3A_244 : i32
    %add3A_247 = arith.constant 3 : i32
    %add3A_248 = arith.addi %add3A_246, %add3A_247 : i32
    %add3A_249 = arith.constant 0 : i32
    %add3A_250 = vector.broadcast %add3A_249 : i32 to vector<16xi32>
    %add3A_251 = arith.addi %iota3A, %add3A_250 : vector<16xi32>
    %mul3A_252 = arith.constant 128 : i32
    %mul3A_253 = vector.broadcast %mul3A_252 : i32 to vector<16xi32>
    %mul3A_254 = arith.muli %add3A_251, %mul3A_253 : vector<16xi32>
    %add3A_255 = vector.broadcast %add3A_248 : i32 to vector<16xi32>
    %add3A_256 = arith.addi %add3A_255, %mul3A_254 : vector<16xi32>
    %swap3A_257 = arith.constant 0 : index
    %swap3A_258 = tpu.vector_load %arg15[%swap3A_257] {strides = array<i32>} : memref<32xi32, #tpu.memory_space<vmem>>, vector<16xi32>,
    %swap3A_259 = vector.shape_cast %swap3A_258 : vector<16xi32> to vector<16xi32>
    %swap3A_260 = vector.shape_cast %add3A_256 : vector<16xi32> to vector<16xi32>
    tpu.vector_store %arg15[%swap3A_257], %swap3A_260 {strides = array<i32>} : memref<32xi32, #tpu.memory_space<vmem>>, vector<16xi32>,
    %add3A_261 = arith.constant 16 : i32
    %add3A_262 = vector.broadcast %add3A_261 : i32 to vector<16xi32>
    %add3A_263 = arith.addi %iota3A, %add3A_262 : vector<16xi32>
    %mul3A_264 = arith.constant 128 : i32
    %mul3A_265 = vector.broadcast %mul3A_264 : i32 to vector<16xi32>
    %mul3A_266 = arith.muli %add3A_263, %mul3A_265 : vector<16xi32>
    %add3A_267 = vector.broadcast %add3A_248 : i32 to vector<16xi32>
    %add3A_268 = arith.addi %add3A_267, %mul3A_266 : vector<16xi32>
    %swap3A_269 = arith.constant 16 : index
    %swap3A_270 = tpu.vector_load %arg15[%swap3A_269] {strides = array<i32>} : memref<32xi32, #tpu.memory_space<vmem>>, vector<16xi32>,
    %swap3A_271 = vector.shape_cast %swap3A_270 : vector<16xi32> to vector<16xi32>
    %swap3A_272 = vector.shape_cast %add3A_268 : vector<16xi32> to vector<16xi32>
    tpu.vector_store %arg15[%swap3A_269], %swap3A_272 {strides = array<i32>} : memref<32xi32, #tpu.memory_space<vmem>>, vector<16xi32>,
    %multiple_of3A_273 = arith.constant 1536 : i32
    %multiple_of3A_274 = tpu.assume_multiple %multiple_of3A_273, 16 : i32
    %dma_wait3A_275 = arith.constant 127 : i32
    %dma_wait3A_276 = arith.constant 0 : i32
    %dma_wait3A_277 = tpu.memref_slice %arg6[%dma_wait3A_275, %dma_wait3A_276] : memref<128x32xi32, #tpu.memory_space<vmem>> -> memref<1x32xi32, #tpu.memory_space<vmem>>
    %dma_wait3A_278 = tpu.memref_squeeze %dma_wait3A_277 : memref<1x32xi32, #tpu.memory_space<vmem>> -> memref<32xi32, #tpu.memory_space<vmem>>
    %dma_wait3A_279 = arith.constant 0 : i32
    %dma_wait3A_280 = arith.constant 0 : i32
    %dma_wait3A_281 = tpu.memref_slice %arg4[%dma_wait3A_279, %dma_wait3A_280] : memref<100000x512xf32, #tpu.memory_space<hbm>> -> memref<100000x512xf32, #tpu.memory_space<hbm>>
    tpu.wait_indirect_dma semaphore(%arg21 : memref<!tpu.dma_semaphore, #tpu.memory_space<semaphore_mem>>) src(%dma_wait3A_281 : memref<100000x512xf32, #tpu.memory_space<hbm>>) dst(%arg9 : memref<32x512xf32, #tpu.memory_space<vmem>>)
    %add3A_282 = arith.constant 0 : i32
    %add3A_283 = arith.addi %multiple_of3A_274, %add3A_282 : i32
    %get3A_284 = arith.index_cast %add3A_283 : i32 to index
    %get3A_285 = tpu.vector_load %arg7[%get3A_284] {strides = array<i32>} : memref<2048xf32, #tpu.memory_space<vmem>>, vector<16xf32>,
    %get3A_286 = vector.shape_cast %get3A_285 : vector<16xf32> to vector<16xf32>
    %add3A_287 = arith.constant 16 : i32
    %add3A_288 = arith.addi %multiple_of3A_274, %add3A_287 : i32
    %get3A_289 = arith.index_cast %add3A_288 : i32 to index
    %get3A_290 = tpu.vector_load %arg7[%get3A_289] {strides = array<i32>} : memref<2048xf32, #tpu.memory_space<vmem>>, vector<16xf32>,
    %get3A_291 = vector.shape_cast %get3A_290 : vector<16xf32> to vector<16xf32>
    %add3A_292 = arith.constant 32 : i32
    %add3A_293 = arith.addi %multiple_of3A_274, %add3A_292 : i32
    %get3A_294 = arith.index_cast %add3A_293 : i32 to index
    %get3A_295 = tpu.vector_load %arg7[%get3A_294] {strides = array<i32>} : memref<2048xf32, #tpu.memory_space<vmem>>, vector<16xf32>,
    %get3A_296 = vector.shape_cast %get3A_295 : vector<16xf32> to vector<16xf32>
    %add3A_297 = arith.constant 48 : i32
    %add3A_298 = arith.addi %multiple_of3A_274, %add3A_297 : i32
    %get3A_299 = arith.index_cast %add3A_298 : i32 to index
    %get3A_300 = tpu.vector_load %arg7[%get3A_299] {strides = array<i32>} : memref<2048xf32, #tpu.memory_space<vmem>>, vector<16xf32>,
    %get3A_301 = vector.shape_cast %get3A_300 : vector<16xf32> to vector<16xf32>
    %add3A_302 = arith.constant 64 : i32
    %add3A_303 = arith.addi %multiple_of3A_274, %add3A_302 : i32
    %get3A_304 = arith.index_cast %add3A_303 : i32 to index
    %get3A_305 = tpu.vector_load %arg7[%get3A_304] {strides = array<i32>} : memref<2048xf32, #tpu.memory_space<vmem>>, vector<16xf32>,
    %get3A_306 = vector.shape_cast %get3A_305 : vector<16xf32> to vector<16xf32>
    %add3A_307 = arith.constant 80 : i32
    %add3A_308 = arith.addi %multiple_of3A_274, %add3A_307 : i32
    %get3A_309 = arith.index_cast %add3A_308 : i32 to index
    %get3A_310 = tpu.vector_load %arg7[%get3A_309] {strides = array<i32>} : memref<2048xf32, #tpu.memory_space<vmem>>, vector<16xf32>,
    %get3A_311 = vector.shape_cast %get3A_310 : vector<16xf32> to vector<16xf32>
    %add3A_312 = arith.constant 96 : i32
    %add3A_313 = arith.addi %multiple_of3A_274, %add3A_312 : i32
    %get3A_314 = arith.index_cast %add3A_313 : i32 to index
    %get3A_315 = tpu.vector_load %arg7[%get3A_314] {strides = array<i32>} : memref<2048xf32, #tpu.memory_space<vmem>>, vector<16xf32>,
    %get3A_316 = vector.shape_cast %get3A_315 : vector<16xf32> to vector<16xf32>
    %add3A_317 = arith.constant 112 : i32
    %add3A_318 = arith.addi %multiple_of3A_274, %add3A_317 : i32
    %get3A_319 = arith.index_cast %add3A_318 : i32 to index
    %get3A_320 = tpu.vector_load %arg7[%get3A_319] {strides = array<i32>} : memref<2048xf32, #tpu.memory_space<vmem>>, vector<16xf32>,
    %get3A_321 = vector.shape_cast %get3A_320 : vector<16xf32> to vector<16xf32>
    %add3A_322 = arith.constant 128 : i32
    %add3A_323 = arith.addi %multiple_of3A_274, %add3A_322 : i32
    %get3A_324 = arith.index_cast %add3A_323 : i32 to index
    %get3A_325 = tpu.vector_load %arg7[%get3A_324] {strides = array<i32>} : memref<2048xf32, #tpu.memory_space<vmem>>, vector<16xf32>,
    %get3A_326 = vector.shape_cast %get3A_325 : vector<16xf32> to vector<16xf32>
    %add3A_327 = arith.constant 144 : i32
    %add3A_328 = arith.addi %multiple_of3A_274, %add3A_327 : i32
    %get3A_329 = arith.index_cast %add3A_328 : i32 to index
    %get3A_330 = tpu.vector_load %arg7[%get3A_329] {strides = array<i32>} : memref<2048xf32, #tpu.memory_space<vmem>>, vector<16xf32>,
    %get3A_331 = vector.shape_cast %get3A_330 : vector<16xf32> to vector<16xf32>
    %add3A_332 = arith.constant 160 : i32
    %add3A_333 = arith.addi %multiple_of3A_274, %add3A_332 : i32
    %get3A_334 = arith.index_cast %add3A_333 : i32 to index
    %get3A_335 = tpu.vector_load %arg7[%get3A_334] {strides = array<i32>} : memref<2048xf32, #tpu.memory_space<vmem>>, vector<16xf32>,
    %get3A_336 = vector.shape_cast %get3A_335 : vector<16xf32> to vector<16xf32>
    %add3A_337 = arith.constant 176 : i32
    %add3A_338 = arith.addi %multiple_of3A_274, %add3A_337 : i32
    %get3A_339 = arith.index_cast %add3A_338 : i32 to index
    %get3A_340 = tpu.vector_load %arg7[%get3A_339] {strides = array<i32>} : memref<2048xf32, #tpu.memory_space<vmem>>, vector<16xf32>,
    %get3A_341 = vector.shape_cast %get3A_340 : vector<16xf32> to vector<16xf32>
    %add3A_342 = arith.constant 192 : i32
    %add3A_343 = arith.addi %multiple_of3A_274, %add3A_342 : i32
    %get3A_344 = arith.index_cast %add3A_343 : i32 to index
    %get3A_345 = tpu.vector_load %arg7[%get3A_344] {strides = array<i32>} : memref<2048xf32, #tpu.memory_space<vmem>>, vector<16xf32>,
    %get3A_346 = vector.shape_cast %get3A_345 : vector<16xf32> to vector<16xf32>
    %add3A_347 = arith.constant 208 : i32
    %add3A_348 = arith.addi %multiple_of3A_274, %add3A_347 : i32
    %get3A_349 = arith.index_cast %add3A_348 : i32 to index
    %get3A_350 = tpu.vector_load %arg7[%get3A_349] {strides = array<i32>} : memref<2048xf32, #tpu.memory_space<vmem>>, vector<16xf32>,
    %get3A_351 = vector.shape_cast %get3A_350 : vector<16xf32> to vector<16xf32>
    %add3A_352 = arith.constant 224 : i32
    %add3A_353 = arith.addi %multiple_of3A_274, %add3A_352 : i32
    %get3A_354 = arith.index_cast %add3A_353 : i32 to index
    %get3A_355 = tpu.vector_load %arg7[%get3A_354] {strides = array<i32>} : memref<2048xf32, #tpu.memory_space<vmem>>, vector<16xf32>,
    %get3A_356 = vector.shape_cast %get3A_355 : vector<16xf32> to vector<16xf32>
    %add3A_357 = arith.constant 240 : i32
    %add3A_358 = arith.addi %multiple_of3A_274, %add3A_357 : i32
    %get3A_359 = arith.index_cast %add3A_358 : i32 to index
    %get3A_360 = tpu.vector_load %arg7[%get3A_359] {strides = array<i32>} : memref<2048xf32, #tpu.memory_space<vmem>>, vector<16xf32>,
    %get3A_361 = vector.shape_cast %get3A_360 : vector<16xf32> to vector<16xf32>
    %parallel_loop3A_362 = arith.constant 0 : i32
    %parallel_loop3A_363 = arith.constant 32 : i32
    %parallel_loop3A_364 = arith.constant 1 : i32
    scf.for %parallel_loop3A_460 = %parallel_loop3A_362 to %parallel_loop3A_363 step %parallel_loop3A_364  : i32 {
      %parallel_loop3A_461 = arith.index_cast %parallel_loop3A_460 : i32 to index
      %parallel_loop3A_462 = arith.constant 0 : index
      %parallel_loop3A_463 = tpu.vector_load %arg9[%parallel_loop3A_461, %parallel_loop3A_462] {strides = array<i32>} : memref<32x512xf32, #tpu.memory_space<vmem>>, vector<1x16xf32>,
      %parallel_loop3A_464 = vector.shape_cast %parallel_loop3A_463 : vector<1x16xf32> to vector<16xf32>
      %parallel_loop3A_465 = vector.shape_cast %get3A_286 : vector<16xf32> to vector<1x16xf32>
      tpu.vector_store %arg9[%parallel_loop3A_461, %parallel_loop3A_462], %parallel_loop3A_465 {add = true, strides = array<i32>} : memref<32x512xf32, #tpu.memory_space<vmem>>, vector<1x16xf32>,
      %parallel_loop3A_466 = arith.index_cast %parallel_loop3A_460 : i32 to index
      %parallel_loop3A_467 = arith.constant 16 : index
      %parallel_loop3A_468 = tpu.vector_load %arg9[%parallel_loop3A_466, %parallel_loop3A_467] {strides = array<i32>} : memref<32x512xf32, #tpu.memory_space<vmem>>, vector<1x16xf32>,
      %parallel_loop3A_469 = vector.shape_cast %parallel_loop3A_468 : vector<1x16xf32> to vector<16xf32>
      %parallel_loop3A_470 = vector.shape_cast %get3A_291 : vector<16xf32> to vector<1x16xf32>
      tpu.vector_store %arg9[%parallel_loop3A_466, %parallel_loop3A_467], %parallel_loop3A_470 {add = true, strides = array<i32>} : memref<32x512xf32, #tpu.memory_space<vmem>>, vector<1x16xf32>,
      %parallel_loop3A_471 = arith.index_cast %parallel_loop3A_460 : i32 to index
      %parallel_loop3A_472 = arith.constant 32 : index
      %parallel_loop3A_473 = tpu.vector_load %arg9[%parallel_loop3A_471, %parallel_loop3A_472] {strides = array<i32>} : memref<32x512xf32, #tpu.memory_space<vmem>>, vector<1x16xf32>,
      %parallel_loop3A_474 = vector.shape_cast %parallel_loop3A_473 : vector<1x16xf32> to vector<16xf32>
      %parallel_loop3A_475 = vector.shape_cast %get3A_296 : vector<16xf32> to vector<1x16xf32>
      tpu.vector_store %arg9[%parallel_loop3A_471, %parallel_loop3A_472], %parallel_loop3A_475 {add = true, strides = array<i32>} : memref<32x512xf32, #tpu.memory_space<vmem>>, vector<1x16xf32>,
      %parallel_loop3A_476 = arith.index_cast %parallel_loop3A_460 : i32 to index
      %parallel_loop3A_477 = arith.constant 48 : index
      %parallel_loop3A_478 = tpu.vector_load %arg9[%parallel_loop3A_476, %parallel_loop3A_477] {strides = array<i32>} : memref<32x512xf32, #tpu.memory_space<vmem>>, vector<1x16xf32>,
      %parallel_loop3A_479 = vector.shape_cast %parallel_loop3A_478 : vector<1x16xf32> to vector<16xf32>
      %parallel_loop3A_480 = vector.shape_cast %get3A_301 : vector<16xf32> to vector<1x16xf32>
      tpu.vector_store %arg9[%parallel_loop3A_476, %parallel_loop3A_477], %parallel_loop3A_480 {add = true, strides = array<i32>} : memref<32x512xf32, #tpu.memory_space<vmem>>, vector<1x16xf32>,
      %parallel_loop3A_481 = arith.index_cast %parallel_loop3A_460 : i32 to index
      %parallel_loop3A_482 = arith.constant 64 : index
      %parallel_loop3A_483 = tpu.vector_load %arg9[%parallel_loop3A_481, %parallel_loop3A_482] {strides = array<i32>} : memref<32x512xf32, #tpu.memory_space<vmem>>, vector<1x16xf32>,
      %parallel_loop3A_484 = vector.shape_cast %parallel_loop3A_483 : vector<1x16xf32> to vector<16xf32>
      %parallel_loop3A_485 = vector.shape_cast %get3A_306 : vector<16xf32> to vector<1x16xf32>
      tpu.vector_store %arg9[%parallel_loop3A_481, %parallel_loop3A_482], %parallel_loop3A_485 {add = true, strides = array<i32>} : memref<32x512xf32, #tpu.memory_space<vmem>>, vector<1x16xf32>,
      %parallel_loop3A_486 = arith.index_cast %parallel_loop3A_460 : i32 to index
      %parallel_loop3A_487 = arith.constant 80 : index
      %parallel_loop3A_488 = tpu.vector_load %arg9[%parallel_loop3A_486, %parallel_loop3A_487] {strides = array<i32>} : memref<32x512xf32, #tpu.memory_space<vmem>>, vector<1x16xf32>,
      %parallel_loop3A_489 = vector.shape_cast %parallel_loop3A_488 : vector<1x16xf32> to vector<16xf32>
      %parallel_loop3A_490 = vector.shape_cast %get3A_311 : vector<16xf32> to vector<1x16xf32>
      tpu.vector_store %arg9[%parallel_loop3A_486, %parallel_loop3A_487], %parallel_loop3A_490 {add = true, strides = array<i32>} : memref<32x512xf32, #tpu.memory_space<vmem>>, vector<1x16xf32>,
      %parallel_loop3A_491 = arith.index_cast %parallel_loop3A_460 : i32 to index
      %parallel_loop3A_492 = arith.constant 96 : index
      %parallel_loop3A_493 = tpu.vector_load %arg9[%parallel_loop3A_491, %parallel_loop3A_492] {strides = array<i32>} : memref<32x512xf32, #tpu.memory_space<vmem>>, vector<1x16xf32>,
      %parallel_loop3A_494 = vector.shape_cast %parallel_loop3A_493 : vector<1x16xf32> to vector<16xf32>
      %parallel_loop3A_495 = vector.shape_cast %get3A_316 : vector<16xf32> to vector<1x16xf32>
      tpu.vector_store %arg9[%parallel_loop3A_491, %parallel_loop3A_492], %parallel_loop3A_495 {add = true, strides = array<i32>} : memref<32x512xf32, #tpu.memory_space<vmem>>, vector<1x16xf32>,
      %parallel_loop3A_496 = arith.index_cast %parallel_loop3A_460 : i32 to index
      %parallel_loop3A_497 = arith.constant 112 : index
      %parallel_loop3A_498 = tpu.vector_load %arg9[%parallel_loop3A_496, %parallel_loop3A_497] {strides = array<i32>} : memref<32x512xf32, #tpu.memory_space<vmem>>, vector<1x16xf32>,
      %parallel_loop3A_499 = vector.shape_cast %parallel_loop3A_498 : vector<1x16xf32> to vector<16xf32>
      %parallel_loop3A_500 = vector.shape_cast %get3A_321 : vector<16xf32> to vector<1x16xf32>
      tpu.vector_store %arg9[%parallel_loop3A_496, %parallel_loop3A_497], %parallel_loop3A_500 {add = true, strides = array<i32>} : memref<32x512xf32, #tpu.memory_space<vmem>>, vector<1x16xf32>,
      %parallel_loop3A_501 = arith.index_cast %parallel_loop3A_460 : i32 to index
      %parallel_loop3A_502 = arith.constant 128 : index
      %parallel_loop3A_503 = tpu.vector_load %arg9[%parallel_loop3A_501, %parallel_loop3A_502] {strides = array<i32>} : memref<32x512xf32, #tpu.memory_space<vmem>>, vector<1x16xf32>,
      %parallel_loop3A_504 = vector.shape_cast %parallel_loop3A_503 : vector<1x16xf32> to vector<16xf32>
      %parallel_loop3A_505 = vector.shape_cast %get3A_326 : vector<16xf32> to vector<1x16xf32>
      tpu.vector_store %arg9[%parallel_loop3A_501, %parallel_loop3A_502], %parallel_loop3A_505 {add = true, strides = array<i32>} : memref<32x512xf32, #tpu.memory_space<vmem>>, vector<1x16xf32>,
      %parallel_loop3A_506 = arith.index_cast %parallel_loop3A_460 : i32 to index
      %parallel_loop3A_507 = arith.constant 144 : index
      %parallel_loop3A_508 = tpu.vector_load %arg9[%parallel_loop3A_506, %parallel_loop3A_507] {strides = array<i32>} : memref<32x512xf32, #tpu.memory_space<vmem>>, vector<1x16xf32>,
      %parallel_loop3A_509 = vector.shape_cast %parallel_loop3A_508 : vector<1x16xf32> to vector<16xf32>
      %parallel_loop3A_510 = vector.shape_cast %get3A_331 : vector<16xf32> to vector<1x16xf32>
      tpu.vector_store %arg9[%parallel_loop3A_506, %parallel_loop3A_507], %parallel_loop3A_510 {add = true, strides = array<i32>} : memref<32x512xf32, #tpu.memory_space<vmem>>, vector<1x16xf32>,
      %parallel_loop3A_511 = arith.index_cast %parallel_loop3A_460 : i32 to index
      %parallel_loop3A_512 = arith.constant 160 : index
      %parallel_loop3A_513 = tpu.vector_load %arg9[%parallel_loop3A_511, %parallel_loop3A_512] {strides = array<i32>} : memref<32x512xf32, #tpu.memory_space<vmem>>, vector<1x16xf32>,
      %parallel_loop3A_514 = vector.shape_cast %parallel_loop3A_513 : vector<1x16xf32> to vector<16xf32>
      %parallel_loop3A_515 = vector.shape_cast %get3A_336 : vector<16xf32> to vector<1x16xf32>
      tpu.vector_store %arg9[%parallel_loop3A_511, %parallel_loop3A_512], %parallel_loop3A_515 {add = true, strides = array<i32>} : memref<32x512xf32, #tpu.memory_space<vmem>>, vector<1x16xf32>,
      %parallel_loop3A_516 = arith.index_cast %parallel_loop3A_460 : i32 to index
      %parallel_loop3A_517 = arith.constant 176 : index
      %parallel_loop3A_518 = tpu.vector_load %arg9[%parallel_loop3A_516, %parallel_loop3A_517] {strides = array<i32>} : memref<32x512xf32, #tpu.memory_space<vmem>>, vector<1x16xf32>,
      %parallel_loop3A_519 = vector.shape_cast %parallel_loop3A_518 : vector<1x16xf32> to vector<16xf32>
      %parallel_loop3A_520 = vector.shape_cast %get3A_341 : vector<16xf32> to vector<1x16xf32>
      tpu.vector_store %arg9[%parallel_loop3A_516, %parallel_loop3A_517], %parallel_loop3A_520 {add = true, strides = array<i32>} : memref<32x512xf32, #tpu.memory_space<vmem>>, vector<1x16xf32>,
      %parallel_loop3A_521 = arith.index_cast %parallel_loop3A_460 : i32 to index
      %parallel_loop3A_522 = arith.constant 192 : index
      %parallel_loop3A_523 = tpu.vector_load %arg9[%parallel_loop3A_521, %parallel_loop3A_522] {strides = array<i32>} : memref<32x512xf32, #tpu.memory_space<vmem>>, vector<1x16xf32>,
      %parallel_loop3A_524 = vector.shape_cast %parallel_loop3A_523 : vector<1x16xf32> to vector<16xf32>
      %parallel_loop3A_525 = vector.shape_cast %get3A_346 : vector<16xf32> to vector<1x16xf32>
      tpu.vector_store %arg9[%parallel_loop3A_521, %parallel_loop3A_522], %parallel_loop3A_525 {add = true, strides = array<i32>} : memref<32x512xf32, #tpu.memory_space<vmem>>, vector<1x16xf32>,
      %parallel_loop3A_526 = arith.index_cast %parallel_loop3A_460 : i32 to index
      %parallel_loop3A_527 = arith.constant 208 : index
      %parallel_loop3A_528 = tpu.vector_load %arg9[%parallel_loop3A_526, %parallel_loop3A_527] {strides = array<i32>} : memref<32x512xf32, #tpu.memory_space<vmem>>, vector<1x16xf32>,
      %parallel_loop3A_529 = vector.shape_cast %parallel_loop3A_528 : vector<1x16xf32> to vector<16xf32>
      %parallel_loop3A_530 = vector.shape_cast %get3A_351 : vector<16xf32> to vector<1x16xf32>
      tpu.vector_store %arg9[%parallel_loop3A_526, %parallel_loop3A_527], %parallel_loop3A_530 {add = true, strides = array<i32>} : memref<32x512xf32, #tpu.memory_space<vmem>>, vector<1x16xf32>,
      %parallel_loop3A_531 = arith.index_cast %parallel_loop3A_460 : i32 to index
      %parallel_loop3A_532 = arith.constant 224 : index
      %parallel_loop3A_533 = tpu.vector_load %arg9[%parallel_loop3A_531, %parallel_loop3A_532] {strides = array<i32>} : memref<32x512xf32, #tpu.memory_space<vmem>>, vector<1x16xf32>,
      %parallel_loop3A_534 = vector.shape_cast %parallel_loop3A_533 : vector<1x16xf32> to vector<16xf32>
      %parallel_loop3A_535 = vector.shape_cast %get3A_356 : vector<16xf32> to vector<1x16xf32>
      tpu.vector_store %arg9[%parallel_loop3A_531, %parallel_loop3A_532], %parallel_loop3A_535 {add = true, strides = array<i32>} : memref<32x512xf32, #tpu.memory_space<vmem>>, vector<1x16xf32>,
      %parallel_loop3A_536 = arith.index_cast %parallel_loop3A_460 : i32 to index
      %parallel_loop3A_537 = arith.constant 240 : index
      %parallel_loop3A_538 = tpu.vector_load %arg9[%parallel_loop3A_536, %parallel_loop3A_537] {strides = array<i32>} : memref<32x512xf32, #tpu.memory_space<vmem>>, vector<1x16xf32>,
      %parallel_loop3A_539 = vector.shape_cast %parallel_loop3A_538 : vector<1x16xf32> to vector<16xf32>
      %parallel_loop3A_540 = vector.shape_cast %get3A_361 : vector<16xf32> to vector<1x16xf32>
      tpu.vector_store %arg9[%parallel_loop3A_536, %parallel_loop3A_537], %parallel_loop3A_540 {add = true, strides = array<i32>} : memref<32x512xf32, #tpu.memory_space<vmem>>, vector<1x16xf32>,
    } {sc.loop_unroll_factor = 1 : i64, sc.parallel_access}
    %add3A_365 = arith.constant 256 : i32
    %add3A_366 = arith.addi %multiple_of3A_274, %add3A_365 : i32
    %get3A_367 = arith.index_cast %add3A_366 : i32 to index
    %get3A_368 = tpu.vector_load %arg7[%get3A_367] {strides = array<i32>} : memref<2048xf32, #tpu.memory_space<vmem>>, vector<16xf32>,
    %get3A_369 = vector.shape_cast %get3A_368 : vector<16xf32> to vector<16xf32>
    %add3A_370 = arith.constant 272 : i32
    %add3A_371 = arith.addi %multiple_of3A_274, %add3A_370 : i32
    %get3A_372 = arith.index_cast %add3A_371 : i32 to index
    %get3A_373 = tpu.vector_load %arg7[%get3A_372] {strides = array<i32>} : memref<2048xf32, #tpu.memory_space<vmem>>, vector<16xf32>,
    %get3A_374 = vector.shape_cast %get3A_373 : vector<16xf32> to vector<16xf32>
    %add3A_375 = arith.constant 288 : i32
    %add3A_376 = arith.addi %multiple_of3A_274, %add3A_375 : i32
    %get3A_377 = arith.index_cast %add3A_376 : i32 to index
    %get3A_378 = tpu.vector_load %arg7[%get3A_377] {strides = array<i32>} : memref<2048xf32, #tpu.memory_space<vmem>>, vector<16xf32>,
    %get3A_379 = vector.shape_cast %get3A_378 : vector<16xf32> to vector<16xf32>
    %add3A_380 = arith.constant 304 : i32
    %add3A_381 = arith.addi %multiple_of3A_274, %add3A_380 : i32
    %get3A_382 = arith.index_cast %add3A_381 : i32 to index
    %get3A_383 = tpu.vector_load %arg7[%get3A_382] {strides = array<i32>} : memref<2048xf32, #tpu.memory_space<vmem>>, vector<16xf32>,
    %get3A_384 = vector.shape_cast %get3A_383 : vector<16xf32> to vector<16xf32>
    %add3A_385 = arith.constant 320 : i32
    %add3A_386 = arith.addi %multiple_of3A_274, %add3A_385 : i32
    %get3A_387 = arith.index_cast %add3A_386 : i32 to index
    %get3A_388 = tpu.vector_load %arg7[%get3A_387] {strides = array<i32>} : memref<2048xf32, #tpu.memory_space<vmem>>, vector<16xf32>,
    %get3A_389 = vector.shape_cast %get3A_388 : vector<16xf32> to vector<16xf32>
    %add3A_390 = arith.constant 336 : i32
    %add3A_391 = arith.addi %multiple_of3A_274, %add3A_390 : i32
    %get3A_392 = arith.index_cast %add3A_391 : i32 to index
    %get3A_393 = tpu.vector_load %arg7[%get3A_392] {strides = array<i32>} : memref<2048xf32, #tpu.memory_space<vmem>>, vector<16xf32>,
    %get3A_394 = vector.shape_cast %get3A_393 : vector<16xf32> to vector<16xf32>
    %add3A_395 = arith.constant 352 : i32
    %add3A_396 = arith.addi %multiple_of3A_274, %add3A_395 : i32
    %get3A_397 = arith.index_cast %add3A_396 : i32 to index
    %get3A_398 = tpu.vector_load %arg7[%get3A_397] {strides = array<i32>} : memref<2048xf32, #tpu.memory_space<vmem>>, vector<16xf32>,
    %get3A_399 = vector.shape_cast %get3A_398 : vector<16xf32> to vector<16xf32>
    %add3A_400 = arith.constant 368 : i32
    %add3A_401 = arith.addi %multiple_of3A_274, %add3A_400 : i32
    %get3A_402 = arith.index_cast %add3A_401 : i32 to index
    %get3A_403 = tpu.vector_load %arg7[%get3A_402] {strides = array<i32>} : memref<2048xf32, #tpu.memory_space<vmem>>, vector<16xf32>,
    %get3A_404 = vector.shape_cast %get3A_403 : vector<16xf32> to vector<16xf32>
    %add3A_405 = arith.constant 384 : i32
    %add3A_406 = arith.addi %multiple_of3A_274, %add3A_405 : i32
    %get3A_407 = arith.index_cast %add3A_406 : i32 to index
    %get3A_408 = tpu.vector_load %arg7[%get3A_407] {strides = array<i32>} : memref<2048xf32, #tpu.memory_space<vmem>>, vector<16xf32>,
    %get3A_409 = vector.shape_cast %get3A_408 : vector<16xf32> to vector<16xf32>
    %add3A_410 = arith.constant 400 : i32
    %add3A_411 = arith.addi %multiple_of3A_274, %add3A_410 : i32
    %get3A_412 = arith.index_cast %add3A_411 : i32 to index
    %get3A_413 = tpu.vector_load %arg7[%get3A_412] {strides = array<i32>} : memref<2048xf32, #tpu.memory_space<vmem>>, vector<16xf32>,
    %get3A_414 = vector.shape_cast %get3A_413 : vector<16xf32> to vector<16xf32>
    %add3A_415 = arith.constant 416 : i32
    %add3A_416 = arith.addi %multiple_of3A_274, %add3A_415 : i32
    %get3A_417 = arith.index_cast %add3A_416 : i32 to index
    %get3A_418 = tpu.vector_load %arg7[%get3A_417] {strides = array<i32>} : memref<2048xf32, #tpu.memory_space<vmem>>, vector<16xf32>,
    %get3A_419 = vector.shape_cast %get3A_418 : vector<16xf32> to vector<16xf32>
    %add3A_420 = arith.constant 432 : i32
    %add3A_421 = arith.addi %multiple_of3A_274, %add3A_420 : i32
    %get3A_422 = arith.index_cast %add3A_421 : i32 to index
    %get3A_423 = tpu.vector_load %arg7[%get3A_422] {strides = array<i32>} : memref<2048xf32, #tpu.memory_space<vmem>>, vector<16xf32>,
    %get3A_424 = vector.shape_cast %get3A_423 : vector<16xf32> to vector<16xf32>
    %add3A_425 = arith.constant 448 : i32
    %add3A_426 = arith.addi %multiple_of3A_274, %add3A_425 : i32
    %get3A_427 = arith.index_cast %add3A_426 : i32 to index
    %get3A_428 = tpu.vector_load %arg7[%get3A_427] {strides = array<i32>} : memref<2048xf32, #tpu.memory_space<vmem>>, vector<16xf32>,
    %get3A_429 = vector.shape_cast %get3A_428 : vector<16xf32> to vector<16xf32>
    %add3A_430 = arith.constant 464 : i32
    %add3A_431 = arith.addi %multiple_of3A_274, %add3A_430 : i32
    %get3A_432 = arith.index_cast %add3A_431 : i32 to index
    %get3A_433 = tpu.vector_load %arg7[%get3A_432] {strides = array<i32>} : memref<2048xf32, #tpu.memory_space<vmem>>, vector<16xf32>,
    %get3A_434 = vector.shape_cast %get3A_433 : vector<16xf32> to vector<16xf32>
    %add3A_435 = arith.constant 480 : i32
    %add3A_436 = arith.addi %multiple_of3A_274, %add3A_435 : i32
    %get3A_437 = arith.index_cast %add3A_436 : i32 to index
    %get3A_438 = tpu.vector_load %arg7[%get3A_437] {strides = array<i32>} : memref<2048xf32, #tpu.memory_space<vmem>>, vector<16xf32>,
    %get3A_439 = vector.shape_cast %get3A_438 : vector<16xf32> to vector<16xf32>
    %add3A_440 = arith.constant 496 : i32
    %add3A_441 = arith.addi %multiple_of3A_274, %add3A_440 : i32
    %get3A_442 = arith.index_cast %add3A_441 : i32 to index
    %get3A_443 = tpu.vector_load %arg7[%get3A_442] {strides = array<i32>} : memref<2048xf32, #tpu.memory_space<vmem>>, vector<16xf32>,
    %get3A_444 = vector.shape_cast %get3A_443 : vector<16xf32> to vector<16xf32>
    %parallel_loop3A_445 = arith.constant 0 : i32
    %parallel_loop3A_446 = arith.constant 32 : i32
    %parallel_loop3A_447 = arith.constant 1 : i32
    scf.for %parallel_loop3A_460 = %parallel_loop3A_445 to %parallel_loop3A_446 step %parallel_loop3A_447  : i32 {
      %parallel_loop3A_461 = arith.index_cast %parallel_loop3A_460 : i32 to index
      %parallel_loop3A_462 = arith.constant 256 : index
      %parallel_loop3A_463 = tpu.vector_load %arg9[%parallel_loop3A_461, %parallel_loop3A_462] {strides = array<i32>} : memref<32x512xf32, #tpu.memory_space<vmem>>, vector<1x16xf32>,
      %parallel_loop3A_464 = vector.shape_cast %parallel_loop3A_463 : vector<1x16xf32> to vector<16xf32>
      %parallel_loop3A_465 = vector.shape_cast %get3A_369 : vector<16xf32> to vector<1x16xf32>
      tpu.vector_store %arg9[%parallel_loop3A_461, %parallel_loop3A_462], %parallel_loop3A_465 {add = true, strides = array<i32>} : memref<32x512xf32, #tpu.memory_space<vmem>>, vector<1x16xf32>,
      %parallel_loop3A_466 = arith.index_cast %parallel_loop3A_460 : i32 to index
      %parallel_loop3A_467 = arith.constant 272 : index
      %parallel_loop3A_468 = tpu.vector_load %arg9[%parallel_loop3A_466, %parallel_loop3A_467] {strides = array<i32>} : memref<32x512xf32, #tpu.memory_space<vmem>>, vector<1x16xf32>,
      %parallel_loop3A_469 = vector.shape_cast %parallel_loop3A_468 : vector<1x16xf32> to vector<16xf32>
      %parallel_loop3A_470 = vector.shape_cast %get3A_374 : vector<16xf32> to vector<1x16xf32>
      tpu.vector_store %arg9[%parallel_loop3A_466, %parallel_loop3A_467], %parallel_loop3A_470 {add = true, strides = array<i32>} : memref<32x512xf32, #tpu.memory_space<vmem>>, vector<1x16xf32>,
      %parallel_loop3A_471 = arith.index_cast %parallel_loop3A_460 : i32 to index
      %parallel_loop3A_472 = arith.constant 288 : index
      %parallel_loop3A_473 = tpu.vector_load %arg9[%parallel_loop3A_471, %parallel_loop3A_472] {strides = array<i32>} : memref<32x512xf32, #tpu.memory_space<vmem>>, vector<1x16xf32>,
      %parallel_loop3A_474 = vector.shape_cast %parallel_loop3A_473 : vector<1x16xf32> to vector<16xf32>
      %parallel_loop3A_475 = vector.shape_cast %get3A_379 : vector<16xf32> to vector<1x16xf32>
      tpu.vector_store %arg9[%parallel_loop3A_471, %parallel_loop3A_472], %parallel_loop3A_475 {add = true, strides = array<i32>} : memref<32x512xf32, #tpu.memory_space<vmem>>, vector<1x16xf32>,
      %parallel_loop3A_476 = arith.index_cast %parallel_loop3A_460 : i32 to index
      %parallel_loop3A_477 = arith.constant 304 : index
      %parallel_loop3A_478 = tpu.vector_load %arg9[%parallel_loop3A_476, %parallel_loop3A_477] {strides = array<i32>} : memref<32x512xf32, #tpu.memory_space<vmem>>, vector<1x16xf32>,
      %parallel_loop3A_479 = vector.shape_cast %parallel_loop3A_478 : vector<1x16xf32> to vector<16xf32>
      %parallel_loop3A_480 = vector.shape_cast %get3A_384 : vector<16xf32> to vector<1x16xf32>
      tpu.vector_store %arg9[%parallel_loop3A_476, %parallel_loop3A_477], %parallel_loop3A_480 {add = true, strides = array<i32>} : memref<32x512xf32, #tpu.memory_space<vmem>>, vector<1x16xf32>,
      %parallel_loop3A_481 = arith.index_cast %parallel_loop3A_460 : i32 to index
      %parallel_loop3A_482 = arith.constant 320 : index
      %parallel_loop3A_483 = tpu.vector_load %arg9[%parallel_loop3A_481, %parallel_loop3A_482] {strides = array<i32>} : memref<32x512xf32, #tpu.memory_space<vmem>>, vector<1x16xf32>,
      %parallel_loop3A_484 = vector.shape_cast %parallel_loop3A_483 : vector<1x16xf32> to vector<16xf32>
      %parallel_loop3A_485 = vector.shape_cast %get3A_389 : vector<16xf32> to vector<1x16xf32>
      tpu.vector_store %arg9[%parallel_loop3A_481, %parallel_loop3A_482], %parallel_loop3A_485 {add = true, strides = array<i32>} : memref<32x512xf32, #tpu.memory_space<vmem>>, vector<1x16xf32>,
      %parallel_loop3A_486 = arith.index_cast %parallel_loop3A_460 : i32 to index
      %parallel_loop3A_487 = arith.constant 336 : index
      %parallel_loop3A_488 = tpu.vector_load %arg9[%parallel_loop3A_486, %parallel_loop3A_487] {strides = array<i32>} : memref<32x512xf32, #tpu.memory_space<vmem>>, vector<1x16xf32>,
      %parallel_loop3A_489 = vector.shape_cast %parallel_loop3A_488 : vector<1x16xf32> to vector<16xf32>
      %parallel_loop3A_490 = vector.shape_cast %get3A_394 : vector<16xf32> to vector<1x16xf32>
      tpu.vector_store %arg9[%parallel_loop3A_486, %parallel_loop3A_487], %parallel_loop3A_490 {add = true, strides = array<i32>} : memref<32x512xf32, #tpu.memory_space<vmem>>, vector<1x16xf32>,
      %parallel_loop3A_491 = arith.index_cast %parallel_loop3A_460 : i32 to index
      %parallel_loop3A_492 = arith.constant 352 : index
      %parallel_loop3A_493 = tpu.vector_load %arg9[%parallel_loop3A_491, %parallel_loop3A_492] {strides = array<i32>} : memref<32x512xf32, #tpu.memory_space<vmem>>, vector<1x16xf32>,
      %parallel_loop3A_494 = vector.shape_cast %parallel_loop3A_493 : vector<1x16xf32> to vector<16xf32>
      %parallel_loop3A_495 = vector.shape_cast %get3A_399 : vector<16xf32> to vector<1x16xf32>
      tpu.vector_store %arg9[%parallel_loop3A_491, %parallel_loop3A_492], %parallel_loop3A_495 {add = true, strides = array<i32>} : memref<32x512xf32, #tpu.memory_space<vmem>>, vector<1x16xf32>,
      %parallel_loop3A_496 = arith.index_cast %parallel_loop3A_460 : i32 to index
      %parallel_loop3A_497 = arith.constant 368 : index
      %parallel_loop3A_498 = tpu.vector_load %arg9[%parallel_loop3A_496, %parallel_loop3A_497] {strides = array<i32>} : memref<32x512xf32, #tpu.memory_space<vmem>>, vector<1x16xf32>,
      %parallel_loop3A_499 = vector.shape_cast %parallel_loop3A_498 : vector<1x16xf32> to vector<16xf32>
      %parallel_loop3A_500 = vector.shape_cast %get3A_404 : vector<16xf32> to vector<1x16xf32>
      tpu.vector_store %arg9[%parallel_loop3A_496, %parallel_loop3A_497], %parallel_loop3A_500 {add = true, strides = array<i32>} : memref<32x512xf32, #tpu.memory_space<vmem>>, vector<1x16xf32>,
      %parallel_loop3A_501 = arith.index_cast %parallel_loop3A_460 : i32 to index
      %parallel_loop3A_502 = arith.constant 384 : index
      %parallel_loop3A_503 = tpu.vector_load %arg9[%parallel_loop3A_501, %parallel_loop3A_502] {strides = array<i32>} : memref<32x512xf32, #tpu.memory_space<vmem>>, vector<1x16xf32>,
      %parallel_loop3A_504 = vector.shape_cast %parallel_loop3A_503 : vector<1x16xf32> to vector<16xf32>
      %parallel_loop3A_505 = vector.shape_cast %get3A_409 : vector<16xf32> to vector<1x16xf32>
      tpu.vector_store %arg9[%parallel_loop3A_501, %parallel_loop3A_502], %parallel_loop3A_505 {add = true, strides = array<i32>} : memref<32x512xf32, #tpu.memory_space<vmem>>, vector<1x16xf32>,
      %parallel_loop3A_506 = arith.index_cast %parallel_loop3A_460 : i32 to index
      %parallel_loop3A_507 = arith.constant 400 : index
      %parallel_loop3A_508 = tpu.vector_load %arg9[%parallel_loop3A_506, %parallel_loop3A_507] {strides = array<i32>} : memref<32x512xf32, #tpu.memory_space<vmem>>, vector<1x16xf32>,
      %parallel_loop3A_509 = vector.shape_cast %parallel_loop3A_508 : vector<1x16xf32> to vector<16xf32>
      %parallel_loop3A_510 = vector.shape_cast %get3A_414 : vector<16xf32> to vector<1x16xf32>
      tpu.vector_store %arg9[%parallel_loop3A_506, %parallel_loop3A_507], %parallel_loop3A_510 {add = true, strides = array<i32>} : memref<32x512xf32, #tpu.memory_space<vmem>>, vector<1x16xf32>,
      %parallel_loop3A_511 = arith.index_cast %parallel_loop3A_460 : i32 to index
      %parallel_loop3A_512 = arith.constant 416 : index
      %parallel_loop3A_513 = tpu.vector_load %arg9[%parallel_loop3A_511, %parallel_loop3A_512] {strides = array<i32>} : memref<32x512xf32, #tpu.memory_space<vmem>>, vector<1x16xf32>,
      %parallel_loop3A_514 = vector.shape_cast %parallel_loop3A_513 : vector<1x16xf32> to vector<16xf32>
      %parallel_loop3A_515 = vector.shape_cast %get3A_419 : vector<16xf32> to vector<1x16xf32>
      tpu.vector_store %arg9[%parallel_loop3A_511, %parallel_loop3A_512], %parallel_loop3A_515 {add = true, strides = array<i32>} : memref<32x512xf32, #tpu.memory_space<vmem>>, vector<1x16xf32>,
      %parallel_loop3A_516 = arith.index_cast %parallel_loop3A_460 : i32 to index
      %parallel_loop3A_517 = arith.constant 432 : index
      %parallel_loop3A_518 = tpu.vector_load %arg9[%parallel_loop3A_516, %parallel_loop3A_517] {strides = array<i32>} : memref<32x512xf32, #tpu.memory_space<vmem>>, vector<1x16xf32>,
      %parallel_loop3A_519 = vector.shape_cast %parallel_loop3A_518 : vector<1x16xf32> to vector<16xf32>
      %parallel_loop3A_520 = vector.shape_cast %get3A_424 : vector<16xf32> to vector<1x16xf32>
      tpu.vector_store %arg9[%parallel_loop3A_516, %parallel_loop3A_517], %parallel_loop3A_520 {add = true, strides = array<i32>} : memref<32x512xf32, #tpu.memory_space<vmem>>, vector<1x16xf32>,
      %parallel_loop3A_521 = arith.index_cast %parallel_loop3A_460 : i32 to index
      %parallel_loop3A_522 = arith.constant 448 : index
      %parallel_loop3A_523 = tpu.vector_load %arg9[%parallel_loop3A_521, %parallel_loop3A_522] {strides = array<i32>} : memref<32x512xf32, #tpu.memory_space<vmem>>, vector<1x16xf32>,
      %parallel_loop3A_524 = vector.shape_cast %parallel_loop3A_523 : vector<1x16xf32> to vector<16xf32>
      %parallel_loop3A_525 = vector.shape_cast %get3A_429 : vector<16xf32> to vector<1x16xf32>
      tpu.vector_store %arg9[%parallel_loop3A_521, %parallel_loop3A_522], %parallel_loop3A_525 {add = true, strides = array<i32>} : memref<32x512xf32, #tpu.memory_space<vmem>>, vector<1x16xf32>,
      %parallel_loop3A_526 = arith.index_cast %parallel_loop3A_460 : i32 to index
      %parallel_loop3A_527 = arith.constant 464 : index
      %parallel_loop3A_528 = tpu.vector_load %arg9[%parallel_loop3A_526, %parallel_loop3A_527] {strides = array<i32>} : memref<32x512xf32, #tpu.memory_space<vmem>>, vector<1x16xf32>,
      %parallel_loop3A_529 = vector.shape_cast %parallel_loop3A_528 : vector<1x16xf32> to vector<16xf32>
      %parallel_loop3A_530 = vector.shape_cast %get3A_434 : vector<16xf32> to vector<1x16xf32>
      tpu.vector_store %arg9[%parallel_loop3A_526, %parallel_loop3A_527], %parallel_loop3A_530 {add = true, strides = array<i32>} : memref<32x512xf32, #tpu.memory_space<vmem>>, vector<1x16xf32>,
      %parallel_loop3A_531 = arith.index_cast %parallel_loop3A_460 : i32 to index
      %parallel_loop3A_532 = arith.constant 480 : index
      %parallel_loop3A_533 = tpu.vector_load %arg9[%parallel_loop3A_531, %parallel_loop3A_532] {strides = array<i32>} : memref<32x512xf32, #tpu.memory_space<vmem>>, vector<1x16xf32>,
      %parallel_loop3A_534 = vector.shape_cast %parallel_loop3A_533 : vector<1x16xf32> to vector<16xf32>
      %parallel_loop3A_535 = vector.shape_cast %get3A_439 : vector<16xf32> to vector<1x16xf32>
      tpu.vector_store %arg9[%parallel_loop3A_531, %parallel_loop3A_532], %parallel_loop3A_535 {add = true, strides = array<i32>} : memref<32x512xf32, #tpu.memory_space<vmem>>, vector<1x16xf32>,
      %parallel_loop3A_536 = arith.index_cast %parallel_loop3A_460 : i32 to index
      %parallel_loop3A_537 = arith.constant 496 : index
      %parallel_loop3A_538 = tpu.vector_load %arg9[%parallel_loop3A_536, %parallel_loop3A_537] {strides = array<i32>} : memref<32x512xf32, #tpu.memory_space<vmem>>, vector<1x16xf32>,
      %parallel_loop3A_539 = vector.shape_cast %parallel_loop3A_538 : vector<1x16xf32> to vector<16xf32>
      %parallel_loop3A_540 = vector.shape_cast %get3A_444 : vector<16xf32> to vector<1x16xf32>
      tpu.vector_store %arg9[%parallel_loop3A_536, %parallel_loop3A_537], %parallel_loop3A_540 {add = true, strides = array<i32>} : memref<32x512xf32, #tpu.memory_space<vmem>>, vector<1x16xf32>,
    } {sc.loop_unroll_factor = 1 : i64, sc.parallel_access}
    %dma_start3A_448 = arith.constant 0 : i32
    %dma_start3A_449 = arith.constant 0 : i32
    %dma_start3A_450 = tpu.memref_slice %arg5[%dma_start3A_448, %dma_start3A_449] : memref<131072x512xf32, #tpu.memory_space<hbm>> -> memref<131072x512xf32, #tpu.memory_space<hbm>>
    tpu.enqueue_indirect_dma source(%arg9 : memref<32x512xf32, #tpu.memory_space<vmem>>) target(%dma_start3A_450 : memref<131072x512xf32, #tpu.memory_space<hbm>>) offsets(%arg15 : memref<32xi32, #tpu.memory_space<vmem>>) semaphore(%arg27 : memref<!tpu.dma_semaphore, #tpu.memory_space<semaphore_mem>>)
    %dma_wait3A_451 = arith.constant 0 : i32
    %dma_wait3A_452 = arith.constant 0 : i32
    %dma_wait3A_453 = tpu.memref_slice %arg5[%dma_wait3A_451, %dma_wait3A_452] : memref<131072x512xf32, #tpu.memory_space<hbm>> -> memref<131072x512xf32, #tpu.memory_space<hbm>>
    tpu.wait_indirect_dma semaphore(%arg31 : memref<!tpu.dma_semaphore, #tpu.memory_space<semaphore_mem>>) src(%arg13 : memref<32x512xf32, #tpu.memory_space<vmem>>) dst(%dma_wait3A_453 : memref<131072x512xf32, #tpu.memory_space<hbm>>)
    %dma_wait3A_454 = arith.constant 0 : i32
    %dma_wait3A_455 = arith.constant 0 : i32
    %dma_wait3A_456 = tpu.memref_slice %arg5[%dma_wait3A_454, %dma_wait3A_455] : memref<131072x512xf32, #tpu.memory_space<hbm>> -> memref<131072x512xf32, #tpu.memory_space<hbm>>
    tpu.wait_indirect_dma semaphore(%arg26 : memref<!tpu.dma_semaphore, #tpu.memory_space<semaphore_mem>>) src(%arg8 : memref<32x512xf32, #tpu.memory_space<vmem>>) dst(%dma_wait3A_456 : memref<131072x512xf32, #tpu.memory_space<hbm>>)
    %dma_wait3A_457 = arith.constant 0 : i32
    %dma_wait3A_458 = arith.constant 0 : i32
    %dma_wait3A_459 = tpu.memref_slice %arg5[%dma_wait3A_457, %dma_wait3A_458] : memref<131072x512xf32, #tpu.memory_space<hbm>> -> memref<131072x512xf32, #tpu.memory_space<hbm>>
    tpu.wait_indirect_dma semaphore(%arg27 : memref<!tpu.dma_semaphore, #tpu.memory_space<semaphore_mem>>) src(%arg9 : memref<32x512xf32, #tpu.memory_space<vmem>>) dst(%dma_wait3A_459 : memref<131072x512xf32, #tpu.memory_space<hbm>>)
    return
  }
}

</mosaic_0001>

<sc_bundles>
// kernel: kernel.3.cloned.1.call-start
scs
__scs_entry_jumppad:
0x0: {  	(pc) =	sbr.rel $0x88, $3  }
0x1: {  	(tag) =	ssettag $0x0;
	lr =	simm.s32 $0x1  }
0x2: {  	[smem:$0x3F9E] =	sst lr;
	_ =	strace $0xD0000000  }
0x3: {  	_ = 	snop  }
0x4: {  	_ = 	snop  }
0x5: {  	_ = 	snop  }
0x6: {  	_ = 	snop  }
0x7: {  	_ = 	snop  }
__scs_overlays_trampoline_lowered:
0x8: {  	[smem:$0x3FAD] =	sst s0  }
0x9: {  	[smem:$0x3FAE] =	sst s1  }
0xa: {  	[smem:$0x3FAF] =	sst s2  }
0xb: {  	[smem:$0x3FB0] =	sst s3  }
0xc: {  	[smem:$0x3FB1] =	sst s4  }
0xd: {  	[smem:$0x3FB2] =	sst s5  }
0xe: {  	[smem:$0x3FB3] =	sst s6  }
0xf: {  	[smem:$0x3FB4] =	sst s7  }
0x10: {  	[smem:$0x3FB5] =	sst s8  }
0x11: {  	[smem:$0x3FB6] =	sst s9;
	s0 =	simm.s32 @!p0 $0x0  }
0x12: {  	s1 =	sld [smem:$0x3F9C];
	s0 =	simm.s32 @p0 $0x1  }
0x13: {  	[smem:$0x3FB7] =	sst s0;
	s0 =	simm.s32 @!p1 $0x0  }
0x14: {  	s2 =	sld [smem:$0x3F9B];
	s0 =	simm.s32 @p1 $0x1  }
0x15: {  	[smem:$0x3FB8] =	sst s0;
	s0 =	simm.s32 @!p2 $0x0  }
0x16: {  	s3 =	sld [smem:$0x3FDB];
	s0 =	simm.s32 @p2 $0x1  }
0x17: {  	s4 =	simm.s32 $0x1BF5;
	[smem:$0x3FBA] =	sst s0  }
0x18: {  	s0 =	sld [smem:$0x3F9D];
	_ =	swait.ge [sflag:s4], $0x0  }
0x19: {  	s7 =	sld [smem:$0x3F9E]  }
0x1a: {  	s8 =	sadd.s32 $0xFFFFE003, lr  }
0x1b: {  	s9 =	sadd.s32 $0xFFFFFEF7, lr;
	s5 =	simm.s32 $0xFFFFFFFF;
	p2 =	slt.u32 s8, $0xFFFFF086  }
0x1c: {  	p1 =	slt.u32 s9, $0xF7A;
	s5 =	simm.s32 @!p2 $0x0  }
0x1d: {  	s5 =	simm.s32 @p1 $0x1;
	p0 =	seq.s32 s7, s2  }
0x1e: {  	s7 =	smul.u32 @!p0 $0xF7A, s2;
	p2 =	seq.s32 @!p0 s5, $0x0  }
0x1f: {  	s9 =	smul.u32 $0xF7A, s1;
	s8 =	simm.s32 @!p0 $0x1BF5;
	p2 =	por !p2, p0  }
0x20: {  	[sflag:s8] =	ssyncset.s32 @!p0 $0xFFFFF086;
	s6 =	sadd.s32 @!p0 s3, s7;
	s7 =	simm.s32 @!p0 $0x108  }
0x21: {  	s3 =	sadd.s32 s3, s9;
	s6 =	sadd.s32 @!p0 $0x88, s6;
	s7 =	simm.s32 @p2 $0x1082  }
0x22: {  	[simem:s7], [sflag:s8] =	dma.local @!p0 [hbm:s6], $0xF7A  }
0x23: {  	s9 =	sor.u32 $0xD0000000, s2;
	s6 =	simm.s32 $0x108;
	_ =	swait.ge @!p0 [sflag:s8], $0x0  }
0x24: {  	s3 =	sadd.s32 $0x88, s3;
	s6 =	simm.s32 @!p1 $0x1082;
	[sflag:s4] =	ssyncset.s32 $0xFFFFF086  }
0x25: {  	[simem:s6], [sflag:s4] =	dma.local [hbm:s3], $0xF7A  }
0x26: {  	[smem:$0x3F9E] =	sst s1;
	(tag) =	ssettag s2;
	_ =	strace s9  }
0x27: {  	s1 =	sld [smem:$0x3FAE]  }
0x28: {  	s2 =	sld [smem:$0x3FAF]  }
0x29: {  	s4 =	sld [smem:$0x3FB1]  }
0x2a: {  	p0 =	seq.s32 s5, $0x0;
	s5 =	sld [smem:$0x3FB2]  }
0x2b: {  	s6 =	sld [smem:$0x3FB3]  }
0x2c: {  	s7 =	sld [smem:$0x3FB4]  }
0x2d: {  	s3 =	simm.s32 $0x108;
	s8 =	sld [smem:$0x3FB5]  }
0x2e: {  	s3 =	simm.s32 @!p0 $0x1082;
	s9 =	sld [smem:$0x3FB6]  }
0x2f: {  	lr =	sadd.s32 s0, s3;
	s0 =	sld [smem:$0x3FAD]  }
0x30: {  	s3 =	sld [smem:$0x3FB0]  }
0x31: {  	[smem:$0x3FB9] =	sst s10  }
0x32: {  	s10 =	sld [smem:$0x3FB7];
	_ =	sdelay $0x3  }
0x33: {  	p0 =	seq.s32 s10, $0x1;
	s10 =	sld [smem:$0x3FB9];
	_ =	sdelay $0x3  }
0x34: {  	[smem:$0x3FB9] =	sst s10  }
0x35: {  	s10 =	sld [smem:$0x3FB8];
	_ =	sdelay $0x3  }
0x36: {  	p1 =	seq.s32 s10, $0x1;
	s10 =	sld [smem:$0x3FB9];
	_ =	sdelay $0x3  }
0x37: {  	[smem:$0x3FB9] =	sst s10  }
0x38: {  	s10 =	sld [smem:$0x3FBA]  }
0x39: {  	_ = 	snop;
	(pc) =	sbr.ind lr, $3  }
0x3a: {  	_ = 	snop  }
0x3b: {  	_ = 	snop  }
0x3c: {  	p2 =	seq.s32 s10, $0x1;
	s10 =	sld [smem:$0x3FB9]  }
0x3d: {  	_ =	shalt  }
0x3e: {  	_ =	shalt  }
0x3f: {  	_ =	shalt  }
0x40: {  	_ =	shalt  }
0x41: {  	_ =	shalt  }
0x42: {  	_ =	shalt  }
0x43: {  	_ =	shalt  }
0x44: {  	_ =	shalt  }
0x45: {  	_ =	shalt  }
0x46: {  	_ =	shalt  }
0x47: {  	_ =	shalt  }
0x48: {  	_ =	shalt  }
0x49: {  	_ =	shalt  }
0x4a: {  	_ =	shalt  }
0x4b: {  	_ =	shalt  }
0x4c: {  	_ =	shalt  }
0x4d: {  	_ =	shalt  }
0x4e: {  	_ =	shalt  }
0x4f: {  	_ =	shalt  }
0x50: {  	_ =	shalt  }
0x51: {  	_ =	shalt  }
0x52: {  	_ =	shalt  }
0x53: {  	_ =	shalt  }
0x54: {  	_ =	shalt  }
0x55: {  	_ =	shalt  }
0x56: {  	_ =	shalt  }
0x57: {  	_ =	shalt  }
0x58: {  	_ =	shalt  }
0x59: {  	_ =	shalt  }
0x5a: {  	_ =	shalt  }
0x5b: {  	_ =	shalt  }
0x5c: {  	_ =	shalt  }
0x5d: {  	_ =	shalt  }
0x5e: {  	_ =	shalt  }
0x5f: {  	_ =	shalt  }
0x60: {  	_ =	shalt  }
0x61: {  	_ =	shalt  }
0x62: {  	_ =	shalt  }
0x63: {  	_ =	shalt  }
0x64: {  	_ =	shalt  }
0x65: {  	_ =	shalt  }
0x66: {  	_ =	shalt  }
0x67: {  	_ =	shalt  }
0x68: {  	_ =	shalt  }
0x69: {  	_ =	shalt  }
0x6a: {  	_ =	shalt  }
0x6b: {  	_ =	shalt  }
0x6c: {  	_ =	shalt  }
0x6d: {  	_ =	shalt  }
0x6e: {  	_ =	shalt  }
0x6f: {  	_ =	shalt  }
0x70: {  	_ =	shalt  }
0x71: {  	_ =	shalt  }
0x72: {  	_ =	shalt  }
0x73: {  	_ =	shalt  }
0x74: {  	_ =	shalt  }
0x75: {  	_ =	shalt  }
0x76: {  	_ =	shalt  }
0x77: {  	_ =	shalt  }
0x78: {  	_ =	shalt  }
0x79: {  	_ =	shalt  }
0x7a: {  	_ =	shalt  }
0x7b: {  	_ =	shalt  }
0x7c: {  	_ =	shalt  }
0x7d: {  	_ =	shalt  }
0x7e: {  	_ =	shalt  }
0x7f: {  	_ =	shalt  }
0x80: {  	_ =	shalt  }
0x81: {  	_ =	shalt  }
0x82: {  	_ =	shalt  }
0x83: {  	_ =	shalt  }
0x84: {  	_ =	shalt  }
0x85: {  	_ =	shalt  }
0x86: {  	_ =	shalt  }
0x87: {  	_ =	shalt  }
.Lfunc_end0:
.L_simem_size_0:
called_computation_lowered:
.L_overlay_start_0:
0x88: {  	s2 =	sld [smem:$0x3FD9]  }
0x89: {  	s3 =	sld [smem:$0x3FFE];
	_ =	sdelay $0x1  }
0x8a: {  	s1 =	srdreg.scid  }
0x8b: {  	s0 =	sand.u32 $0x1, s1  }
0x8c: {  	s17 =	sshll.u32 s0, $0xA;
	s2 =	sadd.s32 s3, s2  }
0x8d: {  	s2 =	sadd.s32 s2, s17  }
0x8e: {  	[smem:$0x3FC5] =	sst s2  }
0x8f: {  	_ = 	snop  }
0x90: {  	s2 =	sld [smem:$0x3FC8]  }
0x91: {  	s18 =	sld [smem:$0x3FD0];
	(tm) =	ssettm $0x1  }
0x92: {  	s4 =	sld [smem:$0x3FFB];
	_ =	sdelay $0x3  }
0x93: {  	_ =	strace s4  }
0x94: {  	s4 =	sld [smem:$0x3FFC];
	_ =	sdelay $0x3  }
0x95: {  	_ =	strace s4  }
0x96: {  	s4 =	sld [smem:$0x3FFD];
	_ =	sdelay $0x3  }
0x97: {  	_ =	strace s4  }
0x98: {  	_ =	strace $0x8FFFFFFF  }
0x99: {  	s19 =	sld [smem:$0x3FDB];
	_ =	sdelay $0x1  }
0x9a: {  	s5 =	simm.s32 $_scs_section_size  }
0x9b: {  	s6 =	simm.s32 $_size__tile_overlayer_lowered;
	s7 =	simm.s32 $_tile_overlayer_lowered  }
0x9c: {  	s22 =	simm.s32 $0x1BFF;
	s21 =	sshll.u32 s7, $0x1;
	s4 =	sadd.s32 s5, s19  }
0x9d: {  	s8 =	simm.s32 $0x0;
	s20 =	sshll.u32 s6, $0x1;
	s6 =	sadd.s32 s21, s4  }
0x9e: {  	[timem:s8], [sflag:s22] =	dma.local [hbm:s6], s20  }
0x9f: {  	_ =	swait.ge [sflag:s22], s20  }
0xa0: {  	s5 =	ssub.s32 $0x0, s20;
	[sflag:s22] =	ssyncset.done $0x0  }
0xa1: {  	[sflag:s22] =	ssyncadd.s32 s5;
	_ =	sdelay $0x1  }
0xa2: {  	s23 =	simm.s32 $0x1B8B  }
0xa3: {  	_ =	swait.ge [sflag:s23], $0x1  }
0xa4: {  	[sflag:s23] =	ssyncset.done $0x0  }
0xa5: {  	s25 =	simm.s32 $0x1B8E;
	s24 =	sld [smem:$0x3FFE];
	[sflag:s23] =	ssyncadd.s32 $0xFFFFFFFF  }
0xa6: {  	s26 =	simm.s32 $execute0_lowered;
	[smem:$0x3FD2] =	sst s25  }
0xa7: {  	s6 =	sshll.u32 s26, $0x1;
	_ =	strace $0x80000046;
	[dreg:$0x1] =	wrdreg $0xFFFFFFFF  }
0xa8: {  	s28 =	simm.s32 $_size_execute0_lowered;
	s4 =	sadd.s32 s4, s6;
	[dreg:$0x0] =	wrdreg $0x0  }
0xa9: {  	s6 =	sshll.u32 s28, $0x1;
	[dreg:$0x2] =	wrdreg s4  }
0xaa: {  	[dreg:$0x3] =	wrdreg s6  }
0xab: {  	[dreg:$0x4] =	wrdreg $0xC0  }
0xac: {  	_ =	task [dreg:s8], $0x5FFFF  }
0xad: {  	[dreg:$0x1] =	wrdreg $0xFFFFFFFF  }
0xae: {  	[dreg:$0x0] =	wrdreg $0x60  }
0xaf: {  	[dreg:$0x2] =	wrdreg s24  }
0xb0: {  	[dreg:$0x3] =	wrdreg s2  }
0xb1: {  	[dreg:$0x4] =	wrdreg s18  }
0xb2: {  	[dreg:$0x5] =	wrdreg $0x9  }
0xb3: {  	_ =	task.clear_ibuf [dreg:s8], $0x6FFFF;
	_ =	strace $0x90000046  }
0xb4: {  	s29 =	simm.s32 $0x9;
	_ =	strace $0x80000048  }
0xb5: {  	_ =	swait.ge [sflag:s29], $0x1  }
0xb6: {  	[sflag:s29] =	ssyncadd.s32 $0xFFFFFFFF  }
0xb7: {  	_ =	strace $0x90000048  }
0xb8: {  	_ =	sfence  }
0xb9: {  	s30 =	sld [smem:$0x0];
	_ =	sdelay $0x2  }
0xba: {  	s31 =	sshll.u32 s1, $0xD;
	s1 =	sshrl.u32 s1, $0x2  }
0xbb: {  	s3 =	sand.u32 $0x4000, s31;
	s1 =	sadd.s32 s1, s30  }
0xbc: {  	s0 =	sor.u32 s3, s0;
	s1 =	sshll.u32 s1, $0x11  }
0xbd: {  	s0 =	sor.u32 s1, s0  }
0xbe: {  	s0 =	sadd.s32 $0x8F2B, s0  }
0xbf: {  	[sflag:s0] =	ssyncadd.remote.s32 $0x1  }
0xc0: {  	_ =	sfence.sel $0xFFFF  }
0xc1: {  	[dreg:$0x0] =	wrdreg $0xFFFFFFFF;
	(pc) =	sbr.abs _section_cstart, $3  }
0xc2: {  	[dreg:$0x1] =	wrdreg $0xFFFFFFFF  }
0xc3: {  	_ =	task.clear_ibuf [dreg:s8], $0x2FFFF;
	_ =	strace $0x9FFFFFFF  }
0xc4: {  	(tm) =	ssettm $0x7FFFFFFF  }
0xc5: {  	_ =	shalt  }
tec
execute0_lowered:
.L_overlay_start_1:
0x0: {  	(tag) =	ssettag $0x1  }
0x1: {  	s0 =	rddreg [dreg:$0x0]  }
0x2: {  	s1 =	rddreg [dreg:$0x1]  }
0x3: {  	s3 =	rddreg [dreg:$0x2]  }
0x4: {  	s4 =	simm.s32 $0x0;
	s2 =	srdreg.scid;
	s5 =	stileid.u32  }
0x5: {  	s17 =	simm.s32 $0x9000;
	s18 =	simm.s32 $0x9800;
	s19 =	simm.s32 $0xA000  }
0x6: {  	s20 =	simm.s32 $0xA800;
	s21 =	simm.s32 $0xB000;
	s10 =	simm.s32 $0x1  }
0x7: {  	s11 =	simm.s32 $0x2;
	s31 =	simm.s32 $0x3;
	s12 =	simm.s32 $0x8  }
0x8: {  	s30 =	simm.s32 $0x6;
	s13 =	simm.s32 $0xA;
	s15 =	simm.s32 $0x0  }
0x9: {  	s29 =	simm.s32 $0xB800;
	s28 =	simm.s32 $0xC000;
	[smem:$0x7FF] =	sst s4  }
0xa: {  	s2 =	sand.u32 $0x1, s2;
	s5 =	sshll.u32 s5, $0x1;
	s9 =	sadd.s32 $0x100, s3  }
0xb: {  	_ =	strace $0x80000047;
	s5 =	sor.u32 s2, s5;
	s2 =	ssub.s32 $0x2, s2  }
0xc: {  	s6 =	sshll.u32 s5, $0xB;
	s7 =	sshll.u32 s5, $0x8;
	s24 =	sshrl.u32 s2, $0x1  }
0xd: {  	v8 =	vlaneseq.u32;
	s8 =	sshll.u32 s5, $0x2;
	s6 =	sadd.s32 s6, s0;
	s0 =	sadd.s32 s7, s0  }
0xe: {  	v0 =	vmul.u32 $0x80, v8;
	s2 =	ssub.s32 s2, s24;
	s7 =	sadd.s32 $0x100, s1;
	s6 =	sadd.s32 $0x2400, s6  }
0xf: {  	vm0 =	vmmov $0xffff;
	s5 =	sor.u32 $0x1E003, s8;
	s0 =	sadd.s32 $0x400, s0;
	[dreg:$0x4] =	wrdreg s6  }
0x10: {  	v6 =	vand.u32 $0x7, v8;
	v7 =	vshrl.u32 v8, $0x3;
	v1 =	vor.u32 $0x800, v0;
	s25 =	sor.u32 $0x1F003, s8;
	s26 =	smax.u32 s2, $0x1;
	[dreg:$0x5] =	wrdreg s0  }
0x11: {  	v8 =	vor.u32 $0x8, v8;
	v2 =	vor.u32 s5, v0;
	v3 =	vor.u32 s5, v1;
	s2 =	simm.s32 $0x4;
	s5 =	simm.s32 $0x5;
	[dreg:$0x6] =	wrdreg s26  }
0x12: {  	v7 =	vmul.u32 $0x8, v7;
	v4 =	vor.u32 s25, v0;
	v5 =	vor.u32 s25, v1;
	s26 =	simm.s32 $0x8800;
	s0 =	simm.s32 $0x7;
	s6 =	simm.s32 $0x9  }
.LBB2_1:
0x13: {  	[dreg:$0x7] =	wrdreg s15  }
0x14: {  	s14 =	rddreg [dreg:$0x4];
	s24 =	simm.s32 $0xD  }
0x15: {  	[tilespmem:s4], [sflag:$0xD] =	stream.linear.gather [hbm4b:s14+s4], $0x4000, $0x38;
	[tilespmem:$0x1CB00] =	vst v63  }
0x16: {  	_ =	swait.ge [sflag:s24], $0x4000  }
0x17: {  	[sflag:s24] =	ssyncset.done $0x0  }
0x18: {  	s16 =	simm.s32 $0x4000;
	s25 =	rddreg [dreg:$0x5];
	[sflag:s24] =	ssyncadd.s32 $0xFFFFC000  }
0x19: {  	[tilespmem:s16], [sflag:$0xD] =	stream.linear.gather [hbm4b:s25+s4], $0x800, $0x38;
	[tilespmem:$0x1CB00] =	vst v63  }
0x1a: {  	_ =	swait.ge [sflag:s24], $0x800  }
0x1b: {  	[sflag:s24] =	ssyncset.done $0x0  }
0x1c: {  	[sflag:s24] =	ssyncadd.s32 $0xFFFFF800  }
0x1d: {  	v9 =	vld [tilespmem:$0x0];
	_ =	sdelay $0x4  }
0x1e: {  	v10 =	vshll.u32 v9, $0x2  }
0x1f: {  	v9 =	vand.u32 $0x7, v9;
	v10 =	vand.u32 $0xFFFFFFE0, v10  }
0x20: {  	v9 =	vor.u32 v9, v10  }
0x21: {  	v10 =	vperm.xlane v9, v6;
	_ =	sdelay $0x1  }
0x22: {  	v10 =	vadd.s32 v7, v10;
	_ =	sdelay $0x1  }
0x23: {  	v9 =	vperm.xlane v9, v8;
	_ =	sdelay $0x1  }
0x24: {  	s24 =	simm.s32 $0x4800;
	v9 =	vadd.s32 v7, v9  }
0x25: {  	[tilespmem:s24], [sflag:$0x1] =	stream.indirect_vreg.gather [hbm4b:s1+s4], $0x80, v10, vm0, $0xb8;
	[tilespmem:$0x1CB00] =	vst v63  }
0x26: {  	s25 =	simm.s32 $0x5000  }
0x27: {  	[tilespmem:s25], [sflag:$0x1] =	stream.indirect_vreg.gather [hbm4b:s7+s4], $0x80, v10, vm0, $0xb8;
	[tilespmem:$0x1CB00] =	vst v63  }
0x28: {  	s15 =	simm.s32 $0x5800  }
0x29: {  	[tilespmem:s15], [sflag:$0x1] =	stream.indirect_vreg.gather [hbm4b:s1+s4], $0x80, v9, vm0, $0xb8;
	[tilespmem:$0x1CB00] =	vst v63  }
0x2a: {  	s16 =	simm.s32 $0x6000  }
0x2b: {  	[tilespmem:s16], [sflag:$0x1] =	stream.indirect_vreg.gather [hbm4b:s7+s4], $0x80, v9, vm0, $0xb8;
	[tilespmem:$0x1CB00] =	vst v63  }
0x2c: {  	v9 =	vld [tilespmem:$0x10];
	_ =	sdelay $0x4  }
0x2d: {  	v10 =	vshll.u32 v9, $0x2  }
0x2e: {  	v9 =	vand.u32 $0x7, v9;
	v10 =	vand.u32 $0xFFFFFFE0, v10  }
0x2f: {  	v9 =	vor.u32 v9, v10  }
0x30: {  	v10 =	vperm.xlane v9, v6;
	_ =	sdelay $0x1  }
0x31: {  	v10 =	vadd.s32 v7, v10;
	_ =	sdelay $0x1  }
0x32: {  	v9 =	vperm.xlane v9, v8;
	_ =	sdelay $0x1  }
0x33: {  	s24 =	simm.s32 $0x6800;
	v9 =	vadd.s32 v7, v9  }
0x34: {  	[tilespmem:s24], [sflag:$0x1] =	stream.indirect_vreg.gather [hbm4b:s1+s4], $0x80, v10, vm0, $0xb8;
	[tilespmem:$0x1CB00] =	vst v63  }
0x35: {  	s25 =	simm.s32 $0x7000  }
0x36: {  	[tilespmem:s25], [sflag:$0x1] =	stream.indirect_vreg.gather [hbm4b:s7+s4], $0x80, v10, vm0, $0xb8;
	[tilespmem:$0x1CB00] =	vst v63  }
0x37: {  	s15 =	simm.s32 $0x7800  }
0x38: {  	[tilespmem:s15], [sflag:$0x1] =	stream.indirect_vreg.gather [hbm4b:s1+s4], $0x80, v9, vm0, $0xb8;
	[tilespmem:$0x1CB00] =	vst v63  }
0x39: {  	s16 =	simm.s32 $0x8000  }
0x3a: {  	[tilespmem:s16], [sflag:$0x1] =	stream.indirect_vreg.gather [hbm4b:s7+s4], $0x80, v9, vm0, $0xb8;
	[tilespmem:$0x1CB00] =	vst v63  }
0x3b: {  	v9 =	vld [tilespmem:$0x80];
	_ =	sdelay $0x4  }
0x3c: {  	v10 =	vshll.u32 v9, $0x2  }
0x3d: {  	v9 =	vand.u32 $0x7, v9;
	v10 =	vand.u32 $0xFFFFFFE0, v10  }
0x3e: {  	v9 =	vor.u32 v9, v10  }
0x3f: {  	v10 =	vperm.xlane v9, v6;
	_ =	sdelay $0x1  }
0x40: {  	v10 =	vadd.s32 v7, v10;
	_ =	sdelay $0x1  }
0x41: {  	v9 =	vperm.xlane v9, v8;
	_ =	sdelay $0x1  }
0x42: {  	v9 =	vadd.s32 v7, v9  }
0x43: {  	[tilespmem:s26], [sflag:$0x2] =	stream.indirect_vreg.gather [hbm4b:s1+s4], $0x80, v10, vm0, $0xb8;
	[tilespmem:$0x1CB00] =	vst v63  }
0x44: {  	_ = 	snop  }
0x45: {  	[tilespmem:s17], [sflag:$0x2] =	stream.indirect_vreg.gather [hbm4b:s7+s4], $0x80, v10, vm0, $0xb8;
	[tilespmem:$0x1CB00] =	vst v63  }
0x46: {  	_ = 	snop  }
0x47: {  	[tilespmem:s18], [sflag:$0x2] =	stream.indirect_vreg.gather [hbm4b:s1+s4], $0x80, v9, vm0, $0xb8;
	[tilespmem:$0x1CB00] =	vst v63  }
0x48: {  	_ = 	snop  }
0x49: {  	[tilespmem:s19], [sflag:$0x2] =	stream.indirect_vreg.gather [hbm4b:s7+s4], $0x80, v9, vm0, $0xb8;
	[tilespmem:$0x1CB00] =	vst v63  }
0x4a: {  	v9 =	vld [tilespmem:$0x90];
	_ =	sdelay $0x4  }
0x4b: {  	v10 =	vshll.u32 v9, $0x2  }
0x4c: {  	v9 =	vand.u32 $0x7, v9;
	v10 =	vand.u32 $0xFFFFFFE0, v10  }
0x4d: {  	v9 =	vor.u32 v9, v10  }
0x4e: {  	v10 =	vperm.xlane v9, v6;
	_ =	sdelay $0x1  }
0x4f: {  	v10 =	vadd.s32 v7, v10;
	_ =	sdelay $0x1  }
0x50: {  	v9 =	vperm.xlane v9, v8;
	_ =	sdelay $0x1  }
0x51: {  	v9 =	vadd.s32 v7, v9  }
0x52: {  	[tilespmem:s20], [sflag:$0x2] =	stream.indirect_vreg.gather [hbm4b:s1+s4], $0x80, v10, vm0, $0xb8;
	[tilespmem:$0x1CB00] =	vst v63  }
0x53: {  	_ = 	snop  }
0x54: {  	[tilespmem:s21], [sflag:$0x2] =	stream.indirect_vreg.gather [hbm4b:s7+s4], $0x80, v10, vm0, $0xb8;
	[tilespmem:$0x1CB00] =	vst v63  }
0x55: {  	s22 =	simm.s32 $0xB800  }
0x56: {  	[tilespmem:s22], [sflag:$0x2] =	stream.indirect_vreg.gather [hbm4b:s1+s4], $0x80, v9, vm0, $0xb8;
	[tilespmem:$0x1CB00] =	vst v63  }
0x57: {  	s23 =	simm.s32 $0xC000  }
0x58: {  	[tilespmem:s23], [sflag:$0x2] =	stream.indirect_vreg.gather [hbm4b:s7+s4], $0x80, v9, vm0, $0xb8;
	[tilespmem:$0x1CB00] =	vst v63  }
0x59: {  	v9 =	vld [tilespmem:$0x100];
	_ =	sdelay $0x4  }
0x5a: {  	v10 =	vshll.u32 v9, $0x2  }
0x5b: {  	v9 =	vand.u32 $0x7, v9;
	v10 =	vand.u32 $0xFFFFFFE0, v10  }
0x5c: {  	v9 =	vor.u32 v9, v10  }
0x5d: {  	v10 =	vperm.xlane v9, v6;
	_ =	sdelay $0x1  }
0x5e: {  	v10 =	vadd.s32 v7, v10;
	_ =	sdelay $0x1  }
0x5f: {  	v9 =	vperm.xlane v9, v8;
	_ =	sdelay $0x1  }
0x60: {  	s23 =	simm.s32 $0xC800;
	v9 =	vadd.s32 v7, v9  }
0x61: {  	[tilespmem:s23], [sflag:$0x3] =	stream.indirect_vreg.gather [hbm4b:s1+s4], $0x80, v10, vm0, $0xb8;
	[tilespmem:$0x1CB00] =	vst v63  }
0x62: {  	s24 =	simm.s32 $0xD000  }
0x63: {  	[tilespmem:s24], [sflag:$0x3] =	stream.indirect_vreg.gather [hbm4b:s7+s4], $0x80, v10, vm0, $0xb8;
	[tilespmem:$0x1CB00] =	vst v63  }
0x64: {  	s25 =	simm.s32 $0xD800  }
0x65: {  	[tilespmem:s25], [sflag:$0x3] =	stream.indirect_vreg.gather [hbm4b:s1+s4], $0x80, v9, vm0, $0xb8;
	[tilespmem:$0x1CB00] =	vst v63  }
0x66: {  	s26 =	simm.s32 $0xE000  }
0x67: {  	[tilespmem:s26], [sflag:$0x3] =	stream.indirect_vreg.gather [hbm4b:s7+s4], $0x80, v9, vm0, $0xb8;
	[tilespmem:$0x1CB00] =	vst v63  }
0x68: {  	v9 =	vld [tilespmem:$0x110];
	_ =	sdelay $0x4  }
0x69: {  	v10 =	vshll.u32 v9, $0x2  }
0x6a: {  	v9 =	vand.u32 $0x7, v9;
	v10 =	vand.u32 $0xFFFFFFE0, v10  }
0x6b: {  	v9 =	vor.u32 v9, v10  }
0x6c: {  	v10 =	vperm.xlane v9, v6;
	_ =	sdelay $0x1  }
0x6d: {  	v10 =	vadd.s32 v7, v10;
	_ =	sdelay $0x1  }
0x6e: {  	v9 =	vperm.xlane v9, v8;
	_ =	sdelay $0x1  }
0x6f: {  	s15 =	simm.s32 $0xE800;
	v9 =	vadd.s32 v7, v9  }
0x70: {  	[tilespmem:s15], [sflag:$0x3] =	stream.indirect_vreg.gather [hbm4b:s1+s4], $0x80, v10, vm0, $0xb8;
	[tilespmem:$0x1CB00] =	vst v63  }
0x71: {  	s16 =	simm.s32 $0xF000  }
0x72: {  	[tilespmem:s16], [sflag:$0x3] =	stream.indirect_vreg.gather [hbm4b:s7+s4], $0x80, v10, vm0, $0xb8;
	[tilespmem:$0x1CB00] =	vst v63  }
0x73: {  	s17 =	simm.s32 $0xF800  }
0x74: {  	[tilespmem:s17], [sflag:$0x3] =	stream.indirect_vreg.gather [hbm4b:s1+s4], $0x80, v9, vm0, $0xb8;
	[tilespmem:$0x1CB00] =	vst v63  }
0x75: {  	s18 =	simm.s32 $0x10000  }
0x76: {  	[tilespmem:s18], [sflag:$0x3] =	stream.indirect_vreg.gather [hbm4b:s7+s4], $0x80, v9, vm0, $0xb8;
	[tilespmem:$0x1CB00] =	vst v63  }
0x77: {  	v9 =	vld [tilespmem:$0x180];
	_ =	sdelay $0x4  }
0x78: {  	v10 =	vshll.u32 v9, $0x2  }
0x79: {  	v9 =	vand.u32 $0x7, v9;
	v10 =	vand.u32 $0xFFFFFFE0, v10  }
0x7a: {  	v9 =	vor.u32 v9, v10  }
0x7b: {  	v10 =	vperm.xlane v9, v6;
	_ =	sdelay $0x1  }
0x7c: {  	v10 =	vadd.s32 v7, v10;
	_ =	sdelay $0x1  }
0x7d: {  	v9 =	vperm.xlane v9, v8;
	_ =	sdelay $0x1  }
0x7e: {  	s19 =	simm.s32 $0x10800;
	v9 =	vadd.s32 v7, v9  }
0x7f: {  	[tilespmem:s19], [sflag:$0x4] =	stream.indirect_vreg.gather [hbm4b:s1+s4], $0x80, v10, vm0, $0xb8;
	[tilespmem:$0x1CB00] =	vst v63  }
0x80: {  	s20 =	simm.s32 $0x11000  }
0x81: {  	[tilespmem:s20], [sflag:$0x4] =	stream.indirect_vreg.gather [hbm4b:s7+s4], $0x80, v10, vm0, $0xb8;
	[tilespmem:$0x1CB00] =	vst v63  }
0x82: {  	s21 =	simm.s32 $0x11800  }
0x83: {  	[tilespmem:s21], [sflag:$0x4] =	stream.indirect_vreg.gather [hbm4b:s1+s4], $0x80, v9, vm0, $0xb8;
	[tilespmem:$0x1CB00] =	vst v63  }
0x84: {  	s22 =	simm.s32 $0x12000  }
0x85: {  	[tilespmem:s22], [sflag:$0x4] =	stream.indirect_vreg.gather [hbm4b:s7+s4], $0x80, v9, vm0, $0xb8;
	[tilespmem:$0x1CB00] =	vst v63  }
0x86: {  	v9 =	vld [tilespmem:$0x190];
	_ =	sdelay $0x4  }
0x87: {  	v10 =	vshll.u32 v9, $0x2  }
0x88: {  	v9 =	vand.u32 $0x7, v9;
	v10 =	vand.u32 $0xFFFFFFE0, v10  }
0x89: {  	v9 =	vor.u32 v9, v10  }
0x8a: {  	v10 =	vperm.xlane v9, v6;
	_ =	sdelay $0x1  }
0x8b: {  	v10 =	vadd.s32 v7, v10;
	_ =	sdelay $0x1  }
0x8c: {  	v9 =	vperm.xlane v9, v8;
	_ =	sdelay $0x1  }
0x8d: {  	s23 =	simm.s32 $0x12800;
	v9 =	vadd.s32 v7, v9  }
0x8e: {  	[tilespmem:s23], [sflag:$0x4] =	stream.indirect_vreg.gather [hbm4b:s1+s4], $0x80, v10, vm0, $0xb8;
	[tilespmem:$0x1CB00] =	vst v63  }
0x8f: {  	s24 =	simm.s32 $0x13000  }
0x90: {  	[tilespmem:s24], [sflag:$0x4] =	stream.indirect_vreg.gather [hbm4b:s7+s4], $0x80, v10, vm0, $0xb8;
	[tilespmem:$0x1CB00] =	vst v63  }
0x91: {  	s25 =	simm.s32 $0x13800  }
0x92: {  	[tilespmem:s25], [sflag:$0x4] =	stream.indirect_vreg.gather [hbm4b:s1+s4], $0x80, v9, vm0, $0xb8;
	[tilespmem:$0x1CB00] =	vst v63  }
0x93: {  	s14 =	simm.s32 $0x0;
	s26 =	simm.s32 $0x14000  }
0x94: {  	[tilespmem:s26], [sflag:$0x4] =	stream.indirect_vreg.gather [hbm4b:s7+s4], $0x80, v9, vm0, $0xb8;
	[tilespmem:$0x1CB00] =	vst v63  }
.LBB2_2:
0x95: {  	s15 =	smul.u32 $0x6000, s14  }
0x96: {  	s18 =	smul.u32 $0x6, s14  }
0x97: {  	s15 =	sand.u32 $0x1E000, s15  }
0x98: {  	s17 =	sshrl.u32 s18, $0x5;
	s19 =	sor.u32 s8, s15  }
0x99: {  	s15 =	sadd.s32 s17, s19  }
0x9a: {  	v9 =	vadd.s32 s15, v0  }
0x9b: {  	[tilespmem:$0x1C800] =	vst v9;
	v9 =	vadd.s32 s15, v1  }
0x9c: {  	[tilespmem:$0x1C810] =	vst v9  }
0x9d: {  	_ =	swait.ge [sflag:s10], $0x4000  }
0x9e: {  	s21 =	sshll.u32 s18, $0x4;
	[sflag:s10] =	ssyncset.done $0x0  }
0x9f: {  	s15 =	sand.u32 $0x3FFFFE00, s21;
	[sflag:s10] =	ssyncadd.s32 $0xFFFFC000  }
0xa0: {  	v9 =	vld [tilespmem:s15+$0x4000]  }
0xa1: {  	v10 =	vld [tilespmem:s15+$0x4010]  }
0xa2: {  	v11 =	vld [tilespmem:s15+$0x4020]  }
0xa3: {  	v12 =	vld [tilespmem:s15+$0x4030]  }
0xa4: {  	v13 =	vld [tilespmem:s15+$0x4040]  }
0xa5: {  	v14 =	vld [tilespmem:s15+$0x4050]  }
0xa6: {  	v15 =	vld [tilespmem:s15+$0x4060]  }
0xa7: {  	v16 =	vld [tilespmem:s15+$0x4070]  }
0xa8: {  	v17 =	vld [tilespmem:s15+$0x4080]  }
0xa9: {  	v18 =	vld [tilespmem:s15+$0x4090]  }
0xaa: {  	v21 =	vld [tilespmem:s15+$0x40A0]  }
0xab: {  	v24 =	vld [tilespmem:s15+$0x40B0]  }
0xac: {  	s16 =	simm.s32 $0x0;
	v19 =	vld [tilespmem:s15+$0x40C0]  }
0xad: {  	s20 =	sand.u32 $0x3000, s16;
	s16 =	sand.u32 $0x380, s16;
	v20 =	vld [tilespmem:s15+$0x40D0]  }
0xae: {  	s20 =	sor.u32 s16, s20;
	v22 =	vld [tilespmem:s15+$0x40E0]  }
0xaf: {  	s16 =	sor.u32 $0x4800, s20;
	v23 =	vld [tilespmem:s15+$0x40F0]  }
0xb0: {  	s22 =	sor.u32 $0x4810, s20;
	[tilespmem:s16+$0x0] =	vst.add.f32.msk $0xffff, v9  }
0xb1: {  	s23 =	sor.u32 $0x4820, s20;
	[tilespmem:s22+$0x0] =	vst.add.f32.msk $0xffff, v10  }
0xb2: {  	s24 =	sor.u32 $0x4830, s20;
	[tilespmem:s23+$0x0] =	vst.add.f32.msk $0xffff, v11  }
0xb3: {  	s25 =	sor.u32 $0x4840, s20;
	[tilespmem:s24+$0x0] =	vst.add.f32.msk $0xffff, v12  }
0xb4: {  	s26 =	sor.u32 $0x4850, s20;
	[tilespmem:s25+$0x0] =	vst.add.f32.msk $0xffff, v13  }
0xb5: {  	s21 =	sor.u32 $0x4860, s20;
	[tilespmem:s26+$0x0] =	vst.add.f32.msk $0xffff, v14  }
0xb6: {  	s22 =	sor.u32 $0x4870, s20;
	[tilespmem:s21+$0x0] =	vst.add.f32.msk $0xffff, v15  }
0xb7: {  	s23 =	sor.u32 $0x4C00, s20;
	[tilespmem:s22+$0x0] =	vst.add.f32.msk $0xffff, v16  }
0xb8: {  	s24 =	sor.u32 $0x4C10, s20;
	s21 =	simm.s32 $0x200;
	s22 =	simm.s32 $0x80;
	[tilespmem:s23+$0x0] =	vst.add.f32.msk $0xffff, v17  }
0xb9: {  	s25 =	sor.u32 $0x4C20, s20;
	s21 =	sand.u32 $0x3000, s21;
	s22 =	sand.u32 $0x380, s22;
	[tilespmem:s24+$0x0] =	vst.add.f32.msk $0xffff, v18  }
0xba: {  	s26 =	sor.u32 $0x4C30, s20;
	s16 =	sor.u32 s22, s21;
	[tilespmem:s25+$0x0] =	vst.add.f32.msk $0xffff, v21  }
0xbb: {  	s25 =	sor.u32 $0x4800, s16;
	[tilespmem:s26+$0x0] =	vst.add.f32.msk $0xffff, v24  }
0xbc: {  	s23 =	sor.u32 $0x4C40, s20;
	[tilespmem:s25+$0x0] =	vst.add.f32.msk $0xffff, v9  }
0xbd: {  	s26 =	sor.u32 $0x4810, s16;
	[tilespmem:s23+$0x0] =	vst.add.f32.msk $0xffff, v19  }
0xbe: {  	s24 =	sor.u32 $0x4C50, s20;
	[tilespmem:s26+$0x0] =	vst.add.f32.msk $0xffff, v10  }
0xbf: {  	s22 =	sor.u32 $0x4820, s16;
	[tilespmem:s24+$0x0] =	vst.add.f32.msk $0xffff, v20  }
0xc0: {  	s23 =	sor.u32 $0x4830, s16;
	[tilespmem:s22+$0x0] =	vst.add.f32.msk $0xffff, v11  }
0xc1: {  	s24 =	sor.u32 $0x4840, s16;
	[tilespmem:s23+$0x0] =	vst.add.f32.msk $0xffff, v12  }
0xc2: {  	s25 =	sor.u32 $0x4850, s16;
	[tilespmem:s24+$0x0] =	vst.add.f32.msk $0xffff, v13  }
0xc3: {  	s26 =	sor.u32 $0x4860, s16;
	[tilespmem:s25+$0x0] =	vst.add.f32.msk $0xffff, v14  }
0xc4: {  	s22 =	sor.u32 $0x4870, s16;
	[tilespmem:s26+$0x0] =	vst.add.f32.msk $0xffff, v15  }
0xc5: {  	s23 =	sor.u32 $0x4C00, s16;
	[tilespmem:s22+$0x0] =	vst.add.f32.msk $0xffff, v16  }
0xc6: {  	s24 =	sor.u32 $0x4C10, s16;
	[tilespmem:s23+$0x0] =	vst.add.f32.msk $0xffff, v17  }
0xc7: {  	s25 =	sor.u32 $0x4C20, s16;
	[tilespmem:s24+$0x0] =	vst.add.f32.msk $0xffff, v18  }
0xc8: {  	s24 =	sor.u32 $0x4C60, s20;
	[tilespmem:s25+$0x0] =	vst.add.f32.msk $0xffff, v21  }
0xc9: {  	s21 =	simm.s32 $0x100;
	s26 =	sor.u32 $0x4C30, s16;
	[tilespmem:s24+$0x0] =	vst.add.f32.msk $0xffff, v22  }
0xca: {  	s22 =	sor.u32 $0x4C40, s16;
	s23 =	simm.s32 $0x400;
	s20 =	sor.u32 $0x4C70, s20;
	[tilespmem:s26+$0x0] =	vst.add.f32.msk $0xffff, v24  }
.LBB2_3:
0xcb: {  	s24 =	sand.u32 $0x3000, s23  }
0xcc: {  	s25 =	sand.u32 $0x380, s21;
	[tilespmem:s20+$0x0] =	vst.add.f32.msk $0xffff, v23;
	s20 =	smov.u32 s23;
	s26 =	sadd.s32 $0x200, s23  }
0xcd: {  	p0 =	sne.s32 s23, $0x3E00;
	s24 =	sor.u32 s25, s24;
	[tilespmem:s22+$0x0] =	vst.add.f32.msk $0xffff, v19;
	s20 =	sor.u32 $0x4C50, s16  }
0xce: {  	s23 =	sor.u32 $0x4800, s24;
	s22 =	sor.u32 $0x4C40, s24;
	[tilespmem:s20+$0x0] =	vst.add.f32.msk $0xffff, v20  }
0xcf: {  	s20 =	sor.u32 $0x4810, s24;
	[tilespmem:s23+$0x0] =	vst.add.f32.msk $0xffff, v9  }
0xd0: {  	[tilespmem:s20+$0x0] =	vst.add.f32.msk $0xffff, v10;
	s20 =	sor.u32 $0x4820, s24  }
0xd1: {  	[tilespmem:s20+$0x0] =	vst.add.f32.msk $0xffff, v11;
	s20 =	sor.u32 $0x4830, s24  }
0xd2: {  	[tilespmem:s20+$0x0] =	vst.add.f32.msk $0xffff, v12;
	s20 =	sor.u32 $0x4840, s24  }
0xd3: {  	[tilespmem:s20+$0x0] =	vst.add.f32.msk $0xffff, v13;
	s20 =	sor.u32 $0x4850, s24  }
0xd4: {  	[tilespmem:s20+$0x0] =	vst.add.f32.msk $0xffff, v14;
	s20 =	sor.u32 $0x4860, s24  }
0xd5: {  	[tilespmem:s20+$0x0] =	vst.add.f32.msk $0xffff, v15;
	s20 =	sor.u32 $0x4870, s24  }
0xd6: {  	[tilespmem:s20+$0x0] =	vst.add.f32.msk $0xffff, v16;
	s20 =	sor.u32 $0x4C00, s24  }
.Ltmp0:
0xd7: {  	[tilespmem:s20+$0x0] =	vst.add.f32.msk $0xffff, v17;
	s20 =	sor.u32 $0x4C10, s24;
	(pc) =	sbr.rel @p0 .LBB2_3-.Ltmp0, $4  }
0xd8: {  	[tilespmem:s20+$0x0] =	vst.add.f32.msk $0xffff, v18;
	s20 =	sor.u32 $0x4C20, s24  }
0xd9: {  	[tilespmem:s20+$0x0] =	vst.add.f32.msk $0xffff, v21;
	s20 =	sor.u32 $0x4C30, s24  }
0xda: {  	s21 =	sadd.s32 $0x80, s21;
	[tilespmem:s20+$0x0] =	vst.add.f32.msk $0xffff, v24;
	s20 =	sor.u32 $0x4C60, s16  }
0xdb: {  	s23 =	smov.u32 s26;
	[tilespmem:s20+$0x0] =	vst.add.f32.msk $0xffff, v22;
	s20 =	sor.u32 $0x4C70, s16;
	s16 =	smov.u32 s24  }
0xdc: {  	[tilespmem:s20+$0x0] =	vst.add.f32.msk $0xffff, v23  }
0xdd: {  	[tilespmem:s22+$0x0] =	vst.add.f32.msk $0xffff, v19;
	s22 =	sor.u32 $0x4C50, s16  }
0xde: {  	s23 =	sor.u32 $0x4C60, s16;
	[tilespmem:s22+$0x0] =	vst.add.f32.msk $0xffff, v20  }
0xdf: {  	s24 =	sor.u32 $0x4C70, s16;
	[tilespmem:s23+$0x0] =	vst.add.f32.msk $0xffff, v22  }
0xe0: {  	[tilespmem:s24+$0x0] =	vst.add.f32.msk $0xffff, v23  }
0xe1: {  	v9 =	vld [tilespmem:s15+$0x4100]  }
0xe2: {  	v10 =	vld [tilespmem:s15+$0x4110]  }
0xe3: {  	v11 =	vld [tilespmem:s15+$0x4120]  }
0xe4: {  	v12 =	vld [tilespmem:s15+$0x4130]  }
0xe5: {  	v13 =	vld [tilespmem:s15+$0x4140]  }
0xe6: {  	v14 =	vld [tilespmem:s15+$0x4150]  }
0xe7: {  	v15 =	vld [tilespmem:s15+$0x4160]  }
0xe8: {  	v16 =	vld [tilespmem:s15+$0x4170]  }
0xe9: {  	v17 =	vld [tilespmem:s15+$0x4180]  }
0xea: {  	v18 =	vld [tilespmem:s15+$0x4190]  }
0xeb: {  	v19 =	vld [tilespmem:s15+$0x41A0]  }
0xec: {  	v24 =	vld [tilespmem:s15+$0x41F0]  }
0xed: {  	v20 =	vld [tilespmem:s15+$0x41B0]  }
0xee: {  	s25 =	simm.s32 $0x0;
	v21 =	vld [tilespmem:s15+$0x41C0]  }
0xef: {  	s26 =	sand.u32 $0x3000, s25;
	s16 =	sand.u32 $0x380, s25;
	v22 =	vld [tilespmem:s15+$0x41D0]  }
0xf0: {  	s16 =	sor.u32 s16, s26;
	v23 =	vld [tilespmem:s15+$0x41E0]  }
0xf1: {  	[tilespmem:s16+$0x5470] =	vst.add.f32.msk $0xffff, v24  }
0xf2: {  	[tilespmem:s16+$0x5000] =	vst.add.f32.msk $0xffff, v9  }
0xf3: {  	[tilespmem:s16+$0x5010] =	vst.add.f32.msk $0xffff, v10  }
0xf4: {  	[tilespmem:s16+$0x5020] =	vst.add.f32.msk $0xffff, v11  }
0xf5: {  	[tilespmem:s16+$0x5030] =	vst.add.f32.msk $0xffff, v12  }
0xf6: {  	[tilespmem:s16+$0x5040] =	vst.add.f32.msk $0xffff, v13  }
0xf7: {  	[tilespmem:s16+$0x5050] =	vst.add.f32.msk $0xffff, v14  }
0xf8: {  	[tilespmem:s16+$0x5060] =	vst.add.f32.msk $0xffff, v15  }
0xf9: {  	[tilespmem:s16+$0x5070] =	vst.add.f32.msk $0xffff, v16  }
0xfa: {  	[tilespmem:s16+$0x5400] =	vst.add.f32.msk $0xffff, v17  }
0xfb: {  	[tilespmem:s16+$0x5410] =	vst.add.f32.msk $0xffff, v18  }
0xfc: {  	[tilespmem:s16+$0x5420] =	vst.add.f32.msk $0xffff, v19  }
0xfd: {  	[tilespmem:s16+$0x5430] =	vst.add.f32.msk $0xffff, v20  }
0xfe: {  	s21 =	simm.s32 $0x200;
	s20 =	simm.s32 $0x80;
	[tilespmem:s16+$0x5440] =	vst.add.f32.msk $0xffff, v21  }
0xff: {  	s22 =	sand.u32 $0x3000, s21;
	s21 =	simm.s32 $0x400;
	s23 =	sand.u32 $0x380, s20;
	[tilespmem:s16+$0x5450] =	vst.add.f32.msk $0xffff, v22  }
.LBB2_5:
0x100: {  	p0 =	sne.s32 s21, $0x3E00;
	[tilespmem:s16+$0x5460] =	vst.add.f32.msk $0xffff, v23;
	s16 =	sor.u32 s23, s22  }
0x101: {  	[tilespmem:s16+$0x5470] =	vst.add.f32.msk $0xffff, v24  }
0x102: {  	[tilespmem:s16+$0x5000] =	vst.add.f32.msk $0xffff, v9  }
0x103: {  	[tilespmem:s16+$0x5010] =	vst.add.f32.msk $0xffff, v10  }
0x104: {  	[tilespmem:s16+$0x5020] =	vst.add.f32.msk $0xffff, v11  }
0x105: {  	[tilespmem:s16+$0x5030] =	vst.add.f32.msk $0xffff, v12  }
0x106: {  	[tilespmem:s16+$0x5040] =	vst.add.f32.msk $0xffff, v13  }
0x107: {  	[tilespmem:s16+$0x5050] =	vst.add.f32.msk $0xffff, v14  }
0x108: {  	[tilespmem:s16+$0x5060] =	vst.add.f32.msk $0xffff, v15  }
0x109: {  	[tilespmem:s16+$0x5070] =	vst.add.f32.msk $0xffff, v16  }
0x10a: {  	[tilespmem:s16+$0x5400] =	vst.add.f32.msk $0xffff, v17  }
.Ltmp1:
0x10b: {  	[tilespmem:s16+$0x5410] =	vst.add.f32.msk $0xffff, v18;
	(pc) =	sbr.rel @p0 .LBB2_5-.Ltmp1, $4  }
0x10c: {  	[tilespmem:s16+$0x5420] =	vst.add.f32.msk $0xffff, v19  }
0x10d: {  	[tilespmem:s16+$0x5430] =	vst.add.f32.msk $0xffff, v20  }
0x10e: {  	s20 =	sadd.s32 $0x80, s20;
	[tilespmem:s16+$0x5440] =	vst.add.f32.msk $0xffff, v21  }
0x10f: {  	s22 =	sand.u32 $0x3000, s21;
	s21 =	sadd.s32 $0x200, s21;
	s23 =	sand.u32 $0x380, s20;
	[tilespmem:s16+$0x5450] =	vst.add.f32.msk $0xffff, v22  }
0x110: {  	s20 =	sor.u32 s23, s22;
	[tilespmem:s16+$0x5460] =	vst.add.f32.msk $0xffff, v23  }
0x111: {  	[tilespmem:s20+$0x5470] =	vst.add.f32.msk $0xffff, v24  }
0x112: {  	[tilespmem:s20+$0x5000] =	vst.add.f32.msk $0xffff, v9  }
0x113: {  	[tilespmem:s20+$0x5010] =	vst.add.f32.msk $0xffff, v10  }
0x114: {  	[tilespmem:s20+$0x5020] =	vst.add.f32.msk $0xffff, v11  }
0x115: {  	[tilespmem:s20+$0x5030] =	vst.add.f32.msk $0xffff, v12  }
0x116: {  	[tilespmem:s20+$0x5040] =	vst.add.f32.msk $0xffff, v13  }
0x117: {  	[tilespmem:s20+$0x5050] =	vst.add.f32.msk $0xffff, v14  }
0x118: {  	[tilespmem:s20+$0x5060] =	vst.add.f32.msk $0xffff, v15  }
0x119: {  	[tilespmem:s20+$0x5070] =	vst.add.f32.msk $0xffff, v16  }
0x11a: {  	[tilespmem:s20+$0x5400] =	vst.add.f32.msk $0xffff, v17  }
0x11b: {  	[tilespmem:s20+$0x5410] =	vst.add.f32.msk $0xffff, v18  }
0x11c: {  	[tilespmem:s20+$0x5420] =	vst.add.f32.msk $0xffff, v19  }
0x11d: {  	[tilespmem:s20+$0x5430] =	vst.add.f32.msk $0xffff, v20  }
0x11e: {  	[tilespmem:s20+$0x5440] =	vst.add.f32.msk $0xffff, v21  }
0x11f: {  	[tilespmem:s20+$0x5450] =	vst.add.f32.msk $0xffff, v22  }
0x120: {  	[tilespmem:s20+$0x5460] =	vst.add.f32.msk $0xffff, v23  }
0x121: {  	v9 =	vld [tilespmem:$0x1C800];
	_ =	sdelay $0x4  }
0x122: {  	v10 =	vshll.u32 v9, $0x2  }
0x123: {  	v9 =	vand.u32 $0x7, v9;
	v10 =	vand.u32 $0xFFFFFFE0, v10  }
0x124: {  	v9 =	vor.u32 v9, v10  }
0x125: {  	v10 =	vperm.xlane v9, v6;
	_ =	sdelay $0x1  }
0x126: {  	v10 =	vadd.s32 v7, v10;
	_ =	sdelay $0x1  }
0x127: {  	v9 =	vperm.xlane v9, v8;
	_ =	sdelay $0x1  }
0x128: {  	s25 =	simm.s32 $0x4800;
	v9 =	vadd.s32 v7, v9  }
0x129: {  	[hbm4b:s3+s4] =	stream.indirect_vreg.scatter [tilespmem:s25], [sflag:$0x7], $0x80, v10, vm0, $0xb8;
	[tilespmem:$0x1CB00] =	vst v63  }
0x12a: {  	s26 =	simm.s32 $0x5000  }
0x12b: {  	[hbm4b:s9+s4] =	stream.indirect_vreg.scatter [tilespmem:s26], [sflag:$0x7], $0x80, v10, vm0, $0xb8;
	[tilespmem:$0x1CB00] =	vst v63  }
0x12c: {  	s20 =	simm.s32 $0x5800  }
0x12d: {  	[hbm4b:s3+s4] =	stream.indirect_vreg.scatter [tilespmem:s20], [sflag:$0x7], $0x80, v9, vm0, $0xb8;
	[tilespmem:$0x1CB00] =	vst v63  }
0x12e: {  	s21 =	simm.s32 $0x6000  }
0x12f: {  	[hbm4b:s9+s4] =	stream.indirect_vreg.scatter [tilespmem:s21], [sflag:$0x7], $0x80, v9, vm0, $0xb8;
	[tilespmem:$0x1CB00] =	vst v63  }
0x130: {  	v9 =	vld [tilespmem:$0x1C810];
	_ =	sdelay $0x4  }
0x131: {  	v10 =	vshll.u32 v9, $0x2  }
0x132: {  	v9 =	vand.u32 $0x7, v9;
	v10 =	vand.u32 $0xFFFFFFE0, v10  }
0x133: {  	v9 =	vor.u32 v9, v10  }
0x134: {  	v10 =	vperm.xlane v9, v6;
	_ =	sdelay $0x1  }
0x135: {  	v10 =	vadd.s32 v7, v10;
	_ =	sdelay $0x1  }
0x136: {  	v9 =	vperm.xlane v9, v8;
	_ =	sdelay $0x1  }
0x137: {  	s22 =	simm.s32 $0x6800;
	v9 =	vadd.s32 v7, v9  }
0x138: {  	[hbm4b:s3+s4] =	stream.indirect_vreg.scatter [tilespmem:s22], [sflag:$0x7], $0x80, v10, vm0, $0xb8;
	[tilespmem:$0x1CB00] =	vst v63  }
0x139: {  	s23 =	simm.s32 $0x7000  }
0x13a: {  	[hbm4b:s9+s4] =	stream.indirect_vreg.scatter [tilespmem:s23], [sflag:$0x7], $0x80, v10, vm0, $0xb8;
	[tilespmem:$0x1CB00] =	vst v63  }
0x13b: {  	s24 =	simm.s32 $0x7800;
	p0 =	seq.s32 s14, $0x0  }
0x13c: {  	[hbm4b:s3+s4] =	stream.indirect_vreg.scatter [tilespmem:s24], [sflag:$0x7], $0x80, v9, vm0, $0xb8;
	[tilespmem:$0x1CB00] =	vst v63  }
0x13d: {  	s25 =	simm.s32 $0x8000;
	s20 =	simm.s32 @!p0 $0xB  }
0x13e: {  	[hbm4b:s9+s4] =	stream.indirect_vreg.scatter [tilespmem:s25], [sflag:$0x7], $0x80, v9, vm0, $0xb8;
	[tilespmem:$0x1CB00] =	vst v63  }
0x13f: {  	s16 =	sadd.s32 $0x4, s18;
	_ =	swait.ge @!p0 [sflag:s20], $0x4000  }
0x140: {  	s21 =	sshll.u32 s16, $0x7;
	[sflag:s20] =	ssyncset.done @!p0 $0x0  }
0x141: {  	[sflag:s20] =	ssyncadd.s32 @!p0 $0xFFFFC000;
	s20 =	sand.u32 $0x3FFFFF80, s21  }
0x142: {  	v9 =	vld [tilespmem:s20+$0x0];
	_ =	sdelay $0x4  }
0x143: {  	v10 =	vshll.u32 v9, $0x2  }
0x144: {  	v9 =	vand.u32 $0x7, v9;
	v10 =	vand.u32 $0xFFFFFFE0, v10  }
0x145: {  	v9 =	vor.u32 v9, v10  }
0x146: {  	v10 =	vperm.xlane v9, v6;
	_ =	sdelay $0x1  }
0x147: {  	v10 =	vadd.s32 v7, v10;
	_ =	sdelay $0x1  }
0x148: {  	v9 =	vperm.xlane v9, v8;
	_ =	sdelay $0x1  }
0x149: {  	s26 =	simm.s32 $0x14800;
	s21 =	simm.s32 $0x0;
	v9 =	vadd.s32 v7, v9  }
0x14a: {  	[tilespmem:s26], [sflag:$0x5] =	stream.indirect_vreg.gather [hbm4b:s1+s21], $0x80, v10, vm0, $0xb8;
	[tilespmem:$0x1CB00] =	vst v63  }
0x14b: {  	s23 =	simm.s32 $0x15000  }
0x14c: {  	[tilespmem:s23], [sflag:$0x5] =	stream.indirect_vreg.gather [hbm4b:s7+s21], $0x80, v10, vm0, $0xb8;
	[tilespmem:$0x1CB00] =	vst v63  }
0x14d: {  	s24 =	simm.s32 $0x15800  }
0x14e: {  	[tilespmem:s24], [sflag:$0x5] =	stream.indirect_vreg.gather [hbm4b:s1+s21], $0x80, v9, vm0, $0xb8;
	[tilespmem:$0x1CB00] =	vst v63  }
0x14f: {  	s25 =	simm.s32 $0x16000  }
0x150: {  	[tilespmem:s25], [sflag:$0x5] =	stream.indirect_vreg.gather [hbm4b:s7+s21], $0x80, v9, vm0, $0xb8;
	[tilespmem:$0x1CB00] =	vst v63  }
0x151: {  	v9 =	vld [tilespmem:s20+$0x10];
	_ =	sdelay $0x4  }
0x152: {  	v10 =	vshll.u32 v9, $0x2  }
0x153: {  	v9 =	vand.u32 $0x7, v9;
	v10 =	vand.u32 $0xFFFFFFE0, v10  }
0x154: {  	v9 =	vor.u32 v9, v10  }
0x155: {  	v10 =	vperm.xlane v9, v6;
	_ =	sdelay $0x1  }
0x156: {  	v10 =	vadd.s32 v7, v10;
	_ =	sdelay $0x1  }
0x157: {  	v9 =	vperm.xlane v9, v8;
	_ =	sdelay $0x1  }
0x158: {  	s26 =	simm.s32 $0x16800;
	v9 =	vadd.s32 v7, v9  }
0x159: {  	[tilespmem:s26], [sflag:$0x5] =	stream.indirect_vreg.gather [hbm4b:s1+s21], $0x80, v10, vm0, $0xb8;
	[tilespmem:$0x1CB00] =	vst v63  }
0x15a: {  	s22 =	simm.s32 $0x17000  }
0x15b: {  	[tilespmem:s22], [sflag:$0x5] =	stream.indirect_vreg.gather [hbm4b:s7+s21], $0x80, v10, vm0, $0xb8;
	[tilespmem:$0x1CB00] =	vst v63  }
0x15c: {  	s17 =	sadd.s32 s19, s17;
	s23 =	simm.s32 $0x17800  }
0x15d: {  	[tilespmem:s23], [sflag:$0x5] =	stream.indirect_vreg.gather [hbm4b:s1+s21], $0x80, v9, vm0, $0xb8;
	[tilespmem:$0x1CB00] =	vst v63  }
0x15e: {  	s17 =	sadd.s32 $0x1000, s17;
	s24 =	simm.s32 $0x18000  }
0x15f: {  	[tilespmem:s24], [sflag:$0x5] =	stream.indirect_vreg.gather [hbm4b:s7+s21], $0x80, v9, vm0, $0xb8;
	v9 =	vadd.s32 s17, v0;
	[tilespmem:$0x1CB00] =	vst v63  }
0x160: {  	[tilespmem:$0x1C880] =	vst v9;
	v9 =	vadd.s32 s17, v1  }
0x161: {  	[tilespmem:$0x1C890] =	vst v9  }
0x162: {  	_ =	swait.ge [sflag:s11], $0x4000  }
0x163: {  	[sflag:s11] =	ssyncset.done $0x0  }
0x164: {  	[sflag:s11] =	ssyncadd.s32 $0xFFFFC000  }
0x165: {  	v9 =	vld [tilespmem:s15+$0x4000]  }
0x166: {  	v10 =	vld [tilespmem:s15+$0x4010]  }
0x167: {  	v11 =	vld [tilespmem:s15+$0x4020]  }
0x168: {  	v12 =	vld [tilespmem:s15+$0x4030]  }
0x169: {  	v13 =	vld [tilespmem:s15+$0x4040]  }
0x16a: {  	v14 =	vld [tilespmem:s15+$0x4050]  }
0x16b: {  	v15 =	vld [tilespmem:s15+$0x4060]  }
0x16c: {  	v16 =	vld [tilespmem:s15+$0x4070]  }
0x16d: {  	v17 =	vld [tilespmem:s15+$0x4080]  }
0x16e: {  	v19 =	vld [tilespmem:s15+$0x4090]  }
0x16f: {  	v23 =	vld [tilespmem:s15+$0x40A0]  }
0x170: {  	v24 =	vld [tilespmem:s15+$0x40B0]  }
0x171: {  	v20 =	vld [tilespmem:s15+$0x40C0]  }
0x172: {  	s25 =	sand.u32 $0x3000, s21;
	s26 =	sand.u32 $0x380, s21;
	v18 =	vld [tilespmem:s15+$0x40D0]  }
0x173: {  	s19 =	sor.u32 s26, s25;
	v21 =	vld [tilespmem:s15+$0x40E0]  }
0x174: {  	s17 =	sor.u32 $0x8800, s19;
	v22 =	vld [tilespmem:s15+$0x40F0]  }
0x175: {  	s20 =	sor.u32 $0x8810, s19;
	[tilespmem:s17+$0x0] =	vst.add.f32.msk $0xffff, v9  }
0x176: {  	s21 =	sor.u32 $0x8820, s19;
	[tilespmem:s20+$0x0] =	vst.add.f32.msk $0xffff, v10  }
0x177: {  	s22 =	sor.u32 $0x8830, s19;
	[tilespmem:s21+$0x0] =	vst.add.f32.msk $0xffff, v11  }
0x178: {  	s23 =	sor.u32 $0x8840, s19;
	[tilespmem:s22+$0x0] =	vst.add.f32.msk $0xffff, v12  }
0x179: {  	s24 =	sor.u32 $0x8850, s19;
	[tilespmem:s23+$0x0] =	vst.add.f32.msk $0xffff, v13  }
0x17a: {  	s25 =	sor.u32 $0x8860, s19;
	[tilespmem:s24+$0x0] =	vst.add.f32.msk $0xffff, v14  }
0x17b: {  	s26 =	sor.u32 $0x8870, s19;
	[tilespmem:s25+$0x0] =	vst.add.f32.msk $0xffff, v15  }
0x17c: {  	s20 =	sor.u32 $0x8C00, s19;
	[tilespmem:s26+$0x0] =	vst.add.f32.msk $0xffff, v16  }
0x17d: {  	s21 =	sor.u32 $0x8C10, s19;
	[tilespmem:s20+$0x0] =	vst.add.f32.msk $0xffff, v17  }
0x17e: {  	s22 =	sor.u32 $0x8C20, s19;
	[tilespmem:s21+$0x0] =	vst.add.f32.msk $0xffff, v19  }
0x17f: {  	s23 =	simm.s32 $0x200;
	s24 =	sor.u32 $0x8C30, s19;
	s25 =	simm.s32 $0x80;
	[tilespmem:s22+$0x0] =	vst.add.f32.msk $0xffff, v23  }
0x180: {  	s23 =	sand.u32 $0x3000, s23;
	s26 =	sor.u32 $0x8C40, s19;
	[tilespmem:s24+$0x0] =	vst.add.f32.msk $0xffff, v24;
	s24 =	sand.u32 $0x380, s25  }
0x181: {  	s25 =	sor.u32 $0x8C50, s19;
	s17 =	sor.u32 s24, s23;
	[tilespmem:s26+$0x0] =	vst.add.f32.msk $0xffff, v20  }
0x182: {  	s26 =	sor.u32 $0x8800, s17;
	[tilespmem:s25+$0x0] =	vst.add.f32.msk $0xffff, v18  }
0x183: {  	s21 =	sor.u32 $0x8810, s17;
	[tilespmem:s26+$0x0] =	vst.add.f32.msk $0xffff, v9  }
0x184: {  	s22 =	sor.u32 $0x8820, s17;
	[tilespmem:s21+$0x0] =	vst.add.f32.msk $0xffff, v10  }
0x185: {  	s23 =	sor.u32 $0x8830, s17;
	[tilespmem:s22+$0x0] =	vst.add.f32.msk $0xffff, v11  }
0x186: {  	s24 =	sor.u32 $0x8840, s17;
	[tilespmem:s23+$0x0] =	vst.add.f32.msk $0xffff, v12  }
0x187: {  	s25 =	sor.u32 $0x8850, s17;
	[tilespmem:s24+$0x0] =	vst.add.f32.msk $0xffff, v13  }
0x188: {  	s26 =	sor.u32 $0x8860, s17;
	[tilespmem:s25+$0x0] =	vst.add.f32.msk $0xffff, v14  }
0x189: {  	s21 =	sor.u32 $0x8870, s17;
	[tilespmem:s26+$0x0] =	vst.add.f32.msk $0xffff, v15  }
0x18a: {  	s26 =	sor.u32 $0x8C60, s19;
	[tilespmem:s21+$0x0] =	vst.add.f32.msk $0xffff, v16  }
0x18b: {  	s22 =	sor.u32 $0x8C00, s17;
	[tilespmem:s26+$0x0] =	vst.add.f32.msk $0xffff, v21  }
0x18c: {  	s23 =	sor.u32 $0x8C10, s17;
	[tilespmem:s22+$0x0] =	vst.add.f32.msk $0xffff, v17  }
0x18d: {  	s24 =	sor.u32 $0x8C20, s17;
	[tilespmem:s23+$0x0] =	vst.add.f32.msk $0xffff, v19  }
0x18e: {  	s20 =	sor.u32 $0x8C40, s17;
	s25 =	sor.u32 $0x8C30, s17;
	s19 =	sor.u32 $0x8C70, s19;
	[tilespmem:s24+$0x0] =	vst.add.f32.msk $0xffff, v23  }
0x18f: {  	s21 =	simm.s32 $0x100;
	s26 =	simm.s32 $0x8800;
	s22 =	simm.s32 $0x400;
	[tilespmem:s25+$0x0] =	vst.add.f32.msk $0xffff, v24  }
.LBB2_7:
0x190: {  	s23 =	sand.u32 $0x3000, s22  }
0x191: {  	s24 =	sand.u32 $0x380, s21;
	[tilespmem:s19+$0x0] =	vst.add.f32.msk $0xffff, v22;
	s19 =	smov.u32 s22;
	s25 =	sadd.s32 $0x200, s22  }
0x192: {  	p1 =	sne.s32 s22, $0x3E00;
	s23 =	sor.u32 s24, s23;
	[tilespmem:s20+$0x0] =	vst.add.f32.msk $0xffff, v20;
	s19 =	sor.u32 $0x8C50, s17  }
0x193: {  	s22 =	sor.u32 $0x8800, s23;
	s20 =	sor.u32 $0x8C40, s23;
	[tilespmem:s19+$0x0] =	vst.add.f32.msk $0xffff, v18  }
0x194: {  	s19 =	sor.u32 $0x8810, s23;
	[tilespmem:s22+$0x0] =	vst.add.f32.msk $0xffff, v9  }
0x195: {  	[tilespmem:s19+$0x0] =	vst.add.f32.msk $0xffff, v10;
	s19 =	sor.u32 $0x8820, s23  }
0x196: {  	[tilespmem:s19+$0x0] =	vst.add.f32.msk $0xffff, v11;
	s19 =	sor.u32 $0x8830, s23  }
0x197: {  	[tilespmem:s19+$0x0] =	vst.add.f32.msk $0xffff, v12;
	s19 =	sor.u32 $0x8840, s23  }
0x198: {  	[tilespmem:s19+$0x0] =	vst.add.f32.msk $0xffff, v13;
	s19 =	sor.u32 $0x8850, s23  }
0x199: {  	[tilespmem:s19+$0x0] =	vst.add.f32.msk $0xffff, v14;
	s19 =	sor.u32 $0x8860, s23  }
0x19a: {  	[tilespmem:s19+$0x0] =	vst.add.f32.msk $0xffff, v15;
	s19 =	sor.u32 $0x8870, s23  }
0x19b: {  	[tilespmem:s19+$0x0] =	vst.add.f32.msk $0xffff, v16;
	s19 =	sor.u32 $0x8C00, s23  }
.Ltmp2:
0x19c: {  	[tilespmem:s19+$0x0] =	vst.add.f32.msk $0xffff, v17;
	s19 =	sor.u32 $0x8C10, s23;
	(pc) =	sbr.rel @p1 .LBB2_7-.Ltmp2, $4  }
0x19d: {  	[tilespmem:s19+$0x0] =	vst.add.f32.msk $0xffff, v19;
	s19 =	sor.u32 $0x8C20, s23  }
0x19e: {  	[tilespmem:s19+$0x0] =	vst.add.f32.msk $0xffff, v23;
	s19 =	sor.u32 $0x8C30, s23  }
0x19f: {  	s21 =	sadd.s32 $0x80, s21;
	[tilespmem:s19+$0x0] =	vst.add.f32.msk $0xffff, v24;
	s19 =	sor.u32 $0x8C60, s17  }
0x1a0: {  	s22 =	smov.u32 s25;
	[tilespmem:s19+$0x0] =	vst.add.f32.msk $0xffff, v21;
	s19 =	sor.u32 $0x8C70, s17;
	s17 =	smov.u32 s23  }
0x1a1: {  	[tilespmem:s19+$0x0] =	vst.add.f32.msk $0xffff, v22  }
0x1a2: {  	[tilespmem:s20+$0x0] =	vst.add.f32.msk $0xffff, v20;
	s20 =	sor.u32 $0x8C50, s17  }
0x1a3: {  	s21 =	sor.u32 $0x8C60, s17;
	[tilespmem:s20+$0x0] =	vst.add.f32.msk $0xffff, v18  }
0x1a4: {  	s22 =	sor.u32 $0x8C70, s17;
	[tilespmem:s21+$0x0] =	vst.add.f32.msk $0xffff, v21  }
0x1a5: {  	[tilespmem:s22+$0x0] =	vst.add.f32.msk $0xffff, v22  }
0x1a6: {  	v9 =	vld [tilespmem:s15+$0x4100]  }
0x1a7: {  	v10 =	vld [tilespmem:s15+$0x4110]  }
0x1a8: {  	v11 =	vld [tilespmem:s15+$0x4120]  }
0x1a9: {  	v12 =	vld [tilespmem:s15+$0x4130]  }
0x1aa: {  	v13 =	vld [tilespmem:s15+$0x4140]  }
0x1ab: {  	v14 =	vld [tilespmem:s15+$0x4150]  }
0x1ac: {  	v15 =	vld [tilespmem:s15+$0x4160]  }
0x1ad: {  	v16 =	vld [tilespmem:s15+$0x4170]  }
0x1ae: {  	v17 =	vld [tilespmem:s15+$0x4180]  }
0x1af: {  	v18 =	vld [tilespmem:s15+$0x4190]  }
0x1b0: {  	v19 =	vld [tilespmem:s15+$0x41A0]  }
0x1b1: {  	v24 =	vld [tilespmem:s15+$0x41F0]  }
0x1b2: {  	v20 =	vld [tilespmem:s15+$0x41B0]  }
0x1b3: {  	s23 =	simm.s32 $0x0;
	v21 =	vld [tilespmem:s15+$0x41C0]  }
0x1b4: {  	s24 =	sand.u32 $0x3000, s23;
	s17 =	sand.u32 $0x380, s23;
	v22 =	vld [tilespmem:s15+$0x41D0]  }
0x1b5: {  	v23 =	vld [tilespmem:s15+$0x41E0];
	s15 =	sor.u32 s17, s24  }
0x1b6: {  	[tilespmem:s15+$0x9470] =	vst.add.f32.msk $0xffff, v24  }
0x1b7: {  	[tilespmem:s15+$0x9000] =	vst.add.f32.msk $0xffff, v9  }
0x1b8: {  	[tilespmem:s15+$0x9010] =	vst.add.f32.msk $0xffff, v10  }
0x1b9: {  	[tilespmem:s15+$0x9020] =	vst.add.f32.msk $0xffff, v11  }
0x1ba: {  	[tilespmem:s15+$0x9030] =	vst.add.f32.msk $0xffff, v12  }
0x1bb: {  	[tilespmem:s15+$0x9040] =	vst.add.f32.msk $0xffff, v13  }
0x1bc: {  	[tilespmem:s15+$0x9050] =	vst.add.f32.msk $0xffff, v14  }
0x1bd: {  	[tilespmem:s15+$0x9060] =	vst.add.f32.msk $0xffff, v15  }
0x1be: {  	[tilespmem:s15+$0x9070] =	vst.add.f32.msk $0xffff, v16  }
0x1bf: {  	[tilespmem:s15+$0x9400] =	vst.add.f32.msk $0xffff, v17  }
0x1c0: {  	[tilespmem:s15+$0x9410] =	vst.add.f32.msk $0xffff, v18  }
0x1c1: {  	[tilespmem:s15+$0x9420] =	vst.add.f32.msk $0xffff, v19  }
0x1c2: {  	[tilespmem:s15+$0x9430] =	vst.add.f32.msk $0xffff, v20  }
0x1c3: {  	s25 =	simm.s32 $0x200;
	s17 =	simm.s32 $0x80;
	[tilespmem:s15+$0x9440] =	vst.add.f32.msk $0xffff, v21  }
0x1c4: {  	s19 =	simm.s32 $0x400;
	s20 =	sand.u32 $0x3000, s25;
	s21 =	sand.u32 $0x380, s17;
	[tilespmem:s15+$0x9450] =	vst.add.f32.msk $0xffff, v22  }
.LBB2_9:
0x1c5: {  	p1 =	sne.s32 s19, $0x3E00;
	[tilespmem:s15+$0x9460] =	vst.add.f32.msk $0xffff, v23;
	s15 =	sor.u32 s21, s20  }
0x1c6: {  	[tilespmem:s15+$0x9470] =	vst.add.f32.msk $0xffff, v24  }
0x1c7: {  	[tilespmem:s15+$0x9000] =	vst.add.f32.msk $0xffff, v9  }
0x1c8: {  	[tilespmem:s15+$0x9010] =	vst.add.f32.msk $0xffff, v10  }
0x1c9: {  	[tilespmem:s15+$0x9020] =	vst.add.f32.msk $0xffff, v11  }
0x1ca: {  	[tilespmem:s15+$0x9030] =	vst.add.f32.msk $0xffff, v12  }
0x1cb: {  	[tilespmem:s15+$0x9040] =	vst.add.f32.msk $0xffff, v13  }
0x1cc: {  	[tilespmem:s15+$0x9050] =	vst.add.f32.msk $0xffff, v14  }
0x1cd: {  	[tilespmem:s15+$0x9060] =	vst.add.f32.msk $0xffff, v15  }
0x1ce: {  	[tilespmem:s15+$0x9070] =	vst.add.f32.msk $0xffff, v16  }
0x1cf: {  	[tilespmem:s15+$0x9400] =	vst.add.f32.msk $0xffff, v17  }
.Ltmp3:
0x1d0: {  	[tilespmem:s15+$0x9410] =	vst.add.f32.msk $0xffff, v18;
	(pc) =	sbr.rel @p1 .LBB2_9-.Ltmp3, $4  }
0x1d1: {  	[tilespmem:s15+$0x9420] =	vst.add.f32.msk $0xffff, v19  }
0x1d2: {  	[tilespmem:s15+$0x9430] =	vst.add.f32.msk $0xffff, v20  }
0x1d3: {  	s17 =	sadd.s32 $0x80, s17;
	[tilespmem:s15+$0x9440] =	vst.add.f32.msk $0xffff, v21  }
0x1d4: {  	s20 =	sand.u32 $0x3000, s19;
	s19 =	sadd.s32 $0x200, s19;
	s21 =	sand.u32 $0x380, s17;
	[tilespmem:s15+$0x9450] =	vst.add.f32.msk $0xffff, v22  }
0x1d5: {  	s17 =	sor.u32 s21, s20;
	[tilespmem:s15+$0x9460] =	vst.add.f32.msk $0xffff, v23  }
0x1d6: {  	[tilespmem:s17+$0x9470] =	vst.add.f32.msk $0xffff, v24  }
0x1d7: {  	[tilespmem:s17+$0x9000] =	vst.add.f32.msk $0xffff, v9  }
0x1d8: {  	[tilespmem:s17+$0x9010] =	vst.add.f32.msk $0xffff, v10  }
0x1d9: {  	[tilespmem:s17+$0x9020] =	vst.add.f32.msk $0xffff, v11  }
0x1da: {  	[tilespmem:s17+$0x9030] =	vst.add.f32.msk $0xffff, v12  }
0x1db: {  	[tilespmem:s17+$0x9040] =	vst.add.f32.msk $0xffff, v13  }
0x1dc: {  	[tilespmem:s17+$0x9050] =	vst.add.f32.msk $0xffff, v14  }
0x1dd: {  	[tilespmem:s17+$0x9060] =	vst.add.f32.msk $0xffff, v15  }
0x1de: {  	[tilespmem:s17+$0x9070] =	vst.add.f32.msk $0xffff, v16  }
0x1df: {  	[tilespmem:s17+$0x9400] =	vst.add.f32.msk $0xffff, v17  }
0x1e0: {  	[tilespmem:s17+$0x9410] =	vst.add.f32.msk $0xffff, v18  }
0x1e1: {  	[tilespmem:s17+$0x9420] =	vst.add.f32.msk $0xffff, v19  }
0x1e2: {  	[tilespmem:s17+$0x9430] =	vst.add.f32.msk $0xffff, v20  }
0x1e3: {  	[tilespmem:s17+$0x9440] =	vst.add.f32.msk $0xffff, v21  }
0x1e4: {  	[tilespmem:s17+$0x9450] =	vst.add.f32.msk $0xffff, v22  }
0x1e5: {  	[tilespmem:s17+$0x9460] =	vst.add.f32.msk $0xffff, v23  }
0x1e6: {  	v9 =	vld [tilespmem:$0x1C880];
	_ =	sdelay $0x4  }
0x1e7: {  	v10 =	vshll.u32 v9, $0x2  }
0x1e8: {  	v9 =	vand.u32 $0x7, v9;
	v10 =	vand.u32 $0xFFFFFFE0, v10  }
0x1e9: {  	v9 =	vor.u32 v9, v10  }
0x1ea: {  	v10 =	vperm.xlane v9, v6;
	_ =	sdelay $0x1  }
0x1eb: {  	v10 =	vadd.s32 v7, v10;
	_ =	sdelay $0x1  }
0x1ec: {  	v9 =	vperm.xlane v9, v8;
	_ =	sdelay $0x1  }
0x1ed: {  	v9 =	vadd.s32 v7, v9  }
0x1ee: {  	[hbm4b:s3+s4] =	stream.indirect_vreg.scatter [tilespmem:s26], [sflag:$0x8], $0x80, v10, vm0, $0xb8;
	[tilespmem:$0x1CB00] =	vst v63  }
0x1ef: {  	s25 =	simm.s32 $0x9000  }
0x1f0: {  	[hbm4b:s9+s4] =	stream.indirect_vreg.scatter [tilespmem:s25], [sflag:$0x8], $0x80, v10, vm0, $0xb8;
	[tilespmem:$0x1CB00] =	vst v63  }
0x1f1: {  	s26 =	simm.s32 $0x9800  }
0x1f2: {  	[hbm4b:s3+s4] =	stream.indirect_vreg.scatter [tilespmem:s26], [sflag:$0x8], $0x80, v9, vm0, $0xb8;
	[tilespmem:$0x1CB00] =	vst v63  }
0x1f3: {  	s17 =	simm.s32 $0xA000  }
0x1f4: {  	[hbm4b:s9+s4] =	stream.indirect_vreg.scatter [tilespmem:s17], [sflag:$0x8], $0x80, v9, vm0, $0xb8;
	[tilespmem:$0x1CB00] =	vst v63  }
0x1f5: {  	v9 =	vld [tilespmem:$0x1C890];
	_ =	sdelay $0x4  }
0x1f6: {  	v10 =	vshll.u32 v9, $0x2  }
0x1f7: {  	v9 =	vand.u32 $0x7, v9;
	v10 =	vand.u32 $0xFFFFFFE0, v10  }
0x1f8: {  	v9 =	vor.u32 v9, v10  }
0x1f9: {  	v10 =	vperm.xlane v9, v6;
	_ =	sdelay $0x1  }
0x1fa: {  	v10 =	vadd.s32 v7, v10;
	_ =	sdelay $0x1  }
0x1fb: {  	v9 =	vperm.xlane v9, v8;
	_ =	sdelay $0x1  }
0x1fc: {  	s19 =	simm.s32 $0xA800;
	v9 =	vadd.s32 v7, v9  }
0x1fd: {  	[hbm4b:s3+s4] =	stream.indirect_vreg.scatter [tilespmem:s19], [sflag:$0x8], $0x80, v10, vm0, $0xb8;
	[tilespmem:$0x1CB00] =	vst v63  }
0x1fe: {  	s20 =	simm.s32 $0xB000  }
0x1ff: {  	[hbm4b:s9+s4] =	stream.indirect_vreg.scatter [tilespmem:s20], [sflag:$0x8], $0x80, v10, vm0, $0xb8;
	[tilespmem:$0x1CB00] =	vst v63  }
0x200: {  	_ = 	snop  }
0x201: {  	[hbm4b:s3+s4] =	stream.indirect_vreg.scatter [tilespmem:s29], [sflag:$0x8], $0x80, v9, vm0, $0xb8;
	[tilespmem:$0x1CB00] =	vst v63  }
0x202: {  	s17 =	simm.s32 @!p0 $0xC  }
0x203: {  	[hbm4b:s9+s4] =	stream.indirect_vreg.scatter [tilespmem:s28], [sflag:$0x8], $0x80, v9, vm0, $0xb8;
	[tilespmem:$0x1CB00] =	vst v63  }
0x204: {  	s15 =	sadd.s32 $0x5, s18;
	_ =	swait.ge @!p0 [sflag:s17], $0x4000  }
0x205: {  	s19 =	sshll.u32 s15, $0x7;
	[sflag:s17] =	ssyncset.done @!p0 $0x0  }
0x206: {  	s21 =	sand.u32 $0x3FFFFF80, s19;
	[sflag:s17] =	ssyncadd.s32 @!p0 $0xFFFFC000  }
0x207: {  	v9 =	vld [tilespmem:s21+$0x0];
	_ =	sdelay $0x4  }
0x208: {  	v10 =	vshll.u32 v9, $0x2  }
0x209: {  	v9 =	vand.u32 $0x7, v9;
	v10 =	vand.u32 $0xFFFFFFE0, v10  }
0x20a: {  	v9 =	vor.u32 v9, v10  }
0x20b: {  	v10 =	vperm.xlane v9, v6;
	_ =	sdelay $0x1  }
0x20c: {  	v10 =	vadd.s32 v7, v10;
	_ =	sdelay $0x1  }
0x20d: {  	v9 =	vperm.xlane v9, v8;
	_ =	sdelay $0x1  }
0x20e: {  	s22 =	simm.s32 $0x18800;
	s19 =	simm.s32 $0x0;
	v9 =	vadd.s32 v7, v9  }
0x20f: {  	[tilespmem:s22], [sflag:$0x6] =	stream.indirect_vreg.gather [hbm4b:s1+s19], $0x80, v10, vm0, $0xb8;
	[tilespmem:$0x1CB00] =	vst v63  }
0x210: {  	s23 =	simm.s32 $0x19000  }
0x211: {  	[tilespmem:s23], [sflag:$0x6] =	stream.indirect_vreg.gather [hbm4b:s7+s19], $0x80, v10, vm0, $0xb8;
	[tilespmem:$0x1CB00] =	vst v63  }
0x212: {  	s24 =	simm.s32 $0x19800  }
0x213: {  	[tilespmem:s24], [sflag:$0x6] =	stream.indirect_vreg.gather [hbm4b:s1+s19], $0x80, v9, vm0, $0xb8;
	[tilespmem:$0x1CB00] =	vst v63  }
0x214: {  	s25 =	simm.s32 $0x1A000  }
0x215: {  	[tilespmem:s25], [sflag:$0x6] =	stream.indirect_vreg.gather [hbm4b:s7+s19], $0x80, v9, vm0, $0xb8;
	[tilespmem:$0x1CB00] =	vst v63  }
0x216: {  	v9 =	vld [tilespmem:s21+$0x10];
	_ =	sdelay $0x4  }
0x217: {  	v10 =	vshll.u32 v9, $0x2  }
0x218: {  	v9 =	vand.u32 $0x7, v9;
	v10 =	vand.u32 $0xFFFFFFE0, v10  }
0x219: {  	v9 =	vor.u32 v9, v10  }
0x21a: {  	v10 =	vperm.xlane v9, v6;
	_ =	sdelay $0x1  }
0x21b: {  	v10 =	vadd.s32 v7, v10;
	_ =	sdelay $0x1  }
0x21c: {  	v9 =	vperm.xlane v9, v8;
	_ =	sdelay $0x1  }
0x21d: {  	s26 =	simm.s32 $0x1A800;
	v9 =	vadd.s32 v7, v9  }
0x21e: {  	[tilespmem:s26], [sflag:$0x6] =	stream.indirect_vreg.gather [hbm4b:s1+s19], $0x80, v10, vm0, $0xb8;
	[tilespmem:$0x1CB00] =	vst v63  }
0x21f: {  	s20 =	simm.s32 $0x1B000;
	s22 =	sadd.s32 $0x2, s18  }
0x220: {  	[tilespmem:s20], [sflag:$0x6] =	stream.indirect_vreg.gather [hbm4b:s7+s19], $0x80, v10, vm0, $0xb8;
	[tilespmem:$0x1CB00] =	vst v63  }
0x221: {  	s23 =	sshrl.u32 s22, $0x5;
	s24 =	sshll.u32 s22, $0xC;
	s21 =	simm.s32 $0x1B800  }
0x222: {  	[tilespmem:s21], [sflag:$0x6] =	stream.indirect_vreg.gather [hbm4b:s1+s19], $0x80, v9, vm0, $0xb8;
	[tilespmem:$0x1CB00] =	vst v63  }
0x223: {  	s20 =	sadd.s32 s8, s23;
	s21 =	sand.u32 $0x1E000, s24  }
0x224: {  	s25 =	simm.s32 $0x1C000;
	s20 =	sadd.s32 s21, s20  }
0x225: {  	[tilespmem:s25], [sflag:$0x6] =	stream.indirect_vreg.gather [hbm4b:s7+s19], $0x80, v9, vm0, $0xb8;
	v9 =	vadd.s32 s20, v0;
	[tilespmem:$0x1CB00] =	vst v63  }
0x226: {  	[tilespmem:$0x1C900] =	vst v9;
	v9 =	vadd.s32 s20, v1  }
0x227: {  	[tilespmem:$0x1C910] =	vst v9  }
0x228: {  	_ =	swait.ge [sflag:s31], $0x4000  }
0x229: {  	s17 =	sshll.u32 s22, $0x4;
	[sflag:s31] =	ssyncset.done $0x0  }
0x22a: {  	s17 =	sand.u32 $0x3FFFFE00, s17;
	[sflag:s31] =	ssyncadd.s32 $0xFFFFC000  }
0x22b: {  	v9 =	vld [tilespmem:s17+$0x4000]  }
0x22c: {  	v10 =	vld [tilespmem:s17+$0x4010]  }
0x22d: {  	v11 =	vld [tilespmem:s17+$0x4020]  }
0x22e: {  	v12 =	vld [tilespmem:s17+$0x4030]  }
0x22f: {  	v13 =	vld [tilespmem:s17+$0x4040]  }
0x230: {  	v14 =	vld [tilespmem:s17+$0x4050]  }
0x231: {  	v15 =	vld [tilespmem:s17+$0x4060]  }
0x232: {  	v16 =	vld [tilespmem:s17+$0x4070]  }
0x233: {  	v17 =	vld [tilespmem:s17+$0x4080]  }
0x234: {  	v19 =	vld [tilespmem:s17+$0x4090]  }
0x235: {  	v23 =	vld [tilespmem:s17+$0x40A0]  }
0x236: {  	v24 =	vld [tilespmem:s17+$0x40B0]  }
0x237: {  	v20 =	vld [tilespmem:s17+$0x40C0]  }
0x238: {  	s26 =	sand.u32 $0x3000, s19;
	s19 =	sand.u32 $0x380, s19;
	v18 =	vld [tilespmem:s17+$0x40D0]  }
0x239: {  	s20 =	sor.u32 s19, s26;
	v21 =	vld [tilespmem:s17+$0x40E0]  }
0x23a: {  	s19 =	sor.u32 $0xC800, s20;
	v22 =	vld [tilespmem:s17+$0x40F0]  }
0x23b: {  	s21 =	sor.u32 $0xC810, s20;
	[tilespmem:s19+$0x0] =	vst.add.f32.msk $0xffff, v9  }
0x23c: {  	s22 =	sor.u32 $0xC820, s20;
	[tilespmem:s21+$0x0] =	vst.add.f32.msk $0xffff, v10  }
0x23d: {  	s23 =	sor.u32 $0xC830, s20;
	[tilespmem:s22+$0x0] =	vst.add.f32.msk $0xffff, v11  }
0x23e: {  	s24 =	sor.u32 $0xC840, s20;
	[tilespmem:s23+$0x0] =	vst.add.f32.msk $0xffff, v12  }
0x23f: {  	s25 =	sor.u32 $0xC850, s20;
	[tilespmem:s24+$0x0] =	vst.add.f32.msk $0xffff, v13  }
0x240: {  	s26 =	sor.u32 $0xC860, s20;
	[tilespmem:s25+$0x0] =	vst.add.f32.msk $0xffff, v14  }
0x241: {  	s21 =	sor.u32 $0xC870, s20;
	[tilespmem:s26+$0x0] =	vst.add.f32.msk $0xffff, v15  }
0x242: {  	s22 =	sor.u32 $0xCC00, s20;
	[tilespmem:s21+$0x0] =	vst.add.f32.msk $0xffff, v16  }
0x243: {  	s23 =	sor.u32 $0xCC10, s20;
	[tilespmem:s22+$0x0] =	vst.add.f32.msk $0xffff, v17  }
0x244: {  	s24 =	sor.u32 $0xCC20, s20;
	s25 =	simm.s32 $0x200;
	s22 =	simm.s32 $0x80;
	[tilespmem:s23+$0x0] =	vst.add.f32.msk $0xffff, v19  }
0x245: {  	s26 =	sor.u32 $0xCC30, s20;
	s21 =	sand.u32 $0x3000, s25;
	s22 =	sand.u32 $0x380, s22;
	[tilespmem:s24+$0x0] =	vst.add.f32.msk $0xffff, v23  }
0x246: {  	s23 =	sor.u32 $0xCC40, s20;
	s19 =	sor.u32 s22, s21;
	[tilespmem:s26+$0x0] =	vst.add.f32.msk $0xffff, v24  }
0x247: {  	s24 =	sor.u32 $0xC800, s19;
	[tilespmem:s23+$0x0] =	vst.add.f32.msk $0xffff, v20  }
0x248: {  	s23 =	sor.u32 $0xCC50, s20;
	[tilespmem:s24+$0x0] =	vst.add.f32.msk $0xffff, v9  }
0x249: {  	s25 =	sor.u32 $0xC810, s19;
	[tilespmem:s23+$0x0] =	vst.add.f32.msk $0xffff, v18  }
0x24a: {  	s26 =	sor.u32 $0xC820, s19;
	[tilespmem:s25+$0x0] =	vst.add.f32.msk $0xffff, v10  }
0x24b: {  	s22 =	sor.u32 $0xC830, s19;
	[tilespmem:s26+$0x0] =	vst.add.f32.msk $0xffff, v11  }
0x24c: {  	s23 =	sor.u32 $0xC840, s19;
	[tilespmem:s22+$0x0] =	vst.add.f32.msk $0xffff, v12  }
0x24d: {  	s24 =	sor.u32 $0xC850, s19;
	[tilespmem:s23+$0x0] =	vst.add.f32.msk $0xffff, v13  }
0x24e: {  	s25 =	sor.u32 $0xC860, s19;
	[tilespmem:s24+$0x0] =	vst.add.f32.msk $0xffff, v14  }
0x24f: {  	s26 =	sor.u32 $0xC870, s19;
	[tilespmem:s25+$0x0] =	vst.add.f32.msk $0xffff, v15  }
0x250: {  	s22 =	sor.u32 $0xCC00, s19;
	[tilespmem:s26+$0x0] =	vst.add.f32.msk $0xffff, v16  }
0x251: {  	s26 =	sor.u32 $0xCC60, s20;
	[tilespmem:s22+$0x0] =	vst.add.f32.msk $0xffff, v17  }
0x252: {  	s23 =	sor.u32 $0xCC10, s19;
	[tilespmem:s26+$0x0] =	vst.add.f32.msk $0xffff, v21  }
0x253: {  	s24 =	sor.u32 $0xCC20, s19;
	[tilespmem:s23+$0x0] =	vst.add.f32.msk $0xffff, v19  }
0x254: {  	s21 =	sor.u32 $0xCC40, s19;
	s25 =	sor.u32 $0xCC30, s19;
	[tilespmem:s24+$0x0] =	vst.add.f32.msk $0xffff, v23  }
0x255: {  	s20 =	sor.u32 $0xCC70, s20;
	s22 =	simm.s32 $0x100;
	s23 =	simm.s32 $0x400;
	[tilespmem:s25+$0x0] =	vst.add.f32.msk $0xffff, v24  }
.LBB2_11:
0x256: {  	s24 =	sand.u32 $0x3000, s23  }
0x257: {  	s25 =	sand.u32 $0x380, s22;
	[tilespmem:s20+$0x0] =	vst.add.f32.msk $0xffff, v22;
	s20 =	smov.u32 s23;
	s26 =	sadd.s32 $0x200, s23  }
0x258: {  	p0 =	sne.s32 s23, $0x3E00;
	s24 =	sor.u32 s25, s24;
	[tilespmem:s21+$0x0] =	vst.add.f32.msk $0xffff, v20;
	s20 =	sor.u32 $0xCC50, s19  }
0x259: {  	s23 =	sor.u32 $0xC800, s24;
	s21 =	sor.u32 $0xCC40, s24;
	[tilespmem:s20+$0x0] =	vst.add.f32.msk $0xffff, v18  }
0x25a: {  	s20 =	sor.u32 $0xC810, s24;
	[tilespmem:s23+$0x0] =	vst.add.f32.msk $0xffff, v9  }
0x25b: {  	[tilespmem:s20+$0x0] =	vst.add.f32.msk $0xffff, v10;
	s20 =	sor.u32 $0xC820, s24  }
0x25c: {  	[tilespmem:s20+$0x0] =	vst.add.f32.msk $0xffff, v11;
	s20 =	sor.u32 $0xC830, s24  }
0x25d: {  	[tilespmem:s20+$0x0] =	vst.add.f32.msk $0xffff, v12;
	s20 =	sor.u32 $0xC840, s24  }
0x25e: {  	[tilespmem:s20+$0x0] =	vst.add.f32.msk $0xffff, v13;
	s20 =	sor.u32 $0xC850, s24  }
0x25f: {  	[tilespmem:s20+$0x0] =	vst.add.f32.msk $0xffff, v14;
	s20 =	sor.u32 $0xC860, s24  }
0x260: {  	[tilespmem:s20+$0x0] =	vst.add.f32.msk $0xffff, v15;
	s20 =	sor.u32 $0xC870, s24  }
0x261: {  	[tilespmem:s20+$0x0] =	vst.add.f32.msk $0xffff, v16;
	s20 =	sor.u32 $0xCC00, s24  }
.Ltmp4:
0x262: {  	[tilespmem:s20+$0x0] =	vst.add.f32.msk $0xffff, v17;
	s20 =	sor.u32 $0xCC10, s24;
	(pc) =	sbr.rel @p0 .LBB2_11-.Ltmp4, $4  }
0x263: {  	[tilespmem:s20+$0x0] =	vst.add.f32.msk $0xffff, v19;
	s20 =	sor.u32 $0xCC20, s24  }
0x264: {  	[tilespmem:s20+$0x0] =	vst.add.f32.msk $0xffff, v23;
	s20 =	sor.u32 $0xCC30, s24  }
0x265: {  	s22 =	sadd.s32 $0x80, s22;
	[tilespmem:s20+$0x0] =	vst.add.f32.msk $0xffff, v24;
	s20 =	sor.u32 $0xCC60, s19  }
0x266: {  	s23 =	smov.u32 s26;
	[tilespmem:s20+$0x0] =	vst.add.f32.msk $0xffff, v21;
	s20 =	sor.u32 $0xCC70, s19;
	s19 =	smov.u32 s24  }
0x267: {  	[tilespmem:s20+$0x0] =	vst.add.f32.msk $0xffff, v22  }
0x268: {  	[tilespmem:s21+$0x0] =	vst.add.f32.msk $0xffff, v20;
	s21 =	sor.u32 $0xCC50, s19  }
0x269: {  	s22 =	sor.u32 $0xCC60, s19;
	[tilespmem:s21+$0x0] =	vst.add.f32.msk $0xffff, v18  }
0x26a: {  	s23 =	sor.u32 $0xCC70, s19;
	[tilespmem:s22+$0x0] =	vst.add.f32.msk $0xffff, v21  }
0x26b: {  	[tilespmem:s23+$0x0] =	vst.add.f32.msk $0xffff, v22  }
0x26c: {  	v9 =	vld [tilespmem:s17+$0x4100]  }
0x26d: {  	v10 =	vld [tilespmem:s17+$0x4110]  }
0x26e: {  	v11 =	vld [tilespmem:s17+$0x4120]  }
0x26f: {  	v12 =	vld [tilespmem:s17+$0x4130]  }
0x270: {  	v13 =	vld [tilespmem:s17+$0x4140]  }
0x271: {  	v14 =	vld [tilespmem:s17+$0x4150]  }
0x272: {  	v15 =	vld [tilespmem:s17+$0x4160]  }
0x273: {  	v16 =	vld [tilespmem:s17+$0x4170]  }
0x274: {  	v17 =	vld [tilespmem:s17+$0x4180]  }
0x275: {  	v18 =	vld [tilespmem:s17+$0x4190]  }
0x276: {  	v19 =	vld [tilespmem:s17+$0x41A0]  }
0x277: {  	v24 =	vld [tilespmem:s17+$0x41F0]  }
0x278: {  	v20 =	vld [tilespmem:s17+$0x41B0]  }
0x279: {  	s24 =	simm.s32 $0x0;
	v21 =	vld [tilespmem:s17+$0x41C0]  }
0x27a: {  	s25 =	sand.u32 $0x3000, s24;
	s19 =	sand.u32 $0x380, s24;
	v22 =	vld [tilespmem:s17+$0x41D0]  }
0x27b: {  	v23 =	vld [tilespmem:s17+$0x41E0];
	s17 =	sor.u32 s19, s25  }
0x27c: {  	[tilespmem:s17+$0xD470] =	vst.add.f32.msk $0xffff, v24  }
0x27d: {  	[tilespmem:s17+$0xD000] =	vst.add.f32.msk $0xffff, v9  }
0x27e: {  	[tilespmem:s17+$0xD010] =	vst.add.f32.msk $0xffff, v10  }
0x27f: {  	[tilespmem:s17+$0xD020] =	vst.add.f32.msk $0xffff, v11  }
0x280: {  	[tilespmem:s17+$0xD030] =	vst.add.f32.msk $0xffff, v12  }
0x281: {  	[tilespmem:s17+$0xD040] =	vst.add.f32.msk $0xffff, v13  }
0x282: {  	[tilespmem:s17+$0xD050] =	vst.add.f32.msk $0xffff, v14  }
0x283: {  	[tilespmem:s17+$0xD060] =	vst.add.f32.msk $0xffff, v15  }
0x284: {  	[tilespmem:s17+$0xD070] =	vst.add.f32.msk $0xffff, v16  }
0x285: {  	[tilespmem:s17+$0xD400] =	vst.add.f32.msk $0xffff, v17  }
0x286: {  	[tilespmem:s17+$0xD410] =	vst.add.f32.msk $0xffff, v18  }
0x287: {  	[tilespmem:s17+$0xD420] =	vst.add.f32.msk $0xffff, v19  }
0x288: {  	[tilespmem:s17+$0xD430] =	vst.add.f32.msk $0xffff, v20  }
0x289: {  	s26 =	simm.s32 $0x200;
	s19 =	simm.s32 $0x80;
	[tilespmem:s17+$0xD440] =	vst.add.f32.msk $0xffff, v21  }
0x28a: {  	s20 =	simm.s32 $0x400;
	s21 =	sand.u32 $0x3000, s26;
	s22 =	sand.u32 $0x380, s19;
	[tilespmem:s17+$0xD450] =	vst.add.f32.msk $0xffff, v22  }
.LBB2_13:
0x28b: {  	p0 =	sne.s32 s20, $0x3E00;
	[tilespmem:s17+$0xD460] =	vst.add.f32.msk $0xffff, v23;
	s17 =	sor.u32 s22, s21  }
0x28c: {  	[tilespmem:s17+$0xD470] =	vst.add.f32.msk $0xffff, v24  }
0x28d: {  	[tilespmem:s17+$0xD000] =	vst.add.f32.msk $0xffff, v9  }
0x28e: {  	[tilespmem:s17+$0xD010] =	vst.add.f32.msk $0xffff, v10  }
0x28f: {  	[tilespmem:s17+$0xD020] =	vst.add.f32.msk $0xffff, v11  }
0x290: {  	[tilespmem:s17+$0xD030] =	vst.add.f32.msk $0xffff, v12  }
0x291: {  	[tilespmem:s17+$0xD040] =	vst.add.f32.msk $0xffff, v13  }
0x292: {  	[tilespmem:s17+$0xD050] =	vst.add.f32.msk $0xffff, v14  }
0x293: {  	[tilespmem:s17+$0xD060] =	vst.add.f32.msk $0xffff, v15  }
0x294: {  	[tilespmem:s17+$0xD070] =	vst.add.f32.msk $0xffff, v16  }
0x295: {  	[tilespmem:s17+$0xD400] =	vst.add.f32.msk $0xffff, v17  }
.Ltmp5:
0x296: {  	[tilespmem:s17+$0xD410] =	vst.add.f32.msk $0xffff, v18;
	(pc) =	sbr.rel @p0 .LBB2_13-.Ltmp5, $4  }
0x297: {  	[tilespmem:s17+$0xD420] =	vst.add.f32.msk $0xffff, v19  }
0x298: {  	[tilespmem:s17+$0xD430] =	vst.add.f32.msk $0xffff, v20  }
0x299: {  	s19 =	sadd.s32 $0x80, s19;
	[tilespmem:s17+$0xD440] =	vst.add.f32.msk $0xffff, v21  }
0x29a: {  	s21 =	sand.u32 $0x3000, s20;
	s20 =	sadd.s32 $0x200, s20;
	s22 =	sand.u32 $0x380, s19;
	[tilespmem:s17+$0xD450] =	vst.add.f32.msk $0xffff, v22  }
0x29b: {  	s19 =	sor.u32 s22, s21;
	[tilespmem:s17+$0xD460] =	vst.add.f32.msk $0xffff, v23  }
0x29c: {  	[tilespmem:s19+$0xD470] =	vst.add.f32.msk $0xffff, v24  }
0x29d: {  	[tilespmem:s19+$0xD000] =	vst.add.f32.msk $0xffff, v9  }
0x29e: {  	[tilespmem:s19+$0xD010] =	vst.add.f32.msk $0xffff, v10  }
0x29f: {  	[tilespmem:s19+$0xD020] =	vst.add.f32.msk $0xffff, v11  }
0x2a0: {  	[tilespmem:s19+$0xD030] =	vst.add.f32.msk $0xffff, v12  }
0x2a1: {  	[tilespmem:s19+$0xD040] =	vst.add.f32.msk $0xffff, v13  }
0x2a2: {  	[tilespmem:s19+$0xD050] =	vst.add.f32.msk $0xffff, v14  }
0x2a3: {  	[tilespmem:s19+$0xD060] =	vst.add.f32.msk $0xffff, v15  }
0x2a4: {  	[tilespmem:s19+$0xD070] =	vst.add.f32.msk $0xffff, v16  }
0x2a5: {  	[tilespmem:s19+$0xD400] =	vst.add.f32.msk $0xffff, v17  }
0x2a6: {  	[tilespmem:s19+$0xD410] =	vst.add.f32.msk $0xffff, v18  }
0x2a7: {  	[tilespmem:s19+$0xD420] =	vst.add.f32.msk $0xffff, v19  }
0x2a8: {  	[tilespmem:s19+$0xD430] =	vst.add.f32.msk $0xffff, v20  }
0x2a9: {  	[tilespmem:s19+$0xD440] =	vst.add.f32.msk $0xffff, v21  }
0x2aa: {  	[tilespmem:s19+$0xD450] =	vst.add.f32.msk $0xffff, v22  }
0x2ab: {  	[tilespmem:s19+$0xD460] =	vst.add.f32.msk $0xffff, v23  }
0x2ac: {  	v9 =	vld [tilespmem:$0x1C900];
	_ =	sdelay $0x4  }
0x2ad: {  	v10 =	vshll.u32 v9, $0x2  }
0x2ae: {  	v9 =	vand.u32 $0x7, v9;
	v10 =	vand.u32 $0xFFFFFFE0, v10  }
0x2af: {  	v9 =	vor.u32 v9, v10  }
0x2b0: {  	v10 =	vperm.xlane v9, v6;
	_ =	sdelay $0x1  }
0x2b1: {  	v10 =	vadd.s32 v7, v10;
	_ =	sdelay $0x1  }
0x2b2: {  	v9 =	vperm.xlane v9, v8;
	_ =	sdelay $0x1  }
0x2b3: {  	s20 =	simm.s32 $0xC800;
	s19 =	simm.s32 $0x0;
	v9 =	vadd.s32 v7, v9  }
0x2b4: {  	[hbm4b:s3+s19] =	stream.indirect_vreg.scatter [tilespmem:s20], [sflag:$0x9], $0x80, v10, vm0, $0xb8;
	[tilespmem:$0x1CB00] =	vst v63  }
0x2b5: {  	s21 =	simm.s32 $0xD000  }
0x2b6: {  	[hbm4b:s9+s19] =	stream.indirect_vreg.scatter [tilespmem:s21], [sflag:$0x9], $0x80, v10, vm0, $0xb8;
	[tilespmem:$0x1CB00] =	vst v63  }
0x2b7: {  	s22 =	simm.s32 $0xD800  }
0x2b8: {  	[hbm4b:s3+s19] =	stream.indirect_vreg.scatter [tilespmem:s22], [sflag:$0x9], $0x80, v9, vm0, $0xb8;
	[tilespmem:$0x1CB00] =	vst v63  }
0x2b9: {  	s23 =	simm.s32 $0xE000  }
0x2ba: {  	[hbm4b:s9+s19] =	stream.indirect_vreg.scatter [tilespmem:s23], [sflag:$0x9], $0x80, v9, vm0, $0xb8;
	[tilespmem:$0x1CB00] =	vst v63  }
0x2bb: {  	v9 =	vld [tilespmem:$0x1C910];
	_ =	sdelay $0x4  }
0x2bc: {  	v10 =	vshll.u32 v9, $0x2  }
0x2bd: {  	v9 =	vand.u32 $0x7, v9;
	v10 =	vand.u32 $0xFFFFFFE0, v10  }
0x2be: {  	v9 =	vor.u32 v9, v10  }
0x2bf: {  	v10 =	vperm.xlane v9, v6;
	_ =	sdelay $0x1  }
0x2c0: {  	v10 =	vadd.s32 v7, v10;
	_ =	sdelay $0x1  }
0x2c1: {  	v9 =	vperm.xlane v9, v8;
	_ =	sdelay $0x1  }
0x2c2: {  	s24 =	simm.s32 $0xE800;
	v9 =	vadd.s32 v7, v9  }
0x2c3: {  	[hbm4b:s3+s19] =	stream.indirect_vreg.scatter [tilespmem:s24], [sflag:$0x9], $0x80, v10, vm0, $0xb8;
	[tilespmem:$0x1CB00] =	vst v63  }
0x2c4: {  	s25 =	simm.s32 $0xF000  }
0x2c5: {  	[hbm4b:s9+s19] =	stream.indirect_vreg.scatter [tilespmem:s25], [sflag:$0x9], $0x80, v10, vm0, $0xb8;
	[tilespmem:$0x1CB00] =	vst v63  }
0x2c6: {  	s26 =	simm.s32 $0xF800  }
0x2c7: {  	[hbm4b:s3+s19] =	stream.indirect_vreg.scatter [tilespmem:s26], [sflag:$0x9], $0x80, v9, vm0, $0xb8;
	[tilespmem:$0x1CB00] =	vst v63  }
0x2c8: {  	s20 =	simm.s32 $0x10000  }
0x2c9: {  	[hbm4b:s9+s19] =	stream.indirect_vreg.scatter [tilespmem:s20], [sflag:$0x9], $0x80, v9, vm0, $0xb8;
	[tilespmem:$0x1CB00] =	vst v63  }
0x2ca: {  	s21 =	smul.u32 $0xC00, s14;
	_ =	swait.ge [sflag:s0], $0x4000  }
0x2cb: {  	[sflag:s0] =	ssyncset.done $0x0  }
0x2cc: {  	s17 =	sshra.s32 s21, $0x2;
	[sflag:s0] =	ssyncadd.s32 $0xFFFFC000  }
0x2cd: {  	v9 =	vld [tilespmem:s17+$0x300];
	_ =	sdelay $0x4  }
0x2ce: {  	v10 =	vshll.u32 v9, $0x2  }
0x2cf: {  	v9 =	vand.u32 $0x7, v9;
	v10 =	vand.u32 $0xFFFFFFE0, v10  }
0x2d0: {  	v9 =	vor.u32 v9, v10  }
0x2d1: {  	v10 =	vperm.xlane v9, v6;
	_ =	sdelay $0x1  }
0x2d2: {  	v10 =	vadd.s32 v7, v10;
	_ =	sdelay $0x1  }
0x2d3: {  	v9 =	vperm.xlane v9, v8;
	_ =	sdelay $0x1  }
0x2d4: {  	s20 =	simm.s32 $0x4800;
	v9 =	vadd.s32 v7, v9  }
0x2d5: {  	[tilespmem:s20], [sflag:$0x1] =	stream.indirect_vreg.gather [hbm4b:s1+s19], $0x80, v10, vm0, $0xb8;
	[tilespmem:$0x1CB00] =	vst v63  }
0x2d6: {  	s22 =	simm.s32 $0x5000  }
0x2d7: {  	[tilespmem:s22], [sflag:$0x1] =	stream.indirect_vreg.gather [hbm4b:s7+s19], $0x80, v10, vm0, $0xb8;
	[tilespmem:$0x1CB00] =	vst v63  }
0x2d8: {  	s23 =	simm.s32 $0x5800  }
0x2d9: {  	[tilespmem:s23], [sflag:$0x1] =	stream.indirect_vreg.gather [hbm4b:s1+s19], $0x80, v9, vm0, $0xb8;
	[tilespmem:$0x1CB00] =	vst v63  }
0x2da: {  	s24 =	simm.s32 $0x6000  }
0x2db: {  	[tilespmem:s24], [sflag:$0x1] =	stream.indirect_vreg.gather [hbm4b:s7+s19], $0x80, v9, vm0, $0xb8;
	[tilespmem:$0x1CB00] =	vst v63  }
0x2dc: {  	v9 =	vld [tilespmem:s17+$0x310];
	_ =	sdelay $0x4  }
0x2dd: {  	v10 =	vshll.u32 v9, $0x2  }
0x2de: {  	v9 =	vand.u32 $0x7, v9;
	v10 =	vand.u32 $0xFFFFFFE0, v10  }
0x2df: {  	v9 =	vor.u32 v9, v10  }
0x2e0: {  	v10 =	vperm.xlane v9, v6;
	_ =	sdelay $0x1  }
0x2e1: {  	v10 =	vadd.s32 v7, v10;
	_ =	sdelay $0x1  }
0x2e2: {  	v9 =	vperm.xlane v9, v8;
	_ =	sdelay $0x1  }
0x2e3: {  	s25 =	simm.s32 $0x6800;
	v9 =	vadd.s32 v7, v9  }
0x2e4: {  	[tilespmem:s25], [sflag:$0x1] =	stream.indirect_vreg.gather [hbm4b:s1+s19], $0x80, v10, vm0, $0xb8;
	[tilespmem:$0x1CB00] =	vst v63  }
0x2e5: {  	s18 =	sadd.s32 $0x3, s18;
	s26 =	simm.s32 $0x7000  }
0x2e6: {  	[tilespmem:s26], [sflag:$0x1] =	stream.indirect_vreg.gather [hbm4b:s7+s19], $0x80, v10, vm0, $0xb8;
	[tilespmem:$0x1CB00] =	vst v63  }
0x2e7: {  	s21 =	simm.s32 $0x7800;
	s22 =	sshrl.u32 s18, $0x5;
	s23 =	sshll.u32 s18, $0xC  }
0x2e8: {  	[tilespmem:s21], [sflag:$0x1] =	stream.indirect_vreg.gather [hbm4b:s1+s19], $0x80, v9, vm0, $0xb8;
	[tilespmem:$0x1CB00] =	vst v63  }
0x2e9: {  	s20 =	sadd.s32 s8, s22;
	s21 =	sand.u32 $0x1F000, s23  }
0x2ea: {  	s24 =	simm.s32 $0x8000;
	s20 =	sadd.s32 s21, s20  }
0x2eb: {  	[tilespmem:s24], [sflag:$0x1] =	stream.indirect_vreg.gather [hbm4b:s7+s19], $0x80, v9, vm0, $0xb8;
	v9 =	vadd.s32 s20, v0;
	[tilespmem:$0x1CB00] =	vst v63  }
0x2ec: {  	[tilespmem:$0x1C980] =	vst v9;
	v9 =	vadd.s32 s20, v1  }
0x2ed: {  	[tilespmem:$0x1C990] =	vst v9  }
0x2ee: {  	_ =	swait.ge [sflag:s2], $0x4000  }
0x2ef: {  	s18 =	sshll.u32 s18, $0x4;
	[sflag:s2] =	ssyncset.done $0x0  }
0x2f0: {  	s18 =	sand.u32 $0x3FFFFE00, s18;
	[sflag:s2] =	ssyncadd.s32 $0xFFFFC000  }
0x2f1: {  	v9 =	vld [tilespmem:s18+$0x4000]  }
0x2f2: {  	v10 =	vld [tilespmem:s18+$0x4010]  }
0x2f3: {  	v11 =	vld [tilespmem:s18+$0x4020]  }
0x2f4: {  	v12 =	vld [tilespmem:s18+$0x4030]  }
0x2f5: {  	v13 =	vld [tilespmem:s18+$0x4040]  }
0x2f6: {  	v14 =	vld [tilespmem:s18+$0x4050]  }
0x2f7: {  	v15 =	vld [tilespmem:s18+$0x4060]  }
0x2f8: {  	v16 =	vld [tilespmem:s18+$0x4070]  }
0x2f9: {  	v17 =	vld [tilespmem:s18+$0x4080]  }
0x2fa: {  	v19 =	vld [tilespmem:s18+$0x4090]  }
0x2fb: {  	v23 =	vld [tilespmem:s18+$0x40A0]  }
0x2fc: {  	v24 =	vld [tilespmem:s18+$0x40B0]  }
0x2fd: {  	v20 =	vld [tilespmem:s18+$0x40C0]  }
0x2fe: {  	s25 =	sand.u32 $0x3000, s19;
	s19 =	sand.u32 $0x380, s19;
	v18 =	vld [tilespmem:s18+$0x40D0]  }
0x2ff: {  	s20 =	sor.u32 s19, s25;
	v21 =	vld [tilespmem:s18+$0x40E0]  }
0x300: {  	s19 =	sor.u32 $0x10800, s20;
	v22 =	vld [tilespmem:s18+$0x40F0]  }
0x301: {  	s26 =	sor.u32 $0x10810, s20;
	[tilespmem:s19+$0x0] =	vst.add.f32.msk $0xffff, v9  }
0x302: {  	s21 =	sor.u32 $0x10820, s20;
	[tilespmem:s26+$0x0] =	vst.add.f32.msk $0xffff, v10  }
0x303: {  	s22 =	sor.u32 $0x10830, s20;
	[tilespmem:s21+$0x0] =	vst.add.f32.msk $0xffff, v11  }
0x304: {  	s23 =	sor.u32 $0x10840, s20;
	[tilespmem:s22+$0x0] =	vst.add.f32.msk $0xffff, v12  }
0x305: {  	s24 =	sor.u32 $0x10850, s20;
	[tilespmem:s23+$0x0] =	vst.add.f32.msk $0xffff, v13  }
0x306: {  	s25 =	sor.u32 $0x10860, s20;
	[tilespmem:s24+$0x0] =	vst.add.f32.msk $0xffff, v14  }
0x307: {  	s26 =	sor.u32 $0x10870, s20;
	[tilespmem:s25+$0x0] =	vst.add.f32.msk $0xffff, v15  }
0x308: {  	s21 =	sor.u32 $0x10C00, s20;
	[tilespmem:s26+$0x0] =	vst.add.f32.msk $0xffff, v16  }
0x309: {  	s22 =	sor.u32 $0x10C10, s20;
	[tilespmem:s21+$0x0] =	vst.add.f32.msk $0xffff, v17  }
0x30a: {  	s23 =	sor.u32 $0x10C20, s20;
	s24 =	simm.s32 $0x200;
	s26 =	simm.s32 $0x80;
	[tilespmem:s22+$0x0] =	vst.add.f32.msk $0xffff, v19  }
0x30b: {  	s25 =	sor.u32 $0x10C30, s20;
	s21 =	sand.u32 $0x3000, s24;
	s22 =	sand.u32 $0x380, s26;
	[tilespmem:s23+$0x0] =	vst.add.f32.msk $0xffff, v23  }
0x30c: {  	s23 =	sor.u32 $0x10C40, s20;
	s19 =	sor.u32 s22, s21;
	[tilespmem:s25+$0x0] =	vst.add.f32.msk $0xffff, v24  }
0x30d: {  	s24 =	sor.u32 $0x10800, s19;
	[tilespmem:s23+$0x0] =	vst.add.f32.msk $0xffff, v20  }
0x30e: {  	s23 =	sor.u32 $0x10C50, s20;
	[tilespmem:s24+$0x0] =	vst.add.f32.msk $0xffff, v9  }
0x30f: {  	s25 =	sor.u32 $0x10810, s19;
	[tilespmem:s23+$0x0] =	vst.add.f32.msk $0xffff, v18  }
0x310: {  	s26 =	sor.u32 $0x10820, s19;
	[tilespmem:s25+$0x0] =	vst.add.f32.msk $0xffff, v10  }
0x311: {  	s22 =	sor.u32 $0x10830, s19;
	[tilespmem:s26+$0x0] =	vst.add.f32.msk $0xffff, v11  }
0x312: {  	s23 =	sor.u32 $0x10840, s19;
	[tilespmem:s22+$0x0] =	vst.add.f32.msk $0xffff, v12  }
0x313: {  	s24 =	sor.u32 $0x10850, s19;
	[tilespmem:s23+$0x0] =	vst.add.f32.msk $0xffff, v13  }
0x314: {  	s25 =	sor.u32 $0x10860, s19;
	[tilespmem:s24+$0x0] =	vst.add.f32.msk $0xffff, v14  }
0x315: {  	s26 =	sor.u32 $0x10870, s19;
	[tilespmem:s25+$0x0] =	vst.add.f32.msk $0xffff, v15  }
0x316: {  	s22 =	sor.u32 $0x10C00, s19;
	[tilespmem:s26+$0x0] =	vst.add.f32.msk $0xffff, v16  }
0x317: {  	s26 =	sor.u32 $0x10C60, s20;
	[tilespmem:s22+$0x0] =	vst.add.f32.msk $0xffff, v17  }
0x318: {  	s23 =	sor.u32 $0x10C10, s19;
	[tilespmem:s26+$0x0] =	vst.add.f32.msk $0xffff, v21  }
0x319: {  	s24 =	sor.u32 $0x10C20, s19;
	[tilespmem:s23+$0x0] =	vst.add.f32.msk $0xffff, v19  }
0x31a: {  	s21 =	sor.u32 $0x10C40, s19;
	s25 =	sor.u32 $0x10C30, s19;
	[tilespmem:s24+$0x0] =	vst.add.f32.msk $0xffff, v23  }
0x31b: {  	s20 =	sor.u32 $0x10C70, s20;
	s22 =	simm.s32 $0x100;
	s23 =	simm.s32 $0x400;
	[tilespmem:s25+$0x0] =	vst.add.f32.msk $0xffff, v24  }
.LBB2_15:
0x31c: {  	s24 =	sand.u32 $0x3000, s23  }
0x31d: {  	s25 =	sand.u32 $0x380, s22;
	[tilespmem:s20+$0x0] =	vst.add.f32.msk $0xffff, v22;
	s20 =	smov.u32 s23;
	s26 =	sadd.s32 $0x200, s23  }
0x31e: {  	p0 =	sne.s32 s23, $0x3E00;
	s24 =	sor.u32 s25, s24;
	[tilespmem:s21+$0x0] =	vst.add.f32.msk $0xffff, v20;
	s20 =	sor.u32 $0x10C50, s19  }
0x31f: {  	s23 =	sor.u32 $0x10800, s24;
	s21 =	sor.u32 $0x10C40, s24;
	[tilespmem:s20+$0x0] =	vst.add.f32.msk $0xffff, v18  }
0x320: {  	s20 =	sor.u32 $0x10810, s24;
	[tilespmem:s23+$0x0] =	vst.add.f32.msk $0xffff, v9  }
0x321: {  	[tilespmem:s20+$0x0] =	vst.add.f32.msk $0xffff, v10;
	s20 =	sor.u32 $0x10820, s24  }
0x322: {  	[tilespmem:s20+$0x0] =	vst.add.f32.msk $0xffff, v11;
	s20 =	sor.u32 $0x10830, s24  }
0x323: {  	[tilespmem:s20+$0x0] =	vst.add.f32.msk $0xffff, v12;
	s20 =	sor.u32 $0x10840, s24  }
0x324: {  	[tilespmem:s20+$0x0] =	vst.add.f32.msk $0xffff, v13;
	s20 =	sor.u32 $0x10850, s24  }
0x325: {  	[tilespmem:s20+$0x0] =	vst.add.f32.msk $0xffff, v14;
	s20 =	sor.u32 $0x10860, s24  }
0x326: {  	[tilespmem:s20+$0x0] =	vst.add.f32.msk $0xffff, v15;
	s20 =	sor.u32 $0x10870, s24  }
0x327: {  	[tilespmem:s20+$0x0] =	vst.add.f32.msk $0xffff, v16;
	s20 =	sor.u32 $0x10C00, s24  }
.Ltmp6:
0x328: {  	[tilespmem:s20+$0x0] =	vst.add.f32.msk $0xffff, v17;
	s20 =	sor.u32 $0x10C10, s24;
	(pc) =	sbr.rel @p0 .LBB2_15-.Ltmp6, $4  }
0x329: {  	[tilespmem:s20+$0x0] =	vst.add.f32.msk $0xffff, v19;
	s20 =	sor.u32 $0x10C20, s24  }
0x32a: {  	[tilespmem:s20+$0x0] =	vst.add.f32.msk $0xffff, v23;
	s20 =	sor.u32 $0x10C30, s24  }
0x32b: {  	s22 =	sadd.s32 $0x80, s22;
	[tilespmem:s20+$0x0] =	vst.add.f32.msk $0xffff, v24;
	s20 =	sor.u32 $0x10C60, s19  }
0x32c: {  	s23 =	smov.u32 s26;
	[tilespmem:s20+$0x0] =	vst.add.f32.msk $0xffff, v21;
	s20 =	sor.u32 $0x10C70, s19;
	s19 =	smov.u32 s24  }
0x32d: {  	[tilespmem:s20+$0x0] =	vst.add.f32.msk $0xffff, v22  }
0x32e: {  	[tilespmem:s21+$0x0] =	vst.add.f32.msk $0xffff, v20;
	s21 =	sor.u32 $0x10C50, s19  }
0x32f: {  	s22 =	sor.u32 $0x10C60, s19;
	[tilespmem:s21+$0x0] =	vst.add.f32.msk $0xffff, v18  }
0x330: {  	s23 =	sor.u32 $0x10C70, s19;
	[tilespmem:s22+$0x0] =	vst.add.f32.msk $0xffff, v21  }
0x331: {  	[tilespmem:s23+$0x0] =	vst.add.f32.msk $0xffff, v22  }
0x332: {  	v9 =	vld [tilespmem:s18+$0x4100]  }
0x333: {  	v10 =	vld [tilespmem:s18+$0x4110]  }
0x334: {  	v11 =	vld [tilespmem:s18+$0x4120]  }
0x335: {  	v12 =	vld [tilespmem:s18+$0x4130]  }
0x336: {  	v13 =	vld [tilespmem:s18+$0x4140]  }
0x337: {  	v14 =	vld [tilespmem:s18+$0x4150]  }
0x338: {  	v15 =	vld [tilespmem:s18+$0x4160]  }
0x339: {  	v16 =	vld [tilespmem:s18+$0x4170]  }
0x33a: {  	v17 =	vld [tilespmem:s18+$0x4180]  }
0x33b: {  	v18 =	vld [tilespmem:s18+$0x4190]  }
0x33c: {  	v19 =	vld [tilespmem:s18+$0x41A0]  }
0x33d: {  	v24 =	vld [tilespmem:s18+$0x41F0]  }
0x33e: {  	v20 =	vld [tilespmem:s18+$0x41B0]  }
0x33f: {  	s24 =	simm.s32 $0x0;
	v21 =	vld [tilespmem:s18+$0x41C0]  }
0x340: {  	s25 =	sand.u32 $0x3000, s24;
	s19 =	sand.u32 $0x380, s24;
	v22 =	vld [tilespmem:s18+$0x41D0]  }
0x341: {  	v23 =	vld [tilespmem:s18+$0x41E0];
	s18 =	sor.u32 s19, s25  }
0x342: {  	[tilespmem:s18+$0x11470] =	vst.add.f32.msk $0xffff, v24  }
0x343: {  	[tilespmem:s18+$0x11000] =	vst.add.f32.msk $0xffff, v9  }
0x344: {  	[tilespmem:s18+$0x11010] =	vst.add.f32.msk $0xffff, v10  }
0x345: {  	[tilespmem:s18+$0x11020] =	vst.add.f32.msk $0xffff, v11  }
0x346: {  	[tilespmem:s18+$0x11030] =	vst.add.f32.msk $0xffff, v12  }
0x347: {  	[tilespmem:s18+$0x11040] =	vst.add.f32.msk $0xffff, v13  }
0x348: {  	[tilespmem:s18+$0x11050] =	vst.add.f32.msk $0xffff, v14  }
0x349: {  	[tilespmem:s18+$0x11060] =	vst.add.f32.msk $0xffff, v15  }
0x34a: {  	[tilespmem:s18+$0x11070] =	vst.add.f32.msk $0xffff, v16  }
0x34b: {  	[tilespmem:s18+$0x11400] =	vst.add.f32.msk $0xffff, v17  }
0x34c: {  	[tilespmem:s18+$0x11410] =	vst.add.f32.msk $0xffff, v18  }
0x34d: {  	[tilespmem:s18+$0x11420] =	vst.add.f32.msk $0xffff, v19  }
0x34e: {  	[tilespmem:s18+$0x11430] =	vst.add.f32.msk $0xffff, v20  }
0x34f: {  	s26 =	simm.s32 $0x200;
	s19 =	simm.s32 $0x80;
	[tilespmem:s18+$0x11440] =	vst.add.f32.msk $0xffff, v21  }
0x350: {  	s20 =	simm.s32 $0x400;
	s21 =	sand.u32 $0x3000, s26;
	s22 =	sand.u32 $0x380, s19;
	[tilespmem:s18+$0x11450] =	vst.add.f32.msk $0xffff, v22  }
.LBB2_17:
0x351: {  	p0 =	sne.s32 s20, $0x3E00;
	[tilespmem:s18+$0x11460] =	vst.add.f32.msk $0xffff, v23;
	s18 =	sor.u32 s22, s21  }
0x352: {  	[tilespmem:s18+$0x11470] =	vst.add.f32.msk $0xffff, v24  }
0x353: {  	[tilespmem:s18+$0x11000] =	vst.add.f32.msk $0xffff, v9  }
0x354: {  	[tilespmem:s18+$0x11010] =	vst.add.f32.msk $0xffff, v10  }
0x355: {  	[tilespmem:s18+$0x11020] =	vst.add.f32.msk $0xffff, v11  }
0x356: {  	[tilespmem:s18+$0x11030] =	vst.add.f32.msk $0xffff, v12  }
0x357: {  	[tilespmem:s18+$0x11040] =	vst.add.f32.msk $0xffff, v13  }
0x358: {  	[tilespmem:s18+$0x11050] =	vst.add.f32.msk $0xffff, v14  }
0x359: {  	[tilespmem:s18+$0x11060] =	vst.add.f32.msk $0xffff, v15  }
0x35a: {  	[tilespmem:s18+$0x11070] =	vst.add.f32.msk $0xffff, v16  }
0x35b: {  	[tilespmem:s18+$0x11400] =	vst.add.f32.msk $0xffff, v17  }
.Ltmp7:
0x35c: {  	[tilespmem:s18+$0x11410] =	vst.add.f32.msk $0xffff, v18;
	(pc) =	sbr.rel @p0 .LBB2_17-.Ltmp7, $4  }
0x35d: {  	[tilespmem:s18+$0x11420] =	vst.add.f32.msk $0xffff, v19  }
0x35e: {  	[tilespmem:s18+$0x11430] =	vst.add.f32.msk $0xffff, v20  }
0x35f: {  	s19 =	sadd.s32 $0x80, s19;
	[tilespmem:s18+$0x11440] =	vst.add.f32.msk $0xffff, v21  }
0x360: {  	s21 =	sand.u32 $0x3000, s20;
	s20 =	sadd.s32 $0x200, s20;
	s22 =	sand.u32 $0x380, s19;
	[tilespmem:s18+$0x11450] =	vst.add.f32.msk $0xffff, v22  }
0x361: {  	s19 =	sor.u32 s22, s21;
	[tilespmem:s18+$0x11460] =	vst.add.f32.msk $0xffff, v23  }
0x362: {  	[tilespmem:s19+$0x11470] =	vst.add.f32.msk $0xffff, v24  }
0x363: {  	[tilespmem:s19+$0x11000] =	vst.add.f32.msk $0xffff, v9  }
0x364: {  	[tilespmem:s19+$0x11010] =	vst.add.f32.msk $0xffff, v10  }
0x365: {  	[tilespmem:s19+$0x11020] =	vst.add.f32.msk $0xffff, v11  }
0x366: {  	[tilespmem:s19+$0x11030] =	vst.add.f32.msk $0xffff, v12  }
0x367: {  	[tilespmem:s19+$0x11040] =	vst.add.f32.msk $0xffff, v13  }
0x368: {  	[tilespmem:s19+$0x11050] =	vst.add.f32.msk $0xffff, v14  }
0x369: {  	[tilespmem:s19+$0x11060] =	vst.add.f32.msk $0xffff, v15  }
0x36a: {  	[tilespmem:s19+$0x11070] =	vst.add.f32.msk $0xffff, v16  }
0x36b: {  	[tilespmem:s19+$0x11400] =	vst.add.f32.msk $0xffff, v17  }
0x36c: {  	[tilespmem:s19+$0x11410] =	vst.add.f32.msk $0xffff, v18  }
0x36d: {  	[tilespmem:s19+$0x11420] =	vst.add.f32.msk $0xffff, v19  }
0x36e: {  	[tilespmem:s19+$0x11430] =	vst.add.f32.msk $0xffff, v20  }
0x36f: {  	[tilespmem:s19+$0x11440] =	vst.add.f32.msk $0xffff, v21  }
0x370: {  	[tilespmem:s19+$0x11450] =	vst.add.f32.msk $0xffff, v22  }
0x371: {  	[tilespmem:s19+$0x11460] =	vst.add.f32.msk $0xffff, v23  }
0x372: {  	v9 =	vld [tilespmem:$0x1C980];
	_ =	sdelay $0x4  }
0x373: {  	v10 =	vshll.u32 v9, $0x2  }
0x374: {  	v9 =	vand.u32 $0x7, v9;
	v10 =	vand.u32 $0xFFFFFFE0, v10  }
0x375: {  	v9 =	vor.u32 v9, v10  }
0x376: {  	v10 =	vperm.xlane v9, v6;
	_ =	sdelay $0x1  }
0x377: {  	v10 =	vadd.s32 v7, v10;
	_ =	sdelay $0x1  }
0x378: {  	v9 =	vperm.xlane v9, v8;
	_ =	sdelay $0x1  }
0x379: {  	s18 =	simm.s32 $0x0;
	s21 =	simm.s32 $0x10800;
	v9 =	vadd.s32 v7, v9  }
0x37a: {  	[hbm4b:s3+s18] =	stream.indirect_vreg.scatter [tilespmem:s21], [sflag:$0xA], $0x80, v10, vm0, $0xb8;
	[tilespmem:$0x1CB00] =	vst v63  }
0x37b: {  	s22 =	simm.s32 $0x11000  }
0x37c: {  	[hbm4b:s9+s18] =	stream.indirect_vreg.scatter [tilespmem:s22], [sflag:$0xA], $0x80, v10, vm0, $0xb8;
	[tilespmem:$0x1CB00] =	vst v63  }
0x37d: {  	s23 =	simm.s32 $0x11800  }
0x37e: {  	[hbm4b:s3+s18] =	stream.indirect_vreg.scatter [tilespmem:s23], [sflag:$0xA], $0x80, v9, vm0, $0xb8;
	[tilespmem:$0x1CB00] =	vst v63  }
0x37f: {  	s24 =	simm.s32 $0x12000  }
0x380: {  	[hbm4b:s9+s18] =	stream.indirect_vreg.scatter [tilespmem:s24], [sflag:$0xA], $0x80, v9, vm0, $0xb8;
	[tilespmem:$0x1CB00] =	vst v63  }
0x381: {  	v9 =	vld [tilespmem:$0x1C990];
	_ =	sdelay $0x4  }
0x382: {  	v10 =	vshll.u32 v9, $0x2  }
0x383: {  	v9 =	vand.u32 $0x7, v9;
	v10 =	vand.u32 $0xFFFFFFE0, v10  }
0x384: {  	v9 =	vor.u32 v9, v10  }
0x385: {  	v10 =	vperm.xlane v9, v6;
	_ =	sdelay $0x1  }
0x386: {  	v10 =	vadd.s32 v7, v10;
	_ =	sdelay $0x1  }
0x387: {  	v9 =	vperm.xlane v9, v8;
	_ =	sdelay $0x1  }
0x388: {  	s25 =	simm.s32 $0x12800;
	v9 =	vadd.s32 v7, v9  }
0x389: {  	[hbm4b:s3+s18] =	stream.indirect_vreg.scatter [tilespmem:s25], [sflag:$0xA], $0x80, v10, vm0, $0xb8;
	[tilespmem:$0x1CB00] =	vst v63  }
0x38a: {  	s26 =	simm.s32 $0x13000  }
0x38b: {  	[hbm4b:s9+s18] =	stream.indirect_vreg.scatter [tilespmem:s26], [sflag:$0xA], $0x80, v10, vm0, $0xb8;
	[tilespmem:$0x1CB00] =	vst v63  }
0x38c: {  	s20 =	simm.s32 $0x13800  }
0x38d: {  	[hbm4b:s3+s18] =	stream.indirect_vreg.scatter [tilespmem:s20], [sflag:$0xA], $0x80, v9, vm0, $0xb8;
	[tilespmem:$0x1CB00] =	vst v63  }
0x38e: {  	s21 =	simm.s32 $0x14000  }
0x38f: {  	[hbm4b:s9+s18] =	stream.indirect_vreg.scatter [tilespmem:s21], [sflag:$0xA], $0x80, v9, vm0, $0xb8;
	[tilespmem:$0x1CB00] =	vst v63  }
0x390: {  	_ =	swait.ge [sflag:s12], $0x4000  }
0x391: {  	[sflag:s12] =	ssyncset.done $0x0  }
0x392: {  	[sflag:s12] =	ssyncadd.s32 $0xFFFFC000  }
0x393: {  	v9 =	vld [tilespmem:s17+$0x380];
	_ =	sdelay $0x4  }
0x394: {  	v10 =	vshll.u32 v9, $0x2  }
0x395: {  	v9 =	vand.u32 $0x7, v9;
	v10 =	vand.u32 $0xFFFFFFE0, v10  }
0x396: {  	v9 =	vor.u32 v9, v10  }
0x397: {  	v10 =	vperm.xlane v9, v6;
	_ =	sdelay $0x1  }
0x398: {  	v10 =	vadd.s32 v7, v10;
	_ =	sdelay $0x1  }
0x399: {  	v9 =	vperm.xlane v9, v8;
	_ =	sdelay $0x1  }
0x39a: {  	s26 =	simm.s32 $0x8800;
	v9 =	vadd.s32 v7, v9  }
0x39b: {  	[tilespmem:s26], [sflag:$0x2] =	stream.indirect_vreg.gather [hbm4b:s1+s18], $0x80, v10, vm0, $0xb8;
	[tilespmem:$0x1CB00] =	vst v63  }
0x39c: {  	s22 =	simm.s32 $0x9000  }
0x39d: {  	[tilespmem:s22], [sflag:$0x2] =	stream.indirect_vreg.gather [hbm4b:s7+s18], $0x80, v10, vm0, $0xb8;
	[tilespmem:$0x1CB00] =	vst v63  }
0x39e: {  	s23 =	simm.s32 $0x9800  }
0x39f: {  	[tilespmem:s23], [sflag:$0x2] =	stream.indirect_vreg.gather [hbm4b:s1+s18], $0x80, v9, vm0, $0xb8;
	[tilespmem:$0x1CB00] =	vst v63  }
0x3a0: {  	s24 =	simm.s32 $0xA000  }
0x3a1: {  	[tilespmem:s24], [sflag:$0x2] =	stream.indirect_vreg.gather [hbm4b:s7+s18], $0x80, v9, vm0, $0xb8;
	[tilespmem:$0x1CB00] =	vst v63  }
0x3a2: {  	v9 =	vld [tilespmem:s17+$0x390];
	_ =	sdelay $0x4  }
0x3a3: {  	v10 =	vshll.u32 v9, $0x2  }
0x3a4: {  	v9 =	vand.u32 $0x7, v9;
	v10 =	vand.u32 $0xFFFFFFE0, v10  }
0x3a5: {  	v9 =	vor.u32 v9, v10  }
0x3a6: {  	v10 =	vperm.xlane v9, v6;
	_ =	sdelay $0x1  }
0x3a7: {  	v10 =	vadd.s32 v7, v10;
	_ =	sdelay $0x2  }
0x3a8: {  	v9 =	vperm.xlane v9, v8  }
0x3a9: {  	s25 =	simm.s32 $0xA800  }
0x3aa: {  	v9 =	vadd.s32 v7, v9;
	[tilespmem:s25], [sflag:$0x2] =	stream.indirect_vreg.gather [hbm4b:s1+s18], $0x80, v10, vm0, $0xb8;
	[tilespmem:$0x1CB00] =	vst v63  }
0x3ab: {  	s20 =	simm.s32 $0xB000  }
0x3ac: {  	[tilespmem:s20], [sflag:$0x2] =	stream.indirect_vreg.gather [hbm4b:s7+s18], $0x80, v10, vm0, $0xb8;
	[tilespmem:$0x1CB00] =	vst v63  }
0x3ad: {  	s21 =	sshrl.u32 s16, $0x5;
	s20 =	sshll.u32 s16, $0xC  }
0x3ae: {  	s19 =	sadd.s32 s8, s21;
	s20 =	sand.u32 $0x1E000, s20  }
0x3af: {  	[tilespmem:s29], [sflag:$0x2] =	stream.indirect_vreg.gather [hbm4b:s1+s18], $0x80, v9, vm0, $0xb8;
	[tilespmem:$0x1CB00] =	vst v63  }
0x3b0: {  	s19 =	sadd.s32 s20, s19  }
0x3b1: {  	[tilespmem:s28], [sflag:$0x2] =	stream.indirect_vreg.gather [hbm4b:s7+s18], $0x80, v9, vm0, $0xb8;
	v9 =	vadd.s32 s19, v0;
	[tilespmem:$0x1CB00] =	vst v63  }
0x3b2: {  	[tilespmem:$0x1CA00] =	vst v9;
	v9 =	vadd.s32 s19, v1  }
0x3b3: {  	[tilespmem:$0x1CA10] =	vst v9  }
0x3b4: {  	_ =	swait.ge [sflag:s5], $0x4000  }
0x3b5: {  	s22 =	sshll.u32 s16, $0x4;
	[sflag:s5] =	ssyncset.done $0x0  }
0x3b6: {  	s16 =	sand.u32 $0x3FFFFE00, s22;
	[sflag:s5] =	ssyncadd.s32 $0xFFFFC000  }
0x3b7: {  	v9 =	vld [tilespmem:s16+$0x4000]  }
0x3b8: {  	v10 =	vld [tilespmem:s16+$0x4010]  }
0x3b9: {  	v11 =	vld [tilespmem:s16+$0x4020]  }
0x3ba: {  	v12 =	vld [tilespmem:s16+$0x4030]  }
0x3bb: {  	v13 =	vld [tilespmem:s16+$0x4040]  }
0x3bc: {  	v14 =	vld [tilespmem:s16+$0x4050]  }
0x3bd: {  	v15 =	vld [tilespmem:s16+$0x4060]  }
0x3be: {  	v16 =	vld [tilespmem:s16+$0x4070]  }
0x3bf: {  	v17 =	vld [tilespmem:s16+$0x4080]  }
0x3c0: {  	v19 =	vld [tilespmem:s16+$0x4090]  }
0x3c1: {  	v23 =	vld [tilespmem:s16+$0x40A0]  }
0x3c2: {  	v24 =	vld [tilespmem:s16+$0x40B0]  }
0x3c3: {  	v20 =	vld [tilespmem:s16+$0x40C0]  }
0x3c4: {  	s23 =	sand.u32 $0x3000, s18;
	s18 =	sand.u32 $0x380, s18;
	v18 =	vld [tilespmem:s16+$0x40D0]  }
0x3c5: {  	s19 =	sor.u32 s18, s23;
	v21 =	vld [tilespmem:s16+$0x40E0]  }
0x3c6: {  	s18 =	sor.u32 $0x14800, s19;
	v22 =	vld [tilespmem:s16+$0x40F0]  }
0x3c7: {  	s24 =	sor.u32 $0x14810, s19;
	[tilespmem:s18+$0x0] =	vst.add.f32.msk $0xffff, v9  }
0x3c8: {  	s25 =	sor.u32 $0x14820, s19;
	[tilespmem:s24+$0x0] =	vst.add.f32.msk $0xffff, v10  }
0x3c9: {  	s20 =	sor.u32 $0x14830, s19;
	[tilespmem:s25+$0x0] =	vst.add.f32.msk $0xffff, v11  }
0x3ca: {  	s21 =	sor.u32 $0x14840, s19;
	[tilespmem:s20+$0x0] =	vst.add.f32.msk $0xffff, v12  }
0x3cb: {  	s22 =	sor.u32 $0x14850, s19;
	[tilespmem:s21+$0x0] =	vst.add.f32.msk $0xffff, v13  }
0x3cc: {  	s23 =	sor.u32 $0x14860, s19;
	[tilespmem:s22+$0x0] =	vst.add.f32.msk $0xffff, v14  }
0x3cd: {  	s24 =	sor.u32 $0x14870, s19;
	[tilespmem:s23+$0x0] =	vst.add.f32.msk $0xffff, v15  }
0x3ce: {  	s25 =	sor.u32 $0x14C00, s19;
	[tilespmem:s24+$0x0] =	vst.add.f32.msk $0xffff, v16  }
0x3cf: {  	s20 =	sor.u32 $0x14C10, s19;
	[tilespmem:s25+$0x0] =	vst.add.f32.msk $0xffff, v17  }
0x3d0: {  	s21 =	sor.u32 $0x14C20, s19;
	[tilespmem:s20+$0x0] =	vst.add.f32.msk $0xffff, v19  }
0x3d1: {  	s22 =	simm.s32 $0x200;
	s23 =	sor.u32 $0x14C30, s19;
	s24 =	simm.s32 $0x80;
	[tilespmem:s21+$0x0] =	vst.add.f32.msk $0xffff, v23  }
0x3d2: {  	s25 =	sor.u32 $0x14C40, s19;
	s20 =	sand.u32 $0x3000, s22;
	s21 =	sand.u32 $0x380, s24;
	[tilespmem:s23+$0x0] =	vst.add.f32.msk $0xffff, v24  }
0x3d3: {  	s22 =	sor.u32 $0x14C50, s19;
	s18 =	sor.u32 s21, s20;
	[tilespmem:s25+$0x0] =	vst.add.f32.msk $0xffff, v20  }
0x3d4: {  	s23 =	sor.u32 $0x14800, s18;
	[tilespmem:s22+$0x0] =	vst.add.f32.msk $0xffff, v18  }
0x3d5: {  	s24 =	sor.u32 $0x14810, s18;
	[tilespmem:s23+$0x0] =	vst.add.f32.msk $0xffff, v9  }
0x3d6: {  	s25 =	sor.u32 $0x14820, s18;
	[tilespmem:s24+$0x0] =	vst.add.f32.msk $0xffff, v10  }
0x3d7: {  	s21 =	sor.u32 $0x14830, s18;
	[tilespmem:s25+$0x0] =	vst.add.f32.msk $0xffff, v11  }
0x3d8: {  	s22 =	sor.u32 $0x14840, s18;
	[tilespmem:s21+$0x0] =	vst.add.f32.msk $0xffff, v12  }
0x3d9: {  	s23 =	sor.u32 $0x14850, s18;
	[tilespmem:s22+$0x0] =	vst.add.f32.msk $0xffff, v13  }
0x3da: {  	s24 =	sor.u32 $0x14860, s18;
	[tilespmem:s23+$0x0] =	vst.add.f32.msk $0xffff, v14  }
0x3db: {  	s25 =	sor.u32 $0x14870, s18;
	[tilespmem:s24+$0x0] =	vst.add.f32.msk $0xffff, v15  }
0x3dc: {  	s21 =	sor.u32 $0x14C00, s18;
	[tilespmem:s25+$0x0] =	vst.add.f32.msk $0xffff, v16  }
0x3dd: {  	s25 =	sor.u32 $0x14C60, s19;
	[tilespmem:s21+$0x0] =	vst.add.f32.msk $0xffff, v17  }
0x3de: {  	s22 =	sor.u32 $0x14C10, s18;
	[tilespmem:s25+$0x0] =	vst.add.f32.msk $0xffff, v21  }
0x3df: {  	s23 =	sor.u32 $0x14C20, s18;
	[tilespmem:s22+$0x0] =	vst.add.f32.msk $0xffff, v19  }
0x3e0: {  	s20 =	sor.u32 $0x14C40, s18;
	s24 =	sor.u32 $0x14C30, s18;
	[tilespmem:s23+$0x0] =	vst.add.f32.msk $0xffff, v23  }
0x3e1: {  	s19 =	sor.u32 $0x14C70, s19;
	s21 =	simm.s32 $0x100;
	s22 =	simm.s32 $0x400;
	[tilespmem:s24+$0x0] =	vst.add.f32.msk $0xffff, v24  }
.LBB2_19:
0x3e2: {  	s23 =	sand.u32 $0x3000, s22  }
0x3e3: {  	s24 =	sand.u32 $0x380, s21;
	[tilespmem:s19+$0x0] =	vst.add.f32.msk $0xffff, v22;
	s19 =	smov.u32 s22;
	s25 =	sadd.s32 $0x200, s22  }
0x3e4: {  	p0 =	sne.s32 s22, $0x3E00;
	s23 =	sor.u32 s24, s23;
	[tilespmem:s20+$0x0] =	vst.add.f32.msk $0xffff, v20;
	s19 =	sor.u32 $0x14C50, s18  }
0x3e5: {  	s22 =	sor.u32 $0x14800, s23;
	s20 =	sor.u32 $0x14C40, s23;
	[tilespmem:s19+$0x0] =	vst.add.f32.msk $0xffff, v18  }
0x3e6: {  	s19 =	sor.u32 $0x14810, s23;
	[tilespmem:s22+$0x0] =	vst.add.f32.msk $0xffff, v9  }
0x3e7: {  	[tilespmem:s19+$0x0] =	vst.add.f32.msk $0xffff, v10;
	s19 =	sor.u32 $0x14820, s23  }
0x3e8: {  	[tilespmem:s19+$0x0] =	vst.add.f32.msk $0xffff, v11;
	s19 =	sor.u32 $0x14830, s23  }
0x3e9: {  	[tilespmem:s19+$0x0] =	vst.add.f32.msk $0xffff, v12;
	s19 =	sor.u32 $0x14840, s23  }
0x3ea: {  	[tilespmem:s19+$0x0] =	vst.add.f32.msk $0xffff, v13;
	s19 =	sor.u32 $0x14850, s23  }
0x3eb: {  	[tilespmem:s19+$0x0] =	vst.add.f32.msk $0xffff, v14;
	s19 =	sor.u32 $0x14860, s23  }
0x3ec: {  	[tilespmem:s19+$0x0] =	vst.add.f32.msk $0xffff, v15;
	s19 =	sor.u32 $0x14870, s23  }
0x3ed: {  	[tilespmem:s19+$0x0] =	vst.add.f32.msk $0xffff, v16;
	s19 =	sor.u32 $0x14C00, s23  }
.Ltmp8:
0x3ee: {  	[tilespmem:s19+$0x0] =	vst.add.f32.msk $0xffff, v17;
	s19 =	sor.u32 $0x14C10, s23;
	(pc) =	sbr.rel @p0 .LBB2_19-.Ltmp8, $4  }
0x3ef: {  	[tilespmem:s19+$0x0] =	vst.add.f32.msk $0xffff, v19;
	s19 =	sor.u32 $0x14C20, s23  }
0x3f0: {  	[tilespmem:s19+$0x0] =	vst.add.f32.msk $0xffff, v23;
	s19 =	sor.u32 $0x14C30, s23  }
0x3f1: {  	s21 =	sadd.s32 $0x80, s21;
	[tilespmem:s19+$0x0] =	vst.add.f32.msk $0xffff, v24;
	s19 =	sor.u32 $0x14C60, s18  }
0x3f2: {  	s22 =	smov.u32 s25;
	[tilespmem:s19+$0x0] =	vst.add.f32.msk $0xffff, v21;
	s19 =	sor.u32 $0x14C70, s18;
	s18 =	smov.u32 s23  }
0x3f3: {  	[tilespmem:s19+$0x0] =	vst.add.f32.msk $0xffff, v22  }
0x3f4: {  	[tilespmem:s20+$0x0] =	vst.add.f32.msk $0xffff, v20;
	s20 =	sor.u32 $0x14C50, s18  }
0x3f5: {  	s21 =	sor.u32 $0x14C60, s18;
	[tilespmem:s20+$0x0] =	vst.add.f32.msk $0xffff, v18  }
0x3f6: {  	s22 =	sor.u32 $0x14C70, s18;
	[tilespmem:s21+$0x0] =	vst.add.f32.msk $0xffff, v21  }
0x3f7: {  	[tilespmem:s22+$0x0] =	vst.add.f32.msk $0xffff, v22  }
0x3f8: {  	v9 =	vld [tilespmem:s16+$0x4100]  }
0x3f9: {  	v10 =	vld [tilespmem:s16+$0x4110]  }
0x3fa: {  	v11 =	vld [tilespmem:s16+$0x4120]  }
0x3fb: {  	v12 =	vld [tilespmem:s16+$0x4130]  }
0x3fc: {  	v13 =	vld [tilespmem:s16+$0x4140]  }
0x3fd: {  	v14 =	vld [tilespmem:s16+$0x4150]  }
0x3fe: {  	v15 =	vld [tilespmem:s16+$0x4160]  }
0x3ff: {  	v16 =	vld [tilespmem:s16+$0x4170]  }
0x400: {  	v17 =	vld [tilespmem:s16+$0x4180]  }
0x401: {  	v18 =	vld [tilespmem:s16+$0x4190]  }
0x402: {  	v19 =	vld [tilespmem:s16+$0x41A0]  }
0x403: {  	v24 =	vld [tilespmem:s16+$0x41F0]  }
0x404: {  	v20 =	vld [tilespmem:s16+$0x41B0]  }
0x405: {  	s23 =	simm.s32 $0x0;
	v21 =	vld [tilespmem:s16+$0x41C0]  }
0x406: {  	s24 =	sand.u32 $0x3000, s23;
	s18 =	sand.u32 $0x380, s23;
	v22 =	vld [tilespmem:s16+$0x41D0]  }
0x407: {  	v23 =	vld [tilespmem:s16+$0x41E0];
	s16 =	sor.u32 s18, s24  }
0x408: {  	[tilespmem:s16+$0x15470] =	vst.add.f32.msk $0xffff, v24  }
0x409: {  	[tilespmem:s16+$0x15000] =	vst.add.f32.msk $0xffff, v9  }
0x40a: {  	[tilespmem:s16+$0x15010] =	vst.add.f32.msk $0xffff, v10  }
0x40b: {  	[tilespmem:s16+$0x15020] =	vst.add.f32.msk $0xffff, v11  }
0x40c: {  	[tilespmem:s16+$0x15030] =	vst.add.f32.msk $0xffff, v12  }
0x40d: {  	[tilespmem:s16+$0x15040] =	vst.add.f32.msk $0xffff, v13  }
0x40e: {  	[tilespmem:s16+$0x15050] =	vst.add.f32.msk $0xffff, v14  }
0x40f: {  	[tilespmem:s16+$0x15060] =	vst.add.f32.msk $0xffff, v15  }
0x410: {  	[tilespmem:s16+$0x15070] =	vst.add.f32.msk $0xffff, v16  }
0x411: {  	[tilespmem:s16+$0x15400] =	vst.add.f32.msk $0xffff, v17  }
0x412: {  	[tilespmem:s16+$0x15410] =	vst.add.f32.msk $0xffff, v18  }
0x413: {  	[tilespmem:s16+$0x15420] =	vst.add.f32.msk $0xffff, v19  }
0x414: {  	[tilespmem:s16+$0x15430] =	vst.add.f32.msk $0xffff, v20  }
0x415: {  	s25 =	simm.s32 $0x200;
	s18 =	simm.s32 $0x80;
	[tilespmem:s16+$0x15440] =	vst.add.f32.msk $0xffff, v21  }
0x416: {  	s19 =	simm.s32 $0x400;
	s20 =	sand.u32 $0x3000, s25;
	s21 =	sand.u32 $0x380, s18;
	[tilespmem:s16+$0x15450] =	vst.add.f32.msk $0xffff, v22  }
.LBB2_21:
0x417: {  	p0 =	sne.s32 s19, $0x3E00;
	[tilespmem:s16+$0x15460] =	vst.add.f32.msk $0xffff, v23;
	s16 =	sor.u32 s21, s20  }
0x418: {  	[tilespmem:s16+$0x15470] =	vst.add.f32.msk $0xffff, v24  }
0x419: {  	[tilespmem:s16+$0x15000] =	vst.add.f32.msk $0xffff, v9  }
0x41a: {  	[tilespmem:s16+$0x15010] =	vst.add.f32.msk $0xffff, v10  }
0x41b: {  	[tilespmem:s16+$0x15020] =	vst.add.f32.msk $0xffff, v11  }
0x41c: {  	[tilespmem:s16+$0x15030] =	vst.add.f32.msk $0xffff, v12  }
0x41d: {  	[tilespmem:s16+$0x15040] =	vst.add.f32.msk $0xffff, v13  }
0x41e: {  	[tilespmem:s16+$0x15050] =	vst.add.f32.msk $0xffff, v14  }
0x41f: {  	[tilespmem:s16+$0x15060] =	vst.add.f32.msk $0xffff, v15  }
0x420: {  	[tilespmem:s16+$0x15070] =	vst.add.f32.msk $0xffff, v16  }
0x421: {  	[tilespmem:s16+$0x15400] =	vst.add.f32.msk $0xffff, v17  }
.Ltmp9:
0x422: {  	[tilespmem:s16+$0x15410] =	vst.add.f32.msk $0xffff, v18;
	(pc) =	sbr.rel @p0 .LBB2_21-.Ltmp9, $4  }
0x423: {  	[tilespmem:s16+$0x15420] =	vst.add.f32.msk $0xffff, v19  }
0x424: {  	[tilespmem:s16+$0x15430] =	vst.add.f32.msk $0xffff, v20  }
0x425: {  	s18 =	sadd.s32 $0x80, s18;
	[tilespmem:s16+$0x15440] =	vst.add.f32.msk $0xffff, v21  }
0x426: {  	s20 =	sand.u32 $0x3000, s19;
	s19 =	sadd.s32 $0x200, s19;
	s21 =	sand.u32 $0x380, s18;
	[tilespmem:s16+$0x15450] =	vst.add.f32.msk $0xffff, v22  }
0x427: {  	s18 =	sor.u32 s21, s20;
	[tilespmem:s16+$0x15460] =	vst.add.f32.msk $0xffff, v23  }
0x428: {  	[tilespmem:s18+$0x15470] =	vst.add.f32.msk $0xffff, v24  }
0x429: {  	[tilespmem:s18+$0x15000] =	vst.add.f32.msk $0xffff, v9  }
0x42a: {  	[tilespmem:s18+$0x15010] =	vst.add.f32.msk $0xffff, v10  }
0x42b: {  	[tilespmem:s18+$0x15020] =	vst.add.f32.msk $0xffff, v11  }
0x42c: {  	[tilespmem:s18+$0x15030] =	vst.add.f32.msk $0xffff, v12  }
0x42d: {  	[tilespmem:s18+$0x15040] =	vst.add.f32.msk $0xffff, v13  }
0x42e: {  	[tilespmem:s18+$0x15050] =	vst.add.f32.msk $0xffff, v14  }
0x42f: {  	[tilespmem:s18+$0x15060] =	vst.add.f32.msk $0xffff, v15  }
0x430: {  	[tilespmem:s18+$0x15070] =	vst.add.f32.msk $0xffff, v16  }
0x431: {  	[tilespmem:s18+$0x15400] =	vst.add.f32.msk $0xffff, v17  }
0x432: {  	[tilespmem:s18+$0x15410] =	vst.add.f32.msk $0xffff, v18  }
0x433: {  	[tilespmem:s18+$0x15420] =	vst.add.f32.msk $0xffff, v19  }
0x434: {  	[tilespmem:s18+$0x15430] =	vst.add.f32.msk $0xffff, v20  }
0x435: {  	[tilespmem:s18+$0x15440] =	vst.add.f32.msk $0xffff, v21  }
0x436: {  	[tilespmem:s18+$0x15450] =	vst.add.f32.msk $0xffff, v22  }
0x437: {  	[tilespmem:s18+$0x15460] =	vst.add.f32.msk $0xffff, v23  }
0x438: {  	v9 =	vld [tilespmem:$0x1CA00];
	_ =	sdelay $0x4  }
0x439: {  	v10 =	vshll.u32 v9, $0x2  }
0x43a: {  	v9 =	vand.u32 $0x7, v9;
	v10 =	vand.u32 $0xFFFFFFE0, v10  }
0x43b: {  	v9 =	vor.u32 v9, v10  }
0x43c: {  	v10 =	vperm.xlane v9, v6;
	_ =	sdelay $0x1  }
0x43d: {  	v10 =	vadd.s32 v7, v10;
	_ =	sdelay $0x1  }
0x43e: {  	v9 =	vperm.xlane v9, v8;
	_ =	sdelay $0x1  }
0x43f: {  	s22 =	simm.s32 $0x14800;
	v9 =	vadd.s32 v7, v9  }
0x440: {  	[hbm4b:s3+s4] =	stream.indirect_vreg.scatter [tilespmem:s22], [sflag:$0xB], $0x80, v10, vm0, $0xb8;
	[tilespmem:$0x1CB00] =	vst v63  }
0x441: {  	s23 =	simm.s32 $0x15000  }
0x442: {  	[hbm4b:s9+s4] =	stream.indirect_vreg.scatter [tilespmem:s23], [sflag:$0xB], $0x80, v10, vm0, $0xb8;
	[tilespmem:$0x1CB00] =	vst v63  }
0x443: {  	s24 =	simm.s32 $0x15800  }
0x444: {  	[hbm4b:s3+s4] =	stream.indirect_vreg.scatter [tilespmem:s24], [sflag:$0xB], $0x80, v9, vm0, $0xb8;
	[tilespmem:$0x1CB00] =	vst v63  }
0x445: {  	s25 =	simm.s32 $0x16000  }
0x446: {  	[hbm4b:s9+s4] =	stream.indirect_vreg.scatter [tilespmem:s25], [sflag:$0xB], $0x80, v9, vm0, $0xb8;
	[tilespmem:$0x1CB00] =	vst v63  }
0x447: {  	v9 =	vld [tilespmem:$0x1CA10];
	_ =	sdelay $0x4  }
0x448: {  	v10 =	vshll.u32 v9, $0x2  }
0x449: {  	v9 =	vand.u32 $0x7, v9;
	v10 =	vand.u32 $0xFFFFFFE0, v10  }
0x44a: {  	v9 =	vor.u32 v9, v10  }
0x44b: {  	v10 =	vperm.xlane v9, v6;
	_ =	sdelay $0x1  }
0x44c: {  	v10 =	vadd.s32 v7, v10;
	_ =	sdelay $0x1  }
0x44d: {  	v9 =	vperm.xlane v9, v8;
	_ =	sdelay $0x1  }
0x44e: {  	s18 =	simm.s32 $0x16800;
	v9 =	vadd.s32 v7, v9  }
0x44f: {  	[hbm4b:s3+s4] =	stream.indirect_vreg.scatter [tilespmem:s18], [sflag:$0xB], $0x80, v10, vm0, $0xb8;
	[tilespmem:$0x1CB00] =	vst v63  }
0x450: {  	s19 =	simm.s32 $0x17000  }
0x451: {  	[hbm4b:s9+s4] =	stream.indirect_vreg.scatter [tilespmem:s19], [sflag:$0xB], $0x80, v10, vm0, $0xb8;
	[tilespmem:$0x1CB00] =	vst v63  }
0x452: {  	s20 =	simm.s32 $0x17800  }
0x453: {  	[hbm4b:s3+s4] =	stream.indirect_vreg.scatter [tilespmem:s20], [sflag:$0xB], $0x80, v9, vm0, $0xb8;
	[tilespmem:$0x1CB00] =	vst v63  }
0x454: {  	s21 =	simm.s32 $0x18000  }
0x455: {  	[hbm4b:s9+s4] =	stream.indirect_vreg.scatter [tilespmem:s21], [sflag:$0xB], $0x80, v9, vm0, $0xb8;
	[tilespmem:$0x1CB00] =	vst v63  }
0x456: {  	_ =	swait.ge [sflag:s6], $0x4000  }
0x457: {  	[sflag:s6] =	ssyncset.done $0x0  }
0x458: {  	p0 =	seq.s32 s14, $0x14;
	[sflag:s6] =	ssyncadd.s32 $0xFFFFC000  }
0x459: {  	v9 =	vld @!p0 [tilespmem:s17+$0x400];
	_ =	sdelay $0x4  }
0x45a: {  	v10 =	vshll.u32 @!p0 v9, $0x2  }
0x45b: {  	v11 =	vlaneseq.u32 @!p0;
	v9 =	vand.u32 @!p0 $0x7, v9;
	v10 =	vand.u32 @!p0 $0xFFFFFFE0, v10  }
0x45c: {  	v12 =	vshrl.u32 @!p0 v11, $0x3;
	v9 =	vor.u32 @!p0 v9, v10;
	v10 =	vand.u32 @!p0 $0x7, v11  }
0x45d: {  	v12 =	vmul.u32 @!p0 $0x8, v12;
	v13 =	vperm.xlane @!p0 v9, v10;
	_ =	sdelay $0x1  }
0x45e: {  	v13 =	vadd.s32 @!p0 v12, v13  }
0x45f: {  	v11 =	vor.u32 @!p0 $0x8, v11  }
0x460: {  	v9 =	vperm.xlane @!p0 v9, v11;
	_ =	sdelay $0x1  }
0x461: {  	vm1 =	vmmov @!p0 $0xffff;
	s16 =	simm.s32 @!p0 $0x0;
	s18 =	simm.s32 @!p0 $0xC800;
	v9 =	vadd.s32 @!p0 v12, v9  }
0x462: {  	[tilespmem:s18], [sflag:$0x3] =	stream.indirect_vreg.gather @!p0 [hbm4b:s1+s16], $0x80, v13, vm1, $0xb8;
	[tilespmem:$0x1CB00] =	vst v63  }
0x463: {  	s18 =	simm.s32 @!p0 $0xD000  }
0x464: {  	[tilespmem:s18], [sflag:$0x3] =	stream.indirect_vreg.gather @!p0 [hbm4b:s7+s16], $0x80, v13, vm1, $0xb8;
	[tilespmem:$0x1CB00] =	vst v63  }
0x465: {  	s18 =	simm.s32 @!p0 $0xD800  }
0x466: {  	[tilespmem:s18], [sflag:$0x3] =	stream.indirect_vreg.gather @!p0 [hbm4b:s1+s16], $0x80, v9, vm1, $0xb8;
	[tilespmem:$0x1CB00] =	vst v63  }
0x467: {  	s18 =	simm.s32 @!p0 $0xE000  }
0x468: {  	[tilespmem:s18], [sflag:$0x3] =	stream.indirect_vreg.gather @!p0 [hbm4b:s7+s16], $0x80, v9, vm1, $0xb8;
	[tilespmem:$0x1CB00] =	vst v63  }
0x469: {  	v9 =	vld @!p0 [tilespmem:s17+$0x410];
	_ =	sdelay $0x4  }
0x46a: {  	v13 =	vshll.u32 @!p0 v9, $0x2  }
0x46b: {  	v9 =	vand.u32 @!p0 $0x7, v9;
	v13 =	vand.u32 @!p0 $0xFFFFFFE0, v13  }
0x46c: {  	v9 =	vor.u32 @!p0 v9, v13  }
0x46d: {  	v10 =	vperm.xlane @!p0 v9, v10;
	_ =	sdelay $0x1  }
0x46e: {  	v10 =	vadd.s32 @!p0 v12, v10;
	_ =	sdelay $0x1  }
0x46f: {  	v9 =	vperm.xlane @!p0 v9, v11;
	_ =	sdelay $0x1  }
0x470: {  	s18 =	simm.s32 @!p0 $0xE800;
	v9 =	vadd.s32 @!p0 v12, v9  }
0x471: {  	[tilespmem:s18], [sflag:$0x3] =	stream.indirect_vreg.gather @!p0 [hbm4b:s1+s16], $0x80, v10, vm1, $0xb8;
	[tilespmem:$0x1CB00] =	vst v63  }
0x472: {  	s18 =	simm.s32 @!p0 $0xF000  }
0x473: {  	[tilespmem:s18], [sflag:$0x3] =	stream.indirect_vreg.gather @!p0 [hbm4b:s7+s16], $0x80, v10, vm1, $0xb8;
	[tilespmem:$0x1CB00] =	vst v63  }
0x474: {  	s22 =	sshrl.u32 s15, $0x5;
	s19 =	sshll.u32 s15, $0xC;
	s18 =	simm.s32 @!p0 $0xF800  }
0x475: {  	[tilespmem:s18], [sflag:$0x3] =	stream.indirect_vreg.gather @!p0 [hbm4b:s1+s16], $0x80, v9, vm1, $0xb8;
	[tilespmem:$0x1CB00] =	vst v63  }
0x476: {  	s19 =	sand.u32 $0x1F000, s19;
	s18 =	sadd.s32 s8, s22  }
0x477: {  	s20 =	simm.s32 @!p0 $0x10000;
	s18 =	sadd.s32 s19, s18  }
0x478: {  	[tilespmem:s20], [sflag:$0x3] =	stream.indirect_vreg.gather @!p0 [hbm4b:s7+s16], $0x80, v9, vm1, $0xb8;
	v9 =	vadd.s32 s18, v0;
	[tilespmem:$0x1CB00] =	vst v63  }
0x479: {  	[tilespmem:$0x1CA80] =	vst v9;
	v9 =	vadd.s32 s18, v1  }
0x47a: {  	[tilespmem:$0x1CA90] =	vst v9  }
0x47b: {  	_ =	swait.ge [sflag:s30], $0x4000  }
0x47c: {  	s23 =	sshll.u32 s15, $0x4;
	[sflag:s30] =	ssyncset.done $0x0  }
0x47d: {  	s15 =	sand.u32 $0x3FFFFE00, s23;
	[sflag:s30] =	ssyncadd.s32 $0xFFFFC000  }
0x47e: {  	v9 =	vld [tilespmem:s15+$0x4000]  }
0x47f: {  	v10 =	vld [tilespmem:s15+$0x4010]  }
0x480: {  	v11 =	vld [tilespmem:s15+$0x4020]  }
0x481: {  	v12 =	vld [tilespmem:s15+$0x4030]  }
0x482: {  	v13 =	vld [tilespmem:s15+$0x4040]  }
0x483: {  	v14 =	vld [tilespmem:s15+$0x4050]  }
0x484: {  	v15 =	vld [tilespmem:s15+$0x4060]  }
0x485: {  	v16 =	vld [tilespmem:s15+$0x4070]  }
0x486: {  	v17 =	vld [tilespmem:s15+$0x4080]  }
0x487: {  	v18 =	vld [tilespmem:s15+$0x4090]  }
0x488: {  	v21 =	vld [tilespmem:s15+$0x40A0]  }
0x489: {  	v24 =	vld [tilespmem:s15+$0x40B0]  }
0x48a: {  	s24 =	simm.s32 $0x0;
	v19 =	vld [tilespmem:s15+$0x40C0]  }
0x48b: {  	s25 =	sand.u32 $0x3000, s24;
	s16 =	sand.u32 $0x380, s24;
	v20 =	vld [tilespmem:s15+$0x40D0]  }
0x48c: {  	s18 =	sor.u32 s16, s25;
	v22 =	vld [tilespmem:s15+$0x40E0]  }
0x48d: {  	s16 =	sor.u32 $0x18800, s18;
	v23 =	vld [tilespmem:s15+$0x40F0]  }
0x48e: {  	s19 =	sor.u32 $0x18810, s18;
	[tilespmem:s16+$0x0] =	vst.add.f32.msk $0xffff, v9  }
0x48f: {  	s20 =	sor.u32 $0x18820, s18;
	[tilespmem:s19+$0x0] =	vst.add.f32.msk $0xffff, v10  }
0x490: {  	s21 =	sor.u32 $0x18830, s18;
	[tilespmem:s20+$0x0] =	vst.add.f32.msk $0xffff, v11  }
0x491: {  	s22 =	sor.u32 $0x18840, s18;
	[tilespmem:s21+$0x0] =	vst.add.f32.msk $0xffff, v12  }
0x492: {  	s23 =	sor.u32 $0x18850, s18;
	[tilespmem:s22+$0x0] =	vst.add.f32.msk $0xffff, v13  }
0x493: {  	s24 =	sor.u32 $0x18860, s18;
	[tilespmem:s23+$0x0] =	vst.add.f32.msk $0xffff, v14  }
0x494: {  	s25 =	sor.u32 $0x18870, s18;
	[tilespmem:s24+$0x0] =	vst.add.f32.msk $0xffff, v15  }
0x495: {  	s19 =	sor.u32 $0x18C00, s18;
	[tilespmem:s25+$0x0] =	vst.add.f32.msk $0xffff, v16  }
0x496: {  	s20 =	sor.u32 $0x18C10, s18;
	[tilespmem:s19+$0x0] =	vst.add.f32.msk $0xffff, v17  }
0x497: {  	s21 =	sor.u32 $0x18C20, s18;
	[tilespmem:s20+$0x0] =	vst.add.f32.msk $0xffff, v18  }
0x498: {  	s22 =	simm.s32 $0x200;
	s23 =	sor.u32 $0x18C30, s18;
	s24 =	simm.s32 $0x80;
	[tilespmem:s21+$0x0] =	vst.add.f32.msk $0xffff, v21  }
0x499: {  	s22 =	sand.u32 $0x3000, s22;
	s25 =	sor.u32 $0x18C40, s18;
	[tilespmem:s23+$0x0] =	vst.add.f32.msk $0xffff, v24;
	s23 =	sand.u32 $0x380, s24  }
0x49a: {  	s24 =	sor.u32 $0x18C50, s18;
	s16 =	sor.u32 s23, s22;
	[tilespmem:s25+$0x0] =	vst.add.f32.msk $0xffff, v19  }
0x49b: {  	s25 =	sor.u32 $0x18800, s16;
	[tilespmem:s24+$0x0] =	vst.add.f32.msk $0xffff, v20  }
0x49c: {  	s21 =	sor.u32 $0x18810, s16;
	[tilespmem:s25+$0x0] =	vst.add.f32.msk $0xffff, v9  }
0x49d: {  	s22 =	sor.u32 $0x18820, s16;
	[tilespmem:s21+$0x0] =	vst.add.f32.msk $0xffff, v10  }
0x49e: {  	s23 =	sor.u32 $0x18830, s16;
	[tilespmem:s22+$0x0] =	vst.add.f32.msk $0xffff, v11  }
0x49f: {  	s24 =	sor.u32 $0x18840, s16;
	[tilespmem:s23+$0x0] =	vst.add.f32.msk $0xffff, v12  }
0x4a0: {  	s25 =	sor.u32 $0x18850, s16;
	[tilespmem:s24+$0x0] =	vst.add.f32.msk $0xffff, v13  }
0x4a1: {  	s20 =	sor.u32 $0x18860, s16;
	[tilespmem:s25+$0x0] =	vst.add.f32.msk $0xffff, v14  }
0x4a2: {  	s21 =	sor.u32 $0x18870, s16;
	[tilespmem:s20+$0x0] =	vst.add.f32.msk $0xffff, v15  }
0x4a3: {  	s22 =	sor.u32 $0x18C00, s16;
	[tilespmem:s21+$0x0] =	vst.add.f32.msk $0xffff, v16  }
0x4a4: {  	s23 =	sor.u32 $0x18C10, s16;
	[tilespmem:s22+$0x0] =	vst.add.f32.msk $0xffff, v17  }
0x4a5: {  	s22 =	sor.u32 $0x18C60, s18;
	[tilespmem:s23+$0x0] =	vst.add.f32.msk $0xffff, v18  }
0x4a6: {  	s24 =	sor.u32 $0x18C20, s16;
	[tilespmem:s22+$0x0] =	vst.add.f32.msk $0xffff, v22  }
0x4a7: {  	s19 =	simm.s32 $0x100;
	s25 =	sor.u32 $0x18C30, s16;
	[tilespmem:s24+$0x0] =	vst.add.f32.msk $0xffff, v21  }
0x4a8: {  	s20 =	sor.u32 $0x18C40, s16;
	s21 =	simm.s32 $0x400;
	s18 =	sor.u32 $0x18C70, s18;
	[tilespmem:s25+$0x0] =	vst.add.f32.msk $0xffff, v24  }
.LBB2_23:
0x4a9: {  	s22 =	sand.u32 $0x3000, s21  }
0x4aa: {  	s23 =	sand.u32 $0x380, s19;
	[tilespmem:s18+$0x0] =	vst.add.f32.msk $0xffff, v23;
	s18 =	smov.u32 s21;
	s24 =	sadd.s32 $0x200, s21  }
0x4ab: {  	p1 =	sne.s32 s21, $0x3E00;
	s22 =	sor.u32 s23, s22;
	[tilespmem:s20+$0x0] =	vst.add.f32.msk $0xffff, v19;
	s18 =	sor.u32 $0x18C50, s16  }
0x4ac: {  	s21 =	sor.u32 $0x18800, s22;
	s20 =	sor.u32 $0x18C40, s22;
	[tilespmem:s18+$0x0] =	vst.add.f32.msk $0xffff, v20  }
0x4ad: {  	s18 =	sor.u32 $0x18810, s22;
	[tilespmem:s21+$0x0] =	vst.add.f32.msk $0xffff, v9  }
0x4ae: {  	[tilespmem:s18+$0x0] =	vst.add.f32.msk $0xffff, v10;
	s18 =	sor.u32 $0x18820, s22  }
0x4af: {  	[tilespmem:s18+$0x0] =	vst.add.f32.msk $0xffff, v11;
	s18 =	sor.u32 $0x18830, s22  }
0x4b0: {  	[tilespmem:s18+$0x0] =	vst.add.f32.msk $0xffff, v12;
	s18 =	sor.u32 $0x18840, s22  }
0x4b1: {  	[tilespmem:s18+$0x0] =	vst.add.f32.msk $0xffff, v13;
	s18 =	sor.u32 $0x18850, s22  }
0x4b2: {  	[tilespmem:s18+$0x0] =	vst.add.f32.msk $0xffff, v14;
	s18 =	sor.u32 $0x18860, s22  }
0x4b3: {  	[tilespmem:s18+$0x0] =	vst.add.f32.msk $0xffff, v15;
	s18 =	sor.u32 $0x18870, s22  }
0x4b4: {  	[tilespmem:s18+$0x0] =	vst.add.f32.msk $0xffff, v16;
	s18 =	sor.u32 $0x18C00, s22  }
.Ltmp10:
0x4b5: {  	[tilespmem:s18+$0x0] =	vst.add.f32.msk $0xffff, v17;
	s18 =	sor.u32 $0x18C10, s22;
	(pc) =	sbr.rel @p1 .LBB2_23-.Ltmp10, $4  }
0x4b6: {  	[tilespmem:s18+$0x0] =	vst.add.f32.msk $0xffff, v18;
	s18 =	sor.u32 $0x18C20, s22  }
0x4b7: {  	[tilespmem:s18+$0x0] =	vst.add.f32.msk $0xffff, v21;
	s18 =	sor.u32 $0x18C30, s22  }
0x4b8: {  	s19 =	sadd.s32 $0x80, s19;
	[tilespmem:s18+$0x0] =	vst.add.f32.msk $0xffff, v24;
	s18 =	sor.u32 $0x18C60, s16  }
0x4b9: {  	s21 =	smov.u32 s24;
	[tilespmem:s18+$0x0] =	vst.add.f32.msk $0xffff, v22;
	s18 =	sor.u32 $0x18C70, s16;
	s16 =	smov.u32 s22  }
0x4ba: {  	[tilespmem:s18+$0x0] =	vst.add.f32.msk $0xffff, v23  }
0x4bb: {  	[tilespmem:s20+$0x0] =	vst.add.f32.msk $0xffff, v19;
	s20 =	sor.u32 $0x18C50, s16  }
0x4bc: {  	s21 =	sor.u32 $0x18C60, s16;
	[tilespmem:s20+$0x0] =	vst.add.f32.msk $0xffff, v20  }
0x4bd: {  	s22 =	sor.u32 $0x18C70, s16;
	[tilespmem:s21+$0x0] =	vst.add.f32.msk $0xffff, v22  }
0x4be: {  	[tilespmem:s22+$0x0] =	vst.add.f32.msk $0xffff, v23  }
0x4bf: {  	v9 =	vld [tilespmem:s15+$0x4100]  }
0x4c0: {  	v10 =	vld [tilespmem:s15+$0x4110]  }
0x4c1: {  	v11 =	vld [tilespmem:s15+$0x4120]  }
0x4c2: {  	v12 =	vld [tilespmem:s15+$0x4130]  }
0x4c3: {  	v13 =	vld [tilespmem:s15+$0x4140]  }
0x4c4: {  	v14 =	vld [tilespmem:s15+$0x4150]  }
0x4c5: {  	v15 =	vld [tilespmem:s15+$0x4160]  }
0x4c6: {  	v16 =	vld [tilespmem:s15+$0x4170]  }
0x4c7: {  	v17 =	vld [tilespmem:s15+$0x4180]  }
0x4c8: {  	v18 =	vld [tilespmem:s15+$0x4190]  }
0x4c9: {  	v19 =	vld [tilespmem:s15+$0x41A0]  }
0x4ca: {  	v24 =	vld [tilespmem:s15+$0x41F0]  }
0x4cb: {  	v20 =	vld [tilespmem:s15+$0x41B0]  }
0x4cc: {  	s23 =	simm.s32 $0x0;
	v21 =	vld [tilespmem:s15+$0x41C0]  }
0x4cd: {  	s24 =	sand.u32 $0x3000, s23;
	s16 =	sand.u32 $0x380, s23;
	v22 =	vld [tilespmem:s15+$0x41D0]  }
0x4ce: {  	v23 =	vld [tilespmem:s15+$0x41E0];
	s15 =	sor.u32 s16, s24  }
0x4cf: {  	[tilespmem:s15+$0x19470] =	vst.add.f32.msk $0xffff, v24  }
0x4d0: {  	[tilespmem:s15+$0x19000] =	vst.add.f32.msk $0xffff, v9  }
0x4d1: {  	[tilespmem:s15+$0x19010] =	vst.add.f32.msk $0xffff, v10  }
0x4d2: {  	[tilespmem:s15+$0x19020] =	vst.add.f32.msk $0xffff, v11  }
0x4d3: {  	[tilespmem:s15+$0x19030] =	vst.add.f32.msk $0xffff, v12  }
0x4d4: {  	[tilespmem:s15+$0x19040] =	vst.add.f32.msk $0xffff, v13  }
0x4d5: {  	[tilespmem:s15+$0x19050] =	vst.add.f32.msk $0xffff, v14  }
0x4d6: {  	[tilespmem:s15+$0x19060] =	vst.add.f32.msk $0xffff, v15  }
0x4d7: {  	[tilespmem:s15+$0x19070] =	vst.add.f32.msk $0xffff, v16  }
0x4d8: {  	[tilespmem:s15+$0x19400] =	vst.add.f32.msk $0xffff, v17  }
0x4d9: {  	[tilespmem:s15+$0x19410] =	vst.add.f32.msk $0xffff, v18  }
0x4da: {  	[tilespmem:s15+$0x19420] =	vst.add.f32.msk $0xffff, v19  }
0x4db: {  	[tilespmem:s15+$0x19430] =	vst.add.f32.msk $0xffff, v20  }
0x4dc: {  	s25 =	simm.s32 $0x200;
	s16 =	simm.s32 $0x80;
	[tilespmem:s15+$0x19440] =	vst.add.f32.msk $0xffff, v21  }
0x4dd: {  	s18 =	simm.s32 $0x400;
	s19 =	sand.u32 $0x3000, s25;
	s20 =	sand.u32 $0x380, s16;
	[tilespmem:s15+$0x19450] =	vst.add.f32.msk $0xffff, v22  }
.LBB2_25:
0x4de: {  	p1 =	sne.s32 s18, $0x3E00;
	[tilespmem:s15+$0x19460] =	vst.add.f32.msk $0xffff, v23;
	s15 =	sor.u32 s20, s19  }
0x4df: {  	[tilespmem:s15+$0x19470] =	vst.add.f32.msk $0xffff, v24  }
0x4e0: {  	[tilespmem:s15+$0x19000] =	vst.add.f32.msk $0xffff, v9  }
0x4e1: {  	[tilespmem:s15+$0x19010] =	vst.add.f32.msk $0xffff, v10  }
0x4e2: {  	[tilespmem:s15+$0x19020] =	vst.add.f32.msk $0xffff, v11  }
0x4e3: {  	[tilespmem:s15+$0x19030] =	vst.add.f32.msk $0xffff, v12  }
0x4e4: {  	[tilespmem:s15+$0x19040] =	vst.add.f32.msk $0xffff, v13  }
0x4e5: {  	[tilespmem:s15+$0x19050] =	vst.add.f32.msk $0xffff, v14  }
0x4e6: {  	[tilespmem:s15+$0x19060] =	vst.add.f32.msk $0xffff, v15  }
0x4e7: {  	[tilespmem:s15+$0x19070] =	vst.add.f32.msk $0xffff, v16  }
0x4e8: {  	[tilespmem:s15+$0x19400] =	vst.add.f32.msk $0xffff, v17  }
.Ltmp11:
0x4e9: {  	[tilespmem:s15+$0x19410] =	vst.add.f32.msk $0xffff, v18;
	(pc) =	sbr.rel @p1 .LBB2_25-.Ltmp11, $4  }
0x4ea: {  	[tilespmem:s15+$0x19420] =	vst.add.f32.msk $0xffff, v19  }
0x4eb: {  	[tilespmem:s15+$0x19430] =	vst.add.f32.msk $0xffff, v20  }
0x4ec: {  	s16 =	sadd.s32 $0x80, s16;
	[tilespmem:s15+$0x19440] =	vst.add.f32.msk $0xffff, v21  }
0x4ed: {  	s19 =	sand.u32 $0x3000, s18;
	s18 =	sadd.s32 $0x200, s18;
	s20 =	sand.u32 $0x380, s16;
	[tilespmem:s15+$0x19450] =	vst.add.f32.msk $0xffff, v22  }
0x4ee: {  	s16 =	sor.u32 s20, s19;
	[tilespmem:s15+$0x19460] =	vst.add.f32.msk $0xffff, v23  }
0x4ef: {  	[tilespmem:s16+$0x19470] =	vst.add.f32.msk $0xffff, v24  }
0x4f0: {  	[tilespmem:s16+$0x19000] =	vst.add.f32.msk $0xffff, v9  }
0x4f1: {  	[tilespmem:s16+$0x19010] =	vst.add.f32.msk $0xffff, v10  }
0x4f2: {  	[tilespmem:s16+$0x19020] =	vst.add.f32.msk $0xffff, v11  }
0x4f3: {  	[tilespmem:s16+$0x19030] =	vst.add.f32.msk $0xffff, v12  }
0x4f4: {  	[tilespmem:s16+$0x19040] =	vst.add.f32.msk $0xffff, v13  }
0x4f5: {  	[tilespmem:s16+$0x19050] =	vst.add.f32.msk $0xffff, v14  }
0x4f6: {  	[tilespmem:s16+$0x19060] =	vst.add.f32.msk $0xffff, v15  }
0x4f7: {  	[tilespmem:s16+$0x19070] =	vst.add.f32.msk $0xffff, v16  }
0x4f8: {  	[tilespmem:s16+$0x19400] =	vst.add.f32.msk $0xffff, v17  }
0x4f9: {  	[tilespmem:s16+$0x19410] =	vst.add.f32.msk $0xffff, v18  }
0x4fa: {  	[tilespmem:s16+$0x19420] =	vst.add.f32.msk $0xffff, v19  }
0x4fb: {  	[tilespmem:s16+$0x19430] =	vst.add.f32.msk $0xffff, v20  }
0x4fc: {  	[tilespmem:s16+$0x19440] =	vst.add.f32.msk $0xffff, v21  }
0x4fd: {  	[tilespmem:s16+$0x19450] =	vst.add.f32.msk $0xffff, v22  }
0x4fe: {  	[tilespmem:s16+$0x19460] =	vst.add.f32.msk $0xffff, v23  }
0x4ff: {  	v9 =	vld [tilespmem:$0x1CA80];
	_ =	sdelay $0x4  }
0x500: {  	v10 =	vshll.u32 v9, $0x2  }
0x501: {  	v9 =	vand.u32 $0x7, v9;
	v10 =	vand.u32 $0xFFFFFFE0, v10  }
0x502: {  	v9 =	vor.u32 v9, v10  }
0x503: {  	v10 =	vperm.xlane v9, v6;
	_ =	sdelay $0x1  }
0x504: {  	v10 =	vadd.s32 v7, v10;
	_ =	sdelay $0x1  }
0x505: {  	v9 =	vperm.xlane v9, v8;
	_ =	sdelay $0x1  }
0x506: {  	s18 =	simm.s32 $0x18800;
	v9 =	vadd.s32 v7, v9  }
0x507: {  	[hbm4b:s3+s4] =	stream.indirect_vreg.scatter [tilespmem:s18], [sflag:$0xC], $0x80, v10, vm0, $0xb8;
	[tilespmem:$0x1CB00] =	vst v63  }
0x508: {  	s19 =	simm.s32 $0x19000  }
0x509: {  	[hbm4b:s9+s4] =	stream.indirect_vreg.scatter [tilespmem:s19], [sflag:$0xC], $0x80, v10, vm0, $0xb8;
	[tilespmem:$0x1CB00] =	vst v63  }
0x50a: {  	s20 =	simm.s32 $0x19800  }
0x50b: {  	[hbm4b:s3+s4] =	stream.indirect_vreg.scatter [tilespmem:s20], [sflag:$0xC], $0x80, v9, vm0, $0xb8;
	[tilespmem:$0x1CB00] =	vst v63  }
0x50c: {  	s21 =	simm.s32 $0x1A000  }
0x50d: {  	[hbm4b:s9+s4] =	stream.indirect_vreg.scatter [tilespmem:s21], [sflag:$0xC], $0x80, v9, vm0, $0xb8;
	[tilespmem:$0x1CB00] =	vst v63  }
0x50e: {  	v9 =	vld [tilespmem:$0x1CA90];
	_ =	sdelay $0x4  }
0x50f: {  	v10 =	vshll.u32 v9, $0x2  }
0x510: {  	v9 =	vand.u32 $0x7, v9;
	v10 =	vand.u32 $0xFFFFFFE0, v10  }
0x511: {  	v9 =	vor.u32 v9, v10  }
0x512: {  	v10 =	vperm.xlane v9, v6;
	_ =	sdelay $0x1  }
0x513: {  	v10 =	vadd.s32 v7, v10;
	_ =	sdelay $0x1  }
0x514: {  	v9 =	vperm.xlane v9, v8;
	_ =	sdelay $0x1  }
0x515: {  	s22 =	simm.s32 $0x1A800;
	v9 =	vadd.s32 v7, v9  }
0x516: {  	[hbm4b:s3+s4] =	stream.indirect_vreg.scatter [tilespmem:s22], [sflag:$0xC], $0x80, v10, vm0, $0xb8;
	[tilespmem:$0x1CB00] =	vst v63  }
0x517: {  	s23 =	simm.s32 $0x1B000  }
0x518: {  	[hbm4b:s9+s4] =	stream.indirect_vreg.scatter [tilespmem:s23], [sflag:$0xC], $0x80, v10, vm0, $0xb8;
	[tilespmem:$0x1CB00] =	vst v63  }
0x519: {  	s24 =	simm.s32 $0x1B800  }
0x51a: {  	[hbm4b:s3+s4] =	stream.indirect_vreg.scatter [tilespmem:s24], [sflag:$0xC], $0x80, v9, vm0, $0xb8;
	[tilespmem:$0x1CB00] =	vst v63  }
.Ltmp12:
0x51b: {  	s25 =	simm.s32 $0x1C000;
	(pc) =	sbr.rel @p0 .LBB2_28-.Ltmp12, $4  }
0x51c: {  	[hbm4b:s9+s4] =	stream.indirect_vreg.scatter [tilespmem:s25], [sflag:$0xC], $0x80, v9, vm0, $0xb8;
	[tilespmem:$0x1CB00] =	vst v63  }
0x51d: {  	_ =	swait.ge [sflag:s13], $0x4000  }
0x51e: {  	[sflag:s13] =	ssyncset.done $0x0  }
0x51f: {  	[sflag:s13] =	ssyncadd.s32 $0xFFFFC000  }
0x520: {  	v9 =	vld [tilespmem:s17+$0x480];
	_ =	sdelay $0x4  }
0x521: {  	v10 =	vshll.u32 v9, $0x2  }
0x522: {  	v9 =	vand.u32 $0x7, v9;
	v10 =	vand.u32 $0xFFFFFFE0, v10  }
0x523: {  	v9 =	vor.u32 v9, v10  }
0x524: {  	v10 =	vperm.xlane v9, v6;
	_ =	sdelay $0x1  }
0x525: {  	v10 =	vadd.s32 v7, v10;
	_ =	sdelay $0x1  }
0x526: {  	v9 =	vperm.xlane v9, v8;
	_ =	sdelay $0x1  }
0x527: {  	s15 =	simm.s32 $0x10800;
	v9 =	vadd.s32 v7, v9  }
0x528: {  	[tilespmem:s15], [sflag:$0x4] =	stream.indirect_vreg.gather [hbm4b:s1+s4], $0x80, v10, vm0, $0xb8;
	[tilespmem:$0x1CB00] =	vst v63  }
0x529: {  	s20 =	simm.s32 $0x11000  }
0x52a: {  	[tilespmem:s20], [sflag:$0x4] =	stream.indirect_vreg.gather [hbm4b:s7+s4], $0x80, v10, vm0, $0xb8;
	[tilespmem:$0x1CB00] =	vst v63  }
0x52b: {  	s21 =	simm.s32 $0x11800  }
0x52c: {  	[tilespmem:s21], [sflag:$0x4] =	stream.indirect_vreg.gather [hbm4b:s1+s4], $0x80, v9, vm0, $0xb8;
	[tilespmem:$0x1CB00] =	vst v63  }
0x52d: {  	s22 =	simm.s32 $0x12000  }
0x52e: {  	[tilespmem:s22], [sflag:$0x4] =	stream.indirect_vreg.gather [hbm4b:s7+s4], $0x80, v9, vm0, $0xb8;
	[tilespmem:$0x1CB00] =	vst v63  }
0x52f: {  	v9 =	vld [tilespmem:s17+$0x490];
	_ =	sdelay $0x4  }
0x530: {  	v10 =	vshll.u32 v9, $0x2  }
0x531: {  	v9 =	vand.u32 $0x7, v9;
	v10 =	vand.u32 $0xFFFFFFE0, v10  }
0x532: {  	v9 =	vor.u32 v9, v10  }
0x533: {  	v10 =	vperm.xlane v9, v6;
	_ =	sdelay $0x1  }
0x534: {  	v10 =	vadd.s32 v7, v10;
	_ =	sdelay $0x2  }
0x535: {  	v9 =	vperm.xlane v9, v8  }
0x536: {  	s23 =	simm.s32 $0x12800  }
0x537: {  	v9 =	vadd.s32 v7, v9;
	[tilespmem:s23], [sflag:$0x4] =	stream.indirect_vreg.gather [hbm4b:s1+s4], $0x80, v10, vm0, $0xb8;
	[tilespmem:$0x1CB00] =	vst v63  }
0x538: {  	s24 =	simm.s32 $0x13000  }
0x539: {  	[tilespmem:s24], [sflag:$0x4] =	stream.indirect_vreg.gather [hbm4b:s7+s4], $0x80, v10, vm0, $0xb8;
	[tilespmem:$0x1CB00] =	vst v63  }
.Ltmp13:
0x53a: {  	_ = 	snop;
	(pc) =	sbr.rel .LBB2_2-.Ltmp13, $4  }
0x53b: {  	s25 =	simm.s32 $0x13800  }
0x53c: {  	[tilespmem:s25], [sflag:$0x4] =	stream.indirect_vreg.gather [hbm4b:s1+s4], $0x80, v9, vm0, $0xb8;
	[tilespmem:$0x1CB00] =	vst v63  }
0x53d: {  	s26 =	simm.s32 $0x14000;
	s14 =	sadd.s32 $0x1, s14  }
0x53e: {  	[tilespmem:s26], [sflag:$0x4] =	stream.indirect_vreg.gather [hbm4b:s7+s4], $0x80, v9, vm0, $0xb8;
	[tilespmem:$0x1CB00] =	vst v63  }
.LBB2_28:
0x53f: {  	[tilespmem:$0x1C800] =	vst v2  }
0x540: {  	[tilespmem:$0x1C810] =	vst v3  }
0x541: {  	_ =	swait.ge [sflag:s10], $0x4000  }
0x542: {  	[sflag:s10] =	ssyncset.done $0x0  }
0x543: {  	[sflag:s10] =	ssyncadd.s32 $0xFFFFC000  }
0x544: {  	v9 =	vld [tilespmem:$0x4600]  }
0x545: {  	v10 =	vld [tilespmem:$0x4610]  }
0x546: {  	v11 =	vld [tilespmem:$0x4620]  }
0x547: {  	v12 =	vld [tilespmem:$0x4630]  }
0x548: {  	v13 =	vld [tilespmem:$0x4640]  }
0x549: {  	v14 =	vld [tilespmem:$0x4650]  }
0x54a: {  	v15 =	vld [tilespmem:$0x4660]  }
0x54b: {  	v16 =	vld [tilespmem:$0x4670]  }
0x54c: {  	v17 =	vld [tilespmem:$0x4680]  }
0x54d: {  	v18 =	vld [tilespmem:$0x4690]  }
0x54e: {  	v21 =	vld [tilespmem:$0x46A0]  }
0x54f: {  	v24 =	vld [tilespmem:$0x46B0]  }
0x550: {  	s14 =	simm.s32 $0x0;
	v19 =	vld [tilespmem:$0x46C0]  }
0x551: {  	s15 =	sand.u32 $0x3000, s14;
	s14 =	sand.u32 $0x380, s14;
	v20 =	vld [tilespmem:$0x46D0]  }
0x552: {  	s15 =	sor.u32 s14, s15;
	v22 =	vld [tilespmem:$0x46E0]  }
0x553: {  	s14 =	sor.u32 $0x4800, s15;
	v23 =	vld [tilespmem:$0x46F0]  }
0x554: {  	s19 =	sor.u32 $0x4810, s15;
	[tilespmem:s14+$0x0] =	vst.add.f32.msk $0xffff, v9  }
0x555: {  	s20 =	sor.u32 $0x4820, s15;
	[tilespmem:s19+$0x0] =	vst.add.f32.msk $0xffff, v10  }
0x556: {  	s21 =	sor.u32 $0x4830, s15;
	[tilespmem:s20+$0x0] =	vst.add.f32.msk $0xffff, v11  }
0x557: {  	s22 =	sor.u32 $0x4840, s15;
	[tilespmem:s21+$0x0] =	vst.add.f32.msk $0xffff, v12  }
0x558: {  	s23 =	sor.u32 $0x4850, s15;
	[tilespmem:s22+$0x0] =	vst.add.f32.msk $0xffff, v13  }
0x559: {  	s24 =	sor.u32 $0x4860, s15;
	[tilespmem:s23+$0x0] =	vst.add.f32.msk $0xffff, v14  }
0x55a: {  	s25 =	sor.u32 $0x4870, s15;
	[tilespmem:s24+$0x0] =	vst.add.f32.msk $0xffff, v15  }
0x55b: {  	s16 =	sor.u32 $0x4C00, s15;
	[tilespmem:s25+$0x0] =	vst.add.f32.msk $0xffff, v16  }
0x55c: {  	s17 =	sor.u32 $0x4C10, s15;
	[tilespmem:s16+$0x0] =	vst.add.f32.msk $0xffff, v17  }
0x55d: {  	s18 =	sor.u32 $0x4C20, s15;
	[tilespmem:s17+$0x0] =	vst.add.f32.msk $0xffff, v18  }
0x55e: {  	s19 =	sor.u32 $0x4C30, s15;
	s16 =	simm.s32 $0x200;
	s17 =	simm.s32 $0x80;
	[tilespmem:s18+$0x0] =	vst.add.f32.msk $0xffff, v21  }
0x55f: {  	s20 =	sand.u32 $0x3000, s16;
	s18 =	sor.u32 $0x4C40, s15;
	s21 =	sand.u32 $0x380, s17;
	[tilespmem:s19+$0x0] =	vst.add.f32.msk $0xffff, v24  }
0x560: {  	s22 =	sor.u32 $0x4C50, s15;
	s14 =	sor.u32 s21, s20;
	[tilespmem:s18+$0x0] =	vst.add.f32.msk $0xffff, v19  }
0x561: {  	s23 =	sor.u32 $0x4800, s14;
	[tilespmem:s22+$0x0] =	vst.add.f32.msk $0xffff, v20  }
0x562: {  	s24 =	sor.u32 $0x4810, s14;
	[tilespmem:s23+$0x0] =	vst.add.f32.msk $0xffff, v9  }
0x563: {  	s25 =	sor.u32 $0x4820, s14;
	[tilespmem:s24+$0x0] =	vst.add.f32.msk $0xffff, v10  }
0x564: {  	s17 =	sor.u32 $0x4830, s14;
	[tilespmem:s25+$0x0] =	vst.add.f32.msk $0xffff, v11  }
0x565: {  	s18 =	sor.u32 $0x4840, s14;
	[tilespmem:s17+$0x0] =	vst.add.f32.msk $0xffff, v12  }
0x566: {  	s19 =	sor.u32 $0x4850, s14;
	[tilespmem:s18+$0x0] =	vst.add.f32.msk $0xffff, v13  }
0x567: {  	s20 =	sor.u32 $0x4860, s14;
	[tilespmem:s19+$0x0] =	vst.add.f32.msk $0xffff, v14  }
0x568: {  	s19 =	sor.u32 $0x4C60, s15;
	[tilespmem:s20+$0x0] =	vst.add.f32.msk $0xffff, v15  }
0x569: {  	s21 =	sor.u32 $0x4870, s14;
	[tilespmem:s19+$0x0] =	vst.add.f32.msk $0xffff, v22  }
0x56a: {  	s22 =	sor.u32 $0x4C00, s14;
	[tilespmem:s21+$0x0] =	vst.add.f32.msk $0xffff, v16  }
0x56b: {  	s23 =	sor.u32 $0x4C10, s14;
	[tilespmem:s22+$0x0] =	vst.add.f32.msk $0xffff, v17  }
0x56c: {  	s24 =	sor.u32 $0x4C20, s14;
	[tilespmem:s23+$0x0] =	vst.add.f32.msk $0xffff, v18  }
0x56d: {  	s16 =	simm.s32 $0x100;
	s25 =	sor.u32 $0x4C30, s14;
	[tilespmem:s24+$0x0] =	vst.add.f32.msk $0xffff, v21  }
0x56e: {  	s17 =	sor.u32 $0x4C40, s14;
	s18 =	simm.s32 $0x400;
	s15 =	sor.u32 $0x4C70, s15;
	[tilespmem:s25+$0x0] =	vst.add.f32.msk $0xffff, v24  }
.LBB2_29:
0x56f: {  	s19 =	sand.u32 $0x3000, s18  }
0x570: {  	s20 =	sand.u32 $0x380, s16;
	[tilespmem:s15+$0x0] =	vst.add.f32.msk $0xffff, v23;
	s15 =	smov.u32 s18;
	s21 =	sadd.s32 $0x200, s18  }
0x571: {  	p0 =	sne.s32 s18, $0x3E00;
	s19 =	sor.u32 s20, s19;
	[tilespmem:s17+$0x0] =	vst.add.f32.msk $0xffff, v19;
	s15 =	sor.u32 $0x4C50, s14  }
0x572: {  	s18 =	sor.u32 $0x4800, s19;
	s17 =	sor.u32 $0x4C40, s19;
	[tilespmem:s15+$0x0] =	vst.add.f32.msk $0xffff, v20  }
0x573: {  	s15 =	sor.u32 $0x4810, s19;
	[tilespmem:s18+$0x0] =	vst.add.f32.msk $0xffff, v9  }
0x574: {  	[tilespmem:s15+$0x0] =	vst.add.f32.msk $0xffff, v10;
	s15 =	sor.u32 $0x4820, s19  }
0x575: {  	[tilespmem:s15+$0x0] =	vst.add.f32.msk $0xffff, v11;
	s15 =	sor.u32 $0x4830, s19  }
0x576: {  	[tilespmem:s15+$0x0] =	vst.add.f32.msk $0xffff, v12;
	s15 =	sor.u32 $0x4840, s19  }
0x577: {  	[tilespmem:s15+$0x0] =	vst.add.f32.msk $0xffff, v13;
	s15 =	sor.u32 $0x4850, s19  }
0x578: {  	[tilespmem:s15+$0x0] =	vst.add.f32.msk $0xffff, v14;
	s15 =	sor.u32 $0x4860, s19  }
0x579: {  	[tilespmem:s15+$0x0] =	vst.add.f32.msk $0xffff, v15;
	s15 =	sor.u32 $0x4870, s19  }
0x57a: {  	[tilespmem:s15+$0x0] =	vst.add.f32.msk $0xffff, v16;
	s15 =	sor.u32 $0x4C00, s19  }
.Ltmp14:
0x57b: {  	[tilespmem:s15+$0x0] =	vst.add.f32.msk $0xffff, v17;
	s15 =	sor.u32 $0x4C10, s19;
	(pc) =	sbr.rel @p0 .LBB2_29-.Ltmp14, $4  }
0x57c: {  	[tilespmem:s15+$0x0] =	vst.add.f32.msk $0xffff, v18;
	s15 =	sor.u32 $0x4C20, s19  }
0x57d: {  	[tilespmem:s15+$0x0] =	vst.add.f32.msk $0xffff, v21;
	s15 =	sor.u32 $0x4C30, s19  }
0x57e: {  	s16 =	sadd.s32 $0x80, s16;
	[tilespmem:s15+$0x0] =	vst.add.f32.msk $0xffff, v24;
	s15 =	sor.u32 $0x4C60, s14  }
0x57f: {  	s18 =	smov.u32 s21;
	[tilespmem:s15+$0x0] =	vst.add.f32.msk $0xffff, v22;
	s15 =	sor.u32 $0x4C70, s14;
	s14 =	smov.u32 s19  }
0x580: {  	[tilespmem:s15+$0x0] =	vst.add.f32.msk $0xffff, v23  }
0x581: {  	[tilespmem:s17+$0x0] =	vst.add.f32.msk $0xffff, v19;
	s21 =	sor.u32 $0x4C50, s14  }
0x582: {  	s22 =	sor.u32 $0x4C60, s14;
	[tilespmem:s21+$0x0] =	vst.add.f32.msk $0xffff, v20  }
0x583: {  	s23 =	sor.u32 $0x4C70, s14;
	[tilespmem:s22+$0x0] =	vst.add.f32.msk $0xffff, v22  }
0x584: {  	[tilespmem:s23+$0x0] =	vst.add.f32.msk $0xffff, v23  }
0x585: {  	v9 =	vld [tilespmem:$0x4700]  }
0x586: {  	v10 =	vld [tilespmem:$0x4710]  }
0x587: {  	v11 =	vld [tilespmem:$0x4720]  }
0x588: {  	v12 =	vld [tilespmem:$0x4730]  }
0x589: {  	v13 =	vld [tilespmem:$0x4740]  }
0x58a: {  	v14 =	vld [tilespmem:$0x4750]  }
0x58b: {  	v15 =	vld [tilespmem:$0x4760]  }
0x58c: {  	v16 =	vld [tilespmem:$0x4770]  }
0x58d: {  	v17 =	vld [tilespmem:$0x4780]  }
0x58e: {  	v18 =	vld [tilespmem:$0x4790]  }
0x58f: {  	v19 =	vld [tilespmem:$0x47A0]  }
0x590: {  	v24 =	vld [tilespmem:$0x47F0]  }
0x591: {  	v20 =	vld [tilespmem:$0x47B0]  }
0x592: {  	s24 =	simm.s32 $0x0;
	v21 =	vld [tilespmem:$0x47C0]  }
0x593: {  	s25 =	sand.u32 $0x3000, s24;
	s14 =	sand.u32 $0x380, s24;
	v22 =	vld [tilespmem:$0x47D0]  }
0x594: {  	s14 =	sor.u32 s14, s25;
	v23 =	vld [tilespmem:$0x47E0]  }
0x595: {  	[tilespmem:s14+$0x5470] =	vst.add.f32.msk $0xffff, v24  }
0x596: {  	[tilespmem:s14+$0x5000] =	vst.add.f32.msk $0xffff, v9  }
0x597: {  	[tilespmem:s14+$0x5010] =	vst.add.f32.msk $0xffff, v10  }
0x598: {  	[tilespmem:s14+$0x5020] =	vst.add.f32.msk $0xffff, v11  }
0x599: {  	[tilespmem:s14+$0x5030] =	vst.add.f32.msk $0xffff, v12  }
0x59a: {  	[tilespmem:s14+$0x5040] =	vst.add.f32.msk $0xffff, v13  }
0x59b: {  	[tilespmem:s14+$0x5050] =	vst.add.f32.msk $0xffff, v14  }
0x59c: {  	[tilespmem:s14+$0x5060] =	vst.add.f32.msk $0xffff, v15  }
0x59d: {  	[tilespmem:s14+$0x5070] =	vst.add.f32.msk $0xffff, v16  }
0x59e: {  	[tilespmem:s14+$0x5400] =	vst.add.f32.msk $0xffff, v17  }
0x59f: {  	[tilespmem:s14+$0x5410] =	vst.add.f32.msk $0xffff, v18  }
0x5a0: {  	[tilespmem:s14+$0x5420] =	vst.add.f32.msk $0xffff, v19  }
0x5a1: {  	[tilespmem:s14+$0x5430] =	vst.add.f32.msk $0xffff, v20  }
0x5a2: {  	s16 =	simm.s32 $0x200;
	s15 =	simm.s32 $0x80;
	[tilespmem:s14+$0x5440] =	vst.add.f32.msk $0xffff, v21  }
0x5a3: {  	s17 =	sand.u32 $0x3000, s16;
	s18 =	sand.u32 $0x380, s15;
	s16 =	simm.s32 $0x400;
	[tilespmem:s14+$0x5450] =	vst.add.f32.msk $0xffff, v22  }
.LBB2_31:
0x5a4: {  	p0 =	sne.s32 s16, $0x3E00;
	[tilespmem:s14+$0x5460] =	vst.add.f32.msk $0xffff, v23;
	s14 =	sor.u32 s18, s17  }
0x5a5: {  	[tilespmem:s14+$0x5470] =	vst.add.f32.msk $0xffff, v24  }
0x5a6: {  	[tilespmem:s14+$0x5000] =	vst.add.f32.msk $0xffff, v9  }
0x5a7: {  	[tilespmem:s14+$0x5010] =	vst.add.f32.msk $0xffff, v10  }
0x5a8: {  	[tilespmem:s14+$0x5020] =	vst.add.f32.msk $0xffff, v11  }
0x5a9: {  	[tilespmem:s14+$0x5030] =	vst.add.f32.msk $0xffff, v12  }
0x5aa: {  	[tilespmem:s14+$0x5040] =	vst.add.f32.msk $0xffff, v13  }
0x5ab: {  	[tilespmem:s14+$0x5050] =	vst.add.f32.msk $0xffff, v14  }
0x5ac: {  	[tilespmem:s14+$0x5060] =	vst.add.f32.msk $0xffff, v15  }
0x5ad: {  	[tilespmem:s14+$0x5070] =	vst.add.f32.msk $0xffff, v16  }
0x5ae: {  	[tilespmem:s14+$0x5400] =	vst.add.f32.msk $0xffff, v17  }
.Ltmp15:
0x5af: {  	[tilespmem:s14+$0x5410] =	vst.add.f32.msk $0xffff, v18;
	(pc) =	sbr.rel @p0 .LBB2_31-.Ltmp15, $4  }
0x5b0: {  	[tilespmem:s14+$0x5420] =	vst.add.f32.msk $0xffff, v19  }
0x5b1: {  	[tilespmem:s14+$0x5430] =	vst.add.f32.msk $0xffff, v20  }
0x5b2: {  	s15 =	sadd.s32 $0x80, s15;
	[tilespmem:s14+$0x5440] =	vst.add.f32.msk $0xffff, v21  }
0x5b3: {  	s17 =	sand.u32 $0x3000, s16;
	s16 =	sadd.s32 $0x200, s16;
	s18 =	sand.u32 $0x380, s15;
	[tilespmem:s14+$0x5450] =	vst.add.f32.msk $0xffff, v22  }
0x5b4: {  	s15 =	sor.u32 s18, s17;
	[tilespmem:s14+$0x5460] =	vst.add.f32.msk $0xffff, v23  }
0x5b5: {  	[tilespmem:s15+$0x5470] =	vst.add.f32.msk $0xffff, v24  }
0x5b6: {  	[tilespmem:s15+$0x5000] =	vst.add.f32.msk $0xffff, v9  }
0x5b7: {  	[tilespmem:s15+$0x5010] =	vst.add.f32.msk $0xffff, v10  }
0x5b8: {  	[tilespmem:s15+$0x5020] =	vst.add.f32.msk $0xffff, v11  }
0x5b9: {  	[tilespmem:s15+$0x5030] =	vst.add.f32.msk $0xffff, v12  }
0x5ba: {  	[tilespmem:s15+$0x5040] =	vst.add.f32.msk $0xffff, v13  }
0x5bb: {  	[tilespmem:s15+$0x5050] =	vst.add.f32.msk $0xffff, v14  }
0x5bc: {  	[tilespmem:s15+$0x5060] =	vst.add.f32.msk $0xffff, v15  }
0x5bd: {  	[tilespmem:s15+$0x5070] =	vst.add.f32.msk $0xffff, v16  }
0x5be: {  	[tilespmem:s15+$0x5400] =	vst.add.f32.msk $0xffff, v17  }
0x5bf: {  	[tilespmem:s15+$0x5410] =	vst.add.f32.msk $0xffff, v18  }
0x5c0: {  	[tilespmem:s15+$0x5420] =	vst.add.f32.msk $0xffff, v19  }
0x5c1: {  	[tilespmem:s15+$0x5430] =	vst.add.f32.msk $0xffff, v20  }
0x5c2: {  	[tilespmem:s15+$0x5440] =	vst.add.f32.msk $0xffff, v21  }
0x5c3: {  	[tilespmem:s15+$0x5450] =	vst.add.f32.msk $0xffff, v22  }
0x5c4: {  	[tilespmem:s15+$0x5460] =	vst.add.f32.msk $0xffff, v23  }
0x5c5: {  	v9 =	vld [tilespmem:$0x1C800];
	_ =	sdelay $0x4  }
0x5c6: {  	v10 =	vshll.u32 v9, $0x2  }
0x5c7: {  	v9 =	vand.u32 $0x7, v9;
	v10 =	vand.u32 $0xFFFFFFE0, v10  }
0x5c8: {  	v9 =	vor.u32 v9, v10  }
0x5c9: {  	v10 =	vperm.xlane v9, v6;
	_ =	sdelay $0x1  }
0x5ca: {  	v10 =	vadd.s32 v7, v10;
	_ =	sdelay $0x1  }
0x5cb: {  	v9 =	vperm.xlane v9, v8;
	_ =	sdelay $0x1  }
0x5cc: {  	s14 =	simm.s32 $0x0;
	s16 =	simm.s32 $0x4800;
	v9 =	vadd.s32 v7, v9  }
0x5cd: {  	[hbm4b:s3+s14] =	stream.indirect_vreg.scatter [tilespmem:s16], [sflag:$0x7], $0x80, v10, vm0, $0xb8;
	[tilespmem:$0x1CB00] =	vst v63  }
0x5ce: {  	s17 =	simm.s32 $0x5000  }
0x5cf: {  	[hbm4b:s9+s14] =	stream.indirect_vreg.scatter [tilespmem:s17], [sflag:$0x7], $0x80, v10, vm0, $0xb8;
	[tilespmem:$0x1CB00] =	vst v63  }
0x5d0: {  	s18 =	simm.s32 $0x5800  }
0x5d1: {  	[hbm4b:s3+s14] =	stream.indirect_vreg.scatter [tilespmem:s18], [sflag:$0x7], $0x80, v9, vm0, $0xb8;
	[tilespmem:$0x1CB00] =	vst v63  }
0x5d2: {  	s19 =	simm.s32 $0x6000  }
0x5d3: {  	[hbm4b:s9+s14] =	stream.indirect_vreg.scatter [tilespmem:s19], [sflag:$0x7], $0x80, v9, vm0, $0xb8;
	[tilespmem:$0x1CB00] =	vst v63  }
0x5d4: {  	v9 =	vld [tilespmem:$0x1C810];
	_ =	sdelay $0x4  }
0x5d5: {  	v10 =	vshll.u32 v9, $0x2  }
0x5d6: {  	v9 =	vand.u32 $0x7, v9;
	v10 =	vand.u32 $0xFFFFFFE0, v10  }
0x5d7: {  	v9 =	vor.u32 v9, v10  }
0x5d8: {  	v10 =	vperm.xlane v9, v6;
	_ =	sdelay $0x1  }
0x5d9: {  	v10 =	vadd.s32 v7, v10;
	_ =	sdelay $0x1  }
0x5da: {  	v9 =	vperm.xlane v9, v8;
	_ =	sdelay $0x1  }
0x5db: {  	s20 =	simm.s32 $0x6800;
	v9 =	vadd.s32 v7, v9  }
0x5dc: {  	[hbm4b:s3+s14] =	stream.indirect_vreg.scatter [tilespmem:s20], [sflag:$0x7], $0x80, v10, vm0, $0xb8;
	[tilespmem:$0x1CB00] =	vst v63  }
0x5dd: {  	s21 =	simm.s32 $0x7000  }
0x5de: {  	[hbm4b:s9+s14] =	stream.indirect_vreg.scatter [tilespmem:s21], [sflag:$0x7], $0x80, v10, vm0, $0xb8;
	[tilespmem:$0x1CB00] =	vst v63  }
0x5df: {  	s22 =	simm.s32 $0x7800  }
0x5e0: {  	[hbm4b:s3+s14] =	stream.indirect_vreg.scatter [tilespmem:s22], [sflag:$0x7], $0x80, v9, vm0, $0xb8;
	[tilespmem:$0x1CB00] =	vst v63  }
0x5e1: {  	s23 =	simm.s32 $0x8000;
	s24 =	simm.s32 $0xB  }
0x5e2: {  	[hbm4b:s9+s14] =	stream.indirect_vreg.scatter [tilespmem:s23], [sflag:$0x7], $0x80, v9, vm0, $0xb8;
	[tilespmem:$0x1CB00] =	vst v63  }
0x5e3: {  	_ =	swait.ge [sflag:s24], $0x4000  }
0x5e4: {  	[sflag:s24] =	ssyncset.done $0x0  }
0x5e5: {  	[sflag:s24] =	ssyncadd.s32 $0xFFFFC000  }
0x5e6: {  	[tilespmem:$0x1C880] =	vst v4  }
0x5e7: {  	[tilespmem:$0x1C890] =	vst v5  }
0x5e8: {  	_ =	swait.ge [sflag:s11], $0x4000  }
0x5e9: {  	[sflag:s11] =	ssyncset.done $0x0  }
0x5ea: {  	[sflag:s11] =	ssyncadd.s32 $0xFFFFC000  }
0x5eb: {  	v9 =	vld [tilespmem:$0x4600]  }
0x5ec: {  	v10 =	vld [tilespmem:$0x4610]  }
0x5ed: {  	v11 =	vld [tilespmem:$0x4620]  }
0x5ee: {  	v12 =	vld [tilespmem:$0x4630]  }
0x5ef: {  	v13 =	vld [tilespmem:$0x4640]  }
0x5f0: {  	v14 =	vld [tilespmem:$0x4650]  }
0x5f1: {  	v15 =	vld [tilespmem:$0x4660]  }
0x5f2: {  	v16 =	vld [tilespmem:$0x4670]  }
0x5f3: {  	v17 =	vld [tilespmem:$0x4680]  }
0x5f4: {  	v19 =	vld [tilespmem:$0x4690]  }
0x5f5: {  	v23 =	vld [tilespmem:$0x46A0]  }
0x5f6: {  	v24 =	vld [tilespmem:$0x46B0]  }
0x5f7: {  	v20 =	vld [tilespmem:$0x46C0]  }
0x5f8: {  	s25 =	sand.u32 $0x3000, s14;
	s14 =	sand.u32 $0x380, s14;
	v18 =	vld [tilespmem:$0x46D0]  }
0x5f9: {  	s15 =	sor.u32 s14, s25;
	v21 =	vld [tilespmem:$0x46E0]  }
0x5fa: {  	s14 =	sor.u32 $0x8800, s15;
	v22 =	vld [tilespmem:$0x46F0]  }
0x5fb: {  	s16 =	sor.u32 $0x8810, s15;
	[tilespmem:s14+$0x0] =	vst.add.f32.msk $0xffff, v9  }
0x5fc: {  	s17 =	sor.u32 $0x8820, s15;
	[tilespmem:s16+$0x0] =	vst.add.f32.msk $0xffff, v10  }
0x5fd: {  	s18 =	sor.u32 $0x8830, s15;
	[tilespmem:s17+$0x0] =	vst.add.f32.msk $0xffff, v11  }
0x5fe: {  	s19 =	sor.u32 $0x8840, s15;
	[tilespmem:s18+$0x0] =	vst.add.f32.msk $0xffff, v12  }
0x5ff: {  	s20 =	sor.u32 $0x8850, s15;
	[tilespmem:s19+$0x0] =	vst.add.f32.msk $0xffff, v13  }
0x600: {  	s21 =	sor.u32 $0x8860, s15;
	[tilespmem:s20+$0x0] =	vst.add.f32.msk $0xffff, v14  }
0x601: {  	s22 =	sor.u32 $0x8870, s15;
	s16 =	simm.s32 $0x200;
	s18 =	simm.s32 $0x80;
	[tilespmem:s21+$0x0] =	vst.add.f32.msk $0xffff, v15  }
0x602: {  	s23 =	sor.u32 $0x8C00, s15;
	s20 =	sand.u32 $0x3000, s16;
	s21 =	sand.u32 $0x380, s18;
	[tilespmem:s22+$0x0] =	vst.add.f32.msk $0xffff, v16  }
0x603: {  	s24 =	sor.u32 $0x8C10, s15;
	s14 =	sor.u32 s21, s20;
	[tilespmem:s23+$0x0] =	vst.add.f32.msk $0xffff, v17  }
0x604: {  	s23 =	sor.u32 $0x8800, s14;
	[tilespmem:s24+$0x0] =	vst.add.f32.msk $0xffff, v19  }
0x605: {  	s25 =	sor.u32 $0x8C20, s15;
	[tilespmem:s23+$0x0] =	vst.add.f32.msk $0xffff, v9  }
0x606: {  	s24 =	sor.u32 $0x8810, s14;
	[tilespmem:s25+$0x0] =	vst.add.f32.msk $0xffff, v23  }
0x607: {  	s17 =	sor.u32 $0x8C30, s15;
	[tilespmem:s24+$0x0] =	vst.add.f32.msk $0xffff, v10  }
0x608: {  	s25 =	sor.u32 $0x8820, s14;
	[tilespmem:s17+$0x0] =	vst.add.f32.msk $0xffff, v24  }
0x609: {  	s19 =	sor.u32 $0x8C40, s15;
	[tilespmem:s25+$0x0] =	vst.add.f32.msk $0xffff, v11  }
0x60a: {  	s17 =	sor.u32 $0x8830, s14;
	[tilespmem:s19+$0x0] =	vst.add.f32.msk $0xffff, v20  }
0x60b: {  	s22 =	sor.u32 $0x8C50, s15;
	[tilespmem:s17+$0x0] =	vst.add.f32.msk $0xffff, v12  }
0x60c: {  	s18 =	sor.u32 $0x8840, s14;
	[tilespmem:s22+$0x0] =	vst.add.f32.msk $0xffff, v18  }
0x60d: {  	s19 =	sor.u32 $0x8850, s14;
	[tilespmem:s18+$0x0] =	vst.add.f32.msk $0xffff, v13  }
0x60e: {  	s20 =	sor.u32 $0x8860, s14;
	[tilespmem:s19+$0x0] =	vst.add.f32.msk $0xffff, v14  }
0x60f: {  	s19 =	sor.u32 $0x8C60, s15;
	[tilespmem:s20+$0x0] =	vst.add.f32.msk $0xffff, v15  }
0x610: {  	s21 =	sor.u32 $0x8870, s14;
	[tilespmem:s19+$0x0] =	vst.add.f32.msk $0xffff, v21  }
0x611: {  	s22 =	sor.u32 $0x8C00, s14;
	[tilespmem:s21+$0x0] =	vst.add.f32.msk $0xffff, v16  }
0x612: {  	s23 =	sor.u32 $0x8C10, s14;
	[tilespmem:s22+$0x0] =	vst.add.f32.msk $0xffff, v17  }
0x613: {  	s24 =	sor.u32 $0x8C20, s14;
	[tilespmem:s23+$0x0] =	vst.add.f32.msk $0xffff, v19  }
0x614: {  	s16 =	simm.s32 $0x100;
	s25 =	sor.u32 $0x8C30, s14;
	[tilespmem:s24+$0x0] =	vst.add.f32.msk $0xffff, v23  }
0x615: {  	s17 =	sor.u32 $0x8C40, s14;
	s18 =	simm.s32 $0x400;
	s15 =	sor.u32 $0x8C70, s15;
	[tilespmem:s25+$0x0] =	vst.add.f32.msk $0xffff, v24  }
.LBB2_33:
0x616: {  	s19 =	sand.u32 $0x3000, s18  }
0x617: {  	s20 =	sand.u32 $0x380, s16;
	[tilespmem:s15+$0x0] =	vst.add.f32.msk $0xffff, v22;
	s15 =	smov.u32 s18;
	s21 =	sadd.s32 $0x200, s18  }
0x618: {  	p0 =	sne.s32 s18, $0x3E00;
	s19 =	sor.u32 s20, s19;
	[tilespmem:s17+$0x0] =	vst.add.f32.msk $0xffff, v20;
	s15 =	sor.u32 $0x8C50, s14  }
0x619: {  	s18 =	sor.u32 $0x8800, s19;
	s17 =	sor.u32 $0x8C40, s19;
	[tilespmem:s15+$0x0] =	vst.add.f32.msk $0xffff, v18  }
0x61a: {  	s15 =	sor.u32 $0x8810, s19;
	[tilespmem:s18+$0x0] =	vst.add.f32.msk $0xffff, v9  }
0x61b: {  	[tilespmem:s15+$0x0] =	vst.add.f32.msk $0xffff, v10;
	s15 =	sor.u32 $0x8820, s19  }
0x61c: {  	[tilespmem:s15+$0x0] =	vst.add.f32.msk $0xffff, v11;
	s15 =	sor.u32 $0x8830, s19  }
0x61d: {  	[tilespmem:s15+$0x0] =	vst.add.f32.msk $0xffff, v12;
	s15 =	sor.u32 $0x8840, s19  }
0x61e: {  	[tilespmem:s15+$0x0] =	vst.add.f32.msk $0xffff, v13;
	s15 =	sor.u32 $0x8850, s19  }
0x61f: {  	[tilespmem:s15+$0x0] =	vst.add.f32.msk $0xffff, v14;
	s15 =	sor.u32 $0x8860, s19  }
0x620: {  	[tilespmem:s15+$0x0] =	vst.add.f32.msk $0xffff, v15;
	s15 =	sor.u32 $0x8870, s19  }
0x621: {  	[tilespmem:s15+$0x0] =	vst.add.f32.msk $0xffff, v16;
	s15 =	sor.u32 $0x8C00, s19  }
.Ltmp16:
0x622: {  	[tilespmem:s15+$0x0] =	vst.add.f32.msk $0xffff, v17;
	s15 =	sor.u32 $0x8C10, s19;
	(pc) =	sbr.rel @p0 .LBB2_33-.Ltmp16, $4  }
0x623: {  	[tilespmem:s15+$0x0] =	vst.add.f32.msk $0xffff, v19;
	s15 =	sor.u32 $0x8C20, s19  }
0x624: {  	[tilespmem:s15+$0x0] =	vst.add.f32.msk $0xffff, v23;
	s15 =	sor.u32 $0x8C30, s19  }
0x625: {  	s16 =	sadd.s32 $0x80, s16;
	[tilespmem:s15+$0x0] =	vst.add.f32.msk $0xffff, v24;
	s15 =	sor.u32 $0x8C60, s14  }
0x626: {  	s18 =	smov.u32 s21;
	[tilespmem:s15+$0x0] =	vst.add.f32.msk $0xffff, v21;
	s15 =	sor.u32 $0x8C70, s14;
	s14 =	smov.u32 s19  }
0x627: {  	[tilespmem:s15+$0x0] =	vst.add.f32.msk $0xffff, v22  }
0x628: {  	[tilespmem:s17+$0x0] =	vst.add.f32.msk $0xffff, v20;
	s21 =	sor.u32 $0x8C50, s14  }
0x629: {  	s22 =	sor.u32 $0x8C60, s14;
	[tilespmem:s21+$0x0] =	vst.add.f32.msk $0xffff, v18  }
0x62a: {  	s23 =	sor.u32 $0x8C70, s14;
	[tilespmem:s22+$0x0] =	vst.add.f32.msk $0xffff, v21  }
0x62b: {  	[tilespmem:s23+$0x0] =	vst.add.f32.msk $0xffff, v22  }
0x62c: {  	v9 =	vld [tilespmem:$0x4700]  }
0x62d: {  	v10 =	vld [tilespmem:$0x4710]  }
0x62e: {  	v11 =	vld [tilespmem:$0x4720]  }
0x62f: {  	v12 =	vld [tilespmem:$0x4730]  }
0x630: {  	v13 =	vld [tilespmem:$0x4740]  }
0x631: {  	v14 =	vld [tilespmem:$0x4750]  }
0x632: {  	v15 =	vld [tilespmem:$0x4760]  }
0x633: {  	v16 =	vld [tilespmem:$0x4770]  }
0x634: {  	v17 =	vld [tilespmem:$0x4780]  }
0x635: {  	v18 =	vld [tilespmem:$0x4790]  }
0x636: {  	v19 =	vld [tilespmem:$0x47A0]  }
0x637: {  	v24 =	vld [tilespmem:$0x47F0]  }
0x638: {  	v20 =	vld [tilespmem:$0x47B0]  }
0x639: {  	s24 =	simm.s32 $0x0;
	v21 =	vld [tilespmem:$0x47C0]  }
0x63a: {  	s25 =	sand.u32 $0x3000, s24;
	s14 =	sand.u32 $0x380, s24;
	v22 =	vld [tilespmem:$0x47D0]  }
0x63b: {  	s14 =	sor.u32 s14, s25;
	v23 =	vld [tilespmem:$0x47E0]  }
0x63c: {  	[tilespmem:s14+$0x9470] =	vst.add.f32.msk $0xffff, v24  }
0x63d: {  	[tilespmem:s14+$0x9000] =	vst.add.f32.msk $0xffff, v9  }
0x63e: {  	[tilespmem:s14+$0x9010] =	vst.add.f32.msk $0xffff, v10  }
0x63f: {  	[tilespmem:s14+$0x9020] =	vst.add.f32.msk $0xffff, v11  }
0x640: {  	[tilespmem:s14+$0x9030] =	vst.add.f32.msk $0xffff, v12  }
0x641: {  	[tilespmem:s14+$0x9040] =	vst.add.f32.msk $0xffff, v13  }
0x642: {  	[tilespmem:s14+$0x9050] =	vst.add.f32.msk $0xffff, v14  }
0x643: {  	[tilespmem:s14+$0x9060] =	vst.add.f32.msk $0xffff, v15  }
0x644: {  	[tilespmem:s14+$0x9070] =	vst.add.f32.msk $0xffff, v16  }
0x645: {  	[tilespmem:s14+$0x9400] =	vst.add.f32.msk $0xffff, v17  }
0x646: {  	[tilespmem:s14+$0x9410] =	vst.add.f32.msk $0xffff, v18  }
0x647: {  	[tilespmem:s14+$0x9420] =	vst.add.f32.msk $0xffff, v19  }
0x648: {  	[tilespmem:s14+$0x9430] =	vst.add.f32.msk $0xffff, v20  }
0x649: {  	s16 =	simm.s32 $0x200;
	s15 =	simm.s32 $0x80;
	[tilespmem:s14+$0x9440] =	vst.add.f32.msk $0xffff, v21  }
0x64a: {  	s17 =	sand.u32 $0x3000, s16;
	s18 =	sand.u32 $0x380, s15;
	s16 =	simm.s32 $0x400;
	[tilespmem:s14+$0x9450] =	vst.add.f32.msk $0xffff, v22  }
.LBB2_35:
0x64b: {  	p0 =	sne.s32 s16, $0x3E00;
	[tilespmem:s14+$0x9460] =	vst.add.f32.msk $0xffff, v23;
	s14 =	sor.u32 s18, s17  }
0x64c: {  	[tilespmem:s14+$0x9470] =	vst.add.f32.msk $0xffff, v24  }
0x64d: {  	[tilespmem:s14+$0x9000] =	vst.add.f32.msk $0xffff, v9  }
0x64e: {  	[tilespmem:s14+$0x9010] =	vst.add.f32.msk $0xffff, v10  }
0x64f: {  	[tilespmem:s14+$0x9020] =	vst.add.f32.msk $0xffff, v11  }
0x650: {  	[tilespmem:s14+$0x9030] =	vst.add.f32.msk $0xffff, v12  }
0x651: {  	[tilespmem:s14+$0x9040] =	vst.add.f32.msk $0xffff, v13  }
0x652: {  	[tilespmem:s14+$0x9050] =	vst.add.f32.msk $0xffff, v14  }
0x653: {  	[tilespmem:s14+$0x9060] =	vst.add.f32.msk $0xffff, v15  }
0x654: {  	[tilespmem:s14+$0x9070] =	vst.add.f32.msk $0xffff, v16  }
0x655: {  	[tilespmem:s14+$0x9400] =	vst.add.f32.msk $0xffff, v17  }
.Ltmp17:
0x656: {  	[tilespmem:s14+$0x9410] =	vst.add.f32.msk $0xffff, v18;
	(pc) =	sbr.rel @p0 .LBB2_35-.Ltmp17, $4  }
0x657: {  	[tilespmem:s14+$0x9420] =	vst.add.f32.msk $0xffff, v19  }
0x658: {  	[tilespmem:s14+$0x9430] =	vst.add.f32.msk $0xffff, v20  }
0x659: {  	s15 =	sadd.s32 $0x80, s15;
	[tilespmem:s14+$0x9440] =	vst.add.f32.msk $0xffff, v21  }
0x65a: {  	s17 =	sand.u32 $0x3000, s16;
	s16 =	sadd.s32 $0x200, s16;
	s18 =	sand.u32 $0x380, s15;
	[tilespmem:s14+$0x9450] =	vst.add.f32.msk $0xffff, v22  }
0x65b: {  	s15 =	sor.u32 s18, s17;
	[tilespmem:s14+$0x9460] =	vst.add.f32.msk $0xffff, v23  }
0x65c: {  	[tilespmem:s15+$0x9470] =	vst.add.f32.msk $0xffff, v24  }
0x65d: {  	[tilespmem:s15+$0x9000] =	vst.add.f32.msk $0xffff, v9  }
0x65e: {  	[tilespmem:s15+$0x9010] =	vst.add.f32.msk $0xffff, v10  }
0x65f: {  	[tilespmem:s15+$0x9020] =	vst.add.f32.msk $0xffff, v11  }
0x660: {  	[tilespmem:s15+$0x9030] =	vst.add.f32.msk $0xffff, v12  }
0x661: {  	[tilespmem:s15+$0x9040] =	vst.add.f32.msk $0xffff, v13  }
0x662: {  	[tilespmem:s15+$0x9050] =	vst.add.f32.msk $0xffff, v14  }
0x663: {  	[tilespmem:s15+$0x9060] =	vst.add.f32.msk $0xffff, v15  }
0x664: {  	[tilespmem:s15+$0x9070] =	vst.add.f32.msk $0xffff, v16  }
0x665: {  	[tilespmem:s15+$0x9400] =	vst.add.f32.msk $0xffff, v17  }
0x666: {  	[tilespmem:s15+$0x9410] =	vst.add.f32.msk $0xffff, v18  }
0x667: {  	[tilespmem:s15+$0x9420] =	vst.add.f32.msk $0xffff, v19  }
0x668: {  	[tilespmem:s15+$0x9430] =	vst.add.f32.msk $0xffff, v20  }
0x669: {  	[tilespmem:s15+$0x9440] =	vst.add.f32.msk $0xffff, v21  }
0x66a: {  	[tilespmem:s15+$0x9450] =	vst.add.f32.msk $0xffff, v22  }
0x66b: {  	[tilespmem:s15+$0x9460] =	vst.add.f32.msk $0xffff, v23  }
0x66c: {  	v9 =	vld [tilespmem:$0x1C880];
	_ =	sdelay $0x4  }
0x66d: {  	v10 =	vshll.u32 v9, $0x2  }
0x66e: {  	v9 =	vand.u32 $0x7, v9;
	v10 =	vand.u32 $0xFFFFFFE0, v10  }
0x66f: {  	v9 =	vor.u32 v9, v10  }
0x670: {  	v10 =	vperm.xlane v9, v6;
	_ =	sdelay $0x1  }
0x671: {  	v10 =	vadd.s32 v7, v10;
	_ =	sdelay $0x1  }
0x672: {  	v9 =	vperm.xlane v9, v8;
	_ =	sdelay $0x1  }
0x673: {  	v9 =	vadd.s32 v7, v9  }
0x674: {  	[hbm4b:s3+s4] =	stream.indirect_vreg.scatter [tilespmem:s26], [sflag:$0x8], $0x80, v10, vm0, $0xb8;
	[tilespmem:$0x1CB00] =	vst v63  }
0x675: {  	s17 =	simm.s32 $0x9000  }
0x676: {  	[hbm4b:s9+s4] =	stream.indirect_vreg.scatter [tilespmem:s17], [sflag:$0x8], $0x80, v10, vm0, $0xb8;
	[tilespmem:$0x1CB00] =	vst v63  }
0x677: {  	s18 =	simm.s32 $0x9800  }
0x678: {  	[hbm4b:s3+s4] =	stream.indirect_vreg.scatter [tilespmem:s18], [sflag:$0x8], $0x80, v9, vm0, $0xb8;
	[tilespmem:$0x1CB00] =	vst v63  }
0x679: {  	s19 =	simm.s32 $0xA000  }
0x67a: {  	[hbm4b:s9+s4] =	stream.indirect_vreg.scatter [tilespmem:s19], [sflag:$0x8], $0x80, v9, vm0, $0xb8;
	[tilespmem:$0x1CB00] =	vst v63  }
0x67b: {  	v9 =	vld [tilespmem:$0x1C890];
	_ =	sdelay $0x4  }
0x67c: {  	v10 =	vshll.u32 v9, $0x2  }
0x67d: {  	v9 =	vand.u32 $0x7, v9;
	v10 =	vand.u32 $0xFFFFFFE0, v10  }
0x67e: {  	v9 =	vor.u32 v9, v10  }
0x67f: {  	v10 =	vperm.xlane v9, v6;
	_ =	sdelay $0x1  }
0x680: {  	v10 =	vadd.s32 v7, v10;
	_ =	sdelay $0x1  }
0x681: {  	v9 =	vperm.xlane v9, v8;
	_ =	sdelay $0x1  }
0x682: {  	s20 =	simm.s32 $0xA800;
	v9 =	vadd.s32 v7, v9  }
0x683: {  	[hbm4b:s3+s4] =	stream.indirect_vreg.scatter [tilespmem:s20], [sflag:$0x8], $0x80, v10, vm0, $0xb8;
	[tilespmem:$0x1CB00] =	vst v63  }
0x684: {  	s21 =	simm.s32 $0xB000  }
0x685: {  	[hbm4b:s9+s4] =	stream.indirect_vreg.scatter [tilespmem:s21], [sflag:$0x8], $0x80, v10, vm0, $0xb8;
	[tilespmem:$0x1CB00] =	vst v63  }
0x686: {  	s16 =	simm.s32 $0xB800  }
0x687: {  	[hbm4b:s3+s4] =	stream.indirect_vreg.scatter [tilespmem:s16], [sflag:$0x8], $0x80, v9, vm0, $0xb8;
	[tilespmem:$0x1CB00] =	vst v63  }
0x688: {  	s22 =	simm.s32 $0xC000;
	s23 =	simm.s32 $0xC  }
0x689: {  	[hbm4b:s9+s4] =	stream.indirect_vreg.scatter [tilespmem:s22], [sflag:$0x8], $0x80, v9, vm0, $0xb8;
	[tilespmem:$0x1CB00] =	vst v63  }
0x68a: {  	_ =	swait.ge [sflag:s23], $0x4000  }
0x68b: {  	[sflag:s23] =	ssyncset.done $0x0  }
0x68c: {  	[sflag:s23] =	ssyncadd.s32 $0xFFFFC000  }
0x68d: {  	_ =	swait.ge [sflag:s0], $0x4000  }
0x68e: {  	[sflag:s0] =	ssyncset.done $0x0  }
0x68f: {  	[sflag:s0] =	ssyncadd.s32 $0xFFFFC000  }
0x690: {  	_ =	swait.ge [sflag:s12], $0x4000  }
0x691: {  	s24 =	rddreg [dreg:$0x7]  }
0x692: {  	s25 =	rddreg [dreg:$0x6];
	s15 =	sadd.s32 $0x1, s24  }
0x693: {  	p0 =	sne.s32 s15, s25  }
.Ltmp18:
0x694: {  	_ = 	snop;
	(pc) =	sbr.rel @p0 .LBB2_1-.Ltmp18, $3  }
0x695: {  	_ =	sdelay $0x1  }
0x696: {  	[sflag:s12] =	ssyncset.done $0x0  }
0x697: {  	[sflag:s12] =	ssyncadd.s32 $0xFFFFC000  }
0x698: {  	_ =	sfence.sel $0x180000  }
0x699: {  	[bflag:$0x0] =	sbarrier.arrive $0xFFFF  }
0x69a: {  	_ =	strace $0x90000047  }
0x69b: {  	s0 =	stileid.u32;
	[bflag:$0x2] =	sbarrier.arrive $0xFFFF  }
0x69c: {  	p0 =	sne.s32 s0, $0x0;
	s0 =	rddreg [dreg:$0x3]  }
0x69d: {  	s0 =	sadd.s32 @!p0 $0x100000, s0  }
0x69e: {  	[sflag:s0] =	ssyncadd.tile.s32 @!p0 $0x1;
	_ =	shalt  }
.Lfunc_end2:
_tile_overlayer_lowered:
.L_overlay_start_2:
0x69f: {  	(tag) =	ssettag $0x2  }
0x6a0: {  	s0 =	rddreg [dreg:$0x0];
	s2 =	stileid.u32  }
0x6a1: {  	s1 =	rddreg [dreg:$0x1];
	p0 =	sne.s32 s2, $0x0  }
0x6a2: {  	s3 =	rddreg [dreg:$0x2];
	[bflag:$0x3] =	sbarrier.arrive $0xFFFF;
	s2 =	simm.s32 @!p0 $0x1C0D  }
0x6a3: {  	[timem:s3], [sflag:s2] =	dma.local @!p0 [hbm:s0], s1  }
0x6a4: {  	s0 =	simm.s32 @!p0 $0xD  }
0x6a5: {  	_ =	swait.ge @!p0 [sflag:s0], s1  }
0x6a6: {  	s1 =	ssub.s32 @!p0 $0x0, s1;
	[sflag:s0] =	ssyncset.done @!p0 $0x0  }
0x6a7: {  	[sflag:s0] =	ssyncadd.s32 @!p0 s1  }
0x6a8: {  	[bflag:$0x3] =	sbarrier.arrive $0xFFFF  }
0x6a9: {  	_ =	shalt  }

</sc_bundles>
